<compile_context>
chip_gen: v7x
topology: tpu7x:2x2x1
jax: 0.10.2.dev20260603
libtpu: 0.0.44.dev20260713+nightly
codegen_flags: <defaults>
</compile_context>

<pallas_src>
import jax
import jax.numpy as jnp
from jax import lax
from jax.experimental import pallas as pl
from jax.experimental.pallas import tpu as pltpu
from jax.experimental.pallas import tpu_sc as plsc

N = 10000
D = 128
C = 10
NC = 2
NS = 16
NW = NC * NS
K = 128
CH = 80
EW = CH * K
EP = NW * EW
NP = 10112
RPT = NP // NS

_MESH = plsc.VectorSubcoreMesh(core_axis_name="c", subcore_axis_name="s")


G = 4
TCH = EP // K
CH0 = 80
CH1 = (TCH - NS * CH0) // NS
assert CH0 % (2 * G) == 0 and CH1 % (2 * G) == 0 and NS * (CH0 + CH1) == TCH


def _make_agg(with_deg):
    def body(*refs):
        if with_deg:
            (h_hbm, e_hbm, zacc_hbm, ones_hbm, acc_out, deg_out,
             idx0, idx1, rows0, rows1, acc_sh, sg0, sg1, si0, si1) = refs
        else:
            (h_hbm, e_hbm, zacc_hbm, acc_out,
             idx0, idx1, rows0, rows1, acc_sh, sg0, sg1, si0, si1) = refs
        cid = lax.axis_index("c")
        sid = lax.axis_index("s")
        idxb = (idx0, idx1)
        rows = (rows0, rows1)
        sg = (sg0, sg1)
        si = (si0, si1)
        ch_w = lax.select(cid == 0, jnp.int32(CH0), jnp.int32(CH1))
        b0 = cid * (NS * CH0) + sid * ch_w
        ng = ch_w // G
        r0 = sid * RPT

        def wait_gather(b):
            pltpu.make_async_copy(h_hbm.at[pl.ds(0, K)], rows[b],
                                  sg[b]).wait()

        def wait_idx(q):
            pltpu.make_async_copy(e_hbm.at[pl.ds(0, G)], idxb[q],
                                  si[q]).wait()

        def prefetch_idx(gidx, q):
            @pl.when(gidx + 1 < ng)
            def _():
                pltpu.async_copy(e_hbm.at[pl.ds(b0 + (gidx + 1) * G, G)],
                                 idxb[1 - q], si[1 - q])

        pltpu.sync_copy(zacc_hbm.at[pl.ds(r0, RPT)],
                        acc_sh.at[pl.ds(r0, RPT)])
        pltpu.sync_copy(e_hbm.at[pl.ds(b0, G)], idx0)

        if with_deg:
            pltpu.sync_copy(ones_hbm, rows0)
            plsc.subcore_barrier()

            def deg_super(sg_i, c):
                for q in (0, 1):
                    gidx = sg_i * 2 + q

                    @pl.when(gidx > 0)
                    def _():
                        wait_idx(q)
                    prefetch_idx(gidx, q)
                    for p in range(G):
                        pltpu.sync_copy(rows0, acc_sh.at[idxb[q].at[p, 1]],
                                        add=True)
                return c

            lax.fori_loop(0, ng // 2, deg_super, 0)
            plsc.subcore_barrier()
            pltpu.sync_copy(acc_sh.at[pl.ds(r0, RPT)],
                            deg_out.at[cid, pl.ds(r0, RPT)])
            pltpu.sync_copy(zacc_hbm.at[pl.ds(r0, RPT)],
                            acc_sh.at[pl.ds(r0, RPT)])
            pltpu.sync_copy(e_hbm.at[pl.ds(b0, G)], idx0)

        pltpu.async_copy(h_hbm.at[idx0.at[0, 0]], rows0, sg0)
        plsc.subcore_barrier()

        def super_group(sg_i, c):
            for q in (0, 1):
                gidx = sg_i * 2 + q
                prefetch_idx(gidx, q)
                for p in range(G):
                    b = p % 2
                    j = gidx * G + p
                    if p < G - 1:
                        pltpu.async_copy(h_hbm.at[idxb[q].at[p + 1, 0]],
                                         rows[1 - b], sg[1 - b])
                    else:
                        @pl.when(j + 1 < ch_w)
                        def _():
                            wait_idx(1 - q)
                            pltpu.async_copy(h_hbm.at[idxb[1 - q].at[0, 0]],
                                             rows[1 - b], sg[1 - b])
                    wait_gather(b)
                    pltpu.sync_copy(rows[b], acc_sh.at[idxb[q].at[p, 1]],
                                    add=True)
            return c

        lax.fori_loop(0, ng // 2, super_group, 0)
        plsc.subcore_barrier()
        pltpu.sync_copy(acc_sh.at[pl.ds(r0, RPT)],
                        acc_out.at[cid, pl.ds(r0, RPT)])

    out_type = [jax.ShapeDtypeStruct((NC, NP, D), jnp.float32)]
    if with_deg:
        out_type.append(jax.ShapeDtypeStruct((NC, NP, D), jnp.float32))
    return pl.kernel(
        body,
        out_type=out_type,
        mesh=_MESH,
        scratch_types=[
            pltpu.VMEM((G, 2, K), jnp.int32),
            pltpu.VMEM((G, 2, K), jnp.int32),
            pltpu.VMEM((K, D), jnp.float32),
            pltpu.VMEM((K, D), jnp.float32),
            pltpu.VMEM_SHARED((NP, D), jnp.float32),
            pltpu.SemaphoreType.DMA,
            pltpu.SemaphoreType.DMA,
            pltpu.SemaphoreType.DMA,
            pltpu.SemaphoreType.DMA,
        ],
    )


_agg_deg = _make_agg(True)
_agg = _make_agg(False)


_BLK = 1000


def _deg_col(d_ref):
    return d_ref[0, :, :1] + d_ref[1, :, :1]


def _tc1_body(x_ref, s0_ref, s1_ref, d_ref, ws_ref, wn_ref, b_ref, o_ref):
    deg = _deg_col(d_ref)
    hn = (s0_ref[...] + s1_ref[...]) / jnp.maximum(deg, 1.0)
    o_ref[...] = jnp.maximum(
        jnp.dot(x_ref[...], ws_ref[...], preferred_element_type=jnp.float32)
        + jnp.dot(hn, wn_ref[...], preferred_element_type=jnp.float32)
        + b_ref[...], 0.0)


def _tc1(x, s0, s1, dp, ws, wn, b):
    grid = N // _BLK
    row = lambda i: (i, 0)
    full = lambda i: (0, 0)
    return pl.pallas_call(
        _tc1_body,
        grid=(grid,),
        in_specs=[
            pl.BlockSpec((_BLK, D), row),
            pl.BlockSpec((_BLK, D), row),
            pl.BlockSpec((_BLK, D), row),
            pl.BlockSpec((NC, _BLK, D), lambda i: (0, i, 0)),
            pl.BlockSpec((D, D), full),
            pl.BlockSpec((D, D), full),
            pl.BlockSpec((1, D), full),
        ],
        out_specs=pl.BlockSpec((_BLK, D), row),
        out_shape=jax.ShapeDtypeStruct((N, D), jnp.float32),
    )(x, s0, s1, dp, ws, wn, b)


def _tc2_body(h_ref, s0_ref, s1_ref, d_ref, ws_ref, wn_ref, b_ref,
              wc_ref, bc_ref, o_ref, acc_ref):
    i = pl.program_id(0)

    @pl.when(i == 0)
    def _():
        acc_ref[...] = jnp.zeros_like(acc_ref)

    deg = _deg_col(d_ref)
    hn = (s0_ref[...] + s1_ref[...]) / jnp.maximum(deg, 1.0)
    h2 = jnp.maximum(
        jnp.dot(h_ref[...], ws_ref[...], preferred_element_type=jnp.float32)
        + jnp.dot(hn, wn_ref[...], preferred_element_type=jnp.float32)
        + b_ref[...], 0.0)
    acc_ref[...] += jnp.sum(h2, axis=0, keepdims=True)

    @pl.when(i == pl.num_programs(0) - 1)
    def _():
        pooled = acc_ref[...] * (1.0 / N)
        o_ref[...] = (jnp.dot(pooled, wc_ref[...],
                              preferred_element_type=jnp.float32)
                      + bc_ref[...])


def _tc2(h, s0, s1, dp, ws, wn, b, wc, bc):
    grid = N // _BLK
    row = lambda i: (i, 0)
    full = lambda i: (0, 0)
    out = pl.pallas_call(
        _tc2_body,
        grid=(grid,),
        in_specs=[
            pl.BlockSpec((_BLK, D), row),
            pl.BlockSpec((_BLK, D), row),
            pl.BlockSpec((_BLK, D), row),
            pl.BlockSpec((NC, _BLK, D), lambda i: (0, i, 0)),
            pl.BlockSpec((D, D), full),
            pl.BlockSpec((D, D), full),
            pl.BlockSpec((1, D), full),
            pl.BlockSpec((D, C), full),
            pl.BlockSpec((1, C), full),
        ],
        out_specs=pl.BlockSpec((1, C), full),
        out_shape=jax.ShapeDtypeStruct((1, C), jnp.float32),
        scratch_shapes=[pltpu.VMEM((1, D), jnp.float32)],
    )(h, s0, s1, dp, ws, wn, b, wc, bc)
    return out[0]


def kernel(x, edge_index, W_self0, W_neigh0, b0, W_self1, W_neigh1, b1,
           W_cls, b_cls):
    src = edge_index[0]
    dst = edge_index[1]
    pad = EP - src.shape[0]
    src_pad = (jnp.arange(pad, dtype=jnp.int32) * 131) % N
    srcp = jnp.concatenate([src, src_pad])
    dst_pad = N + (jnp.arange(pad, dtype=jnp.int32) % (NP - N))
    dstp = jnp.concatenate([dst, dst_pad])
    e3 = jnp.stack([srcp.reshape(TCH, K), dstp.reshape(TCH, K)], axis=1)

    zacc = jnp.zeros((NP, D), jnp.float32)
    ones128 = jnp.ones((K, D), jnp.float32)

    acc1, degp = _agg_deg(x, e3, zacc, ones128)
    h1 = _tc1(x, acc1[0], acc1[1], degp, W_self0, W_neigh0, b0.reshape(1, D))
    acc2, = _agg(h1, e3, zacc)
    return _tc2(h1, acc2[0], acc2[1], degp, W_self1, W_neigh1,
                b1.reshape(1, D), W_cls, b_cls.reshape(1, C))

# --- scband reference (transcript-rebuilt; emitter-appended) ---
"""Pipeline reference for scband-graph-cls-graph-sage-52621939310631 (READ-ONLY COPY).

The authoritative reference and input builder live on the scoring server;
editing this copy changes nothing except your own understanding.
"""

import jax, jax.numpy as jnp
import numpy as np

N = 10000
E = 320000
D = 128
C = 10

def setup_inputs(seed: int = 0) -> dict:
    key = jax.random.key(seed)
    ks = jax.random.split(key, 12)
    x = jax.random.normal(ks[0], (N, D), dtype=jnp.float32)
    edge_index = jax.random.randint(ks[1], (2, E), 0, N, dtype=jnp.int32)
    s = 0.05
    W_self0 = jax.random.normal(ks[2], (D, D), dtype=jnp.float32) * s
    W_neigh0 = jax.random.normal(ks[3], (D, D), dtype=jnp.float32) * s
    b0 = jnp.zeros((D,), dtype=jnp.float32)
    W_self1 = jax.random.normal(ks[4], (D, D), dtype=jnp.float32) * s
    W_neigh1 = jax.random.normal(ks[5], (D, D), dtype=jnp.float32) * s
    b1 = jnp.zeros((D,), dtype=jnp.float32)
    W_cls = jax.random.normal(ks[6], (D, C), dtype=jnp.float32) * s
    b_cls = jnp.zeros((C,), dtype=jnp.float32)
    return {"x": x, "edge_index": edge_index,
            "W_self0": W_self0, "W_neigh0": W_neigh0, "b0": b0,
            "W_self1": W_self1, "W_neigh1": W_neigh1, "b1": b1,
            "W_cls": W_cls, "b_cls": b_cls}

def _sage_mean_layer(h, src, dst, W_self, W_neigh, b):
    # DGL SAGEConv with aggregator_type='mean':
    #   h_neigh = mean_{j in N(i)} h_j ; out = h W_self + h_neigh W_neigh + b
    msg = jnp.take(h, src, axis=0)                       # gather [E, D]
    ssum = jax.ops.segment_sum(msg, dst, num_segments=N) # scatter-add [N, D]
    deg = jax.ops.segment_sum(jnp.ones((msg.shape[0], 1), jnp.float32), dst, num_segments=N)
    h_neigh = ssum / jnp.maximum(deg, 1.0)
    return h @ W_self + h_neigh @ W_neigh + b

def reference(x, edge_index, W_self0, W_neigh0, b0, W_self1, W_neigh1, b1, W_cls, b_cls):
    src = edge_index[0]
    dst = edge_index[1]
    h = x
    h = _sage_mean_layer(h, src, dst, W_self0, W_neigh0, b0)
    h = jax.nn.relu(h)  # activation; dropout is identity in eval mode
    h = _sage_mean_layer(h, src, dst, W_self1, W_neigh1, b1)
    h = jax.nn.relu(h)
    pooled = h.mean(axis=0)  # graph-level mean readout over nodes
    logits = pooled @ W_cls + b_cls
    return logits

if __name__ == "__main__":
    import jax
    _d = setup_inputs()
    print(jax.jit(kernel)(*tuple(_d.values())))

</pallas_src>

<mosaic_0001>
#map = affine_map<(d0, d1) -> (0, 0)>
#map1 = affine_map<(d0, d1) -> (0, 0, 0)>
module attributes {stable_mosaic.version = 14 : i64} {
  func.func @body(%arg0: i32, %arg1: i32, %arg2: memref<10000x128xf32, #tpu.memory_space<hbm>>, %arg3: memref<2560x2x128xi32, #tpu.memory_space<hbm>>, %arg4: memref<10112x128xf32, #tpu.memory_space<hbm>>, %arg5: memref<2x10112x128xf32, #tpu.memory_space<hbm>>, %arg6: memref<4x2x128xi32, #tpu.memory_space<vmem>>, %arg7: memref<4x2x128xi32, #tpu.memory_space<vmem>>, %arg8: memref<128x128xf32, #tpu.memory_space<vmem>>, %arg9: memref<128x128xf32, #tpu.memory_space<vmem>>, %arg10: memref<10112x128xf32, #tpu.memory_space<vmem_shared>>, %arg11: memref<!tpu.dma_semaphore, #tpu.memory_space<semaphore_mem>>, %arg12: memref<!tpu.dma_semaphore, #tpu.memory_space<semaphore_mem>>, %arg13: memref<!tpu.dma_semaphore, #tpu.memory_space<semaphore_mem>>, %arg14: memref<!tpu.dma_semaphore, #tpu.memory_space<semaphore_mem>>) attributes {dimension_semantics = [#tpu.dimension_semantics<core_parallel>, #tpu.dimension_semantics<subcore_parallel>], iteration_bounds = array<i64: 2, 16>, scalar_prefetch = 0 : i64, scratch_operands = 9 : i64, tpu.core_type = #tpu.core_type<sc_vector_subcore>, window_params = [{transform_indices = #map}, {transform_indices = #map1}, {transform_indices = #map}, {transform_indices = #map1}]} {
    %eq3A = arith.constant 0 : i32
    %eq3A_0 = arith.cmpi eq, %arg0, %eq3A : i32
    %select_n3A = arith.constant 80 : i32
    %select_n3A_1 = arith.constant 80 : i32
    %select_n3A_2 = arith.select %eq3A_0, %select_n3A_1, %select_n3A : i32
    %mul3A = arith.constant 1280 : i32
    %mul3A_3 = arith.muli %arg0, %mul3A : i32
    %mul3A_4 = arith.muli %arg1, %select_n3A_2 : i32
    %add3A = arith.addi %mul3A_3, %mul3A_4 : i32
    %jit3A = arith.constant 4 : i32
    %div3A = arith.divsi %select_n3A_2, %jit3A : i32
    %sign3A = arith.constant 0 : i32
    %sign3A_5 = arith.cmpi sgt, %select_n3A_2, %sign3A : i32
    %sign3A_6 = arith.extui %sign3A_5 : i1 to i32
    %sign3A_7 = arith.constant 0 : i32
    %sign3A_8 = arith.cmpi slt, %select_n3A_2, %sign3A_7 : i32
    %sign3A_9 = arith.extui %sign3A_8 : i1 to i32
    %sign3A_10 = arith.subi %sign3A_6, %sign3A_9 : i32
    %sign3A_11 = arith.constant 0 : i32
    %sign3A_12 = arith.cmpi sgt, %jit3A, %sign3A_11 : i32
    %sign3A_13 = arith.extui %sign3A_12 : i1 to i32
    %sign3A_14 = arith.constant 0 : i32
    %sign3A_15 = arith.cmpi slt, %jit3A, %sign3A_14 : i32
    %sign3A_16 = arith.extui %sign3A_15 : i1 to i32
    %sign3A_17 = arith.subi %sign3A_13, %sign3A_16 : i32
    %ne3A = arith.cmpi ne, %sign3A_10, %sign3A_17 : i32
    %rem3A = arith.remsi %select_n3A_2, %jit3A : i32
    %ne3A_18 = arith.constant 0 : i32
    %ne3A_19 = arith.cmpi ne, %rem3A, %ne3A_18 : i32
    %and3A = arith.andi %ne3A, %ne3A_19 : i1
    %sub3A = arith.constant 1 : i32
    %sub3A_20 = arith.subi %div3A, %sub3A : i32
    %select_n3A_21 = arith.select %and3A, %sub3A_20, %div3A : i32
    %mul3A_22 = arith.constant 632 : i32
    %mul3A_23 = arith.muli %arg1, %mul3A_22 : i32
    "tpu.region"() ({
      %run_scoped3A = tpu.sem_alloc : memref<!tpu.dma_semaphore, #tpu.memory_space<semaphore_mem>>
      %dma_start3A_65 = arith.constant 0 : i32
      %dma_start3A_66 = tpu.memref_slice %arg10[%mul3A_23, %dma_start3A_65] : memref<10112x128xf32, #tpu.memory_space<vmem_shared>> -> memref<632x128xf32, #tpu.memory_space<vmem_shared>>
      %dma_start3A_67 = arith.constant 0 : i32
      %dma_start3A_68 = tpu.memref_slice %arg4[%mul3A_23, %dma_start3A_67] : memref<10112x128xf32, #tpu.memory_space<hbm>> -> memref<632x128xf32, #tpu.memory_space<hbm>>
      tpu.enqueue_dma source(%dma_start3A_68 : memref<632x128xf32, #tpu.memory_space<hbm>>) target(%dma_start3A_66 : memref<632x128xf32, #tpu.memory_space<vmem_shared>>) target_semaphore(%run_scoped3A : memref<!tpu.dma_semaphore, #tpu.memory_space<semaphore_mem>>)
      %dma_wait3A = arith.constant 0 : i32
      %dma_wait3A_69 = tpu.memref_slice %arg10[%mul3A_23, %dma_wait3A] : memref<10112x128xf32, #tpu.memory_space<vmem_shared>> -> memref<632x128xf32, #tpu.memory_space<vmem_shared>>
      %dma_wait3A_70 = arith.constant 0 : i32
      %dma_wait3A_71 = tpu.memref_slice %arg4[%mul3A_23, %dma_wait3A_70] : memref<10112x128xf32, #tpu.memory_space<hbm>> -> memref<632x128xf32, #tpu.memory_space<hbm>>
      tpu.wait_dma2 semaphore(%run_scoped3A : memref<!tpu.dma_semaphore, #tpu.memory_space<semaphore_mem>>) src(%dma_wait3A_71 : memref<632x128xf32, #tpu.memory_space<hbm>>) dst(%dma_wait3A_69 : memref<632x128xf32, #tpu.memory_space<vmem_shared>>)
      tpu.yield
    }) : () -> ()
    "tpu.region"() ({
      %run_scoped3A = tpu.sem_alloc : memref<!tpu.dma_semaphore, #tpu.memory_space<semaphore_mem>>
      %dma_start3A_65 = arith.constant 0 : i32
      %dma_start3A_66 = arith.constant 0 : i32
      %dma_start3A_67 = tpu.memref_slice %arg3[%add3A, %dma_start3A_65, %dma_start3A_66] : memref<2560x2x128xi32, #tpu.memory_space<hbm>> -> memref<4x2x128xi32, #tpu.memory_space<hbm>>
      %dma_start3A_68 = arith.constant 0 : i32
      %dma_start3A_69 = arith.constant 0 : i32
      %dma_start3A_70 = tpu.memref_slice %arg3[%add3A, %dma_start3A_68, %dma_start3A_69] : memref<2560x2x128xi32, #tpu.memory_space<hbm>> -> memref<4x2x128xi32, #tpu.memory_space<hbm>>
      tpu.enqueue_dma source(%dma_start3A_70 : memref<4x2x128xi32, #tpu.memory_space<hbm>>) target(%arg6 : memref<4x2x128xi32, #tpu.memory_space<vmem>>) target_semaphore(%run_scoped3A : memref<!tpu.dma_semaphore, #tpu.memory_space<semaphore_mem>>)
      %dma_wait3A = arith.constant 0 : i32
      %dma_wait3A_71 = arith.constant 0 : i32
      %dma_wait3A_72 = tpu.memref_slice %arg3[%add3A, %dma_wait3A, %dma_wait3A_71] : memref<2560x2x128xi32, #tpu.memory_space<hbm>> -> memref<4x2x128xi32, #tpu.memory_space<hbm>>
      %dma_wait3A_73 = arith.constant 0 : i32
      %dma_wait3A_74 = arith.constant 0 : i32
      %dma_wait3A_75 = tpu.memref_slice %arg3[%add3A, %dma_wait3A_73, %dma_wait3A_74] : memref<2560x2x128xi32, #tpu.memory_space<hbm>> -> memref<4x2x128xi32, #tpu.memory_space<hbm>>
      tpu.wait_dma2 semaphore(%run_scoped3A : memref<!tpu.dma_semaphore, #tpu.memory_space<semaphore_mem>>) src(%dma_wait3A_75 : memref<4x2x128xi32, #tpu.memory_space<hbm>>) dst(%arg6 : memref<4x2x128xi32, #tpu.memory_space<vmem>>)
      tpu.yield
    }) : () -> ()
    %dma_start3A = arith.constant 0 : i32
    %dma_start3A_24 = arith.constant 0 : i32
    %dma_start3A_25 = arith.constant 0 : i32
    %dma_start3A_26 = tpu.memref_slice %arg6[%dma_start3A, %dma_start3A_24, %dma_start3A_25] : memref<4x2x128xi32, #tpu.memory_space<vmem>> -> memref<1x1x128xi32, #tpu.memory_space<vmem>>
    %dma_start3A_27 = tpu.memref_squeeze %dma_start3A_26 : memref<1x1x128xi32, #tpu.memory_space<vmem>> -> memref<128xi32, #tpu.memory_space<vmem>>
    %dma_start3A_28 = arith.constant 0 : i32
    %dma_start3A_29 = arith.constant 0 : i32
    %dma_start3A_30 = tpu.memref_slice %arg2[%dma_start3A_28, %dma_start3A_29] : memref<10000x128xf32, #tpu.memory_space<hbm>> -> memref<10000x128xf32, #tpu.memory_space<hbm>>
    tpu.enqueue_indirect_dma source(%dma_start3A_30 : memref<10000x128xf32, #tpu.memory_space<hbm>>) target(%arg8 : memref<128x128xf32, #tpu.memory_space<vmem>>) offsets(%dma_start3A_27 : memref<128xi32, #tpu.memory_space<vmem>>) semaphore(%arg11 : memref<!tpu.dma_semaphore, #tpu.memory_space<semaphore_mem>>)
    %barrier3A = arith.constant 0 : index
    tpu.barrier barrier_id(%barrier3A)
    %jit3A_31 = arith.constant 2 : i32
    %div3A_32 = arith.divsi %select_n3A_21, %jit3A_31 : i32
    %sign3A_33 = arith.constant 0 : i32
    %sign3A_34 = arith.cmpi sgt, %select_n3A_21, %sign3A_33 : i32
    %sign3A_35 = arith.extui %sign3A_34 : i1 to i32
    %sign3A_36 = arith.constant 0 : i32
    %sign3A_37 = arith.cmpi slt, %select_n3A_21, %sign3A_36 : i32
    %sign3A_38 = arith.extui %sign3A_37 : i1 to i32
    %sign3A_39 = arith.subi %sign3A_35, %sign3A_38 : i32
    %sign3A_40 = arith.constant 0 : i32
    %sign3A_41 = arith.cmpi sgt, %jit3A_31, %sign3A_40 : i32
    %sign3A_42 = arith.extui %sign3A_41 : i1 to i32
    %sign3A_43 = arith.constant 0 : i32
    %sign3A_44 = arith.cmpi slt, %jit3A_31, %sign3A_43 : i32
    %sign3A_45 = arith.extui %sign3A_44 : i1 to i32
    %sign3A_46 = arith.subi %sign3A_42, %sign3A_45 : i32
    %ne3A_47 = arith.cmpi ne, %sign3A_39, %sign3A_46 : i32
    %rem3A_48 = arith.remsi %select_n3A_21, %jit3A_31 : i32
    %ne3A_49 = arith.constant 0 : i32
    %ne3A_50 = arith.cmpi ne, %rem3A_48, %ne3A_49 : i32
    %and3A_51 = arith.andi %ne3A_47, %ne3A_50 : i1
    %sub3A_52 = arith.constant 1 : i32
    %sub3A_53 = arith.subi %div3A_32, %sub3A_52 : i32
    %select_n3A_54 = arith.select %and3A_51, %sub3A_53, %div3A_32 : i32
    %while3A = arith.constant 0 : i32
    %while3A_55 = arith.constant 0 : i32
    %while3A_56 = arith.subi %select_n3A_54, %while3A_55 : i32
    %while3A_57 = arith.addi %while3A_55, %while3A_56 : i32
    %while3A_58 = arith.constant 1 : i32
    %while3A_59 = arith.divsi %while3A_56, %while3A_58 : i32
    %while3A_60 = arith.muli %while3A_59, %while3A_58 : i32
    %while3A_61 = arith.addi %while3A_55, %while3A_60 : i32
    %while3A_62 = arith.constant 1 : i32
    scf.for %while3A_65 = %while3A_55 to %while3A_61 step %while3A_62  : i32 {
      %mul3A_66 = arith.constant 2 : i32
      %mul3A_67 = arith.muli %while3A_65, %mul3A_66 : i32
      %add3A_68 = arith.constant 0 : i32
      %add3A_69 = arith.addi %mul3A_67, %add3A_68 : i32
      %add3A_70 = arith.constant 1 : i32
      %add3A_71 = arith.addi %add3A_69, %add3A_70 : i32
      %lt3A = arith.cmpi slt, %add3A_71, %select_n3A_21 : i32
      %convert_element_type3A = arith.extui %lt3A : i1 to i32
      %cond3A = arith.constant 0 : i32
      %cond3A_72 = arith.cmpi ne, %convert_element_type3A, %cond3A : i32
      scf.if %cond3A_72 {
        %add3A_237 = arith.constant 1 : i32
        %add3A_238 = arith.addi %add3A_69, %add3A_237 : i32
        %mul3A_239 = arith.constant 4 : i32
        %mul3A_240 = arith.muli %add3A_238, %mul3A_239 : i32
        %add3A_241 = arith.addi %add3A, %mul3A_240 : i32
        %dma_start3A_242 = arith.constant 0 : i32
        %dma_start3A_243 = arith.constant 0 : i32
        %dma_start3A_244 = tpu.memref_slice %arg3[%add3A_241, %dma_start3A_242, %dma_start3A_243] : memref<2560x2x128xi32, #tpu.memory_space<hbm>> -> memref<4x2x128xi32, #tpu.memory_space<hbm>>
        %dma_start3A_245 = arith.constant 0 : i32
        %dma_start3A_246 = arith.constant 0 : i32
        %dma_start3A_247 = tpu.memref_slice %arg3[%add3A_241, %dma_start3A_245, %dma_start3A_246] : memref<2560x2x128xi32, #tpu.memory_space<hbm>> -> memref<4x2x128xi32, #tpu.memory_space<hbm>>
        tpu.enqueue_dma source(%dma_start3A_247 : memref<4x2x128xi32, #tpu.memory_space<hbm>>) target(%arg7 : memref<4x2x128xi32, #tpu.memory_space<vmem>>) target_semaphore(%arg14 : memref<!tpu.dma_semaphore, #tpu.memory_space<semaphore_mem>>)
      } else {
      }
      %mul3A_73 = arith.constant 4 : i32
      %mul3A_74 = arith.muli %add3A_69, %mul3A_73 : i32
      %add3A_75 = arith.constant 0 : i32
      %add3A_76 = arith.addi %mul3A_74, %add3A_75 : i32
      %dma_start3A_77 = arith.constant 1 : i32
      %dma_start3A_78 = arith.constant 0 : i32
      %dma_start3A_79 = arith.constant 0 : i32
      %dma_start3A_80 = tpu.memref_slice %arg6[%dma_start3A_77, %dma_start3A_78, %dma_start3A_79] : memref<4x2x128xi32, #tpu.memory_space<vmem>> -> memref<1x1x128xi32, #tpu.memory_space<vmem>>
      %dma_start3A_81 = tpu.memref_squeeze %dma_start3A_80 : memref<1x1x128xi32, #tpu.memory_space<vmem>> -> memref<128xi32, #tpu.memory_space<vmem>>
      %dma_start3A_82 = arith.constant 0 : i32
      %dma_start3A_83 = arith.constant 0 : i32
      %dma_start3A_84 = tpu.memref_slice %arg2[%dma_start3A_82, %dma_start3A_83] : memref<10000x128xf32, #tpu.memory_space<hbm>> -> memref<10000x128xf32, #tpu.memory_space<hbm>>
      tpu.enqueue_indirect_dma source(%dma_start3A_84 : memref<10000x128xf32, #tpu.memory_space<hbm>>) target(%arg9 : memref<128x128xf32, #tpu.memory_space<vmem>>) offsets(%dma_start3A_81 : memref<128xi32, #tpu.memory_space<vmem>>) semaphore(%arg12 : memref<!tpu.dma_semaphore, #tpu.memory_space<semaphore_mem>>)
      %dma_wait3A = arith.constant 0 : i32
      %dma_wait3A_85 = arith.constant 0 : i32
      %dma_wait3A_86 = tpu.memref_slice %arg2[%dma_wait3A, %dma_wait3A_85] : memref<10000x128xf32, #tpu.memory_space<hbm>> -> memref<128x128xf32, #tpu.memory_space<hbm>>
      %dma_wait3A_87 = arith.constant 0 : i32
      %dma_wait3A_88 = arith.constant 0 : i32
      %dma_wait3A_89 = tpu.memref_slice %arg2[%dma_wait3A_87, %dma_wait3A_88] : memref<10000x128xf32, #tpu.memory_space<hbm>> -> memref<128x128xf32, #tpu.memory_space<hbm>>
      tpu.wait_dma2 semaphore(%arg11 : memref<!tpu.dma_semaphore, #tpu.memory_space<semaphore_mem>>) src(%dma_wait3A_89 : memref<128x128xf32, #tpu.memory_space<hbm>>) dst(%arg8 : memref<128x128xf32, #tpu.memory_space<vmem>>)
      %run_scoped3A = arith.constant 0 : i32
      %run_scoped3A_90 = arith.constant 1 : i32
      "tpu.region"() ({
        %run_scoped3A_237 = tpu.sem_alloc : memref<!tpu.dma_semaphore, #tpu.memory_space<semaphore_mem>>
        %dma_start3A_238 = arith.constant 0 : i32
        %dma_start3A_239 = tpu.memref_slice %arg6[%run_scoped3A, %run_scoped3A_90, %dma_start3A_238] : memref<4x2x128xi32, #tpu.memory_space<vmem>> -> memref<1x1x128xi32, #tpu.memory_space<vmem>>
        %dma_start3A_240 = tpu.memref_squeeze %dma_start3A_239 : memref<1x1x128xi32, #tpu.memory_space<vmem>> -> memref<128xi32, #tpu.memory_space<vmem>>
        %dma_start3A_241 = arith.constant 0 : i32
        %dma_start3A_242 = arith.constant 0 : i32
        %dma_start3A_243 = tpu.memref_slice %arg10[%dma_start3A_241, %dma_start3A_242] : memref<10112x128xf32, #tpu.memory_space<vmem_shared>> -> memref<10112x128xf32, #tpu.memory_space<vmem_shared>>
        tpu.enqueue_indirect_dma source(%arg8 : memref<128x128xf32, #tpu.memory_space<vmem>>) target(%dma_start3A_243 : memref<10112x128xf32, #tpu.memory_space<vmem_shared>>) offsets(%dma_start3A_240 : memref<128xi32, #tpu.memory_space<vmem>>) semaphore(%run_scoped3A_237 : memref<!tpu.dma_semaphore, #tpu.memory_space<semaphore_mem>>) {add = true}
        %dma_wait3A_244 = arith.constant 0 : i32
        %dma_wait3A_245 = tpu.memref_slice %arg6[%run_scoped3A, %run_scoped3A_90, %dma_wait3A_244] : memref<4x2x128xi32, #tpu.memory_space<vmem>> -> memref<1x1x128xi32, #tpu.memory_space<vmem>>
        %dma_wait3A_246 = tpu.memref_squeeze %dma_wait3A_245 : memref<1x1x128xi32, #tpu.memory_space<vmem>> -> memref<128xi32, #tpu.memory_space<vmem>>
        %dma_wait3A_247 = arith.constant 0 : i32
        %dma_wait3A_248 = arith.constant 0 : i32
        %dma_wait3A_249 = tpu.memref_slice %arg10[%dma_wait3A_247, %dma_wait3A_248] : memref<10112x128xf32, #tpu.memory_space<vmem_shared>> -> memref<10112x128xf32, #tpu.memory_space<vmem_shared>>
        tpu.wait_indirect_dma semaphore(%run_scoped3A_237 : memref<!tpu.dma_semaphore, #tpu.memory_space<semaphore_mem>>) src(%arg8 : memref<128x128xf32, #tpu.memory_space<vmem>>) dst(%dma_wait3A_249 : memref<10112x128xf32, #tpu.memory_space<vmem_shared>>)
        tpu.yield
      }) : () -> ()
      %mul3A_91 = arith.constant 4 : i32
      %mul3A_92 = arith.muli %add3A_69, %mul3A_91 : i32
      %add3A_93 = arith.constant 1 : i32
      %add3A_94 = arith.addi %mul3A_92, %add3A_93 : i32
      %dma_start3A_95 = arith.constant 2 : i32
      %dma_start3A_96 = arith.constant 0 : i32
      %dma_start3A_97 = arith.constant 0 : i32
      %dma_start3A_98 = tpu.memref_slice %arg6[%dma_start3A_95, %dma_start3A_96, %dma_start3A_97] : memref<4x2x128xi32, #tpu.memory_space<vmem>> -> memref<1x1x128xi32, #tpu.memory_space<vmem>>
      %dma_start3A_99 = tpu.memref_squeeze %dma_start3A_98 : memref<1x1x128xi32, #tpu.memory_space<vmem>> -> memref<128xi32, #tpu.memory_space<vmem>>
      %dma_start3A_100 = arith.constant 0 : i32
      %dma_start3A_101 = arith.constant 0 : i32
      %dma_start3A_102 = tpu.memref_slice %arg2[%dma_start3A_100, %dma_start3A_101] : memref<10000x128xf32, #tpu.memory_space<hbm>> -> memref<10000x128xf32, #tpu.memory_space<hbm>>
      tpu.enqueue_indirect_dma source(%dma_start3A_102 : memref<10000x128xf32, #tpu.memory_space<hbm>>) target(%arg8 : memref<128x128xf32, #tpu.memory_space<vmem>>) offsets(%dma_start3A_99 : memref<128xi32, #tpu.memory_space<vmem>>) semaphore(%arg11 : memref<!tpu.dma_semaphore, #tpu.memory_space<semaphore_mem>>)
      %dma_wait3A_103 = arith.constant 0 : i32
      %dma_wait3A_104 = arith.constant 0 : i32
      %dma_wait3A_105 = tpu.memref_slice %arg2[%dma_wait3A_103, %dma_wait3A_104] : memref<10000x128xf32, #tpu.memory_space<hbm>> -> memref<128x128xf32, #tpu.memory_space<hbm>>
      %dma_wait3A_106 = arith.constant 0 : i32
      %dma_wait3A_107 = arith.constant 0 : i32
      %dma_wait3A_108 = tpu.memref_slice %arg2[%dma_wait3A_106, %dma_wait3A_107] : memref<10000x128xf32, #tpu.memory_space<hbm>> -> memref<128x128xf32, #tpu.memory_space<hbm>>
      tpu.wait_dma2 semaphore(%arg12 : memref<!tpu.dma_semaphore, #tpu.memory_space<semaphore_mem>>) src(%dma_wait3A_108 : memref<128x128xf32, #tpu.memory_space<hbm>>) dst(%arg9 : memref<128x128xf32, #tpu.memory_space<vmem>>)
      %run_scoped3A_109 = arith.constant 1 : i32
      %run_scoped3A_110 = arith.constant 1 : i32
      "tpu.region"() ({
        %run_scoped3A_237 = tpu.sem_alloc : memref<!tpu.dma_semaphore, #tpu.memory_space<semaphore_mem>>
        %dma_start3A_238 = arith.constant 0 : i32
        %dma_start3A_239 = tpu.memref_slice %arg6[%run_scoped3A_109, %run_scoped3A_110, %dma_start3A_238] : memref<4x2x128xi32, #tpu.memory_space<vmem>> -> memref<1x1x128xi32, #tpu.memory_space<vmem>>
        %dma_start3A_240 = tpu.memref_squeeze %dma_start3A_239 : memref<1x1x128xi32, #tpu.memory_space<vmem>> -> memref<128xi32, #tpu.memory_space<vmem>>
        %dma_start3A_241 = arith.constant 0 : i32
        %dma_start3A_242 = arith.constant 0 : i32
        %dma_start3A_243 = tpu.memref_slice %arg10[%dma_start3A_241, %dma_start3A_242] : memref<10112x128xf32, #tpu.memory_space<vmem_shared>> -> memref<10112x128xf32, #tpu.memory_space<vmem_shared>>
        tpu.enqueue_indirect_dma source(%arg9 : memref<128x128xf32, #tpu.memory_space<vmem>>) target(%dma_start3A_243 : memref<10112x128xf32, #tpu.memory_space<vmem_shared>>) offsets(%dma_start3A_240 : memref<128xi32, #tpu.memory_space<vmem>>) semaphore(%run_scoped3A_237 : memref<!tpu.dma_semaphore, #tpu.memory_space<semaphore_mem>>) {add = true}
        %dma_wait3A_244 = arith.constant 0 : i32
        %dma_wait3A_245 = tpu.memref_slice %arg6[%run_scoped3A_109, %run_scoped3A_110, %dma_wait3A_244] : memref<4x2x128xi32, #tpu.memory_space<vmem>> -> memref<1x1x128xi32, #tpu.memory_space<vmem>>
        %dma_wait3A_246 = tpu.memref_squeeze %dma_wait3A_245 : memref<1x1x128xi32, #tpu.memory_space<vmem>> -> memref<128xi32, #tpu.memory_space<vmem>>
        %dma_wait3A_247 = arith.constant 0 : i32
        %dma_wait3A_248 = arith.constant 0 : i32
        %dma_wait3A_249 = tpu.memref_slice %arg10[%dma_wait3A_247, %dma_wait3A_248] : memref<10112x128xf32, #tpu.memory_space<vmem_shared>> -> memref<10112x128xf32, #tpu.memory_space<vmem_shared>>
        tpu.wait_indirect_dma semaphore(%run_scoped3A_237 : memref<!tpu.dma_semaphore, #tpu.memory_space<semaphore_mem>>) src(%arg9 : memref<128x128xf32, #tpu.memory_space<vmem>>) dst(%dma_wait3A_249 : memref<10112x128xf32, #tpu.memory_space<vmem_shared>>)
        tpu.yield
      }) : () -> ()
      %mul3A_111 = arith.constant 4 : i32
      %mul3A_112 = arith.muli %add3A_69, %mul3A_111 : i32
      %add3A_113 = arith.constant 2 : i32
      %add3A_114 = arith.addi %mul3A_112, %add3A_113 : i32
      %dma_start3A_115 = arith.constant 3 : i32
      %dma_start3A_116 = arith.constant 0 : i32
      %dma_start3A_117 = arith.constant 0 : i32
      %dma_start3A_118 = tpu.memref_slice %arg6[%dma_start3A_115, %dma_start3A_116, %dma_start3A_117] : memref<4x2x128xi32, #tpu.memory_space<vmem>> -> memref<1x1x128xi32, #tpu.memory_space<vmem>>
      %dma_start3A_119 = tpu.memref_squeeze %dma_start3A_118 : memref<1x1x128xi32, #tpu.memory_space<vmem>> -> memref<128xi32, #tpu.memory_space<vmem>>
      %dma_start3A_120 = arith.constant 0 : i32
      %dma_start3A_121 = arith.constant 0 : i32
      %dma_start3A_122 = tpu.memref_slice %arg2[%dma_start3A_120, %dma_start3A_121] : memref<10000x128xf32, #tpu.memory_space<hbm>> -> memref<10000x128xf32, #tpu.memory_space<hbm>>
      tpu.enqueue_indirect_dma source(%dma_start3A_122 : memref<10000x128xf32, #tpu.memory_space<hbm>>) target(%arg9 : memref<128x128xf32, #tpu.memory_space<vmem>>) offsets(%dma_start3A_119 : memref<128xi32, #tpu.memory_space<vmem>>) semaphore(%arg12 : memref<!tpu.dma_semaphore, #tpu.memory_space<semaphore_mem>>)
      %dma_wait3A_123 = arith.constant 0 : i32
      %dma_wait3A_124 = arith.constant 0 : i32
      %dma_wait3A_125 = tpu.memref_slice %arg2[%dma_wait3A_123, %dma_wait3A_124] : memref<10000x128xf32, #tpu.memory_space<hbm>> -> memref<128x128xf32, #tpu.memory_space<hbm>>
      %dma_wait3A_126 = arith.constant 0 : i32
      %dma_wait3A_127 = arith.constant 0 : i32
      %dma_wait3A_128 = tpu.memref_slice %arg2[%dma_wait3A_126, %dma_wait3A_127] : memref<10000x128xf32, #tpu.memory_space<hbm>> -> memref<128x128xf32, #tpu.memory_space<hbm>>
      tpu.wait_dma2 semaphore(%arg11 : memref<!tpu.dma_semaphore, #tpu.memory_space<semaphore_mem>>) src(%dma_wait3A_128 : memref<128x128xf32, #tpu.memory_space<hbm>>) dst(%arg8 : memref<128x128xf32, #tpu.memory_space<vmem>>)
      %run_scoped3A_129 = arith.constant 2 : i32
      %run_scoped3A_130 = arith.constant 1 : i32
      "tpu.region"() ({
        %run_scoped3A_237 = tpu.sem_alloc : memref<!tpu.dma_semaphore, #tpu.memory_space<semaphore_mem>>
        %dma_start3A_238 = arith.constant 0 : i32
        %dma_start3A_239 = tpu.memref_slice %arg6[%run_scoped3A_129, %run_scoped3A_130, %dma_start3A_238] : memref<4x2x128xi32, #tpu.memory_space<vmem>> -> memref<1x1x128xi32, #tpu.memory_space<vmem>>
        %dma_start3A_240 = tpu.memref_squeeze %dma_start3A_239 : memref<1x1x128xi32, #tpu.memory_space<vmem>> -> memref<128xi32, #tpu.memory_space<vmem>>
        %dma_start3A_241 = arith.constant 0 : i32
        %dma_start3A_242 = arith.constant 0 : i32
        %dma_start3A_243 = tpu.memref_slice %arg10[%dma_start3A_241, %dma_start3A_242] : memref<10112x128xf32, #tpu.memory_space<vmem_shared>> -> memref<10112x128xf32, #tpu.memory_space<vmem_shared>>
        tpu.enqueue_indirect_dma source(%arg8 : memref<128x128xf32, #tpu.memory_space<vmem>>) target(%dma_start3A_243 : memref<10112x128xf32, #tpu.memory_space<vmem_shared>>) offsets(%dma_start3A_240 : memref<128xi32, #tpu.memory_space<vmem>>) semaphore(%run_scoped3A_237 : memref<!tpu.dma_semaphore, #tpu.memory_space<semaphore_mem>>) {add = true}
        %dma_wait3A_244 = arith.constant 0 : i32
        %dma_wait3A_245 = tpu.memref_slice %arg6[%run_scoped3A_129, %run_scoped3A_130, %dma_wait3A_244] : memref<4x2x128xi32, #tpu.memory_space<vmem>> -> memref<1x1x128xi32, #tpu.memory_space<vmem>>
        %dma_wait3A_246 = tpu.memref_squeeze %dma_wait3A_245 : memref<1x1x128xi32, #tpu.memory_space<vmem>> -> memref<128xi32, #tpu.memory_space<vmem>>
        %dma_wait3A_247 = arith.constant 0 : i32
        %dma_wait3A_248 = arith.constant 0 : i32
        %dma_wait3A_249 = tpu.memref_slice %arg10[%dma_wait3A_247, %dma_wait3A_248] : memref<10112x128xf32, #tpu.memory_space<vmem_shared>> -> memref<10112x128xf32, #tpu.memory_space<vmem_shared>>
        tpu.wait_indirect_dma semaphore(%run_scoped3A_237 : memref<!tpu.dma_semaphore, #tpu.memory_space<semaphore_mem>>) src(%arg8 : memref<128x128xf32, #tpu.memory_space<vmem>>) dst(%dma_wait3A_249 : memref<10112x128xf32, #tpu.memory_space<vmem_shared>>)
        tpu.yield
      }) : () -> ()
      %mul3A_131 = arith.constant 4 : i32
      %mul3A_132 = arith.muli %add3A_69, %mul3A_131 : i32
      %add3A_133 = arith.constant 3 : i32
      %add3A_134 = arith.addi %mul3A_132, %add3A_133 : i32
      %add3A_135 = arith.constant 1 : i32
      %add3A_136 = arith.addi %add3A_134, %add3A_135 : i32
      %lt3A_137 = arith.cmpi slt, %add3A_136, %select_n3A_2 : i32
      %convert_element_type3A_138 = arith.extui %lt3A_137 : i1 to i32
      %cond3A_139 = arith.constant 0 : i32
      %cond3A_140 = arith.cmpi ne, %convert_element_type3A_138, %cond3A_139 : i32
      scf.if %cond3A_140 {
        %dma_wait3A_237 = arith.constant 0 : i32
        %dma_wait3A_238 = arith.constant 0 : i32
        %dma_wait3A_239 = arith.constant 0 : i32
        %dma_wait3A_240 = tpu.memref_slice %arg3[%dma_wait3A_237, %dma_wait3A_238, %dma_wait3A_239] : memref<2560x2x128xi32, #tpu.memory_space<hbm>> -> memref<4x2x128xi32, #tpu.memory_space<hbm>>
        %dma_wait3A_241 = arith.constant 0 : i32
        %dma_wait3A_242 = arith.constant 0 : i32
        %dma_wait3A_243 = arith.constant 0 : i32
        %dma_wait3A_244 = tpu.memref_slice %arg3[%dma_wait3A_241, %dma_wait3A_242, %dma_wait3A_243] : memref<2560x2x128xi32, #tpu.memory_space<hbm>> -> memref<4x2x128xi32, #tpu.memory_space<hbm>>
        tpu.wait_dma2 semaphore(%arg14 : memref<!tpu.dma_semaphore, #tpu.memory_space<semaphore_mem>>) src(%dma_wait3A_244 : memref<4x2x128xi32, #tpu.memory_space<hbm>>) dst(%arg7 : memref<4x2x128xi32, #tpu.memory_space<vmem>>)
        %dma_start3A_245 = arith.constant 0 : i32
        %dma_start3A_246 = arith.constant 0 : i32
        %dma_start3A_247 = arith.constant 0 : i32
        %dma_start3A_248 = tpu.memref_slice %arg7[%dma_start3A_245, %dma_start3A_246, %dma_start3A_247] : memref<4x2x128xi32, #tpu.memory_space<vmem>> -> memref<1x1x128xi32, #tpu.memory_space<vmem>>
        %dma_start3A_249 = tpu.memref_squeeze %dma_start3A_248 : memref<1x1x128xi32, #tpu.memory_space<vmem>> -> memref<128xi32, #tpu.memory_space<vmem>>
        %dma_start3A_250 = arith.constant 0 : i32
        %dma_start3A_251 = arith.constant 0 : i32
        %dma_start3A_252 = tpu.memref_slice %arg2[%dma_start3A_250, %dma_start3A_251] : memref<10000x128xf32, #tpu.memory_space<hbm>> -> memref<10000x128xf32, #tpu.memory_space<hbm>>
        tpu.enqueue_indirect_dma source(%dma_start3A_252 : memref<10000x128xf32, #tpu.memory_space<hbm>>) target(%arg8 : memref<128x128xf32, #tpu.memory_space<vmem>>) offsets(%dma_start3A_249 : memref<128xi32, #tpu.memory_space<vmem>>) semaphore(%arg11 : memref<!tpu.dma_semaphore, #tpu.memory_space<semaphore_mem>>)
      } else {
      }
      %dma_wait3A_141 = arith.constant 0 : i32
      %dma_wait3A_142 = arith.constant 0 : i32
      %dma_wait3A_143 = tpu.memref_slice %arg2[%dma_wait3A_141, %dma_wait3A_142] : memref<10000x128xf32, #tpu.memory_space<hbm>> -> memref<128x128xf32, #tpu.memory_space<hbm>>
      %dma_wait3A_144 = arith.constant 0 : i32
      %dma_wait3A_145 = arith.constant 0 : i32
      %dma_wait3A_146 = tpu.memref_slice %arg2[%dma_wait3A_144, %dma_wait3A_145] : memref<10000x128xf32, #tpu.memory_space<hbm>> -> memref<128x128xf32, #tpu.memory_space<hbm>>
      tpu.wait_dma2 semaphore(%arg12 : memref<!tpu.dma_semaphore, #tpu.memory_space<semaphore_mem>>) src(%dma_wait3A_146 : memref<128x128xf32, #tpu.memory_space<hbm>>) dst(%arg9 : memref<128x128xf32, #tpu.memory_space<vmem>>)
      %run_scoped3A_147 = arith.constant 3 : i32
      %run_scoped3A_148 = arith.constant 1 : i32
      "tpu.region"() ({
        %run_scoped3A_237 = tpu.sem_alloc : memref<!tpu.dma_semaphore, #tpu.memory_space<semaphore_mem>>
        %dma_start3A_238 = arith.constant 0 : i32
        %dma_start3A_239 = tpu.memref_slice %arg6[%run_scoped3A_147, %run_scoped3A_148, %dma_start3A_238] : memref<4x2x128xi32, #tpu.memory_space<vmem>> -> memref<1x1x128xi32, #tpu.memory_space<vmem>>
        %dma_start3A_240 = tpu.memref_squeeze %dma_start3A_239 : memref<1x1x128xi32, #tpu.memory_space<vmem>> -> memref<128xi32, #tpu.memory_space<vmem>>
        %dma_start3A_241 = arith.constant 0 : i32
        %dma_start3A_242 = arith.constant 0 : i32
        %dma_start3A_243 = tpu.memref_slice %arg10[%dma_start3A_241, %dma_start3A_242] : memref<10112x128xf32, #tpu.memory_space<vmem_shared>> -> memref<10112x128xf32, #tpu.memory_space<vmem_shared>>
        tpu.enqueue_indirect_dma source(%arg9 : memref<128x128xf32, #tpu.memory_space<vmem>>) target(%dma_start3A_243 : memref<10112x128xf32, #tpu.memory_space<vmem_shared>>) offsets(%dma_start3A_240 : memref<128xi32, #tpu.memory_space<vmem>>) semaphore(%run_scoped3A_237 : memref<!tpu.dma_semaphore, #tpu.memory_space<semaphore_mem>>) {add = true}
        %dma_wait3A_244 = arith.constant 0 : i32
        %dma_wait3A_245 = tpu.memref_slice %arg6[%run_scoped3A_147, %run_scoped3A_148, %dma_wait3A_244] : memref<4x2x128xi32, #tpu.memory_space<vmem>> -> memref<1x1x128xi32, #tpu.memory_space<vmem>>
        %dma_wait3A_246 = tpu.memref_squeeze %dma_wait3A_245 : memref<1x1x128xi32, #tpu.memory_space<vmem>> -> memref<128xi32, #tpu.memory_space<vmem>>
        %dma_wait3A_247 = arith.constant 0 : i32
        %dma_wait3A_248 = arith.constant 0 : i32
        %dma_wait3A_249 = tpu.memref_slice %arg10[%dma_wait3A_247, %dma_wait3A_248] : memref<10112x128xf32, #tpu.memory_space<vmem_shared>> -> memref<10112x128xf32, #tpu.memory_space<vmem_shared>>
        tpu.wait_indirect_dma semaphore(%run_scoped3A_237 : memref<!tpu.dma_semaphore, #tpu.memory_space<semaphore_mem>>) src(%arg9 : memref<128x128xf32, #tpu.memory_space<vmem>>) dst(%dma_wait3A_249 : memref<10112x128xf32, #tpu.memory_space<vmem_shared>>)
        tpu.yield
      }) : () -> ()
      %mul3A_149 = arith.constant 2 : i32
      %mul3A_150 = arith.muli %while3A_65, %mul3A_149 : i32
      %add3A_151 = arith.constant 1 : i32
      %add3A_152 = arith.addi %mul3A_150, %add3A_151 : i32
      %add3A_153 = arith.constant 1 : i32
      %add3A_154 = arith.addi %add3A_152, %add3A_153 : i32
      %lt3A_155 = arith.cmpi slt, %add3A_154, %select_n3A_21 : i32
      %convert_element_type3A_156 = arith.extui %lt3A_155 : i1 to i32
      %cond3A_157 = arith.constant 0 : i32
      %cond3A_158 = arith.cmpi ne, %convert_element_type3A_156, %cond3A_157 : i32
      scf.if %cond3A_158 {
        %add3A_237 = arith.constant 1 : i32
        %add3A_238 = arith.addi %add3A_152, %add3A_237 : i32
        %mul3A_239 = arith.constant 4 : i32
        %mul3A_240 = arith.muli %add3A_238, %mul3A_239 : i32
        %add3A_241 = arith.addi %add3A, %mul3A_240 : i32
        %dma_start3A_242 = arith.constant 0 : i32
        %dma_start3A_243 = arith.constant 0 : i32
        %dma_start3A_244 = tpu.memref_slice %arg3[%add3A_241, %dma_start3A_242, %dma_start3A_243] : memref<2560x2x128xi32, #tpu.memory_space<hbm>> -> memref<4x2x128xi32, #tpu.memory_space<hbm>>
        %dma_start3A_245 = arith.constant 0 : i32
        %dma_start3A_246 = arith.constant 0 : i32
        %dma_start3A_247 = tpu.memref_slice %arg3[%add3A_241, %dma_start3A_245, %dma_start3A_246] : memref<2560x2x128xi32, #tpu.memory_space<hbm>> -> memref<4x2x128xi32, #tpu.memory_space<hbm>>
        tpu.enqueue_dma source(%dma_start3A_247 : memref<4x2x128xi32, #tpu.memory_space<hbm>>) target(%arg6 : memref<4x2x128xi32, #tpu.memory_space<vmem>>) target_semaphore(%arg13 : memref<!tpu.dma_semaphore, #tpu.memory_space<semaphore_mem>>)
      } else {
      }
      %mul3A_159 = arith.constant 4 : i32
      %mul3A_160 = arith.muli %add3A_152, %mul3A_159 : i32
      %add3A_161 = arith.constant 0 : i32
      %add3A_162 = arith.addi %mul3A_160, %add3A_161 : i32
      %dma_start3A_163 = arith.constant 1 : i32
      %dma_start3A_164 = arith.constant 0 : i32
      %dma_start3A_165 = arith.constant 0 : i32
      %dma_start3A_166 = tpu.memref_slice %arg7[%dma_start3A_163, %dma_start3A_164, %dma_start3A_165] : memref<4x2x128xi32, #tpu.memory_space<vmem>> -> memref<1x1x128xi32, #tpu.memory_space<vmem>>
      %dma_start3A_167 = tpu.memref_squeeze %dma_start3A_166 : memref<1x1x128xi32, #tpu.memory_space<vmem>> -> memref<128xi32, #tpu.memory_space<vmem>>
      %dma_start3A_168 = arith.constant 0 : i32
      %dma_start3A_169 = arith.constant 0 : i32
      %dma_start3A_170 = tpu.memref_slice %arg2[%dma_start3A_168, %dma_start3A_169] : memref<10000x128xf32, #tpu.memory_space<hbm>> -> memref<10000x128xf32, #tpu.memory_space<hbm>>
      tpu.enqueue_indirect_dma source(%dma_start3A_170 : memref<10000x128xf32, #tpu.memory_space<hbm>>) target(%arg9 : memref<128x128xf32, #tpu.memory_space<vmem>>) offsets(%dma_start3A_167 : memref<128xi32, #tpu.memory_space<vmem>>) semaphore(%arg12 : memref<!tpu.dma_semaphore, #tpu.memory_space<semaphore_mem>>)
      %dma_wait3A_171 = arith.constant 0 : i32
      %dma_wait3A_172 = arith.constant 0 : i32
      %dma_wait3A_173 = tpu.memref_slice %arg2[%dma_wait3A_171, %dma_wait3A_172] : memref<10000x128xf32, #tpu.memory_space<hbm>> -> memref<128x128xf32, #tpu.memory_space<hbm>>
      %dma_wait3A_174 = arith.constant 0 : i32
      %dma_wait3A_175 = arith.constant 0 : i32
      %dma_wait3A_176 = tpu.memref_slice %arg2[%dma_wait3A_174, %dma_wait3A_175] : memref<10000x128xf32, #tpu.memory_space<hbm>> -> memref<128x128xf32, #tpu.memory_space<hbm>>
      tpu.wait_dma2 semaphore(%arg11 : memref<!tpu.dma_semaphore, #tpu.memory_space<semaphore_mem>>) src(%dma_wait3A_176 : memref<128x128xf32, #tpu.memory_space<hbm>>) dst(%arg8 : memref<128x128xf32, #tpu.memory_space<vmem>>)
      %run_scoped3A_177 = arith.constant 0 : i32
      %run_scoped3A_178 = arith.constant 1 : i32
      "tpu.region"() ({
        %run_scoped3A_237 = tpu.sem_alloc : memref<!tpu.dma_semaphore, #tpu.memory_space<semaphore_mem>>
        %dma_start3A_238 = arith.constant 0 : i32
        %dma_start3A_239 = tpu.memref_slice %arg7[%run_scoped3A_177, %run_scoped3A_178, %dma_start3A_238] : memref<4x2x128xi32, #tpu.memory_space<vmem>> -> memref<1x1x128xi32, #tpu.memory_space<vmem>>
        %dma_start3A_240 = tpu.memref_squeeze %dma_start3A_239 : memref<1x1x128xi32, #tpu.memory_space<vmem>> -> memref<128xi32, #tpu.memory_space<vmem>>
        %dma_start3A_241 = arith.constant 0 : i32
        %dma_start3A_242 = arith.constant 0 : i32
        %dma_start3A_243 = tpu.memref_slice %arg10[%dma_start3A_241, %dma_start3A_242] : memref<10112x128xf32, #tpu.memory_space<vmem_shared>> -> memref<10112x128xf32, #tpu.memory_space<vmem_shared>>
        tpu.enqueue_indirect_dma source(%arg8 : memref<128x128xf32, #tpu.memory_space<vmem>>) target(%dma_start3A_243 : memref<10112x128xf32, #tpu.memory_space<vmem_shared>>) offsets(%dma_start3A_240 : memref<128xi32, #tpu.memory_space<vmem>>) semaphore(%run_scoped3A_237 : memref<!tpu.dma_semaphore, #tpu.memory_space<semaphore_mem>>) {add = true}
        %dma_wait3A_244 = arith.constant 0 : i32
        %dma_wait3A_245 = tpu.memref_slice %arg7[%run_scoped3A_177, %run_scoped3A_178, %dma_wait3A_244] : memref<4x2x128xi32, #tpu.memory_space<vmem>> -> memref<1x1x128xi32, #tpu.memory_space<vmem>>
        %dma_wait3A_246 = tpu.memref_squeeze %dma_wait3A_245 : memref<1x1x128xi32, #tpu.memory_space<vmem>> -> memref<128xi32, #tpu.memory_space<vmem>>
        %dma_wait3A_247 = arith.constant 0 : i32
        %dma_wait3A_248 = arith.constant 0 : i32
        %dma_wait3A_249 = tpu.memref_slice %arg10[%dma_wait3A_247, %dma_wait3A_248] : memref<10112x128xf32, #tpu.memory_space<vmem_shared>> -> memref<10112x128xf32, #tpu.memory_space<vmem_shared>>
        tpu.wait_indirect_dma semaphore(%run_scoped3A_237 : memref<!tpu.dma_semaphore, #tpu.memory_space<semaphore_mem>>) src(%arg8 : memref<128x128xf32, #tpu.memory_space<vmem>>) dst(%dma_wait3A_249 : memref<10112x128xf32, #tpu.memory_space<vmem_shared>>)
        tpu.yield
      }) : () -> ()
      %mul3A_179 = arith.constant 4 : i32
      %mul3A_180 = arith.muli %add3A_152, %mul3A_179 : i32
      %add3A_181 = arith.constant 1 : i32
      %add3A_182 = arith.addi %mul3A_180, %add3A_181 : i32
      %dma_start3A_183 = arith.constant 2 : i32
      %dma_start3A_184 = arith.constant 0 : i32
      %dma_start3A_185 = arith.constant 0 : i32
      %dma_start3A_186 = tpu.memref_slice %arg7[%dma_start3A_183, %dma_start3A_184, %dma_start3A_185] : memref<4x2x128xi32, #tpu.memory_space<vmem>> -> memref<1x1x128xi32, #tpu.memory_space<vmem>>
      %dma_start3A_187 = tpu.memref_squeeze %dma_start3A_186 : memref<1x1x128xi32, #tpu.memory_space<vmem>> -> memref<128xi32, #tpu.memory_space<vmem>>
      %dma_start3A_188 = arith.constant 0 : i32
      %dma_start3A_189 = arith.constant 0 : i32
      %dma_start3A_190 = tpu.memref_slice %arg2[%dma_start3A_188, %dma_start3A_189] : memref<10000x128xf32, #tpu.memory_space<hbm>> -> memref<10000x128xf32, #tpu.memory_space<hbm>>
      tpu.enqueue_indirect_dma source(%dma_start3A_190 : memref<10000x128xf32, #tpu.memory_space<hbm>>) target(%arg8 : memref<128x128xf32, #tpu.memory_space<vmem>>) offsets(%dma_start3A_187 : memref<128xi32, #tpu.memory_space<vmem>>) semaphore(%arg11 : memref<!tpu.dma_semaphore, #tpu.memory_space<semaphore_mem>>)
      %dma_wait3A_191 = arith.constant 0 : i32
      %dma_wait3A_192 = arith.constant 0 : i32
      %dma_wait3A_193 = tpu.memref_slice %arg2[%dma_wait3A_191, %dma_wait3A_192] : memref<10000x128xf32, #tpu.memory_space<hbm>> -> memref<128x128xf32, #tpu.memory_space<hbm>>
      %dma_wait3A_194 = arith.constant 0 : i32
      %dma_wait3A_195 = arith.constant 0 : i32
      %dma_wait3A_196 = tpu.memref_slice %arg2[%dma_wait3A_194, %dma_wait3A_195] : memref<10000x128xf32, #tpu.memory_space<hbm>> -> memref<128x128xf32, #tpu.memory_space<hbm>>
      tpu.wait_dma2 semaphore(%arg12 : memref<!tpu.dma_semaphore, #tpu.memory_space<semaphore_mem>>) src(%dma_wait3A_196 : memref<128x128xf32, #tpu.memory_space<hbm>>) dst(%arg9 : memref<128x128xf32, #tpu.memory_space<vmem>>)
      %run_scoped3A_197 = arith.constant 1 : i32
      %run_scoped3A_198 = arith.constant 1 : i32
      "tpu.region"() ({
        %run_scoped3A_237 = tpu.sem_alloc : memref<!tpu.dma_semaphore, #tpu.memory_space<semaphore_mem>>
        %dma_start3A_238 = arith.constant 0 : i32
        %dma_start3A_239 = tpu.memref_slice %arg7[%run_scoped3A_197, %run_scoped3A_198, %dma_start3A_238] : memref<4x2x128xi32, #tpu.memory_space<vmem>> -> memref<1x1x128xi32, #tpu.memory_space<vmem>>
        %dma_start3A_240 = tpu.memref_squeeze %dma_start3A_239 : memref<1x1x128xi32, #tpu.memory_space<vmem>> -> memref<128xi32, #tpu.memory_space<vmem>>
        %dma_start3A_241 = arith.constant 0 : i32
        %dma_start3A_242 = arith.constant 0 : i32
        %dma_start3A_243 = tpu.memref_slice %arg10[%dma_start3A_241, %dma_start3A_242] : memref<10112x128xf32, #tpu.memory_space<vmem_shared>> -> memref<10112x128xf32, #tpu.memory_space<vmem_shared>>
        tpu.enqueue_indirect_dma source(%arg9 : memref<128x128xf32, #tpu.memory_space<vmem>>) target(%dma_start3A_243 : memref<10112x128xf32, #tpu.memory_space<vmem_shared>>) offsets(%dma_start3A_240 : memref<128xi32, #tpu.memory_space<vmem>>) semaphore(%run_scoped3A_237 : memref<!tpu.dma_semaphore, #tpu.memory_space<semaphore_mem>>) {add = true}
        %dma_wait3A_244 = arith.constant 0 : i32
        %dma_wait3A_245 = tpu.memref_slice %arg7[%run_scoped3A_197, %run_scoped3A_198, %dma_wait3A_244] : memref<4x2x128xi32, #tpu.memory_space<vmem>> -> memref<1x1x128xi32, #tpu.memory_space<vmem>>
        %dma_wait3A_246 = tpu.memref_squeeze %dma_wait3A_245 : memref<1x1x128xi32, #tpu.memory_space<vmem>> -> memref<128xi32, #tpu.memory_space<vmem>>
        %dma_wait3A_247 = arith.constant 0 : i32
        %dma_wait3A_248 = arith.constant 0 : i32
        %dma_wait3A_249 = tpu.memref_slice %arg10[%dma_wait3A_247, %dma_wait3A_248] : memref<10112x128xf32, #tpu.memory_space<vmem_shared>> -> memref<10112x128xf32, #tpu.memory_space<vmem_shared>>
        tpu.wait_indirect_dma semaphore(%run_scoped3A_237 : memref<!tpu.dma_semaphore, #tpu.memory_space<semaphore_mem>>) src(%arg9 : memref<128x128xf32, #tpu.memory_space<vmem>>) dst(%dma_wait3A_249 : memref<10112x128xf32, #tpu.memory_space<vmem_shared>>)
        tpu.yield
      }) : () -> ()
      %mul3A_199 = arith.constant 4 : i32
      %mul3A_200 = arith.muli %add3A_152, %mul3A_199 : i32
      %add3A_201 = arith.constant 2 : i32
      %add3A_202 = arith.addi %mul3A_200, %add3A_201 : i32
      %dma_start3A_203 = arith.constant 3 : i32
      %dma_start3A_204 = arith.constant 0 : i32
      %dma_start3A_205 = arith.constant 0 : i32
      %dma_start3A_206 = tpu.memref_slice %arg7[%dma_start3A_203, %dma_start3A_204, %dma_start3A_205] : memref<4x2x128xi32, #tpu.memory_space<vmem>> -> memref<1x1x128xi32, #tpu.memory_space<vmem>>
      %dma_start3A_207 = tpu.memref_squeeze %dma_start3A_206 : memref<1x1x128xi32, #tpu.memory_space<vmem>> -> memref<128xi32, #tpu.memory_space<vmem>>
      %dma_start3A_208 = arith.constant 0 : i32
      %dma_start3A_209 = arith.constant 0 : i32
      %dma_start3A_210 = tpu.memref_slice %arg2[%dma_start3A_208, %dma_start3A_209] : memref<10000x128xf32, #tpu.memory_space<hbm>> -> memref<10000x128xf32, #tpu.memory_space<hbm>>
      tpu.enqueue_indirect_dma source(%dma_start3A_210 : memref<10000x128xf32, #tpu.memory_space<hbm>>) target(%arg9 : memref<128x128xf32, #tpu.memory_space<vmem>>) offsets(%dma_start3A_207 : memref<128xi32, #tpu.memory_space<vmem>>) semaphore(%arg12 : memref<!tpu.dma_semaphore, #tpu.memory_space<semaphore_mem>>)
      %dma_wait3A_211 = arith.constant 0 : i32
      %dma_wait3A_212 = arith.constant 0 : i32
      %dma_wait3A_213 = tpu.memref_slice %arg2[%dma_wait3A_211, %dma_wait3A_212] : memref<10000x128xf32, #tpu.memory_space<hbm>> -> memref<128x128xf32, #tpu.memory_space<hbm>>
      %dma_wait3A_214 = arith.constant 0 : i32
      %dma_wait3A_215 = arith.constant 0 : i32
      %dma_wait3A_216 = tpu.memref_slice %arg2[%dma_wait3A_214, %dma_wait3A_215] : memref<10000x128xf32, #tpu.memory_space<hbm>> -> memref<128x128xf32, #tpu.memory_space<hbm>>
      tpu.wait_dma2 semaphore(%arg11 : memref<!tpu.dma_semaphore, #tpu.memory_space<semaphore_mem>>) src(%dma_wait3A_216 : memref<128x128xf32, #tpu.memory_space<hbm>>) dst(%arg8 : memref<128x128xf32, #tpu.memory_space<vmem>>)
      %run_scoped3A_217 = arith.constant 2 : i32
      %run_scoped3A_218 = arith.constant 1 : i32
      "tpu.region"() ({
        %run_scoped3A_237 = tpu.sem_alloc : memref<!tpu.dma_semaphore, #tpu.memory_space<semaphore_mem>>
        %dma_start3A_238 = arith.constant 0 : i32
        %dma_start3A_239 = tpu.memref_slice %arg7[%run_scoped3A_217, %run_scoped3A_218, %dma_start3A_238] : memref<4x2x128xi32, #tpu.memory_space<vmem>> -> memref<1x1x128xi32, #tpu.memory_space<vmem>>
        %dma_start3A_240 = tpu.memref_squeeze %dma_start3A_239 : memref<1x1x128xi32, #tpu.memory_space<vmem>> -> memref<128xi32, #tpu.memory_space<vmem>>
        %dma_start3A_241 = arith.constant 0 : i32
        %dma_start3A_242 = arith.constant 0 : i32
        %dma_start3A_243 = tpu.memref_slice %arg10[%dma_start3A_241, %dma_start3A_242] : memref<10112x128xf32, #tpu.memory_space<vmem_shared>> -> memref<10112x128xf32, #tpu.memory_space<vmem_shared>>
        tpu.enqueue_indirect_dma source(%arg8 : memref<128x128xf32, #tpu.memory_space<vmem>>) target(%dma_start3A_243 : memref<10112x128xf32, #tpu.memory_space<vmem_shared>>) offsets(%dma_start3A_240 : memref<128xi32, #tpu.memory_space<vmem>>) semaphore(%run_scoped3A_237 : memref<!tpu.dma_semaphore, #tpu.memory_space<semaphore_mem>>) {add = true}
        %dma_wait3A_244 = arith.constant 0 : i32
        %dma_wait3A_245 = tpu.memref_slice %arg7[%run_scoped3A_217, %run_scoped3A_218, %dma_wait3A_244] : memref<4x2x128xi32, #tpu.memory_space<vmem>> -> memref<1x1x128xi32, #tpu.memory_space<vmem>>
        %dma_wait3A_246 = tpu.memref_squeeze %dma_wait3A_245 : memref<1x1x128xi32, #tpu.memory_space<vmem>> -> memref<128xi32, #tpu.memory_space<vmem>>
        %dma_wait3A_247 = arith.constant 0 : i32
        %dma_wait3A_248 = arith.constant 0 : i32
        %dma_wait3A_249 = tpu.memref_slice %arg10[%dma_wait3A_247, %dma_wait3A_248] : memref<10112x128xf32, #tpu.memory_space<vmem_shared>> -> memref<10112x128xf32, #tpu.memory_space<vmem_shared>>
        tpu.wait_indirect_dma semaphore(%run_scoped3A_237 : memref<!tpu.dma_semaphore, #tpu.memory_space<semaphore_mem>>) src(%arg8 : memref<128x128xf32, #tpu.memory_space<vmem>>) dst(%dma_wait3A_249 : memref<10112x128xf32, #tpu.memory_space<vmem_shared>>)
        tpu.yield
      }) : () -> ()
      %mul3A_219 = arith.constant 4 : i32
      %mul3A_220 = arith.muli %add3A_152, %mul3A_219 : i32
      %add3A_221 = arith.constant 3 : i32
      %add3A_222 = arith.addi %mul3A_220, %add3A_221 : i32
      %add3A_223 = arith.constant 1 : i32
      %add3A_224 = arith.addi %add3A_222, %add3A_223 : i32
      %lt3A_225 = arith.cmpi slt, %add3A_224, %select_n3A_2 : i32
      %convert_element_type3A_226 = arith.extui %lt3A_225 : i1 to i32
      %cond3A_227 = arith.constant 0 : i32
      %cond3A_228 = arith.cmpi ne, %convert_element_type3A_226, %cond3A_227 : i32
      scf.if %cond3A_228 {
        %dma_wait3A_237 = arith.constant 0 : i32
        %dma_wait3A_238 = arith.constant 0 : i32
        %dma_wait3A_239 = arith.constant 0 : i32
        %dma_wait3A_240 = tpu.memref_slice %arg3[%dma_wait3A_237, %dma_wait3A_238, %dma_wait3A_239] : memref<2560x2x128xi32, #tpu.memory_space<hbm>> -> memref<4x2x128xi32, #tpu.memory_space<hbm>>
        %dma_wait3A_241 = arith.constant 0 : i32
        %dma_wait3A_242 = arith.constant 0 : i32
        %dma_wait3A_243 = arith.constant 0 : i32
        %dma_wait3A_244 = tpu.memref_slice %arg3[%dma_wait3A_241, %dma_wait3A_242, %dma_wait3A_243] : memref<2560x2x128xi32, #tpu.memory_space<hbm>> -> memref<4x2x128xi32, #tpu.memory_space<hbm>>
        tpu.wait_dma2 semaphore(%arg13 : memref<!tpu.dma_semaphore, #tpu.memory_space<semaphore_mem>>) src(%dma_wait3A_244 : memref<4x2x128xi32, #tpu.memory_space<hbm>>) dst(%arg6 : memref<4x2x128xi32, #tpu.memory_space<vmem>>)
        %dma_start3A_245 = arith.constant 0 : i32
        %dma_start3A_246 = arith.constant 0 : i32
        %dma_start3A_247 = arith.constant 0 : i32
        %dma_start3A_248 = tpu.memref_slice %arg6[%dma_start3A_245, %dma_start3A_246, %dma_start3A_247] : memref<4x2x128xi32, #tpu.memory_space<vmem>> -> memref<1x1x128xi32, #tpu.memory_space<vmem>>
        %dma_start3A_249 = tpu.memref_squeeze %dma_start3A_248 : memref<1x1x128xi32, #tpu.memory_space<vmem>> -> memref<128xi32, #tpu.memory_space<vmem>>
        %dma_start3A_250 = arith.constant 0 : i32
        %dma_start3A_251 = arith.constant 0 : i32
        %dma_start3A_252 = tpu.memref_slice %arg2[%dma_start3A_250, %dma_start3A_251] : memref<10000x128xf32, #tpu.memory_space<hbm>> -> memref<10000x128xf32, #tpu.memory_space<hbm>>
        tpu.enqueue_indirect_dma source(%dma_start3A_252 : memref<10000x128xf32, #tpu.memory_space<hbm>>) target(%arg8 : memref<128x128xf32, #tpu.memory_space<vmem>>) offsets(%dma_start3A_249 : memref<128xi32, #tpu.memory_space<vmem>>) semaphore(%arg11 : memref<!tpu.dma_semaphore, #tpu.memory_space<semaphore_mem>>)
      } else {
      }
      %dma_wait3A_229 = arith.constant 0 : i32
      %dma_wait3A_230 = arith.constant 0 : i32
      %dma_wait3A_231 = tpu.memref_slice %arg2[%dma_wait3A_229, %dma_wait3A_230] : memref<10000x128xf32, #tpu.memory_space<hbm>> -> memref<128x128xf32, #tpu.memory_space<hbm>>
      %dma_wait3A_232 = arith.constant 0 : i32
      %dma_wait3A_233 = arith.constant 0 : i32
      %dma_wait3A_234 = tpu.memref_slice %arg2[%dma_wait3A_232, %dma_wait3A_233] : memref<10000x128xf32, #tpu.memory_space<hbm>> -> memref<128x128xf32, #tpu.memory_space<hbm>>
      tpu.wait_dma2 semaphore(%arg12 : memref<!tpu.dma_semaphore, #tpu.memory_space<semaphore_mem>>) src(%dma_wait3A_234 : memref<128x128xf32, #tpu.memory_space<hbm>>) dst(%arg9 : memref<128x128xf32, #tpu.memory_space<vmem>>)
      %run_scoped3A_235 = arith.constant 3 : i32
      %run_scoped3A_236 = arith.constant 1 : i32
      "tpu.region"() ({
        %run_scoped3A_237 = tpu.sem_alloc : memref<!tpu.dma_semaphore, #tpu.memory_space<semaphore_mem>>
        %dma_start3A_238 = arith.constant 0 : i32
        %dma_start3A_239 = tpu.memref_slice %arg7[%run_scoped3A_235, %run_scoped3A_236, %dma_start3A_238] : memref<4x2x128xi32, #tpu.memory_space<vmem>> -> memref<1x1x128xi32, #tpu.memory_space<vmem>>
        %dma_start3A_240 = tpu.memref_squeeze %dma_start3A_239 : memref<1x1x128xi32, #tpu.memory_space<vmem>> -> memref<128xi32, #tpu.memory_space<vmem>>
        %dma_start3A_241 = arith.constant 0 : i32
        %dma_start3A_242 = arith.constant 0 : i32
        %dma_start3A_243 = tpu.memref_slice %arg10[%dma_start3A_241, %dma_start3A_242] : memref<10112x128xf32, #tpu.memory_space<vmem_shared>> -> memref<10112x128xf32, #tpu.memory_space<vmem_shared>>
        tpu.enqueue_indirect_dma source(%arg9 : memref<128x128xf32, #tpu.memory_space<vmem>>) target(%dma_start3A_243 : memref<10112x128xf32, #tpu.memory_space<vmem_shared>>) offsets(%dma_start3A_240 : memref<128xi32, #tpu.memory_space<vmem>>) semaphore(%run_scoped3A_237 : memref<!tpu.dma_semaphore, #tpu.memory_space<semaphore_mem>>) {add = true}
        %dma_wait3A_244 = arith.constant 0 : i32
        %dma_wait3A_245 = tpu.memref_slice %arg7[%run_scoped3A_235, %run_scoped3A_236, %dma_wait3A_244] : memref<4x2x128xi32, #tpu.memory_space<vmem>> -> memref<1x1x128xi32, #tpu.memory_space<vmem>>
        %dma_wait3A_246 = tpu.memref_squeeze %dma_wait3A_245 : memref<1x1x128xi32, #tpu.memory_space<vmem>> -> memref<128xi32, #tpu.memory_space<vmem>>
        %dma_wait3A_247 = arith.constant 0 : i32
        %dma_wait3A_248 = arith.constant 0 : i32
        %dma_wait3A_249 = tpu.memref_slice %arg10[%dma_wait3A_247, %dma_wait3A_248] : memref<10112x128xf32, #tpu.memory_space<vmem_shared>> -> memref<10112x128xf32, #tpu.memory_space<vmem_shared>>
        tpu.wait_indirect_dma semaphore(%run_scoped3A_237 : memref<!tpu.dma_semaphore, #tpu.memory_space<semaphore_mem>>) src(%arg9 : memref<128x128xf32, #tpu.memory_space<vmem>>) dst(%dma_wait3A_249 : memref<10112x128xf32, #tpu.memory_space<vmem_shared>>)
        tpu.yield
      }) : () -> ()
    }
    %while3A_63 = arith.constant 1 : i32
    scf.for %while3A_65 = %while3A_61 to %while3A_57 step %while3A_63  : i32 {
      %mul3A_66 = arith.constant 2 : i32
      %mul3A_67 = arith.muli %while3A_65, %mul3A_66 : i32
      %add3A_68 = arith.constant 0 : i32
      %add3A_69 = arith.addi %mul3A_67, %add3A_68 : i32
      %add3A_70 = arith.constant 1 : i32
      %add3A_71 = arith.addi %add3A_69, %add3A_70 : i32
      %lt3A = arith.cmpi slt, %add3A_71, %select_n3A_21 : i32
      %convert_element_type3A = arith.extui %lt3A : i1 to i32
      %cond3A = arith.constant 0 : i32
      %cond3A_72 = arith.cmpi ne, %convert_element_type3A, %cond3A : i32
      scf.if %cond3A_72 {
        %add3A_237 = arith.constant 1 : i32
        %add3A_238 = arith.addi %add3A_69, %add3A_237 : i32
        %mul3A_239 = arith.constant 4 : i32
        %mul3A_240 = arith.muli %add3A_238, %mul3A_239 : i32
        %add3A_241 = arith.addi %add3A, %mul3A_240 : i32
        %dma_start3A_242 = arith.constant 0 : i32
        %dma_start3A_243 = arith.constant 0 : i32
        %dma_start3A_244 = tpu.memref_slice %arg3[%add3A_241, %dma_start3A_242, %dma_start3A_243] : memref<2560x2x128xi32, #tpu.memory_space<hbm>> -> memref<4x2x128xi32, #tpu.memory_space<hbm>>
        %dma_start3A_245 = arith.constant 0 : i32
        %dma_start3A_246 = arith.constant 0 : i32
        %dma_start3A_247 = tpu.memref_slice %arg3[%add3A_241, %dma_start3A_245, %dma_start3A_246] : memref<2560x2x128xi32, #tpu.memory_space<hbm>> -> memref<4x2x128xi32, #tpu.memory_space<hbm>>
        tpu.enqueue_dma source(%dma_start3A_247 : memref<4x2x128xi32, #tpu.memory_space<hbm>>) target(%arg7 : memref<4x2x128xi32, #tpu.memory_space<vmem>>) target_semaphore(%arg14 : memref<!tpu.dma_semaphore, #tpu.memory_space<semaphore_mem>>)
      } else {
      }
      %mul3A_73 = arith.constant 4 : i32
      %mul3A_74 = arith.muli %add3A_69, %mul3A_73 : i32
      %add3A_75 = arith.constant 0 : i32
      %add3A_76 = arith.addi %mul3A_74, %add3A_75 : i32
      %dma_start3A_77 = arith.constant 1 : i32
      %dma_start3A_78 = arith.constant 0 : i32
      %dma_start3A_79 = arith.constant 0 : i32
      %dma_start3A_80 = tpu.memref_slice %arg6[%dma_start3A_77, %dma_start3A_78, %dma_start3A_79] : memref<4x2x128xi32, #tpu.memory_space<vmem>> -> memref<1x1x128xi32, #tpu.memory_space<vmem>>
      %dma_start3A_81 = tpu.memref_squeeze %dma_start3A_80 : memref<1x1x128xi32, #tpu.memory_space<vmem>> -> memref<128xi32, #tpu.memory_space<vmem>>
      %dma_start3A_82 = arith.constant 0 : i32
      %dma_start3A_83 = arith.constant 0 : i32
      %dma_start3A_84 = tpu.memref_slice %arg2[%dma_start3A_82, %dma_start3A_83] : memref<10000x128xf32, #tpu.memory_space<hbm>> -> memref<10000x128xf32, #tpu.memory_space<hbm>>
      tpu.enqueue_indirect_dma source(%dma_start3A_84 : memref<10000x128xf32, #tpu.memory_space<hbm>>) target(%arg9 : memref<128x128xf32, #tpu.memory_space<vmem>>) offsets(%dma_start3A_81 : memref<128xi32, #tpu.memory_space<vmem>>) semaphore(%arg12 : memref<!tpu.dma_semaphore, #tpu.memory_space<semaphore_mem>>)
      %dma_wait3A = arith.constant 0 : i32
      %dma_wait3A_85 = arith.constant 0 : i32
      %dma_wait3A_86 = tpu.memref_slice %arg2[%dma_wait3A, %dma_wait3A_85] : memref<10000x128xf32, #tpu.memory_space<hbm>> -> memref<128x128xf32, #tpu.memory_space<hbm>>
      %dma_wait3A_87 = arith.constant 0 : i32
      %dma_wait3A_88 = arith.constant 0 : i32
      %dma_wait3A_89 = tpu.memref_slice %arg2[%dma_wait3A_87, %dma_wait3A_88] : memref<10000x128xf32, #tpu.memory_space<hbm>> -> memref<128x128xf32, #tpu.memory_space<hbm>>
      tpu.wait_dma2 semaphore(%arg11 : memref<!tpu.dma_semaphore, #tpu.memory_space<semaphore_mem>>) src(%dma_wait3A_89 : memref<128x128xf32, #tpu.memory_space<hbm>>) dst(%arg8 : memref<128x128xf32, #tpu.memory_space<vmem>>)
      %run_scoped3A = arith.constant 0 : i32
      %run_scoped3A_90 = arith.constant 1 : i32
      "tpu.region"() ({
        %run_scoped3A_237 = tpu.sem_alloc : memref<!tpu.dma_semaphore, #tpu.memory_space<semaphore_mem>>
        %dma_start3A_238 = arith.constant 0 : i32
        %dma_start3A_239 = tpu.memref_slice %arg6[%run_scoped3A, %run_scoped3A_90, %dma_start3A_238] : memref<4x2x128xi32, #tpu.memory_space<vmem>> -> memref<1x1x128xi32, #tpu.memory_space<vmem>>
        %dma_start3A_240 = tpu.memref_squeeze %dma_start3A_239 : memref<1x1x128xi32, #tpu.memory_space<vmem>> -> memref<128xi32, #tpu.memory_space<vmem>>
        %dma_start3A_241 = arith.constant 0 : i32
        %dma_start3A_242 = arith.constant 0 : i32
        %dma_start3A_243 = tpu.memref_slice %arg10[%dma_start3A_241, %dma_start3A_242] : memref<10112x128xf32, #tpu.memory_space<vmem_shared>> -> memref<10112x128xf32, #tpu.memory_space<vmem_shared>>
        tpu.enqueue_indirect_dma source(%arg8 : memref<128x128xf32, #tpu.memory_space<vmem>>) target(%dma_start3A_243 : memref<10112x128xf32, #tpu.memory_space<vmem_shared>>) offsets(%dma_start3A_240 : memref<128xi32, #tpu.memory_space<vmem>>) semaphore(%run_scoped3A_237 : memref<!tpu.dma_semaphore, #tpu.memory_space<semaphore_mem>>) {add = true}
        %dma_wait3A_244 = arith.constant 0 : i32
        %dma_wait3A_245 = tpu.memref_slice %arg6[%run_scoped3A, %run_scoped3A_90, %dma_wait3A_244] : memref<4x2x128xi32, #tpu.memory_space<vmem>> -> memref<1x1x128xi32, #tpu.memory_space<vmem>>
        %dma_wait3A_246 = tpu.memref_squeeze %dma_wait3A_245 : memref<1x1x128xi32, #tpu.memory_space<vmem>> -> memref<128xi32, #tpu.memory_space<vmem>>
        %dma_wait3A_247 = arith.constant 0 : i32
        %dma_wait3A_248 = arith.constant 0 : i32
        %dma_wait3A_249 = tpu.memref_slice %arg10[%dma_wait3A_247, %dma_wait3A_248] : memref<10112x128xf32, #tpu.memory_space<vmem_shared>> -> memref<10112x128xf32, #tpu.memory_space<vmem_shared>>
        tpu.wait_indirect_dma semaphore(%run_scoped3A_237 : memref<!tpu.dma_semaphore, #tpu.memory_space<semaphore_mem>>) src(%arg8 : memref<128x128xf32, #tpu.memory_space<vmem>>) dst(%dma_wait3A_249 : memref<10112x128xf32, #tpu.memory_space<vmem_shared>>)
        tpu.yield
      }) : () -> ()
      %mul3A_91 = arith.constant 4 : i32
      %mul3A_92 = arith.muli %add3A_69, %mul3A_91 : i32
      %add3A_93 = arith.constant 1 : i32
      %add3A_94 = arith.addi %mul3A_92, %add3A_93 : i32
      %dma_start3A_95 = arith.constant 2 : i32
      %dma_start3A_96 = arith.constant 0 : i32
      %dma_start3A_97 = arith.constant 0 : i32
      %dma_start3A_98 = tpu.memref_slice %arg6[%dma_start3A_95, %dma_start3A_96, %dma_start3A_97] : memref<4x2x128xi32, #tpu.memory_space<vmem>> -> memref<1x1x128xi32, #tpu.memory_space<vmem>>
      %dma_start3A_99 = tpu.memref_squeeze %dma_start3A_98 : memref<1x1x128xi32, #tpu.memory_space<vmem>> -> memref<128xi32, #tpu.memory_space<vmem>>
      %dma_start3A_100 = arith.constant 0 : i32
      %dma_start3A_101 = arith.constant 0 : i32
      %dma_start3A_102 = tpu.memref_slice %arg2[%dma_start3A_100, %dma_start3A_101] : memref<10000x128xf32, #tpu.memory_space<hbm>> -> memref<10000x128xf32, #tpu.memory_space<hbm>>
      tpu.enqueue_indirect_dma source(%dma_start3A_102 : memref<10000x128xf32, #tpu.memory_space<hbm>>) target(%arg8 : memref<128x128xf32, #tpu.memory_space<vmem>>) offsets(%dma_start3A_99 : memref<128xi32, #tpu.memory_space<vmem>>) semaphore(%arg11 : memref<!tpu.dma_semaphore, #tpu.memory_space<semaphore_mem>>)
      %dma_wait3A_103 = arith.constant 0 : i32
      %dma_wait3A_104 = arith.constant 0 : i32
      %dma_wait3A_105 = tpu.memref_slice %arg2[%dma_wait3A_103, %dma_wait3A_104] : memref<10000x128xf32, #tpu.memory_space<hbm>> -> memref<128x128xf32, #tpu.memory_space<hbm>>
      %dma_wait3A_106 = arith.constant 0 : i32
      %dma_wait3A_107 = arith.constant 0 : i32
      %dma_wait3A_108 = tpu.memref_slice %arg2[%dma_wait3A_106, %dma_wait3A_107] : memref<10000x128xf32, #tpu.memory_space<hbm>> -> memref<128x128xf32, #tpu.memory_space<hbm>>
      tpu.wait_dma2 semaphore(%arg12 : memref<!tpu.dma_semaphore, #tpu.memory_space<semaphore_mem>>) src(%dma_wait3A_108 : memref<128x128xf32, #tpu.memory_space<hbm>>) dst(%arg9 : memref<128x128xf32, #tpu.memory_space<vmem>>)
      %run_scoped3A_109 = arith.constant 1 : i32
      %run_scoped3A_110 = arith.constant 1 : i32
      "tpu.region"() ({
        %run_scoped3A_237 = tpu.sem_alloc : memref<!tpu.dma_semaphore, #tpu.memory_space<semaphore_mem>>
        %dma_start3A_238 = arith.constant 0 : i32
        %dma_start3A_239 = tpu.memref_slice %arg6[%run_scoped3A_109, %run_scoped3A_110, %dma_start3A_238] : memref<4x2x128xi32, #tpu.memory_space<vmem>> -> memref<1x1x128xi32, #tpu.memory_space<vmem>>
        %dma_start3A_240 = tpu.memref_squeeze %dma_start3A_239 : memref<1x1x128xi32, #tpu.memory_space<vmem>> -> memref<128xi32, #tpu.memory_space<vmem>>
        %dma_start3A_241 = arith.constant 0 : i32
        %dma_start3A_242 = arith.constant 0 : i32
        %dma_start3A_243 = tpu.memref_slice %arg10[%dma_start3A_241, %dma_start3A_242] : memref<10112x128xf32, #tpu.memory_space<vmem_shared>> -> memref<10112x128xf32, #tpu.memory_space<vmem_shared>>
        tpu.enqueue_indirect_dma source(%arg9 : memref<128x128xf32, #tpu.memory_space<vmem>>) target(%dma_start3A_243 : memref<10112x128xf32, #tpu.memory_space<vmem_shared>>) offsets(%dma_start3A_240 : memref<128xi32, #tpu.memory_space<vmem>>) semaphore(%run_scoped3A_237 : memref<!tpu.dma_semaphore, #tpu.memory_space<semaphore_mem>>) {add = true}
        %dma_wait3A_244 = arith.constant 0 : i32
        %dma_wait3A_245 = tpu.memref_slice %arg6[%run_scoped3A_109, %run_scoped3A_110, %dma_wait3A_244] : memref<4x2x128xi32, #tpu.memory_space<vmem>> -> memref<1x1x128xi32, #tpu.memory_space<vmem>>
        %dma_wait3A_246 = tpu.memref_squeeze %dma_wait3A_245 : memref<1x1x128xi32, #tpu.memory_space<vmem>> -> memref<128xi32, #tpu.memory_space<vmem>>
        %dma_wait3A_247 = arith.constant 0 : i32
        %dma_wait3A_248 = arith.constant 0 : i32
        %dma_wait3A_249 = tpu.memref_slice %arg10[%dma_wait3A_247, %dma_wait3A_248] : memref<10112x128xf32, #tpu.memory_space<vmem_shared>> -> memref<10112x128xf32, #tpu.memory_space<vmem_shared>>
        tpu.wait_indirect_dma semaphore(%run_scoped3A_237 : memref<!tpu.dma_semaphore, #tpu.memory_space<semaphore_mem>>) src(%arg9 : memref<128x128xf32, #tpu.memory_space<vmem>>) dst(%dma_wait3A_249 : memref<10112x128xf32, #tpu.memory_space<vmem_shared>>)
        tpu.yield
      }) : () -> ()
      %mul3A_111 = arith.constant 4 : i32
      %mul3A_112 = arith.muli %add3A_69, %mul3A_111 : i32
      %add3A_113 = arith.constant 2 : i32
      %add3A_114 = arith.addi %mul3A_112, %add3A_113 : i32
      %dma_start3A_115 = arith.constant 3 : i32
      %dma_start3A_116 = arith.constant 0 : i32
      %dma_start3A_117 = arith.constant 0 : i32
      %dma_start3A_118 = tpu.memref_slice %arg6[%dma_start3A_115, %dma_start3A_116, %dma_start3A_117] : memref<4x2x128xi32, #tpu.memory_space<vmem>> -> memref<1x1x128xi32, #tpu.memory_space<vmem>>
      %dma_start3A_119 = tpu.memref_squeeze %dma_start3A_118 : memref<1x1x128xi32, #tpu.memory_space<vmem>> -> memref<128xi32, #tpu.memory_space<vmem>>
      %dma_start3A_120 = arith.constant 0 : i32
      %dma_start3A_121 = arith.constant 0 : i32
      %dma_start3A_122 = tpu.memref_slice %arg2[%dma_start3A_120, %dma_start3A_121] : memref<10000x128xf32, #tpu.memory_space<hbm>> -> memref<10000x128xf32, #tpu.memory_space<hbm>>
      tpu.enqueue_indirect_dma source(%dma_start3A_122 : memref<10000x128xf32, #tpu.memory_space<hbm>>) target(%arg9 : memref<128x128xf32, #tpu.memory_space<vmem>>) offsets(%dma_start3A_119 : memref<128xi32, #tpu.memory_space<vmem>>) semaphore(%arg12 : memref<!tpu.dma_semaphore, #tpu.memory_space<semaphore_mem>>)
      %dma_wait3A_123 = arith.constant 0 : i32
      %dma_wait3A_124 = arith.constant 0 : i32
      %dma_wait3A_125 = tpu.memref_slice %arg2[%dma_wait3A_123, %dma_wait3A_124] : memref<10000x128xf32, #tpu.memory_space<hbm>> -> memref<128x128xf32, #tpu.memory_space<hbm>>
      %dma_wait3A_126 = arith.constant 0 : i32
      %dma_wait3A_127 = arith.constant 0 : i32
      %dma_wait3A_128 = tpu.memref_slice %arg2[%dma_wait3A_126, %dma_wait3A_127] : memref<10000x128xf32, #tpu.memory_space<hbm>> -> memref<128x128xf32, #tpu.memory_space<hbm>>
      tpu.wait_dma2 semaphore(%arg11 : memref<!tpu.dma_semaphore, #tpu.memory_space<semaphore_mem>>) src(%dma_wait3A_128 : memref<128x128xf32, #tpu.memory_space<hbm>>) dst(%arg8 : memref<128x128xf32, #tpu.memory_space<vmem>>)
      %run_scoped3A_129 = arith.constant 2 : i32
      %run_scoped3A_130 = arith.constant 1 : i32
      "tpu.region"() ({
        %run_scoped3A_237 = tpu.sem_alloc : memref<!tpu.dma_semaphore, #tpu.memory_space<semaphore_mem>>
        %dma_start3A_238 = arith.constant 0 : i32
        %dma_start3A_239 = tpu.memref_slice %arg6[%run_scoped3A_129, %run_scoped3A_130, %dma_start3A_238] : memref<4x2x128xi32, #tpu.memory_space<vmem>> -> memref<1x1x128xi32, #tpu.memory_space<vmem>>
        %dma_start3A_240 = tpu.memref_squeeze %dma_start3A_239 : memref<1x1x128xi32, #tpu.memory_space<vmem>> -> memref<128xi32, #tpu.memory_space<vmem>>
        %dma_start3A_241 = arith.constant 0 : i32
        %dma_start3A_242 = arith.constant 0 : i32
        %dma_start3A_243 = tpu.memref_slice %arg10[%dma_start3A_241, %dma_start3A_242] : memref<10112x128xf32, #tpu.memory_space<vmem_shared>> -> memref<10112x128xf32, #tpu.memory_space<vmem_shared>>
        tpu.enqueue_indirect_dma source(%arg8 : memref<128x128xf32, #tpu.memory_space<vmem>>) target(%dma_start3A_243 : memref<10112x128xf32, #tpu.memory_space<vmem_shared>>) offsets(%dma_start3A_240 : memref<128xi32, #tpu.memory_space<vmem>>) semaphore(%run_scoped3A_237 : memref<!tpu.dma_semaphore, #tpu.memory_space<semaphore_mem>>) {add = true}
        %dma_wait3A_244 = arith.constant 0 : i32
        %dma_wait3A_245 = tpu.memref_slice %arg6[%run_scoped3A_129, %run_scoped3A_130, %dma_wait3A_244] : memref<4x2x128xi32, #tpu.memory_space<vmem>> -> memref<1x1x128xi32, #tpu.memory_space<vmem>>
        %dma_wait3A_246 = tpu.memref_squeeze %dma_wait3A_245 : memref<1x1x128xi32, #tpu.memory_space<vmem>> -> memref<128xi32, #tpu.memory_space<vmem>>
        %dma_wait3A_247 = arith.constant 0 : i32
        %dma_wait3A_248 = arith.constant 0 : i32
        %dma_wait3A_249 = tpu.memref_slice %arg10[%dma_wait3A_247, %dma_wait3A_248] : memref<10112x128xf32, #tpu.memory_space<vmem_shared>> -> memref<10112x128xf32, #tpu.memory_space<vmem_shared>>
        tpu.wait_indirect_dma semaphore(%run_scoped3A_237 : memref<!tpu.dma_semaphore, #tpu.memory_space<semaphore_mem>>) src(%arg8 : memref<128x128xf32, #tpu.memory_space<vmem>>) dst(%dma_wait3A_249 : memref<10112x128xf32, #tpu.memory_space<vmem_shared>>)
        tpu.yield
      }) : () -> ()
      %mul3A_131 = arith.constant 4 : i32
      %mul3A_132 = arith.muli %add3A_69, %mul3A_131 : i32
      %add3A_133 = arith.constant 3 : i32
      %add3A_134 = arith.addi %mul3A_132, %add3A_133 : i32
      %add3A_135 = arith.constant 1 : i32
      %add3A_136 = arith.addi %add3A_134, %add3A_135 : i32
      %lt3A_137 = arith.cmpi slt, %add3A_136, %select_n3A_2 : i32
      %convert_element_type3A_138 = arith.extui %lt3A_137 : i1 to i32
      %cond3A_139 = arith.constant 0 : i32
      %cond3A_140 = arith.cmpi ne, %convert_element_type3A_138, %cond3A_139 : i32
      scf.if %cond3A_140 {
        %dma_wait3A_237 = arith.constant 0 : i32
        %dma_wait3A_238 = arith.constant 0 : i32
        %dma_wait3A_239 = arith.constant 0 : i32
        %dma_wait3A_240 = tpu.memref_slice %arg3[%dma_wait3A_237, %dma_wait3A_238, %dma_wait3A_239] : memref<2560x2x128xi32, #tpu.memory_space<hbm>> -> memref<4x2x128xi32, #tpu.memory_space<hbm>>
        %dma_wait3A_241 = arith.constant 0 : i32
        %dma_wait3A_242 = arith.constant 0 : i32
        %dma_wait3A_243 = arith.constant 0 : i32
        %dma_wait3A_244 = tpu.memref_slice %arg3[%dma_wait3A_241, %dma_wait3A_242, %dma_wait3A_243] : memref<2560x2x128xi32, #tpu.memory_space<hbm>> -> memref<4x2x128xi32, #tpu.memory_space<hbm>>
        tpu.wait_dma2 semaphore(%arg14 : memref<!tpu.dma_semaphore, #tpu.memory_space<semaphore_mem>>) src(%dma_wait3A_244 : memref<4x2x128xi32, #tpu.memory_space<hbm>>) dst(%arg7 : memref<4x2x128xi32, #tpu.memory_space<vmem>>)
        %dma_start3A_245 = arith.constant 0 : i32
        %dma_start3A_246 = arith.constant 0 : i32
        %dma_start3A_247 = arith.constant 0 : i32
        %dma_start3A_248 = tpu.memref_slice %arg7[%dma_start3A_245, %dma_start3A_246, %dma_start3A_247] : memref<4x2x128xi32, #tpu.memory_space<vmem>> -> memref<1x1x128xi32, #tpu.memory_space<vmem>>
        %dma_start3A_249 = tpu.memref_squeeze %dma_start3A_248 : memref<1x1x128xi32, #tpu.memory_space<vmem>> -> memref<128xi32, #tpu.memory_space<vmem>>
        %dma_start3A_250 = arith.constant 0 : i32
        %dma_start3A_251 = arith.constant 0 : i32
        %dma_start3A_252 = tpu.memref_slice %arg2[%dma_start3A_250, %dma_start3A_251] : memref<10000x128xf32, #tpu.memory_space<hbm>> -> memref<10000x128xf32, #tpu.memory_space<hbm>>
        tpu.enqueue_indirect_dma source(%dma_start3A_252 : memref<10000x128xf32, #tpu.memory_space<hbm>>) target(%arg8 : memref<128x128xf32, #tpu.memory_space<vmem>>) offsets(%dma_start3A_249 : memref<128xi32, #tpu.memory_space<vmem>>) semaphore(%arg11 : memref<!tpu.dma_semaphore, #tpu.memory_space<semaphore_mem>>)
      } else {
      }
      %dma_wait3A_141 = arith.constant 0 : i32
      %dma_wait3A_142 = arith.constant 0 : i32
      %dma_wait3A_143 = tpu.memref_slice %arg2[%dma_wait3A_141, %dma_wait3A_142] : memref<10000x128xf32, #tpu.memory_space<hbm>> -> memref<128x128xf32, #tpu.memory_space<hbm>>
      %dma_wait3A_144 = arith.constant 0 : i32
      %dma_wait3A_145 = arith.constant 0 : i32
      %dma_wait3A_146 = tpu.memref_slice %arg2[%dma_wait3A_144, %dma_wait3A_145] : memref<10000x128xf32, #tpu.memory_space<hbm>> -> memref<128x128xf32, #tpu.memory_space<hbm>>
      tpu.wait_dma2 semaphore(%arg12 : memref<!tpu.dma_semaphore, #tpu.memory_space<semaphore_mem>>) src(%dma_wait3A_146 : memref<128x128xf32, #tpu.memory_space<hbm>>) dst(%arg9 : memref<128x128xf32, #tpu.memory_space<vmem>>)
      %run_scoped3A_147 = arith.constant 3 : i32
      %run_scoped3A_148 = arith.constant 1 : i32
      "tpu.region"() ({
        %run_scoped3A_237 = tpu.sem_alloc : memref<!tpu.dma_semaphore, #tpu.memory_space<semaphore_mem>>
        %dma_start3A_238 = arith.constant 0 : i32
        %dma_start3A_239 = tpu.memref_slice %arg6[%run_scoped3A_147, %run_scoped3A_148, %dma_start3A_238] : memref<4x2x128xi32, #tpu.memory_space<vmem>> -> memref<1x1x128xi32, #tpu.memory_space<vmem>>
        %dma_start3A_240 = tpu.memref_squeeze %dma_start3A_239 : memref<1x1x128xi32, #tpu.memory_space<vmem>> -> memref<128xi32, #tpu.memory_space<vmem>>
        %dma_start3A_241 = arith.constant 0 : i32
        %dma_start3A_242 = arith.constant 0 : i32
        %dma_start3A_243 = tpu.memref_slice %arg10[%dma_start3A_241, %dma_start3A_242] : memref<10112x128xf32, #tpu.memory_space<vmem_shared>> -> memref<10112x128xf32, #tpu.memory_space<vmem_shared>>
        tpu.enqueue_indirect_dma source(%arg9 : memref<128x128xf32, #tpu.memory_space<vmem>>) target(%dma_start3A_243 : memref<10112x128xf32, #tpu.memory_space<vmem_shared>>) offsets(%dma_start3A_240 : memref<128xi32, #tpu.memory_space<vmem>>) semaphore(%run_scoped3A_237 : memref<!tpu.dma_semaphore, #tpu.memory_space<semaphore_mem>>) {add = true}
        %dma_wait3A_244 = arith.constant 0 : i32
        %dma_wait3A_245 = tpu.memref_slice %arg6[%run_scoped3A_147, %run_scoped3A_148, %dma_wait3A_244] : memref<4x2x128xi32, #tpu.memory_space<vmem>> -> memref<1x1x128xi32, #tpu.memory_space<vmem>>
        %dma_wait3A_246 = tpu.memref_squeeze %dma_wait3A_245 : memref<1x1x128xi32, #tpu.memory_space<vmem>> -> memref<128xi32, #tpu.memory_space<vmem>>
        %dma_wait3A_247 = arith.constant 0 : i32
        %dma_wait3A_248 = arith.constant 0 : i32
        %dma_wait3A_249 = tpu.memref_slice %arg10[%dma_wait3A_247, %dma_wait3A_248] : memref<10112x128xf32, #tpu.memory_space<vmem_shared>> -> memref<10112x128xf32, #tpu.memory_space<vmem_shared>>
        tpu.wait_indirect_dma semaphore(%run_scoped3A_237 : memref<!tpu.dma_semaphore, #tpu.memory_space<semaphore_mem>>) src(%arg9 : memref<128x128xf32, #tpu.memory_space<vmem>>) dst(%dma_wait3A_249 : memref<10112x128xf32, #tpu.memory_space<vmem_shared>>)
        tpu.yield
      }) : () -> ()
      %mul3A_149 = arith.constant 2 : i32
      %mul3A_150 = arith.muli %while3A_65, %mul3A_149 : i32
      %add3A_151 = arith.constant 1 : i32
      %add3A_152 = arith.addi %mul3A_150, %add3A_151 : i32
      %add3A_153 = arith.constant 1 : i32
      %add3A_154 = arith.addi %add3A_152, %add3A_153 : i32
      %lt3A_155 = arith.cmpi slt, %add3A_154, %select_n3A_21 : i32
      %convert_element_type3A_156 = arith.extui %lt3A_155 : i1 to i32
      %cond3A_157 = arith.constant 0 : i32
      %cond3A_158 = arith.cmpi ne, %convert_element_type3A_156, %cond3A_157 : i32
      scf.if %cond3A_158 {
        %add3A_237 = arith.constant 1 : i32
        %add3A_238 = arith.addi %add3A_152, %add3A_237 : i32
        %mul3A_239 = arith.constant 4 : i32
        %mul3A_240 = arith.muli %add3A_238, %mul3A_239 : i32
        %add3A_241 = arith.addi %add3A, %mul3A_240 : i32
        %dma_start3A_242 = arith.constant 0 : i32
        %dma_start3A_243 = arith.constant 0 : i32
        %dma_start3A_244 = tpu.memref_slice %arg3[%add3A_241, %dma_start3A_242, %dma_start3A_243] : memref<2560x2x128xi32, #tpu.memory_space<hbm>> -> memref<4x2x128xi32, #tpu.memory_space<hbm>>
        %dma_start3A_245 = arith.constant 0 : i32
        %dma_start3A_246 = arith.constant 0 : i32
        %dma_start3A_247 = tpu.memref_slice %arg3[%add3A_241, %dma_start3A_245, %dma_start3A_246] : memref<2560x2x128xi32, #tpu.memory_space<hbm>> -> memref<4x2x128xi32, #tpu.memory_space<hbm>>
        tpu.enqueue_dma source(%dma_start3A_247 : memref<4x2x128xi32, #tpu.memory_space<hbm>>) target(%arg6 : memref<4x2x128xi32, #tpu.memory_space<vmem>>) target_semaphore(%arg13 : memref<!tpu.dma_semaphore, #tpu.memory_space<semaphore_mem>>)
      } else {
      }
      %mul3A_159 = arith.constant 4 : i32
      %mul3A_160 = arith.muli %add3A_152, %mul3A_159 : i32
      %add3A_161 = arith.constant 0 : i32
      %add3A_162 = arith.addi %mul3A_160, %add3A_161 : i32
      %dma_start3A_163 = arith.constant 1 : i32
      %dma_start3A_164 = arith.constant 0 : i32
      %dma_start3A_165 = arith.constant 0 : i32
      %dma_start3A_166 = tpu.memref_slice %arg7[%dma_start3A_163, %dma_start3A_164, %dma_start3A_165] : memref<4x2x128xi32, #tpu.memory_space<vmem>> -> memref<1x1x128xi32, #tpu.memory_space<vmem>>
      %dma_start3A_167 = tpu.memref_squeeze %dma_start3A_166 : memref<1x1x128xi32, #tpu.memory_space<vmem>> -> memref<128xi32, #tpu.memory_space<vmem>>
      %dma_start3A_168 = arith.constant 0 : i32
      %dma_start3A_169 = arith.constant 0 : i32
      %dma_start3A_170 = tpu.memref_slice %arg2[%dma_start3A_168, %dma_start3A_169] : memref<10000x128xf32, #tpu.memory_space<hbm>> -> memref<10000x128xf32, #tpu.memory_space<hbm>>
      tpu.enqueue_indirect_dma source(%dma_start3A_170 : memref<10000x128xf32, #tpu.memory_space<hbm>>) target(%arg9 : memref<128x128xf32, #tpu.memory_space<vmem>>) offsets(%dma_start3A_167 : memref<128xi32, #tpu.memory_space<vmem>>) semaphore(%arg12 : memref<!tpu.dma_semaphore, #tpu.memory_space<semaphore_mem>>)
      %dma_wait3A_171 = arith.constant 0 : i32
      %dma_wait3A_172 = arith.constant 0 : i32
      %dma_wait3A_173 = tpu.memref_slice %arg2[%dma_wait3A_171, %dma_wait3A_172] : memref<10000x128xf32, #tpu.memory_space<hbm>> -> memref<128x128xf32, #tpu.memory_space<hbm>>
      %dma_wait3A_174 = arith.constant 0 : i32
      %dma_wait3A_175 = arith.constant 0 : i32
      %dma_wait3A_176 = tpu.memref_slice %arg2[%dma_wait3A_174, %dma_wait3A_175] : memref<10000x128xf32, #tpu.memory_space<hbm>> -> memref<128x128xf32, #tpu.memory_space<hbm>>
      tpu.wait_dma2 semaphore(%arg11 : memref<!tpu.dma_semaphore, #tpu.memory_space<semaphore_mem>>) src(%dma_wait3A_176 : memref<128x128xf32, #tpu.memory_space<hbm>>) dst(%arg8 : memref<128x128xf32, #tpu.memory_space<vmem>>)
      %run_scoped3A_177 = arith.constant 0 : i32
      %run_scoped3A_178 = arith.constant 1 : i32
      "tpu.region"() ({
        %run_scoped3A_237 = tpu.sem_alloc : memref<!tpu.dma_semaphore, #tpu.memory_space<semaphore_mem>>
        %dma_start3A_238 = arith.constant 0 : i32
        %dma_start3A_239 = tpu.memref_slice %arg7[%run_scoped3A_177, %run_scoped3A_178, %dma_start3A_238] : memref<4x2x128xi32, #tpu.memory_space<vmem>> -> memref<1x1x128xi32, #tpu.memory_space<vmem>>
        %dma_start3A_240 = tpu.memref_squeeze %dma_start3A_239 : memref<1x1x128xi32, #tpu.memory_space<vmem>> -> memref<128xi32, #tpu.memory_space<vmem>>
        %dma_start3A_241 = arith.constant 0 : i32
        %dma_start3A_242 = arith.constant 0 : i32
        %dma_start3A_243 = tpu.memref_slice %arg10[%dma_start3A_241, %dma_start3A_242] : memref<10112x128xf32, #tpu.memory_space<vmem_shared>> -> memref<10112x128xf32, #tpu.memory_space<vmem_shared>>
        tpu.enqueue_indirect_dma source(%arg8 : memref<128x128xf32, #tpu.memory_space<vmem>>) target(%dma_start3A_243 : memref<10112x128xf32, #tpu.memory_space<vmem_shared>>) offsets(%dma_start3A_240 : memref<128xi32, #tpu.memory_space<vmem>>) semaphore(%run_scoped3A_237 : memref<!tpu.dma_semaphore, #tpu.memory_space<semaphore_mem>>) {add = true}
        %dma_wait3A_244 = arith.constant 0 : i32
        %dma_wait3A_245 = tpu.memref_slice %arg7[%run_scoped3A_177, %run_scoped3A_178, %dma_wait3A_244] : memref<4x2x128xi32, #tpu.memory_space<vmem>> -> memref<1x1x128xi32, #tpu.memory_space<vmem>>
        %dma_wait3A_246 = tpu.memref_squeeze %dma_wait3A_245 : memref<1x1x128xi32, #tpu.memory_space<vmem>> -> memref<128xi32, #tpu.memory_space<vmem>>
        %dma_wait3A_247 = arith.constant 0 : i32
        %dma_wait3A_248 = arith.constant 0 : i32
        %dma_wait3A_249 = tpu.memref_slice %arg10[%dma_wait3A_247, %dma_wait3A_248] : memref<10112x128xf32, #tpu.memory_space<vmem_shared>> -> memref<10112x128xf32, #tpu.memory_space<vmem_shared>>
        tpu.wait_indirect_dma semaphore(%run_scoped3A_237 : memref<!tpu.dma_semaphore, #tpu.memory_space<semaphore_mem>>) src(%arg8 : memref<128x128xf32, #tpu.memory_space<vmem>>) dst(%dma_wait3A_249 : memref<10112x128xf32, #tpu.memory_space<vmem_shared>>)
        tpu.yield
      }) : () -> ()
      %mul3A_179 = arith.constant 4 : i32
      %mul3A_180 = arith.muli %add3A_152, %mul3A_179 : i32
      %add3A_181 = arith.constant 1 : i32
      %add3A_182 = arith.addi %mul3A_180, %add3A_181 : i32
      %dma_start3A_183 = arith.constant 2 : i32
      %dma_start3A_184 = arith.constant 0 : i32
      %dma_start3A_185 = arith.constant 0 : i32
      %dma_start3A_186 = tpu.memref_slice %arg7[%dma_start3A_183, %dma_start3A_184, %dma_start3A_185] : memref<4x2x128xi32, #tpu.memory_space<vmem>> -> memref<1x1x128xi32, #tpu.memory_space<vmem>>
      %dma_start3A_187 = tpu.memref_squeeze %dma_start3A_186 : memref<1x1x128xi32, #tpu.memory_space<vmem>> -> memref<128xi32, #tpu.memory_space<vmem>>
      %dma_start3A_188 = arith.constant 0 : i32
      %dma_start3A_189 = arith.constant 0 : i32
      %dma_start3A_190 = tpu.memref_slice %arg2[%dma_start3A_188, %dma_start3A_189] : memref<10000x128xf32, #tpu.memory_space<hbm>> -> memref<10000x128xf32, #tpu.memory_space<hbm>>
      tpu.enqueue_indirect_dma source(%dma_start3A_190 : memref<10000x128xf32, #tpu.memory_space<hbm>>) target(%arg8 : memref<128x128xf32, #tpu.memory_space<vmem>>) offsets(%dma_start3A_187 : memref<128xi32, #tpu.memory_space<vmem>>) semaphore(%arg11 : memref<!tpu.dma_semaphore, #tpu.memory_space<semaphore_mem>>)
      %dma_wait3A_191 = arith.constant 0 : i32
      %dma_wait3A_192 = arith.constant 0 : i32
      %dma_wait3A_193 = tpu.memref_slice %arg2[%dma_wait3A_191, %dma_wait3A_192] : memref<10000x128xf32, #tpu.memory_space<hbm>> -> memref<128x128xf32, #tpu.memory_space<hbm>>
      %dma_wait3A_194 = arith.constant 0 : i32
      %dma_wait3A_195 = arith.constant 0 : i32
      %dma_wait3A_196 = tpu.memref_slice %arg2[%dma_wait3A_194, %dma_wait3A_195] : memref<10000x128xf32, #tpu.memory_space<hbm>> -> memref<128x128xf32, #tpu.memory_space<hbm>>
      tpu.wait_dma2 semaphore(%arg12 : memref<!tpu.dma_semaphore, #tpu.memory_space<semaphore_mem>>) src(%dma_wait3A_196 : memref<128x128xf32, #tpu.memory_space<hbm>>) dst(%arg9 : memref<128x128xf32, #tpu.memory_space<vmem>>)
      %run_scoped3A_197 = arith.constant 1 : i32
      %run_scoped3A_198 = arith.constant 1 : i32
      "tpu.region"() ({
        %run_scoped3A_237 = tpu.sem_alloc : memref<!tpu.dma_semaphore, #tpu.memory_space<semaphore_mem>>
        %dma_start3A_238 = arith.constant 0 : i32
        %dma_start3A_239 = tpu.memref_slice %arg7[%run_scoped3A_197, %run_scoped3A_198, %dma_start3A_238] : memref<4x2x128xi32, #tpu.memory_space<vmem>> -> memref<1x1x128xi32, #tpu.memory_space<vmem>>
        %dma_start3A_240 = tpu.memref_squeeze %dma_start3A_239 : memref<1x1x128xi32, #tpu.memory_space<vmem>> -> memref<128xi32, #tpu.memory_space<vmem>>
        %dma_start3A_241 = arith.constant 0 : i32
        %dma_start3A_242 = arith.constant 0 : i32
        %dma_start3A_243 = tpu.memref_slice %arg10[%dma_start3A_241, %dma_start3A_242] : memref<10112x128xf32, #tpu.memory_space<vmem_shared>> -> memref<10112x128xf32, #tpu.memory_space<vmem_shared>>
        tpu.enqueue_indirect_dma source(%arg9 : memref<128x128xf32, #tpu.memory_space<vmem>>) target(%dma_start3A_243 : memref<10112x128xf32, #tpu.memory_space<vmem_shared>>) offsets(%dma_start3A_240 : memref<128xi32, #tpu.memory_space<vmem>>) semaphore(%run_scoped3A_237 : memref<!tpu.dma_semaphore, #tpu.memory_space<semaphore_mem>>) {add = true}
        %dma_wait3A_244 = arith.constant 0 : i32
        %dma_wait3A_245 = tpu.memref_slice %arg7[%run_scoped3A_197, %run_scoped3A_198, %dma_wait3A_244] : memref<4x2x128xi32, #tpu.memory_space<vmem>> -> memref<1x1x128xi32, #tpu.memory_space<vmem>>
        %dma_wait3A_246 = tpu.memref_squeeze %dma_wait3A_245 : memref<1x1x128xi32, #tpu.memory_space<vmem>> -> memref<128xi32, #tpu.memory_space<vmem>>
        %dma_wait3A_247 = arith.constant 0 : i32
        %dma_wait3A_248 = arith.constant 0 : i32
        %dma_wait3A_249 = tpu.memref_slice %arg10[%dma_wait3A_247, %dma_wait3A_248] : memref<10112x128xf32, #tpu.memory_space<vmem_shared>> -> memref<10112x128xf32, #tpu.memory_space<vmem_shared>>
        tpu.wait_indirect_dma semaphore(%run_scoped3A_237 : memref<!tpu.dma_semaphore, #tpu.memory_space<semaphore_mem>>) src(%arg9 : memref<128x128xf32, #tpu.memory_space<vmem>>) dst(%dma_wait3A_249 : memref<10112x128xf32, #tpu.memory_space<vmem_shared>>)
        tpu.yield
      }) : () -> ()
      %mul3A_199 = arith.constant 4 : i32
      %mul3A_200 = arith.muli %add3A_152, %mul3A_199 : i32
      %add3A_201 = arith.constant 2 : i32
      %add3A_202 = arith.addi %mul3A_200, %add3A_201 : i32
      %dma_start3A_203 = arith.constant 3 : i32
      %dma_start3A_204 = arith.constant 0 : i32
      %dma_start3A_205 = arith.constant 0 : i32
      %dma_start3A_206 = tpu.memref_slice %arg7[%dma_start3A_203, %dma_start3A_204, %dma_start3A_205] : memref<4x2x128xi32, #tpu.memory_space<vmem>> -> memref<1x1x128xi32, #tpu.memory_space<vmem>>
      %dma_start3A_207 = tpu.memref_squeeze %dma_start3A_206 : memref<1x1x128xi32, #tpu.memory_space<vmem>> -> memref<128xi32, #tpu.memory_space<vmem>>
      %dma_start3A_208 = arith.constant 0 : i32
      %dma_start3A_209 = arith.constant 0 : i32
      %dma_start3A_210 = tpu.memref_slice %arg2[%dma_start3A_208, %dma_start3A_209] : memref<10000x128xf32, #tpu.memory_space<hbm>> -> memref<10000x128xf32, #tpu.memory_space<hbm>>
      tpu.enqueue_indirect_dma source(%dma_start3A_210 : memref<10000x128xf32, #tpu.memory_space<hbm>>) target(%arg9 : memref<128x128xf32, #tpu.memory_space<vmem>>) offsets(%dma_start3A_207 : memref<128xi32, #tpu.memory_space<vmem>>) semaphore(%arg12 : memref<!tpu.dma_semaphore, #tpu.memory_space<semaphore_mem>>)
      %dma_wait3A_211 = arith.constant 0 : i32
      %dma_wait3A_212 = arith.constant 0 : i32
      %dma_wait3A_213 = tpu.memref_slice %arg2[%dma_wait3A_211, %dma_wait3A_212] : memref<10000x128xf32, #tpu.memory_space<hbm>> -> memref<128x128xf32, #tpu.memory_space<hbm>>
      %dma_wait3A_214 = arith.constant 0 : i32
      %dma_wait3A_215 = arith.constant 0 : i32
      %dma_wait3A_216 = tpu.memref_slice %arg2[%dma_wait3A_214, %dma_wait3A_215] : memref<10000x128xf32, #tpu.memory_space<hbm>> -> memref<128x128xf32, #tpu.memory_space<hbm>>
      tpu.wait_dma2 semaphore(%arg11 : memref<!tpu.dma_semaphore, #tpu.memory_space<semaphore_mem>>) src(%dma_wait3A_216 : memref<128x128xf32, #tpu.memory_space<hbm>>) dst(%arg8 : memref<128x128xf32, #tpu.memory_space<vmem>>)
      %run_scoped3A_217 = arith.constant 2 : i32
      %run_scoped3A_218 = arith.constant 1 : i32
      "tpu.region"() ({
        %run_scoped3A_237 = tpu.sem_alloc : memref<!tpu.dma_semaphore, #tpu.memory_space<semaphore_mem>>
        %dma_start3A_238 = arith.constant 0 : i32
        %dma_start3A_239 = tpu.memref_slice %arg7[%run_scoped3A_217, %run_scoped3A_218, %dma_start3A_238] : memref<4x2x128xi32, #tpu.memory_space<vmem>> -> memref<1x1x128xi32, #tpu.memory_space<vmem>>
        %dma_start3A_240 = tpu.memref_squeeze %dma_start3A_239 : memref<1x1x128xi32, #tpu.memory_space<vmem>> -> memref<128xi32, #tpu.memory_space<vmem>>
        %dma_start3A_241 = arith.constant 0 : i32
        %dma_start3A_242 = arith.constant 0 : i32
        %dma_start3A_243 = tpu.memref_slice %arg10[%dma_start3A_241, %dma_start3A_242] : memref<10112x128xf32, #tpu.memory_space<vmem_shared>> -> memref<10112x128xf32, #tpu.memory_space<vmem_shared>>
        tpu.enqueue_indirect_dma source(%arg8 : memref<128x128xf32, #tpu.memory_space<vmem>>) target(%dma_start3A_243 : memref<10112x128xf32, #tpu.memory_space<vmem_shared>>) offsets(%dma_start3A_240 : memref<128xi32, #tpu.memory_space<vmem>>) semaphore(%run_scoped3A_237 : memref<!tpu.dma_semaphore, #tpu.memory_space<semaphore_mem>>) {add = true}
        %dma_wait3A_244 = arith.constant 0 : i32
        %dma_wait3A_245 = tpu.memref_slice %arg7[%run_scoped3A_217, %run_scoped3A_218, %dma_wait3A_244] : memref<4x2x128xi32, #tpu.memory_space<vmem>> -> memref<1x1x128xi32, #tpu.memory_space<vmem>>
        %dma_wait3A_246 = tpu.memref_squeeze %dma_wait3A_245 : memref<1x1x128xi32, #tpu.memory_space<vmem>> -> memref<128xi32, #tpu.memory_space<vmem>>
        %dma_wait3A_247 = arith.constant 0 : i32
        %dma_wait3A_248 = arith.constant 0 : i32
        %dma_wait3A_249 = tpu.memref_slice %arg10[%dma_wait3A_247, %dma_wait3A_248] : memref<10112x128xf32, #tpu.memory_space<vmem_shared>> -> memref<10112x128xf32, #tpu.memory_space<vmem_shared>>
        tpu.wait_indirect_dma semaphore(%run_scoped3A_237 : memref<!tpu.dma_semaphore, #tpu.memory_space<semaphore_mem>>) src(%arg8 : memref<128x128xf32, #tpu.memory_space<vmem>>) dst(%dma_wait3A_249 : memref<10112x128xf32, #tpu.memory_space<vmem_shared>>)
        tpu.yield
      }) : () -> ()
      %mul3A_219 = arith.constant 4 : i32
      %mul3A_220 = arith.muli %add3A_152, %mul3A_219 : i32
      %add3A_221 = arith.constant 3 : i32
      %add3A_222 = arith.addi %mul3A_220, %add3A_221 : i32
      %add3A_223 = arith.constant 1 : i32
      %add3A_224 = arith.addi %add3A_222, %add3A_223 : i32
      %lt3A_225 = arith.cmpi slt, %add3A_224, %select_n3A_2 : i32
      %convert_element_type3A_226 = arith.extui %lt3A_225 : i1 to i32
      %cond3A_227 = arith.constant 0 : i32
      %cond3A_228 = arith.cmpi ne, %convert_element_type3A_226, %cond3A_227 : i32
      scf.if %cond3A_228 {
        %dma_wait3A_237 = arith.constant 0 : i32
        %dma_wait3A_238 = arith.constant 0 : i32
        %dma_wait3A_239 = arith.constant 0 : i32
        %dma_wait3A_240 = tpu.memref_slice %arg3[%dma_wait3A_237, %dma_wait3A_238, %dma_wait3A_239] : memref<2560x2x128xi32, #tpu.memory_space<hbm>> -> memref<4x2x128xi32, #tpu.memory_space<hbm>>
        %dma_wait3A_241 = arith.constant 0 : i32
        %dma_wait3A_242 = arith.constant 0 : i32
        %dma_wait3A_243 = arith.constant 0 : i32
        %dma_wait3A_244 = tpu.memref_slice %arg3[%dma_wait3A_241, %dma_wait3A_242, %dma_wait3A_243] : memref<2560x2x128xi32, #tpu.memory_space<hbm>> -> memref<4x2x128xi32, #tpu.memory_space<hbm>>
        tpu.wait_dma2 semaphore(%arg13 : memref<!tpu.dma_semaphore, #tpu.memory_space<semaphore_mem>>) src(%dma_wait3A_244 : memref<4x2x128xi32, #tpu.memory_space<hbm>>) dst(%arg6 : memref<4x2x128xi32, #tpu.memory_space<vmem>>)
        %dma_start3A_245 = arith.constant 0 : i32
        %dma_start3A_246 = arith.constant 0 : i32
        %dma_start3A_247 = arith.constant 0 : i32
        %dma_start3A_248 = tpu.memref_slice %arg6[%dma_start3A_245, %dma_start3A_246, %dma_start3A_247] : memref<4x2x128xi32, #tpu.memory_space<vmem>> -> memref<1x1x128xi32, #tpu.memory_space<vmem>>
        %dma_start3A_249 = tpu.memref_squeeze %dma_start3A_248 : memref<1x1x128xi32, #tpu.memory_space<vmem>> -> memref<128xi32, #tpu.memory_space<vmem>>
        %dma_start3A_250 = arith.constant 0 : i32
        %dma_start3A_251 = arith.constant 0 : i32
        %dma_start3A_252 = tpu.memref_slice %arg2[%dma_start3A_250, %dma_start3A_251] : memref<10000x128xf32, #tpu.memory_space<hbm>> -> memref<10000x128xf32, #tpu.memory_space<hbm>>
        tpu.enqueue_indirect_dma source(%dma_start3A_252 : memref<10000x128xf32, #tpu.memory_space<hbm>>) target(%arg8 : memref<128x128xf32, #tpu.memory_space<vmem>>) offsets(%dma_start3A_249 : memref<128xi32, #tpu.memory_space<vmem>>) semaphore(%arg11 : memref<!tpu.dma_semaphore, #tpu.memory_space<semaphore_mem>>)
      } else {
      }
      %dma_wait3A_229 = arith.constant 0 : i32
      %dma_wait3A_230 = arith.constant 0 : i32
      %dma_wait3A_231 = tpu.memref_slice %arg2[%dma_wait3A_229, %dma_wait3A_230] : memref<10000x128xf32, #tpu.memory_space<hbm>> -> memref<128x128xf32, #tpu.memory_space<hbm>>
      %dma_wait3A_232 = arith.constant 0 : i32
      %dma_wait3A_233 = arith.constant 0 : i32
      %dma_wait3A_234 = tpu.memref_slice %arg2[%dma_wait3A_232, %dma_wait3A_233] : memref<10000x128xf32, #tpu.memory_space<hbm>> -> memref<128x128xf32, #tpu.memory_space<hbm>>
      tpu.wait_dma2 semaphore(%arg12 : memref<!tpu.dma_semaphore, #tpu.memory_space<semaphore_mem>>) src(%dma_wait3A_234 : memref<128x128xf32, #tpu.memory_space<hbm>>) dst(%arg9 : memref<128x128xf32, #tpu.memory_space<vmem>>)
      %run_scoped3A_235 = arith.constant 3 : i32
      %run_scoped3A_236 = arith.constant 1 : i32
      "tpu.region"() ({
        %run_scoped3A_237 = tpu.sem_alloc : memref<!tpu.dma_semaphore, #tpu.memory_space<semaphore_mem>>
        %dma_start3A_238 = arith.constant 0 : i32
        %dma_start3A_239 = tpu.memref_slice %arg7[%run_scoped3A_235, %run_scoped3A_236, %dma_start3A_238] : memref<4x2x128xi32, #tpu.memory_space<vmem>> -> memref<1x1x128xi32, #tpu.memory_space<vmem>>
        %dma_start3A_240 = tpu.memref_squeeze %dma_start3A_239 : memref<1x1x128xi32, #tpu.memory_space<vmem>> -> memref<128xi32, #tpu.memory_space<vmem>>
        %dma_start3A_241 = arith.constant 0 : i32
        %dma_start3A_242 = arith.constant 0 : i32
        %dma_start3A_243 = tpu.memref_slice %arg10[%dma_start3A_241, %dma_start3A_242] : memref<10112x128xf32, #tpu.memory_space<vmem_shared>> -> memref<10112x128xf32, #tpu.memory_space<vmem_shared>>
        tpu.enqueue_indirect_dma source(%arg9 : memref<128x128xf32, #tpu.memory_space<vmem>>) target(%dma_start3A_243 : memref<10112x128xf32, #tpu.memory_space<vmem_shared>>) offsets(%dma_start3A_240 : memref<128xi32, #tpu.memory_space<vmem>>) semaphore(%run_scoped3A_237 : memref<!tpu.dma_semaphore, #tpu.memory_space<semaphore_mem>>) {add = true}
        %dma_wait3A_244 = arith.constant 0 : i32
        %dma_wait3A_245 = tpu.memref_slice %arg7[%run_scoped3A_235, %run_scoped3A_236, %dma_wait3A_244] : memref<4x2x128xi32, #tpu.memory_space<vmem>> -> memref<1x1x128xi32, #tpu.memory_space<vmem>>
        %dma_wait3A_246 = tpu.memref_squeeze %dma_wait3A_245 : memref<1x1x128xi32, #tpu.memory_space<vmem>> -> memref<128xi32, #tpu.memory_space<vmem>>
        %dma_wait3A_247 = arith.constant 0 : i32
        %dma_wait3A_248 = arith.constant 0 : i32
        %dma_wait3A_249 = tpu.memref_slice %arg10[%dma_wait3A_247, %dma_wait3A_248] : memref<10112x128xf32, #tpu.memory_space<vmem_shared>> -> memref<10112x128xf32, #tpu.memory_space<vmem_shared>>
        tpu.wait_indirect_dma semaphore(%run_scoped3A_237 : memref<!tpu.dma_semaphore, #tpu.memory_space<semaphore_mem>>) src(%arg9 : memref<128x128xf32, #tpu.memory_space<vmem>>) dst(%dma_wait3A_249 : memref<10112x128xf32, #tpu.memory_space<vmem_shared>>)
        tpu.yield
      }) : () -> ()
    }
    %barrier3A_64 = arith.constant 0 : index
    tpu.barrier barrier_id(%barrier3A_64)
    "tpu.region"() ({
      %run_scoped3A = tpu.sem_alloc : memref<!tpu.dma_semaphore, #tpu.memory_space<semaphore_mem>>
      %dma_start3A_65 = arith.constant 0 : i32
      %dma_start3A_66 = tpu.memref_slice %arg5[%arg0, %mul3A_23, %dma_start3A_65] : memref<2x10112x128xf32, #tpu.memory_space<hbm>> -> memref<1x632x128xf32, #tpu.memory_space<hbm>>
      %dma_start3A_67 = tpu.memref_squeeze %dma_start3A_66 : memref<1x632x128xf32, #tpu.memory_space<hbm>> -> memref<632x128xf32, #tpu.memory_space<hbm>>
      %dma_start3A_68 = arith.constant 0 : i32
      %dma_start3A_69 = tpu.memref_slice %arg10[%mul3A_23, %dma_start3A_68] : memref<10112x128xf32, #tpu.memory_space<vmem_shared>> -> memref<632x128xf32, #tpu.memory_space<vmem_shared>>
      tpu.enqueue_dma source(%dma_start3A_69 : memref<632x128xf32, #tpu.memory_space<vmem_shared>>) target(%dma_start3A_67 : memref<632x128xf32, #tpu.memory_space<hbm>>) target_semaphore(%run_scoped3A : memref<!tpu.dma_semaphore, #tpu.memory_space<semaphore_mem>>)
      %dma_wait3A = arith.constant 0 : i32
      %dma_wait3A_70 = tpu.memref_slice %arg5[%arg0, %mul3A_23, %dma_wait3A] : memref<2x10112x128xf32, #tpu.memory_space<hbm>> -> memref<1x632x128xf32, #tpu.memory_space<hbm>>
      %dma_wait3A_71 = tpu.memref_squeeze %dma_wait3A_70 : memref<1x632x128xf32, #tpu.memory_space<hbm>> -> memref<632x128xf32, #tpu.memory_space<hbm>>
      %dma_wait3A_72 = arith.constant 0 : i32
      %dma_wait3A_73 = tpu.memref_slice %arg10[%mul3A_23, %dma_wait3A_72] : memref<10112x128xf32, #tpu.memory_space<vmem_shared>> -> memref<632x128xf32, #tpu.memory_space<vmem_shared>>
      tpu.wait_dma2 semaphore(%run_scoped3A : memref<!tpu.dma_semaphore, #tpu.memory_space<semaphore_mem>>) src(%dma_wait3A_73 : memref<632x128xf32, #tpu.memory_space<vmem_shared>>) dst(%dma_wait3A_71 : memref<632x128xf32, #tpu.memory_space<hbm>>)
      tpu.yield
    }) : () -> ()
    return
  }
}

#map = affine_map<(d0, d1) -> (0, 0)>
#map1 = affine_map<(d0, d1) -> (0, 0, 0)>
module attributes {stable_mosaic.version = 14 : i64} {
  func.func @body(%arg0: i32, %arg1: i32, %arg2: memref<10000x128xf32, #tpu.memory_space<hbm>>, %arg3: memref<2560x2x128xi32, #tpu.memory_space<hbm>>, %arg4: memref<10112x128xf32, #tpu.memory_space<hbm>>, %arg5: memref<128x128xf32, #tpu.memory_space<hbm>>, %arg6: memref<2x10112x128xf32, #tpu.memory_space<hbm>>, %arg7: memref<2x10112x128xf32, #tpu.memory_space<hbm>>, %arg8: memref<4x2x128xi32, #tpu.memory_space<vmem>>, %arg9: memref<4x2x128xi32, #tpu.memory_space<vmem>>, %arg10: memref<128x128xf32, #tpu.memory_space<vmem>>, %arg11: memref<128x128xf32, #tpu.memory_space<vmem>>, %arg12: memref<10112x128xf32, #tpu.memory_space<vmem_shared>>, %arg13: memref<!tpu.dma_semaphore, #tpu.memory_space<semaphore_mem>>, %arg14: memref<!tpu.dma_semaphore, #tpu.memory_space<semaphore_mem>>, %arg15: memref<!tpu.dma_semaphore, #tpu.memory_space<semaphore_mem>>, %arg16: memref<!tpu.dma_semaphore, #tpu.memory_space<semaphore_mem>>) attributes {dimension_semantics = [#tpu.dimension_semantics<core_parallel>, #tpu.dimension_semantics<subcore_parallel>], iteration_bounds = array<i64: 2, 16>, scalar_prefetch = 0 : i64, scratch_operands = 9 : i64, tpu.core_type = #tpu.core_type<sc_vector_subcore>, window_params = [{transform_indices = #map}, {transform_indices = #map1}, {transform_indices = #map}, {transform_indices = #map}, {transform_indices = #map1}, {transform_indices = #map1}]} {
    %eq3A = arith.constant 0 : i32
    %eq3A_0 = arith.cmpi eq, %arg0, %eq3A : i32
    %select_n3A = arith.constant 80 : i32
    %select_n3A_1 = arith.constant 80 : i32
    %select_n3A_2 = arith.select %eq3A_0, %select_n3A_1, %select_n3A : i32
    %mul3A = arith.constant 1280 : i32
    %mul3A_3 = arith.muli %arg0, %mul3A : i32
    %mul3A_4 = arith.muli %arg1, %select_n3A_2 : i32
    %add3A = arith.addi %mul3A_3, %mul3A_4 : i32
    %jit3A = arith.constant 4 : i32
    %div3A = arith.divsi %select_n3A_2, %jit3A : i32
    %sign3A = arith.constant 0 : i32
    %sign3A_5 = arith.cmpi sgt, %select_n3A_2, %sign3A : i32
    %sign3A_6 = arith.extui %sign3A_5 : i1 to i32
    %sign3A_7 = arith.constant 0 : i32
    %sign3A_8 = arith.cmpi slt, %select_n3A_2, %sign3A_7 : i32
    %sign3A_9 = arith.extui %sign3A_8 : i1 to i32
    %sign3A_10 = arith.subi %sign3A_6, %sign3A_9 : i32
    %sign3A_11 = arith.constant 0 : i32
    %sign3A_12 = arith.cmpi sgt, %jit3A, %sign3A_11 : i32
    %sign3A_13 = arith.extui %sign3A_12 : i1 to i32
    %sign3A_14 = arith.constant 0 : i32
    %sign3A_15 = arith.cmpi slt, %jit3A, %sign3A_14 : i32
    %sign3A_16 = arith.extui %sign3A_15 : i1 to i32
    %sign3A_17 = arith.subi %sign3A_13, %sign3A_16 : i32
    %ne3A = arith.cmpi ne, %sign3A_10, %sign3A_17 : i32
    %rem3A = arith.remsi %select_n3A_2, %jit3A : i32
    %ne3A_18 = arith.constant 0 : i32
    %ne3A_19 = arith.cmpi ne, %rem3A, %ne3A_18 : i32
    %and3A = arith.andi %ne3A, %ne3A_19 : i1
    %sub3A = arith.constant 1 : i32
    %sub3A_20 = arith.subi %div3A, %sub3A : i32
    %select_n3A_21 = arith.select %and3A, %sub3A_20, %div3A : i32
    %mul3A_22 = arith.constant 632 : i32
    %mul3A_23 = arith.muli %arg1, %mul3A_22 : i32
    "tpu.region"() ({
      %run_scoped3A = tpu.sem_alloc : memref<!tpu.dma_semaphore, #tpu.memory_space<semaphore_mem>>
      %dma_start3A_101 = arith.constant 0 : i32
      %dma_start3A_102 = tpu.memref_slice %arg12[%mul3A_23, %dma_start3A_101] : memref<10112x128xf32, #tpu.memory_space<vmem_shared>> -> memref<632x128xf32, #tpu.memory_space<vmem_shared>>
      %dma_start3A_103 = arith.constant 0 : i32
      %dma_start3A_104 = tpu.memref_slice %arg4[%mul3A_23, %dma_start3A_103] : memref<10112x128xf32, #tpu.memory_space<hbm>> -> memref<632x128xf32, #tpu.memory_space<hbm>>
      tpu.enqueue_dma source(%dma_start3A_104 : memref<632x128xf32, #tpu.memory_space<hbm>>) target(%dma_start3A_102 : memref<632x128xf32, #tpu.memory_space<vmem_shared>>) target_semaphore(%run_scoped3A : memref<!tpu.dma_semaphore, #tpu.memory_space<semaphore_mem>>)
      %dma_wait3A = arith.constant 0 : i32
      %dma_wait3A_105 = tpu.memref_slice %arg12[%mul3A_23, %dma_wait3A] : memref<10112x128xf32, #tpu.memory_space<vmem_shared>> -> memref<632x128xf32, #tpu.memory_space<vmem_shared>>
      %dma_wait3A_106 = arith.constant 0 : i32
      %dma_wait3A_107 = tpu.memref_slice %arg4[%mul3A_23, %dma_wait3A_106] : memref<10112x128xf32, #tpu.memory_space<hbm>> -> memref<632x128xf32, #tpu.memory_space<hbm>>
      tpu.wait_dma2 semaphore(%run_scoped3A : memref<!tpu.dma_semaphore, #tpu.memory_space<semaphore_mem>>) src(%dma_wait3A_107 : memref<632x128xf32, #tpu.memory_space<hbm>>) dst(%dma_wait3A_105 : memref<632x128xf32, #tpu.memory_space<vmem_shared>>)
      tpu.yield
    }) : () -> ()
    "tpu.region"() ({
      %run_scoped3A = tpu.sem_alloc : memref<!tpu.dma_semaphore, #tpu.memory_space<semaphore_mem>>
      %dma_start3A_101 = arith.constant 0 : i32
      %dma_start3A_102 = arith.constant 0 : i32
      %dma_start3A_103 = tpu.memref_slice %arg3[%add3A, %dma_start3A_101, %dma_start3A_102] : memref<2560x2x128xi32, #tpu.memory_space<hbm>> -> memref<4x2x128xi32, #tpu.memory_space<hbm>>
      %dma_start3A_104 = arith.constant 0 : i32
      %dma_start3A_105 = arith.constant 0 : i32
      %dma_start3A_106 = tpu.memref_slice %arg3[%add3A, %dma_start3A_104, %dma_start3A_105] : memref<2560x2x128xi32, #tpu.memory_space<hbm>> -> memref<4x2x128xi32, #tpu.memory_space<hbm>>
      tpu.enqueue_dma source(%dma_start3A_106 : memref<4x2x128xi32, #tpu.memory_space<hbm>>) target(%arg8 : memref<4x2x128xi32, #tpu.memory_space<vmem>>) target_semaphore(%run_scoped3A : memref<!tpu.dma_semaphore, #tpu.memory_space<semaphore_mem>>)
      %dma_wait3A = arith.constant 0 : i32
      %dma_wait3A_107 = arith.constant 0 : i32
      %dma_wait3A_108 = tpu.memref_slice %arg3[%add3A, %dma_wait3A, %dma_wait3A_107] : memref<2560x2x128xi32, #tpu.memory_space<hbm>> -> memref<4x2x128xi32, #tpu.memory_space<hbm>>
      %dma_wait3A_109 = arith.constant 0 : i32
      %dma_wait3A_110 = arith.constant 0 : i32
      %dma_wait3A_111 = tpu.memref_slice %arg3[%add3A, %dma_wait3A_109, %dma_wait3A_110] : memref<2560x2x128xi32, #tpu.memory_space<hbm>> -> memref<4x2x128xi32, #tpu.memory_space<hbm>>
      tpu.wait_dma2 semaphore(%run_scoped3A : memref<!tpu.dma_semaphore, #tpu.memory_space<semaphore_mem>>) src(%dma_wait3A_111 : memref<4x2x128xi32, #tpu.memory_space<hbm>>) dst(%arg8 : memref<4x2x128xi32, #tpu.memory_space<vmem>>)
      tpu.yield
    }) : () -> ()
    "tpu.region"() ({
      %run_scoped3A = tpu.sem_alloc : memref<!tpu.dma_semaphore, #tpu.memory_space<semaphore_mem>>
      tpu.enqueue_dma source(%arg5 : memref<128x128xf32, #tpu.memory_space<hbm>>) target(%arg10 : memref<128x128xf32, #tpu.memory_space<vmem>>) target_semaphore(%run_scoped3A : memref<!tpu.dma_semaphore, #tpu.memory_space<semaphore_mem>>)
      tpu.wait_dma2 semaphore(%run_scoped3A : memref<!tpu.dma_semaphore, #tpu.memory_space<semaphore_mem>>) src(%arg5 : memref<128x128xf32, #tpu.memory_space<hbm>>) dst(%arg10 : memref<128x128xf32, #tpu.memory_space<vmem>>)
      tpu.yield
    }) : () -> ()
    %barrier3A = arith.constant 0 : index
    tpu.barrier barrier_id(%barrier3A)
    %jit3A_24 = arith.constant 2 : i32
    %div3A_25 = arith.divsi %select_n3A_21, %jit3A_24 : i32
    %sign3A_26 = arith.constant 0 : i32
    %sign3A_27 = arith.cmpi sgt, %select_n3A_21, %sign3A_26 : i32
    %sign3A_28 = arith.extui %sign3A_27 : i1 to i32
    %sign3A_29 = arith.constant 0 : i32
    %sign3A_30 = arith.cmpi slt, %select_n3A_21, %sign3A_29 : i32
    %sign3A_31 = arith.extui %sign3A_30 : i1 to i32
    %sign3A_32 = arith.subi %sign3A_28, %sign3A_31 : i32
    %sign3A_33 = arith.constant 0 : i32
    %sign3A_34 = arith.cmpi sgt, %jit3A_24, %sign3A_33 : i32
    %sign3A_35 = arith.extui %sign3A_34 : i1 to i32
    %sign3A_36 = arith.constant 0 : i32
    %sign3A_37 = arith.cmpi slt, %jit3A_24, %sign3A_36 : i32
    %sign3A_38 = arith.extui %sign3A_37 : i1 to i32
    %sign3A_39 = arith.subi %sign3A_35, %sign3A_38 : i32
    %ne3A_40 = arith.cmpi ne, %sign3A_32, %sign3A_39 : i32
    %rem3A_41 = arith.remsi %select_n3A_21, %jit3A_24 : i32
    %ne3A_42 = arith.constant 0 : i32
    %ne3A_43 = arith.cmpi ne, %rem3A_41, %ne3A_42 : i32
    %and3A_44 = arith.andi %ne3A_40, %ne3A_43 : i1
    %sub3A_45 = arith.constant 1 : i32
    %sub3A_46 = arith.subi %div3A_25, %sub3A_45 : i32
    %select_n3A_47 = arith.select %and3A_44, %sub3A_46, %div3A_25 : i32
    %while3A = arith.constant 0 : i32
    %while3A_48 = arith.constant 0 : i32
    %while3A_49 = arith.subi %select_n3A_47, %while3A_48 : i32
    %while3A_50 = arith.addi %while3A_48, %while3A_49 : i32
    %while3A_51 = arith.constant 1 : i32
    %while3A_52 = arith.divsi %while3A_49, %while3A_51 : i32
    %while3A_53 = arith.muli %while3A_52, %while3A_51 : i32
    %while3A_54 = arith.addi %while3A_48, %while3A_53 : i32
    %while3A_55 = arith.constant 1 : i32
    scf.for %while3A_101 = %while3A_48 to %while3A_54 step %while3A_55  : i32 {
      %mul3A_102 = arith.constant 2 : i32
      %mul3A_103 = arith.muli %while3A_101, %mul3A_102 : i32
      %add3A_104 = arith.constant 0 : i32
      %add3A_105 = arith.addi %mul3A_103, %add3A_104 : i32
      %gt3A = arith.constant 0 : i32
      %gt3A_106 = arith.cmpi sgt, %add3A_105, %gt3A : i32
      %convert_element_type3A = arith.extui %gt3A_106 : i1 to i32
      %cond3A = arith.constant 0 : i32
      %cond3A_107 = arith.cmpi ne, %convert_element_type3A, %cond3A : i32
      scf.if %cond3A_107 {
        %dma_wait3A = arith.constant 0 : i32
        %dma_wait3A_143 = arith.constant 0 : i32
        %dma_wait3A_144 = arith.constant 0 : i32
        %dma_wait3A_145 = tpu.memref_slice %arg3[%dma_wait3A, %dma_wait3A_143, %dma_wait3A_144] : memref<2560x2x128xi32, #tpu.memory_space<hbm>> -> memref<4x2x128xi32, #tpu.memory_space<hbm>>
        %dma_wait3A_146 = arith.constant 0 : i32
        %dma_wait3A_147 = arith.constant 0 : i32
        %dma_wait3A_148 = arith.constant 0 : i32
        %dma_wait3A_149 = tpu.memref_slice %arg3[%dma_wait3A_146, %dma_wait3A_147, %dma_wait3A_148] : memref<2560x2x128xi32, #tpu.memory_space<hbm>> -> memref<4x2x128xi32, #tpu.memory_space<hbm>>
        tpu.wait_dma2 semaphore(%arg15 : memref<!tpu.dma_semaphore, #tpu.memory_space<semaphore_mem>>) src(%dma_wait3A_149 : memref<4x2x128xi32, #tpu.memory_space<hbm>>) dst(%arg8 : memref<4x2x128xi32, #tpu.memory_space<vmem>>)
      } else {
      }
      %add3A_108 = arith.constant 1 : i32
      %add3A_109 = arith.addi %add3A_105, %add3A_108 : i32
      %lt3A = arith.cmpi slt, %add3A_109, %select_n3A_21 : i32
      %convert_element_type3A_110 = arith.extui %lt3A : i1 to i32
      %cond3A_111 = arith.constant 0 : i32
      %cond3A_112 = arith.cmpi ne, %convert_element_type3A_110, %cond3A_111 : i32
      scf.if %cond3A_112 {
        %add3A_143 = arith.constant 1 : i32
        %add3A_144 = arith.addi %add3A_105, %add3A_143 : i32
        %mul3A_145 = arith.constant 4 : i32
        %mul3A_146 = arith.muli %add3A_144, %mul3A_145 : i32
        %add3A_147 = arith.addi %add3A, %mul3A_146 : i32
        %dma_start3A_148 = arith.constant 0 : i32
        %dma_start3A_149 = arith.constant 0 : i32
        %dma_start3A_150 = tpu.memref_slice %arg3[%add3A_147, %dma_start3A_148, %dma_start3A_149] : memref<2560x2x128xi32, #tpu.memory_space<hbm>> -> memref<4x2x128xi32, #tpu.memory_space<hbm>>
        %dma_start3A_151 = arith.constant 0 : i32
        %dma_start3A_152 = arith.constant 0 : i32
        %dma_start3A_153 = tpu.memref_slice %arg3[%add3A_147, %dma_start3A_151, %dma_start3A_152] : memref<2560x2x128xi32, #tpu.memory_space<hbm>> -> memref<4x2x128xi32, #tpu.memory_space<hbm>>
        tpu.enqueue_dma source(%dma_start3A_153 : memref<4x2x128xi32, #tpu.memory_space<hbm>>) target(%arg9 : memref<4x2x128xi32, #tpu.memory_space<vmem>>) target_semaphore(%arg16 : memref<!tpu.dma_semaphore, #tpu.memory_space<semaphore_mem>>)
      } else {
      }
      %run_scoped3A = arith.constant 0 : i32
      %run_scoped3A_113 = arith.constant 1 : i32
      "tpu.region"() ({
        %run_scoped3A_143 = tpu.sem_alloc : memref<!tpu.dma_semaphore, #tpu.memory_space<semaphore_mem>>
        %dma_start3A_144 = arith.constant 0 : i32
        %dma_start3A_145 = tpu.memref_slice %arg8[%run_scoped3A, %run_scoped3A_113, %dma_start3A_144] : memref<4x2x128xi32, #tpu.memory_space<vmem>> -> memref<1x1x128xi32, #tpu.memory_space<vmem>>
        %dma_start3A_146 = tpu.memref_squeeze %dma_start3A_145 : memref<1x1x128xi32, #tpu.memory_space<vmem>> -> memref<128xi32, #tpu.memory_space<vmem>>
        %dma_start3A_147 = arith.constant 0 : i32
        %dma_start3A_148 = arith.constant 0 : i32
        %dma_start3A_149 = tpu.memref_slice %arg12[%dma_start3A_147, %dma_start3A_148] : memref<10112x128xf32, #tpu.memory_space<vmem_shared>> -> memref<10112x128xf32, #tpu.memory_space<vmem_shared>>
        tpu.enqueue_indirect_dma source(%arg10 : memref<128x128xf32, #tpu.memory_space<vmem>>) target(%dma_start3A_149 : memref<10112x128xf32, #tpu.memory_space<vmem_shared>>) offsets(%dma_start3A_146 : memref<128xi32, #tpu.memory_space<vmem>>) semaphore(%run_scoped3A_143 : memref<!tpu.dma_semaphore, #tpu.memory_space<semaphore_mem>>) {add = true}
        %dma_wait3A = arith.constant 0 : i32
        %dma_wait3A_150 = tpu.memref_slice %arg8[%run_scoped3A, %run_scoped3A_113, %dma_wait3A] : memref<4x2x128xi32, #tpu.memory_space<vmem>> -> memref<1x1x128xi32, #tpu.memory_space<vmem>>
        %dma_wait3A_151 = tpu.memref_squeeze %dma_wait3A_150 : memref<1x1x128xi32, #tpu.memory_space<vmem>> -> memref<128xi32, #tpu.memory_space<vmem>>
        %dma_wait3A_152 = arith.constant 0 : i32
        %dma_wait3A_153 = arith.constant 0 : i32
        %dma_wait3A_154 = tpu.memref_slice %arg12[%dma_wait3A_152, %dma_wait3A_153] : memref<10112x128xf32, #tpu.memory_space<vmem_shared>> -> memref<10112x128xf32, #tpu.memory_space<vmem_shared>>
        tpu.wait_indirect_dma semaphore(%run_scoped3A_143 : memref<!tpu.dma_semaphore, #tpu.memory_space<semaphore_mem>>) src(%arg10 : memref<128x128xf32, #tpu.memory_space<vmem>>) dst(%dma_wait3A_154 : memref<10112x128xf32, #tpu.memory_space<vmem_shared>>)
        tpu.yield
      }) : () -> ()
      %run_scoped3A_114 = arith.constant 1 : i32
      %run_scoped3A_115 = arith.constant 1 : i32
      "tpu.region"() ({
        %run_scoped3A_143 = tpu.sem_alloc : memref<!tpu.dma_semaphore, #tpu.memory_space<semaphore_mem>>
        %dma_start3A_144 = arith.constant 0 : i32
        %dma_start3A_145 = tpu.memref_slice %arg8[%run_scoped3A_114, %run_scoped3A_115, %dma_start3A_144] : memref<4x2x128xi32, #tpu.memory_space<vmem>> -> memref<1x1x128xi32, #tpu.memory_space<vmem>>
        %dma_start3A_146 = tpu.memref_squeeze %dma_start3A_145 : memref<1x1x128xi32, #tpu.memory_space<vmem>> -> memref<128xi32, #tpu.memory_space<vmem>>
        %dma_start3A_147 = arith.constant 0 : i32
        %dma_start3A_148 = arith.constant 0 : i32
        %dma_start3A_149 = tpu.memref_slice %arg12[%dma_start3A_147, %dma_start3A_148] : memref<10112x128xf32, #tpu.memory_space<vmem_shared>> -> memref<10112x128xf32, #tpu.memory_space<vmem_shared>>
        tpu.enqueue_indirect_dma source(%arg10 : memref<128x128xf32, #tpu.memory_space<vmem>>) target(%dma_start3A_149 : memref<10112x128xf32, #tpu.memory_space<vmem_shared>>) offsets(%dma_start3A_146 : memref<128xi32, #tpu.memory_space<vmem>>) semaphore(%run_scoped3A_143 : memref<!tpu.dma_semaphore, #tpu.memory_space<semaphore_mem>>) {add = true}
        %dma_wait3A = arith.constant 0 : i32
        %dma_wait3A_150 = tpu.memref_slice %arg8[%run_scoped3A_114, %run_scoped3A_115, %dma_wait3A] : memref<4x2x128xi32, #tpu.memory_space<vmem>> -> memref<1x1x128xi32, #tpu.memory_space<vmem>>
        %dma_wait3A_151 = tpu.memref_squeeze %dma_wait3A_150 : memref<1x1x128xi32, #tpu.memory_space<vmem>> -> memref<128xi32, #tpu.memory_space<vmem>>
        %dma_wait3A_152 = arith.constant 0 : i32
        %dma_wait3A_153 = arith.constant 0 : i32
        %dma_wait3A_154 = tpu.memref_slice %arg12[%dma_wait3A_152, %dma_wait3A_153] : memref<10112x128xf32, #tpu.memory_space<vmem_shared>> -> memref<10112x128xf32, #tpu.memory_space<vmem_shared>>
        tpu.wait_indirect_dma semaphore(%run_scoped3A_143 : memref<!tpu.dma_semaphore, #tpu.memory_space<semaphore_mem>>) src(%arg10 : memref<128x128xf32, #tpu.memory_space<vmem>>) dst(%dma_wait3A_154 : memref<10112x128xf32, #tpu.memory_space<vmem_shared>>)
        tpu.yield
      }) : () -> ()
      %run_scoped3A_116 = arith.constant 2 : i32
      %run_scoped3A_117 = arith.constant 1 : i32
      "tpu.region"() ({
        %run_scoped3A_143 = tpu.sem_alloc : memref<!tpu.dma_semaphore, #tpu.memory_space<semaphore_mem>>
        %dma_start3A_144 = arith.constant 0 : i32
        %dma_start3A_145 = tpu.memref_slice %arg8[%run_scoped3A_116, %run_scoped3A_117, %dma_start3A_144] : memref<4x2x128xi32, #tpu.memory_space<vmem>> -> memref<1x1x128xi32, #tpu.memory_space<vmem>>
        %dma_start3A_146 = tpu.memref_squeeze %dma_start3A_145 : memref<1x1x128xi32, #tpu.memory_space<vmem>> -> memref<128xi32, #tpu.memory_space<vmem>>
        %dma_start3A_147 = arith.constant 0 : i32
        %dma_start3A_148 = arith.constant 0 : i32
        %dma_start3A_149 = tpu.memref_slice %arg12[%dma_start3A_147, %dma_start3A_148] : memref<10112x128xf32, #tpu.memory_space<vmem_shared>> -> memref<10112x128xf32, #tpu.memory_space<vmem_shared>>
        tpu.enqueue_indirect_dma source(%arg10 : memref<128x128xf32, #tpu.memory_space<vmem>>) target(%dma_start3A_149 : memref<10112x128xf32, #tpu.memory_space<vmem_shared>>) offsets(%dma_start3A_146 : memref<128xi32, #tpu.memory_space<vmem>>) semaphore(%run_scoped3A_143 : memref<!tpu.dma_semaphore, #tpu.memory_space<semaphore_mem>>) {add = true}
        %dma_wait3A = arith.constant 0 : i32
        %dma_wait3A_150 = tpu.memref_slice %arg8[%run_scoped3A_116, %run_scoped3A_117, %dma_wait3A] : memref<4x2x128xi32, #tpu.memory_space<vmem>> -> memref<1x1x128xi32, #tpu.memory_space<vmem>>
        %dma_wait3A_151 = tpu.memref_squeeze %dma_wait3A_150 : memref<1x1x128xi32, #tpu.memory_space<vmem>> -> memref<128xi32, #tpu.memory_space<vmem>>
        %dma_wait3A_152 = arith.constant 0 : i32
        %dma_wait3A_153 = arith.constant 0 : i32
        %dma_wait3A_154 = tpu.memref_slice %arg12[%dma_wait3A_152, %dma_wait3A_153] : memref<10112x128xf32, #tpu.memory_space<vmem_shared>> -> memref<10112x128xf32, #tpu.memory_space<vmem_shared>>
        tpu.wait_indirect_dma semaphore(%run_scoped3A_143 : memref<!tpu.dma_semaphore, #tpu.memory_space<semaphore_mem>>) src(%arg10 : memref<128x128xf32, #tpu.memory_space<vmem>>) dst(%dma_wait3A_154 : memref<10112x128xf32, #tpu.memory_space<vmem_shared>>)
        tpu.yield
      }) : () -> ()
      %run_scoped3A_118 = arith.constant 3 : i32
      %run_scoped3A_119 = arith.constant 1 : i32
      "tpu.region"() ({
        %run_scoped3A_143 = tpu.sem_alloc : memref<!tpu.dma_semaphore, #tpu.memory_space<semaphore_mem>>
        %dma_start3A_144 = arith.constant 0 : i32
        %dma_start3A_145 = tpu.memref_slice %arg8[%run_scoped3A_118, %run_scoped3A_119, %dma_start3A_144] : memref<4x2x128xi32, #tpu.memory_space<vmem>> -> memref<1x1x128xi32, #tpu.memory_space<vmem>>
        %dma_start3A_146 = tpu.memref_squeeze %dma_start3A_145 : memref<1x1x128xi32, #tpu.memory_space<vmem>> -> memref<128xi32, #tpu.memory_space<vmem>>
        %dma_start3A_147 = arith.constant 0 : i32
        %dma_start3A_148 = arith.constant 0 : i32
        %dma_start3A_149 = tpu.memref_slice %arg12[%dma_start3A_147, %dma_start3A_148] : memref<10112x128xf32, #tpu.memory_space<vmem_shared>> -> memref<10112x128xf32, #tpu.memory_space<vmem_shared>>
        tpu.enqueue_indirect_dma source(%arg10 : memref<128x128xf32, #tpu.memory_space<vmem>>) target(%dma_start3A_149 : memref<10112x128xf32, #tpu.memory_space<vmem_shared>>) offsets(%dma_start3A_146 : memref<128xi32, #tpu.memory_space<vmem>>) semaphore(%run_scoped3A_143 : memref<!tpu.dma_semaphore, #tpu.memory_space<semaphore_mem>>) {add = true}
        %dma_wait3A = arith.constant 0 : i32
        %dma_wait3A_150 = tpu.memref_slice %arg8[%run_scoped3A_118, %run_scoped3A_119, %dma_wait3A] : memref<4x2x128xi32, #tpu.memory_space<vmem>> -> memref<1x1x128xi32, #tpu.memory_space<vmem>>
        %dma_wait3A_151 = tpu.memref_squeeze %dma_wait3A_150 : memref<1x1x128xi32, #tpu.memory_space<vmem>> -> memref<128xi32, #tpu.memory_space<vmem>>
        %dma_wait3A_152 = arith.constant 0 : i32
        %dma_wait3A_153 = arith.constant 0 : i32
        %dma_wait3A_154 = tpu.memref_slice %arg12[%dma_wait3A_152, %dma_wait3A_153] : memref<10112x128xf32, #tpu.memory_space<vmem_shared>> -> memref<10112x128xf32, #tpu.memory_space<vmem_shared>>
        tpu.wait_indirect_dma semaphore(%run_scoped3A_143 : memref<!tpu.dma_semaphore, #tpu.memory_space<semaphore_mem>>) src(%arg10 : memref<128x128xf32, #tpu.memory_space<vmem>>) dst(%dma_wait3A_154 : memref<10112x128xf32, #tpu.memory_space<vmem_shared>>)
        tpu.yield
      }) : () -> ()
      %mul3A_120 = arith.constant 2 : i32
      %mul3A_121 = arith.muli %while3A_101, %mul3A_120 : i32
      %add3A_122 = arith.constant 1 : i32
      %add3A_123 = arith.addi %mul3A_121, %add3A_122 : i32
      %gt3A_124 = arith.constant 0 : i32
      %gt3A_125 = arith.cmpi sgt, %add3A_123, %gt3A_124 : i32
      %convert_element_type3A_126 = arith.extui %gt3A_125 : i1 to i32
      %cond3A_127 = arith.constant 0 : i32
      %cond3A_128 = arith.cmpi ne, %convert_element_type3A_126, %cond3A_127 : i32
      scf.if %cond3A_128 {
        %dma_wait3A = arith.constant 0 : i32
        %dma_wait3A_143 = arith.constant 0 : i32
        %dma_wait3A_144 = arith.constant 0 : i32
        %dma_wait3A_145 = tpu.memref_slice %arg3[%dma_wait3A, %dma_wait3A_143, %dma_wait3A_144] : memref<2560x2x128xi32, #tpu.memory_space<hbm>> -> memref<4x2x128xi32, #tpu.memory_space<hbm>>
        %dma_wait3A_146 = arith.constant 0 : i32
        %dma_wait3A_147 = arith.constant 0 : i32
        %dma_wait3A_148 = arith.constant 0 : i32
        %dma_wait3A_149 = tpu.memref_slice %arg3[%dma_wait3A_146, %dma_wait3A_147, %dma_wait3A_148] : memref<2560x2x128xi32, #tpu.memory_space<hbm>> -> memref<4x2x128xi32, #tpu.memory_space<hbm>>
        tpu.wait_dma2 semaphore(%arg16 : memref<!tpu.dma_semaphore, #tpu.memory_space<semaphore_mem>>) src(%dma_wait3A_149 : memref<4x2x128xi32, #tpu.memory_space<hbm>>) dst(%arg9 : memref<4x2x128xi32, #tpu.memory_space<vmem>>)
      } else {
      }
      %add3A_129 = arith.constant 1 : i32
      %add3A_130 = arith.addi %add3A_123, %add3A_129 : i32
      %lt3A_131 = arith.cmpi slt, %add3A_130, %select_n3A_21 : i32
      %convert_element_type3A_132 = arith.extui %lt3A_131 : i1 to i32
      %cond3A_133 = arith.constant 0 : i32
      %cond3A_134 = arith.cmpi ne, %convert_element_type3A_132, %cond3A_133 : i32
      scf.if %cond3A_134 {
        %add3A_143 = arith.constant 1 : i32
        %add3A_144 = arith.addi %add3A_123, %add3A_143 : i32
        %mul3A_145 = arith.constant 4 : i32
        %mul3A_146 = arith.muli %add3A_144, %mul3A_145 : i32
        %add3A_147 = arith.addi %add3A, %mul3A_146 : i32
        %dma_start3A_148 = arith.constant 0 : i32
        %dma_start3A_149 = arith.constant 0 : i32
        %dma_start3A_150 = tpu.memref_slice %arg3[%add3A_147, %dma_start3A_148, %dma_start3A_149] : memref<2560x2x128xi32, #tpu.memory_space<hbm>> -> memref<4x2x128xi32, #tpu.memory_space<hbm>>
        %dma_start3A_151 = arith.constant 0 : i32
        %dma_start3A_152 = arith.constant 0 : i32
        %dma_start3A_153 = tpu.memref_slice %arg3[%add3A_147, %dma_start3A_151, %dma_start3A_152] : memref<2560x2x128xi32, #tpu.memory_space<hbm>> -> memref<4x2x128xi32, #tpu.memory_space<hbm>>
        tpu.enqueue_dma source(%dma_start3A_153 : memref<4x2x128xi32, #tpu.memory_space<hbm>>) target(%arg8 : memref<4x2x128xi32, #tpu.memory_space<vmem>>) target_semaphore(%arg15 : memref<!tpu.dma_semaphore, #tpu.memory_space<semaphore_mem>>)
      } else {
      }
      %run_scoped3A_135 = arith.constant 0 : i32
      %run_scoped3A_136 = arith.constant 1 : i32
      "tpu.region"() ({
        %run_scoped3A_143 = tpu.sem_alloc : memref<!tpu.dma_semaphore, #tpu.memory_space<semaphore_mem>>
        %dma_start3A_144 = arith.constant 0 : i32
        %dma_start3A_145 = tpu.memref_slice %arg9[%run_scoped3A_135, %run_scoped3A_136, %dma_start3A_144] : memref<4x2x128xi32, #tpu.memory_space<vmem>> -> memref<1x1x128xi32, #tpu.memory_space<vmem>>
        %dma_start3A_146 = tpu.memref_squeeze %dma_start3A_145 : memref<1x1x128xi32, #tpu.memory_space<vmem>> -> memref<128xi32, #tpu.memory_space<vmem>>
        %dma_start3A_147 = arith.constant 0 : i32
        %dma_start3A_148 = arith.constant 0 : i32
        %dma_start3A_149 = tpu.memref_slice %arg12[%dma_start3A_147, %dma_start3A_148] : memref<10112x128xf32, #tpu.memory_space<vmem_shared>> -> memref<10112x128xf32, #tpu.memory_space<vmem_shared>>
        tpu.enqueue_indirect_dma source(%arg10 : memref<128x128xf32, #tpu.memory_space<vmem>>) target(%dma_start3A_149 : memref<10112x128xf32, #tpu.memory_space<vmem_shared>>) offsets(%dma_start3A_146 : memref<128xi32, #tpu.memory_space<vmem>>) semaphore(%run_scoped3A_143 : memref<!tpu.dma_semaphore, #tpu.memory_space<semaphore_mem>>) {add = true}
        %dma_wait3A = arith.constant 0 : i32
        %dma_wait3A_150 = tpu.memref_slice %arg9[%run_scoped3A_135, %run_scoped3A_136, %dma_wait3A] : memref<4x2x128xi32, #tpu.memory_space<vmem>> -> memref<1x1x128xi32, #tpu.memory_space<vmem>>
        %dma_wait3A_151 = tpu.memref_squeeze %dma_wait3A_150 : memref<1x1x128xi32, #tpu.memory_space<vmem>> -> memref<128xi32, #tpu.memory_space<vmem>>
        %dma_wait3A_152 = arith.constant 0 : i32
        %dma_wait3A_153 = arith.constant 0 : i32
        %dma_wait3A_154 = tpu.memref_slice %arg12[%dma_wait3A_152, %dma_wait3A_153] : memref<10112x128xf32, #tpu.memory_space<vmem_shared>> -> memref<10112x128xf32, #tpu.memory_space<vmem_shared>>
        tpu.wait_indirect_dma semaphore(%run_scoped3A_143 : memref<!tpu.dma_semaphore, #tpu.memory_space<semaphore_mem>>) src(%arg10 : memref<128x128xf32, #tpu.memory_space<vmem>>) dst(%dma_wait3A_154 : memref<10112x128xf32, #tpu.memory_space<vmem_shared>>)
        tpu.yield
      }) : () -> ()
      %run_scoped3A_137 = arith.constant 1 : i32
      %run_scoped3A_138 = arith.constant 1 : i32
      "tpu.region"() ({
        %run_scoped3A_143 = tpu.sem_alloc : memref<!tpu.dma_semaphore, #tpu.memory_space<semaphore_mem>>
        %dma_start3A_144 = arith.constant 0 : i32
        %dma_start3A_145 = tpu.memref_slice %arg9[%run_scoped3A_137, %run_scoped3A_138, %dma_start3A_144] : memref<4x2x128xi32, #tpu.memory_space<vmem>> -> memref<1x1x128xi32, #tpu.memory_space<vmem>>
        %dma_start3A_146 = tpu.memref_squeeze %dma_start3A_145 : memref<1x1x128xi32, #tpu.memory_space<vmem>> -> memref<128xi32, #tpu.memory_space<vmem>>
        %dma_start3A_147 = arith.constant 0 : i32
        %dma_start3A_148 = arith.constant 0 : i32
        %dma_start3A_149 = tpu.memref_slice %arg12[%dma_start3A_147, %dma_start3A_148] : memref<10112x128xf32, #tpu.memory_space<vmem_shared>> -> memref<10112x128xf32, #tpu.memory_space<vmem_shared>>
        tpu.enqueue_indirect_dma source(%arg10 : memref<128x128xf32, #tpu.memory_space<vmem>>) target(%dma_start3A_149 : memref<10112x128xf32, #tpu.memory_space<vmem_shared>>) offsets(%dma_start3A_146 : memref<128xi32, #tpu.memory_space<vmem>>) semaphore(%run_scoped3A_143 : memref<!tpu.dma_semaphore, #tpu.memory_space<semaphore_mem>>) {add = true}
        %dma_wait3A = arith.constant 0 : i32
        %dma_wait3A_150 = tpu.memref_slice %arg9[%run_scoped3A_137, %run_scoped3A_138, %dma_wait3A] : memref<4x2x128xi32, #tpu.memory_space<vmem>> -> memref<1x1x128xi32, #tpu.memory_space<vmem>>
        %dma_wait3A_151 = tpu.memref_squeeze %dma_wait3A_150 : memref<1x1x128xi32, #tpu.memory_space<vmem>> -> memref<128xi32, #tpu.memory_space<vmem>>
        %dma_wait3A_152 = arith.constant 0 : i32
        %dma_wait3A_153 = arith.constant 0 : i32
        %dma_wait3A_154 = tpu.memref_slice %arg12[%dma_wait3A_152, %dma_wait3A_153] : memref<10112x128xf32, #tpu.memory_space<vmem_shared>> -> memref<10112x128xf32, #tpu.memory_space<vmem_shared>>
        tpu.wait_indirect_dma semaphore(%run_scoped3A_143 : memref<!tpu.dma_semaphore, #tpu.memory_space<semaphore_mem>>) src(%arg10 : memref<128x128xf32, #tpu.memory_space<vmem>>) dst(%dma_wait3A_154 : memref<10112x128xf32, #tpu.memory_space<vmem_shared>>)
        tpu.yield
      }) : () -> ()
      %run_scoped3A_139 = arith.constant 2 : i32
      %run_scoped3A_140 = arith.constant 1 : i32
      "tpu.region"() ({
        %run_scoped3A_143 = tpu.sem_alloc : memref<!tpu.dma_semaphore, #tpu.memory_space<semaphore_mem>>
        %dma_start3A_144 = arith.constant 0 : i32
        %dma_start3A_145 = tpu.memref_slice %arg9[%run_scoped3A_139, %run_scoped3A_140, %dma_start3A_144] : memref<4x2x128xi32, #tpu.memory_space<vmem>> -> memref<1x1x128xi32, #tpu.memory_space<vmem>>
        %dma_start3A_146 = tpu.memref_squeeze %dma_start3A_145 : memref<1x1x128xi32, #tpu.memory_space<vmem>> -> memref<128xi32, #tpu.memory_space<vmem>>
        %dma_start3A_147 = arith.constant 0 : i32
        %dma_start3A_148 = arith.constant 0 : i32
        %dma_start3A_149 = tpu.memref_slice %arg12[%dma_start3A_147, %dma_start3A_148] : memref<10112x128xf32, #tpu.memory_space<vmem_shared>> -> memref<10112x128xf32, #tpu.memory_space<vmem_shared>>
        tpu.enqueue_indirect_dma source(%arg10 : memref<128x128xf32, #tpu.memory_space<vmem>>) target(%dma_start3A_149 : memref<10112x128xf32, #tpu.memory_space<vmem_shared>>) offsets(%dma_start3A_146 : memref<128xi32, #tpu.memory_space<vmem>>) semaphore(%run_scoped3A_143 : memref<!tpu.dma_semaphore, #tpu.memory_space<semaphore_mem>>) {add = true}
        %dma_wait3A = arith.constant 0 : i32
        %dma_wait3A_150 = tpu.memref_slice %arg9[%run_scoped3A_139, %run_scoped3A_140, %dma_wait3A] : memref<4x2x128xi32, #tpu.memory_space<vmem>> -> memref<1x1x128xi32, #tpu.memory_space<vmem>>
        %dma_wait3A_151 = tpu.memref_squeeze %dma_wait3A_150 : memref<1x1x128xi32, #tpu.memory_space<vmem>> -> memref<128xi32, #tpu.memory_space<vmem>>
        %dma_wait3A_152 = arith.constant 0 : i32
        %dma_wait3A_153 = arith.constant 0 : i32
        %dma_wait3A_154 = tpu.memref_slice %arg12[%dma_wait3A_152, %dma_wait3A_153] : memref<10112x128xf32, #tpu.memory_space<vmem_shared>> -> memref<10112x128xf32, #tpu.memory_space<vmem_shared>>
        tpu.wait_indirect_dma semaphore(%run_scoped3A_143 : memref<!tpu.dma_semaphore, #tpu.memory_space<semaphore_mem>>) src(%arg10 : memref<128x128xf32, #tpu.memory_space<vmem>>) dst(%dma_wait3A_154 : memref<10112x128xf32, #tpu.memory_space<vmem_shared>>)
        tpu.yield
      }) : () -> ()
      %run_scoped3A_141 = arith.constant 3 : i32
      %run_scoped3A_142 = arith.constant 1 : i32
      "tpu.region"() ({
        %run_scoped3A_143 = tpu.sem_alloc : memref<!tpu.dma_semaphore, #tpu.memory_space<semaphore_mem>>
        %dma_start3A_144 = arith.constant 0 : i32
        %dma_start3A_145 = tpu.memref_slice %arg9[%run_scoped3A_141, %run_scoped3A_142, %dma_start3A_144] : memref<4x2x128xi32, #tpu.memory_space<vmem>> -> memref<1x1x128xi32, #tpu.memory_space<vmem>>
        %dma_start3A_146 = tpu.memref_squeeze %dma_start3A_145 : memref<1x1x128xi32, #tpu.memory_space<vmem>> -> memref<128xi32, #tpu.memory_space<vmem>>
        %dma_start3A_147 = arith.constant 0 : i32
        %dma_start3A_148 = arith.constant 0 : i32
        %dma_start3A_149 = tpu.memref_slice %arg12[%dma_start3A_147, %dma_start3A_148] : memref<10112x128xf32, #tpu.memory_space<vmem_shared>> -> memref<10112x128xf32, #tpu.memory_space<vmem_shared>>
        tpu.enqueue_indirect_dma source(%arg10 : memref<128x128xf32, #tpu.memory_space<vmem>>) target(%dma_start3A_149 : memref<10112x128xf32, #tpu.memory_space<vmem_shared>>) offsets(%dma_start3A_146 : memref<128xi32, #tpu.memory_space<vmem>>) semaphore(%run_scoped3A_143 : memref<!tpu.dma_semaphore, #tpu.memory_space<semaphore_mem>>) {add = true}
        %dma_wait3A = arith.constant 0 : i32
        %dma_wait3A_150 = tpu.memref_slice %arg9[%run_scoped3A_141, %run_scoped3A_142, %dma_wait3A] : memref<4x2x128xi32, #tpu.memory_space<vmem>> -> memref<1x1x128xi32, #tpu.memory_space<vmem>>
        %dma_wait3A_151 = tpu.memref_squeeze %dma_wait3A_150 : memref<1x1x128xi32, #tpu.memory_space<vmem>> -> memref<128xi32, #tpu.memory_space<vmem>>
        %dma_wait3A_152 = arith.constant 0 : i32
        %dma_wait3A_153 = arith.constant 0 : i32
        %dma_wait3A_154 = tpu.memref_slice %arg12[%dma_wait3A_152, %dma_wait3A_153] : memref<10112x128xf32, #tpu.memory_space<vmem_shared>> -> memref<10112x128xf32, #tpu.memory_space<vmem_shared>>
        tpu.wait_indirect_dma semaphore(%run_scoped3A_143 : memref<!tpu.dma_semaphore, #tpu.memory_space<semaphore_mem>>) src(%arg10 : memref<128x128xf32, #tpu.memory_space<vmem>>) dst(%dma_wait3A_154 : memref<10112x128xf32, #tpu.memory_space<vmem_shared>>)
        tpu.yield
      }) : () -> ()
    }
    %while3A_56 = arith.constant 1 : i32
    scf.for %while3A_101 = %while3A_54 to %while3A_50 step %while3A_56  : i32 {
      %mul3A_102 = arith.constant 2 : i32
      %mul3A_103 = arith.muli %while3A_101, %mul3A_102 : i32
      %add3A_104 = arith.constant 0 : i32
      %add3A_105 = arith.addi %mul3A_103, %add3A_104 : i32
      %gt3A = arith.constant 0 : i32
      %gt3A_106 = arith.cmpi sgt, %add3A_105, %gt3A : i32
      %convert_element_type3A = arith.extui %gt3A_106 : i1 to i32
      %cond3A = arith.constant 0 : i32
      %cond3A_107 = arith.cmpi ne, %convert_element_type3A, %cond3A : i32
      scf.if %cond3A_107 {
        %dma_wait3A = arith.constant 0 : i32
        %dma_wait3A_143 = arith.constant 0 : i32
        %dma_wait3A_144 = arith.constant 0 : i32
        %dma_wait3A_145 = tpu.memref_slice %arg3[%dma_wait3A, %dma_wait3A_143, %dma_wait3A_144] : memref<2560x2x128xi32, #tpu.memory_space<hbm>> -> memref<4x2x128xi32, #tpu.memory_space<hbm>>
        %dma_wait3A_146 = arith.constant 0 : i32
        %dma_wait3A_147 = arith.constant 0 : i32
        %dma_wait3A_148 = arith.constant 0 : i32
        %dma_wait3A_149 = tpu.memref_slice %arg3[%dma_wait3A_146, %dma_wait3A_147, %dma_wait3A_148] : memref<2560x2x128xi32, #tpu.memory_space<hbm>> -> memref<4x2x128xi32, #tpu.memory_space<hbm>>
        tpu.wait_dma2 semaphore(%arg15 : memref<!tpu.dma_semaphore, #tpu.memory_space<semaphore_mem>>) src(%dma_wait3A_149 : memref<4x2x128xi32, #tpu.memory_space<hbm>>) dst(%arg8 : memref<4x2x128xi32, #tpu.memory_space<vmem>>)
      } else {
      }
      %add3A_108 = arith.constant 1 : i32
      %add3A_109 = arith.addi %add3A_105, %add3A_108 : i32
      %lt3A = arith.cmpi slt, %add3A_109, %select_n3A_21 : i32
      %convert_element_type3A_110 = arith.extui %lt3A : i1 to i32
      %cond3A_111 = arith.constant 0 : i32
      %cond3A_112 = arith.cmpi ne, %convert_element_type3A_110, %cond3A_111 : i32
      scf.if %cond3A_112 {
        %add3A_143 = arith.constant 1 : i32
        %add3A_144 = arith.addi %add3A_105, %add3A_143 : i32
        %mul3A_145 = arith.constant 4 : i32
        %mul3A_146 = arith.muli %add3A_144, %mul3A_145 : i32
        %add3A_147 = arith.addi %add3A, %mul3A_146 : i32
        %dma_start3A_148 = arith.constant 0 : i32
        %dma_start3A_149 = arith.constant 0 : i32
        %dma_start3A_150 = tpu.memref_slice %arg3[%add3A_147, %dma_start3A_148, %dma_start3A_149] : memref<2560x2x128xi32, #tpu.memory_space<hbm>> -> memref<4x2x128xi32, #tpu.memory_space<hbm>>
        %dma_start3A_151 = arith.constant 0 : i32
        %dma_start3A_152 = arith.constant 0 : i32
        %dma_start3A_153 = tpu.memref_slice %arg3[%add3A_147, %dma_start3A_151, %dma_start3A_152] : memref<2560x2x128xi32, #tpu.memory_space<hbm>> -> memref<4x2x128xi32, #tpu.memory_space<hbm>>
        tpu.enqueue_dma source(%dma_start3A_153 : memref<4x2x128xi32, #tpu.memory_space<hbm>>) target(%arg9 : memref<4x2x128xi32, #tpu.memory_space<vmem>>) target_semaphore(%arg16 : memref<!tpu.dma_semaphore, #tpu.memory_space<semaphore_mem>>)
      } else {
      }
      %run_scoped3A = arith.constant 0 : i32
      %run_scoped3A_113 = arith.constant 1 : i32
      "tpu.region"() ({
        %run_scoped3A_143 = tpu.sem_alloc : memref<!tpu.dma_semaphore, #tpu.memory_space<semaphore_mem>>
        %dma_start3A_144 = arith.constant 0 : i32
        %dma_start3A_145 = tpu.memref_slice %arg8[%run_scoped3A, %run_scoped3A_113, %dma_start3A_144] : memref<4x2x128xi32, #tpu.memory_space<vmem>> -> memref<1x1x128xi32, #tpu.memory_space<vmem>>
        %dma_start3A_146 = tpu.memref_squeeze %dma_start3A_145 : memref<1x1x128xi32, #tpu.memory_space<vmem>> -> memref<128xi32, #tpu.memory_space<vmem>>
        %dma_start3A_147 = arith.constant 0 : i32
        %dma_start3A_148 = arith.constant 0 : i32
        %dma_start3A_149 = tpu.memref_slice %arg12[%dma_start3A_147, %dma_start3A_148] : memref<10112x128xf32, #tpu.memory_space<vmem_shared>> -> memref<10112x128xf32, #tpu.memory_space<vmem_shared>>
        tpu.enqueue_indirect_dma source(%arg10 : memref<128x128xf32, #tpu.memory_space<vmem>>) target(%dma_start3A_149 : memref<10112x128xf32, #tpu.memory_space<vmem_shared>>) offsets(%dma_start3A_146 : memref<128xi32, #tpu.memory_space<vmem>>) semaphore(%run_scoped3A_143 : memref<!tpu.dma_semaphore, #tpu.memory_space<semaphore_mem>>) {add = true}
        %dma_wait3A = arith.constant 0 : i32
        %dma_wait3A_150 = tpu.memref_slice %arg8[%run_scoped3A, %run_scoped3A_113, %dma_wait3A] : memref<4x2x128xi32, #tpu.memory_space<vmem>> -> memref<1x1x128xi32, #tpu.memory_space<vmem>>
        %dma_wait3A_151 = tpu.memref_squeeze %dma_wait3A_150 : memref<1x1x128xi32, #tpu.memory_space<vmem>> -> memref<128xi32, #tpu.memory_space<vmem>>
        %dma_wait3A_152 = arith.constant 0 : i32
        %dma_wait3A_153 = arith.constant 0 : i32
        %dma_wait3A_154 = tpu.memref_slice %arg12[%dma_wait3A_152, %dma_wait3A_153] : memref<10112x128xf32, #tpu.memory_space<vmem_shared>> -> memref<10112x128xf32, #tpu.memory_space<vmem_shared>>
        tpu.wait_indirect_dma semaphore(%run_scoped3A_143 : memref<!tpu.dma_semaphore, #tpu.memory_space<semaphore_mem>>) src(%arg10 : memref<128x128xf32, #tpu.memory_space<vmem>>) dst(%dma_wait3A_154 : memref<10112x128xf32, #tpu.memory_space<vmem_shared>>)
        tpu.yield
      }) : () -> ()
      %run_scoped3A_114 = arith.constant 1 : i32
      %run_scoped3A_115 = arith.constant 1 : i32
      "tpu.region"() ({
        %run_scoped3A_143 = tpu.sem_alloc : memref<!tpu.dma_semaphore, #tpu.memory_space<semaphore_mem>>
        %dma_start3A_144 = arith.constant 0 : i32
        %dma_start3A_145 = tpu.memref_slice %arg8[%run_scoped3A_114, %run_scoped3A_115, %dma_start3A_144] : memref<4x2x128xi32, #tpu.memory_space<vmem>> -> memref<1x1x128xi32, #tpu.memory_space<vmem>>
        %dma_start3A_146 = tpu.memref_squeeze %dma_start3A_145 : memref<1x1x128xi32, #tpu.memory_space<vmem>> -> memref<128xi32, #tpu.memory_space<vmem>>
        %dma_start3A_147 = arith.constant 0 : i32
        %dma_start3A_148 = arith.constant 0 : i32
        %dma_start3A_149 = tpu.memref_slice %arg12[%dma_start3A_147, %dma_start3A_148] : memref<10112x128xf32, #tpu.memory_space<vmem_shared>> -> memref<10112x128xf32, #tpu.memory_space<vmem_shared>>
        tpu.enqueue_indirect_dma source(%arg10 : memref<128x128xf32, #tpu.memory_space<vmem>>) target(%dma_start3A_149 : memref<10112x128xf32, #tpu.memory_space<vmem_shared>>) offsets(%dma_start3A_146 : memref<128xi32, #tpu.memory_space<vmem>>) semaphore(%run_scoped3A_143 : memref<!tpu.dma_semaphore, #tpu.memory_space<semaphore_mem>>) {add = true}
        %dma_wait3A = arith.constant 0 : i32
        %dma_wait3A_150 = tpu.memref_slice %arg8[%run_scoped3A_114, %run_scoped3A_115, %dma_wait3A] : memref<4x2x128xi32, #tpu.memory_space<vmem>> -> memref<1x1x128xi32, #tpu.memory_space<vmem>>
        %dma_wait3A_151 = tpu.memref_squeeze %dma_wait3A_150 : memref<1x1x128xi32, #tpu.memory_space<vmem>> -> memref<128xi32, #tpu.memory_space<vmem>>
        %dma_wait3A_152 = arith.constant 0 : i32
        %dma_wait3A_153 = arith.constant 0 : i32
        %dma_wait3A_154 = tpu.memref_slice %arg12[%dma_wait3A_152, %dma_wait3A_153] : memref<10112x128xf32, #tpu.memory_space<vmem_shared>> -> memref<10112x128xf32, #tpu.memory_space<vmem_shared>>
        tpu.wait_indirect_dma semaphore(%run_scoped3A_143 : memref<!tpu.dma_semaphore, #tpu.memory_space<semaphore_mem>>) src(%arg10 : memref<128x128xf32, #tpu.memory_space<vmem>>) dst(%dma_wait3A_154 : memref<10112x128xf32, #tpu.memory_space<vmem_shared>>)
        tpu.yield
      }) : () -> ()
      %run_scoped3A_116 = arith.constant 2 : i32
      %run_scoped3A_117 = arith.constant 1 : i32
      "tpu.region"() ({
        %run_scoped3A_143 = tpu.sem_alloc : memref<!tpu.dma_semaphore, #tpu.memory_space<semaphore_mem>>
        %dma_start3A_144 = arith.constant 0 : i32
        %dma_start3A_145 = tpu.memref_slice %arg8[%run_scoped3A_116, %run_scoped3A_117, %dma_start3A_144] : memref<4x2x128xi32, #tpu.memory_space<vmem>> -> memref<1x1x128xi32, #tpu.memory_space<vmem>>
        %dma_start3A_146 = tpu.memref_squeeze %dma_start3A_145 : memref<1x1x128xi32, #tpu.memory_space<vmem>> -> memref<128xi32, #tpu.memory_space<vmem>>
        %dma_start3A_147 = arith.constant 0 : i32
        %dma_start3A_148 = arith.constant 0 : i32
        %dma_start3A_149 = tpu.memref_slice %arg12[%dma_start3A_147, %dma_start3A_148] : memref<10112x128xf32, #tpu.memory_space<vmem_shared>> -> memref<10112x128xf32, #tpu.memory_space<vmem_shared>>
        tpu.enqueue_indirect_dma source(%arg10 : memref<128x128xf32, #tpu.memory_space<vmem>>) target(%dma_start3A_149 : memref<10112x128xf32, #tpu.memory_space<vmem_shared>>) offsets(%dma_start3A_146 : memref<128xi32, #tpu.memory_space<vmem>>) semaphore(%run_scoped3A_143 : memref<!tpu.dma_semaphore, #tpu.memory_space<semaphore_mem>>) {add = true}
        %dma_wait3A = arith.constant 0 : i32
        %dma_wait3A_150 = tpu.memref_slice %arg8[%run_scoped3A_116, %run_scoped3A_117, %dma_wait3A] : memref<4x2x128xi32, #tpu.memory_space<vmem>> -> memref<1x1x128xi32, #tpu.memory_space<vmem>>
        %dma_wait3A_151 = tpu.memref_squeeze %dma_wait3A_150 : memref<1x1x128xi32, #tpu.memory_space<vmem>> -> memref<128xi32, #tpu.memory_space<vmem>>
        %dma_wait3A_152 = arith.constant 0 : i32
        %dma_wait3A_153 = arith.constant 0 : i32
        %dma_wait3A_154 = tpu.memref_slice %arg12[%dma_wait3A_152, %dma_wait3A_153] : memref<10112x128xf32, #tpu.memory_space<vmem_shared>> -> memref<10112x128xf32, #tpu.memory_space<vmem_shared>>
        tpu.wait_indirect_dma semaphore(%run_scoped3A_143 : memref<!tpu.dma_semaphore, #tpu.memory_space<semaphore_mem>>) src(%arg10 : memref<128x128xf32, #tpu.memory_space<vmem>>) dst(%dma_wait3A_154 : memref<10112x128xf32, #tpu.memory_space<vmem_shared>>)
        tpu.yield
      }) : () -> ()
      %run_scoped3A_118 = arith.constant 3 : i32
      %run_scoped3A_119 = arith.constant 1 : i32
      "tpu.region"() ({
        %run_scoped3A_143 = tpu.sem_alloc : memref<!tpu.dma_semaphore, #tpu.memory_space<semaphore_mem>>
        %dma_start3A_144 = arith.constant 0 : i32
        %dma_start3A_145 = tpu.memref_slice %arg8[%run_scoped3A_118, %run_scoped3A_119, %dma_start3A_144] : memref<4x2x128xi32, #tpu.memory_space<vmem>> -> memref<1x1x128xi32, #tpu.memory_space<vmem>>
        %dma_start3A_146 = tpu.memref_squeeze %dma_start3A_145 : memref<1x1x128xi32, #tpu.memory_space<vmem>> -> memref<128xi32, #tpu.memory_space<vmem>>
        %dma_start3A_147 = arith.constant 0 : i32
        %dma_start3A_148 = arith.constant 0 : i32
        %dma_start3A_149 = tpu.memref_slice %arg12[%dma_start3A_147, %dma_start3A_148] : memref<10112x128xf32, #tpu.memory_space<vmem_shared>> -> memref<10112x128xf32, #tpu.memory_space<vmem_shared>>
        tpu.enqueue_indirect_dma source(%arg10 : memref<128x128xf32, #tpu.memory_space<vmem>>) target(%dma_start3A_149 : memref<10112x128xf32, #tpu.memory_space<vmem_shared>>) offsets(%dma_start3A_146 : memref<128xi32, #tpu.memory_space<vmem>>) semaphore(%run_scoped3A_143 : memref<!tpu.dma_semaphore, #tpu.memory_space<semaphore_mem>>) {add = true}
        %dma_wait3A = arith.constant 0 : i32
        %dma_wait3A_150 = tpu.memref_slice %arg8[%run_scoped3A_118, %run_scoped3A_119, %dma_wait3A] : memref<4x2x128xi32, #tpu.memory_space<vmem>> -> memref<1x1x128xi32, #tpu.memory_space<vmem>>
        %dma_wait3A_151 = tpu.memref_squeeze %dma_wait3A_150 : memref<1x1x128xi32, #tpu.memory_space<vmem>> -> memref<128xi32, #tpu.memory_space<vmem>>
        %dma_wait3A_152 = arith.constant 0 : i32
        %dma_wait3A_153 = arith.constant 0 : i32
        %dma_wait3A_154 = tpu.memref_slice %arg12[%dma_wait3A_152, %dma_wait3A_153] : memref<10112x128xf32, #tpu.memory_space<vmem_shared>> -> memref<10112x128xf32, #tpu.memory_space<vmem_shared>>
        tpu.wait_indirect_dma semaphore(%run_scoped3A_143 : memref<!tpu.dma_semaphore, #tpu.memory_space<semaphore_mem>>) src(%arg10 : memref<128x128xf32, #tpu.memory_space<vmem>>) dst(%dma_wait3A_154 : memref<10112x128xf32, #tpu.memory_space<vmem_shared>>)
        tpu.yield
      }) : () -> ()
      %mul3A_120 = arith.constant 2 : i32
      %mul3A_121 = arith.muli %while3A_101, %mul3A_120 : i32
      %add3A_122 = arith.constant 1 : i32
      %add3A_123 = arith.addi %mul3A_121, %add3A_122 : i32
      %gt3A_124 = arith.constant 0 : i32
      %gt3A_125 = arith.cmpi sgt, %add3A_123, %gt3A_124 : i32
      %convert_element_type3A_126 = arith.extui %gt3A_125 : i1 to i32
      %cond3A_127 = arith.constant 0 : i32
      %cond3A_128 = arith.cmpi ne, %convert_element_type3A_126, %cond3A_127 : i32
      scf.if %cond3A_128 {
        %dma_wait3A = arith.constant 0 : i32
        %dma_wait3A_143 = arith.constant 0 : i32
        %dma_wait3A_144 = arith.constant 0 : i32
        %dma_wait3A_145 = tpu.memref_slice %arg3[%dma_wait3A, %dma_wait3A_143, %dma_wait3A_144] : memref<2560x2x128xi32, #tpu.memory_space<hbm>> -> memref<4x2x128xi32, #tpu.memory_space<hbm>>
        %dma_wait3A_146 = arith.constant 0 : i32
        %dma_wait3A_147 = arith.constant 0 : i32
        %dma_wait3A_148 = arith.constant 0 : i32
        %dma_wait3A_149 = tpu.memref_slice %arg3[%dma_wait3A_146, %dma_wait3A_147, %dma_wait3A_148] : memref<2560x2x128xi32, #tpu.memory_space<hbm>> -> memref<4x2x128xi32, #tpu.memory_space<hbm>>
        tpu.wait_dma2 semaphore(%arg16 : memref<!tpu.dma_semaphore, #tpu.memory_space<semaphore_mem>>) src(%dma_wait3A_149 : memref<4x2x128xi32, #tpu.memory_space<hbm>>) dst(%arg9 : memref<4x2x128xi32, #tpu.memory_space<vmem>>)
      } else {
      }
      %add3A_129 = arith.constant 1 : i32
      %add3A_130 = arith.addi %add3A_123, %add3A_129 : i32
      %lt3A_131 = arith.cmpi slt, %add3A_130, %select_n3A_21 : i32
      %convert_element_type3A_132 = arith.extui %lt3A_131 : i1 to i32
      %cond3A_133 = arith.constant 0 : i32
      %cond3A_134 = arith.cmpi ne, %convert_element_type3A_132, %cond3A_133 : i32
      scf.if %cond3A_134 {
        %add3A_143 = arith.constant 1 : i32
        %add3A_144 = arith.addi %add3A_123, %add3A_143 : i32
        %mul3A_145 = arith.constant 4 : i32
        %mul3A_146 = arith.muli %add3A_144, %mul3A_145 : i32
        %add3A_147 = arith.addi %add3A, %mul3A_146 : i32
        %dma_start3A_148 = arith.constant 0 : i32
        %dma_start3A_149 = arith.constant 0 : i32
        %dma_start3A_150 = tpu.memref_slice %arg3[%add3A_147, %dma_start3A_148, %dma_start3A_149] : memref<2560x2x128xi32, #tpu.memory_space<hbm>> -> memref<4x2x128xi32, #tpu.memory_space<hbm>>
        %dma_start3A_151 = arith.constant 0 : i32
        %dma_start3A_152 = arith.constant 0 : i32
        %dma_start3A_153 = tpu.memref_slice %arg3[%add3A_147, %dma_start3A_151, %dma_start3A_152] : memref<2560x2x128xi32, #tpu.memory_space<hbm>> -> memref<4x2x128xi32, #tpu.memory_space<hbm>>
        tpu.enqueue_dma source(%dma_start3A_153 : memref<4x2x128xi32, #tpu.memory_space<hbm>>) target(%arg8 : memref<4x2x128xi32, #tpu.memory_space<vmem>>) target_semaphore(%arg15 : memref<!tpu.dma_semaphore, #tpu.memory_space<semaphore_mem>>)
      } else {
      }
      %run_scoped3A_135 = arith.constant 0 : i32
      %run_scoped3A_136 = arith.constant 1 : i32
      "tpu.region"() ({
        %run_scoped3A_143 = tpu.sem_alloc : memref<!tpu.dma_semaphore, #tpu.memory_space<semaphore_mem>>
        %dma_start3A_144 = arith.constant 0 : i32
        %dma_start3A_145 = tpu.memref_slice %arg9[%run_scoped3A_135, %run_scoped3A_136, %dma_start3A_144] : memref<4x2x128xi32, #tpu.memory_space<vmem>> -> memref<1x1x128xi32, #tpu.memory_space<vmem>>
        %dma_start3A_146 = tpu.memref_squeeze %dma_start3A_145 : memref<1x1x128xi32, #tpu.memory_space<vmem>> -> memref<128xi32, #tpu.memory_space<vmem>>
        %dma_start3A_147 = arith.constant 0 : i32
        %dma_start3A_148 = arith.constant 0 : i32
        %dma_start3A_149 = tpu.memref_slice %arg12[%dma_start3A_147, %dma_start3A_148] : memref<10112x128xf32, #tpu.memory_space<vmem_shared>> -> memref<10112x128xf32, #tpu.memory_space<vmem_shared>>
        tpu.enqueue_indirect_dma source(%arg10 : memref<128x128xf32, #tpu.memory_space<vmem>>) target(%dma_start3A_149 : memref<10112x128xf32, #tpu.memory_space<vmem_shared>>) offsets(%dma_start3A_146 : memref<128xi32, #tpu.memory_space<vmem>>) semaphore(%run_scoped3A_143 : memref<!tpu.dma_semaphore, #tpu.memory_space<semaphore_mem>>) {add = true}
        %dma_wait3A = arith.constant 0 : i32
        %dma_wait3A_150 = tpu.memref_slice %arg9[%run_scoped3A_135, %run_scoped3A_136, %dma_wait3A] : memref<4x2x128xi32, #tpu.memory_space<vmem>> -> memref<1x1x128xi32, #tpu.memory_space<vmem>>
        %dma_wait3A_151 = tpu.memref_squeeze %dma_wait3A_150 : memref<1x1x128xi32, #tpu.memory_space<vmem>> -> memref<128xi32, #tpu.memory_space<vmem>>
        %dma_wait3A_152 = arith.constant 0 : i32
        %dma_wait3A_153 = arith.constant 0 : i32
        %dma_wait3A_154 = tpu.memref_slice %arg12[%dma_wait3A_152, %dma_wait3A_153] : memref<10112x128xf32, #tpu.memory_space<vmem_shared>> -> memref<10112x128xf32, #tpu.memory_space<vmem_shared>>
        tpu.wait_indirect_dma semaphore(%run_scoped3A_143 : memref<!tpu.dma_semaphore, #tpu.memory_space<semaphore_mem>>) src(%arg10 : memref<128x128xf32, #tpu.memory_space<vmem>>) dst(%dma_wait3A_154 : memref<10112x128xf32, #tpu.memory_space<vmem_shared>>)
        tpu.yield
      }) : () -> ()
      %run_scoped3A_137 = arith.constant 1 : i32
      %run_scoped3A_138 = arith.constant 1 : i32
      "tpu.region"() ({
        %run_scoped3A_143 = tpu.sem_alloc : memref<!tpu.dma_semaphore, #tpu.memory_space<semaphore_mem>>
        %dma_start3A_144 = arith.constant 0 : i32
        %dma_start3A_145 = tpu.memref_slice %arg9[%run_scoped3A_137, %run_scoped3A_138, %dma_start3A_144] : memref<4x2x128xi32, #tpu.memory_space<vmem>> -> memref<1x1x128xi32, #tpu.memory_space<vmem>>
        %dma_start3A_146 = tpu.memref_squeeze %dma_start3A_145 : memref<1x1x128xi32, #tpu.memory_space<vmem>> -> memref<128xi32, #tpu.memory_space<vmem>>
        %dma_start3A_147 = arith.constant 0 : i32
        %dma_start3A_148 = arith.constant 0 : i32
        %dma_start3A_149 = tpu.memref_slice %arg12[%dma_start3A_147, %dma_start3A_148] : memref<10112x128xf32, #tpu.memory_space<vmem_shared>> -> memref<10112x128xf32, #tpu.memory_space<vmem_shared>>
        tpu.enqueue_indirect_dma source(%arg10 : memref<128x128xf32, #tpu.memory_space<vmem>>) target(%dma_start3A_149 : memref<10112x128xf32, #tpu.memory_space<vmem_shared>>) offsets(%dma_start3A_146 : memref<128xi32, #tpu.memory_space<vmem>>) semaphore(%run_scoped3A_143 : memref<!tpu.dma_semaphore, #tpu.memory_space<semaphore_mem>>) {add = true}
        %dma_wait3A = arith.constant 0 : i32
        %dma_wait3A_150 = tpu.memref_slice %arg9[%run_scoped3A_137, %run_scoped3A_138, %dma_wait3A] : memref<4x2x128xi32, #tpu.memory_space<vmem>> -> memref<1x1x128xi32, #tpu.memory_space<vmem>>
        %dma_wait3A_151 = tpu.memref_squeeze %dma_wait3A_150 : memref<1x1x128xi32, #tpu.memory_space<vmem>> -> memref<128xi32, #tpu.memory_space<vmem>>
        %dma_wait3A_152 = arith.constant 0 : i32
        %dma_wait3A_153 = arith.constant 0 : i32
        %dma_wait3A_154 = tpu.memref_slice %arg12[%dma_wait3A_152, %dma_wait3A_153] : memref<10112x128xf32, #tpu.memory_space<vmem_shared>> -> memref<10112x128xf32, #tpu.memory_space<vmem_shared>>
        tpu.wait_indirect_dma semaphore(%run_scoped3A_143 : memref<!tpu.dma_semaphore, #tpu.memory_space<semaphore_mem>>) src(%arg10 : memref<128x128xf32, #tpu.memory_space<vmem>>) dst(%dma_wait3A_154 : memref<10112x128xf32, #tpu.memory_space<vmem_shared>>)
        tpu.yield
      }) : () -> ()
      %run_scoped3A_139 = arith.constant 2 : i32
      %run_scoped3A_140 = arith.constant 1 : i32
      "tpu.region"() ({
        %run_scoped3A_143 = tpu.sem_alloc : memref<!tpu.dma_semaphore, #tpu.memory_space<semaphore_mem>>
        %dma_start3A_144 = arith.constant 0 : i32
        %dma_start3A_145 = tpu.memref_slice %arg9[%run_scoped3A_139, %run_scoped3A_140, %dma_start3A_144] : memref<4x2x128xi32, #tpu.memory_space<vmem>> -> memref<1x1x128xi32, #tpu.memory_space<vmem>>
        %dma_start3A_146 = tpu.memref_squeeze %dma_start3A_145 : memref<1x1x128xi32, #tpu.memory_space<vmem>> -> memref<128xi32, #tpu.memory_space<vmem>>
        %dma_start3A_147 = arith.constant 0 : i32
        %dma_start3A_148 = arith.constant 0 : i32
        %dma_start3A_149 = tpu.memref_slice %arg12[%dma_start3A_147, %dma_start3A_148] : memref<10112x128xf32, #tpu.memory_space<vmem_shared>> -> memref<10112x128xf32, #tpu.memory_space<vmem_shared>>
        tpu.enqueue_indirect_dma source(%arg10 : memref<128x128xf32, #tpu.memory_space<vmem>>) target(%dma_start3A_149 : memref<10112x128xf32, #tpu.memory_space<vmem_shared>>) offsets(%dma_start3A_146 : memref<128xi32, #tpu.memory_space<vmem>>) semaphore(%run_scoped3A_143 : memref<!tpu.dma_semaphore, #tpu.memory_space<semaphore_mem>>) {add = true}
        %dma_wait3A = arith.constant 0 : i32
        %dma_wait3A_150 = tpu.memref_slice %arg9[%run_scoped3A_139, %run_scoped3A_140, %dma_wait3A] : memref<4x2x128xi32, #tpu.memory_space<vmem>> -> memref<1x1x128xi32, #tpu.memory_space<vmem>>
        %dma_wait3A_151 = tpu.memref_squeeze %dma_wait3A_150 : memref<1x1x128xi32, #tpu.memory_space<vmem>> -> memref<128xi32, #tpu.memory_space<vmem>>
        %dma_wait3A_152 = arith.constant 0 : i32
        %dma_wait3A_153 = arith.constant 0 : i32
        %dma_wait3A_154 = tpu.memref_slice %arg12[%dma_wait3A_152, %dma_wait3A_153] : memref<10112x128xf32, #tpu.memory_space<vmem_shared>> -> memref<10112x128xf32, #tpu.memory_space<vmem_shared>>
        tpu.wait_indirect_dma semaphore(%run_scoped3A_143 : memref<!tpu.dma_semaphore, #tpu.memory_space<semaphore_mem>>) src(%arg10 : memref<128x128xf32, #tpu.memory_space<vmem>>) dst(%dma_wait3A_154 : memref<10112x128xf32, #tpu.memory_space<vmem_shared>>)
        tpu.yield
      }) : () -> ()
      %run_scoped3A_141 = arith.constant 3 : i32
      %run_scoped3A_142 = arith.constant 1 : i32
      "tpu.region"() ({
        %run_scoped3A_143 = tpu.sem_alloc : memref<!tpu.dma_semaphore, #tpu.memory_space<semaphore_mem>>
        %dma_start3A_144 = arith.constant 0 : i32
        %dma_start3A_145 = tpu.memref_slice %arg9[%run_scoped3A_141, %run_scoped3A_142, %dma_start3A_144] : memref<4x2x128xi32, #tpu.memory_space<vmem>> -> memref<1x1x128xi32, #tpu.memory_space<vmem>>
        %dma_start3A_146 = tpu.memref_squeeze %dma_start3A_145 : memref<1x1x128xi32, #tpu.memory_space<vmem>> -> memref<128xi32, #tpu.memory_space<vmem>>
        %dma_start3A_147 = arith.constant 0 : i32
        %dma_start3A_148 = arith.constant 0 : i32
        %dma_start3A_149 = tpu.memref_slice %arg12[%dma_start3A_147, %dma_start3A_148] : memref<10112x128xf32, #tpu.memory_space<vmem_shared>> -> memref<10112x128xf32, #tpu.memory_space<vmem_shared>>
        tpu.enqueue_indirect_dma source(%arg10 : memref<128x128xf32, #tpu.memory_space<vmem>>) target(%dma_start3A_149 : memref<10112x128xf32, #tpu.memory_space<vmem_shared>>) offsets(%dma_start3A_146 : memref<128xi32, #tpu.memory_space<vmem>>) semaphore(%run_scoped3A_143 : memref<!tpu.dma_semaphore, #tpu.memory_space<semaphore_mem>>) {add = true}
        %dma_wait3A = arith.constant 0 : i32
        %dma_wait3A_150 = tpu.memref_slice %arg9[%run_scoped3A_141, %run_scoped3A_142, %dma_wait3A] : memref<4x2x128xi32, #tpu.memory_space<vmem>> -> memref<1x1x128xi32, #tpu.memory_space<vmem>>
        %dma_wait3A_151 = tpu.memref_squeeze %dma_wait3A_150 : memref<1x1x128xi32, #tpu.memory_space<vmem>> -> memref<128xi32, #tpu.memory_space<vmem>>
        %dma_wait3A_152 = arith.constant 0 : i32
        %dma_wait3A_153 = arith.constant 0 : i32
        %dma_wait3A_154 = tpu.memref_slice %arg12[%dma_wait3A_152, %dma_wait3A_153] : memref<10112x128xf32, #tpu.memory_space<vmem_shared>> -> memref<10112x128xf32, #tpu.memory_space<vmem_shared>>
        tpu.wait_indirect_dma semaphore(%run_scoped3A_143 : memref<!tpu.dma_semaphore, #tpu.memory_space<semaphore_mem>>) src(%arg10 : memref<128x128xf32, #tpu.memory_space<vmem>>) dst(%dma_wait3A_154 : memref<10112x128xf32, #tpu.memory_space<vmem_shared>>)
        tpu.yield
      }) : () -> ()
    }
    %barrier3A_57 = arith.constant 0 : index
    tpu.barrier barrier_id(%barrier3A_57)
    "tpu.region"() ({
      %run_scoped3A = tpu.sem_alloc : memref<!tpu.dma_semaphore, #tpu.memory_space<semaphore_mem>>
      %dma_start3A_101 = arith.constant 0 : i32
      %dma_start3A_102 = tpu.memref_slice %arg7[%arg0, %mul3A_23, %dma_start3A_101] : memref<2x10112x128xf32, #tpu.memory_space<hbm>> -> memref<1x632x128xf32, #tpu.memory_space<hbm>>
      %dma_start3A_103 = tpu.memref_squeeze %dma_start3A_102 : memref<1x632x128xf32, #tpu.memory_space<hbm>> -> memref<632x128xf32, #tpu.memory_space<hbm>>
      %dma_start3A_104 = arith.constant 0 : i32
      %dma_start3A_105 = tpu.memref_slice %arg12[%mul3A_23, %dma_start3A_104] : memref<10112x128xf32, #tpu.memory_space<vmem_shared>> -> memref<632x128xf32, #tpu.memory_space<vmem_shared>>
      tpu.enqueue_dma source(%dma_start3A_105 : memref<632x128xf32, #tpu.memory_space<vmem_shared>>) target(%dma_start3A_103 : memref<632x128xf32, #tpu.memory_space<hbm>>) target_semaphore(%run_scoped3A : memref<!tpu.dma_semaphore, #tpu.memory_space<semaphore_mem>>)
      %dma_wait3A = arith.constant 0 : i32
      %dma_wait3A_106 = tpu.memref_slice %arg7[%arg0, %mul3A_23, %dma_wait3A] : memref<2x10112x128xf32, #tpu.memory_space<hbm>> -> memref<1x632x128xf32, #tpu.memory_space<hbm>>
      %dma_wait3A_107 = tpu.memref_squeeze %dma_wait3A_106 : memref<1x632x128xf32, #tpu.memory_space<hbm>> -> memref<632x128xf32, #tpu.memory_space<hbm>>
      %dma_wait3A_108 = arith.constant 0 : i32
      %dma_wait3A_109 = tpu.memref_slice %arg12[%mul3A_23, %dma_wait3A_108] : memref<10112x128xf32, #tpu.memory_space<vmem_shared>> -> memref<632x128xf32, #tpu.memory_space<vmem_shared>>
      tpu.wait_dma2 semaphore(%run_scoped3A : memref<!tpu.dma_semaphore, #tpu.memory_space<semaphore_mem>>) src(%dma_wait3A_109 : memref<632x128xf32, #tpu.memory_space<vmem_shared>>) dst(%dma_wait3A_107 : memref<632x128xf32, #tpu.memory_space<hbm>>)
      tpu.yield
    }) : () -> ()
    "tpu.region"() ({
      %run_scoped3A = tpu.sem_alloc : memref<!tpu.dma_semaphore, #tpu.memory_space<semaphore_mem>>
      %dma_start3A_101 = arith.constant 0 : i32
      %dma_start3A_102 = tpu.memref_slice %arg12[%mul3A_23, %dma_start3A_101] : memref<10112x128xf32, #tpu.memory_space<vmem_shared>> -> memref<632x128xf32, #tpu.memory_space<vmem_shared>>
      %dma_start3A_103 = arith.constant 0 : i32
      %dma_start3A_104 = tpu.memref_slice %arg4[%mul3A_23, %dma_start3A_103] : memref<10112x128xf32, #tpu.memory_space<hbm>> -> memref<632x128xf32, #tpu.memory_space<hbm>>
      tpu.enqueue_dma source(%dma_start3A_104 : memref<632x128xf32, #tpu.memory_space<hbm>>) target(%dma_start3A_102 : memref<632x128xf32, #tpu.memory_space<vmem_shared>>) target_semaphore(%run_scoped3A : memref<!tpu.dma_semaphore, #tpu.memory_space<semaphore_mem>>)
      %dma_wait3A = arith.constant 0 : i32
      %dma_wait3A_105 = tpu.memref_slice %arg12[%mul3A_23, %dma_wait3A] : memref<10112x128xf32, #tpu.memory_space<vmem_shared>> -> memref<632x128xf32, #tpu.memory_space<vmem_shared>>
      %dma_wait3A_106 = arith.constant 0 : i32
      %dma_wait3A_107 = tpu.memref_slice %arg4[%mul3A_23, %dma_wait3A_106] : memref<10112x128xf32, #tpu.memory_space<hbm>> -> memref<632x128xf32, #tpu.memory_space<hbm>>
      tpu.wait_dma2 semaphore(%run_scoped3A : memref<!tpu.dma_semaphore, #tpu.memory_space<semaphore_mem>>) src(%dma_wait3A_107 : memref<632x128xf32, #tpu.memory_space<hbm>>) dst(%dma_wait3A_105 : memref<632x128xf32, #tpu.memory_space<vmem_shared>>)
      tpu.yield
    }) : () -> ()
    "tpu.region"() ({
      %run_scoped3A = tpu.sem_alloc : memref<!tpu.dma_semaphore, #tpu.memory_space<semaphore_mem>>
      %dma_start3A_101 = arith.constant 0 : i32
      %dma_start3A_102 = arith.constant 0 : i32
      %dma_start3A_103 = tpu.memref_slice %arg3[%add3A, %dma_start3A_101, %dma_start3A_102] : memref<2560x2x128xi32, #tpu.memory_space<hbm>> -> memref<4x2x128xi32, #tpu.memory_space<hbm>>
      %dma_start3A_104 = arith.constant 0 : i32
      %dma_start3A_105 = arith.constant 0 : i32
      %dma_start3A_106 = tpu.memref_slice %arg3[%add3A, %dma_start3A_104, %dma_start3A_105] : memref<2560x2x128xi32, #tpu.memory_space<hbm>> -> memref<4x2x128xi32, #tpu.memory_space<hbm>>
      tpu.enqueue_dma source(%dma_start3A_106 : memref<4x2x128xi32, #tpu.memory_space<hbm>>) target(%arg8 : memref<4x2x128xi32, #tpu.memory_space<vmem>>) target_semaphore(%run_scoped3A : memref<!tpu.dma_semaphore, #tpu.memory_space<semaphore_mem>>)
      %dma_wait3A = arith.constant 0 : i32
      %dma_wait3A_107 = arith.constant 0 : i32
      %dma_wait3A_108 = tpu.memref_slice %arg3[%add3A, %dma_wait3A, %dma_wait3A_107] : memref<2560x2x128xi32, #tpu.memory_space<hbm>> -> memref<4x2x128xi32, #tpu.memory_space<hbm>>
      %dma_wait3A_109 = arith.constant 0 : i32
      %dma_wait3A_110 = arith.constant 0 : i32
      %dma_wait3A_111 = tpu.memref_slice %arg3[%add3A, %dma_wait3A_109, %dma_wait3A_110] : memref<2560x2x128xi32, #tpu.memory_space<hbm>> -> memref<4x2x128xi32, #tpu.memory_space<hbm>>
      tpu.wait_dma2 semaphore(%run_scoped3A : memref<!tpu.dma_semaphore, #tpu.memory_space<semaphore_mem>>) src(%dma_wait3A_111 : memref<4x2x128xi32, #tpu.memory_space<hbm>>) dst(%arg8 : memref<4x2x128xi32, #tpu.memory_space<vmem>>)
      tpu.yield
    }) : () -> ()
    %dma_start3A = arith.constant 0 : i32
    %dma_start3A_58 = arith.constant 0 : i32
    %dma_start3A_59 = arith.constant 0 : i32
    %dma_start3A_60 = tpu.memref_slice %arg8[%dma_start3A, %dma_start3A_58, %dma_start3A_59] : memref<4x2x128xi32, #tpu.memory_space<vmem>> -> memref<1x1x128xi32, #tpu.memory_space<vmem>>
    %dma_start3A_61 = tpu.memref_squeeze %dma_start3A_60 : memref<1x1x128xi32, #tpu.memory_space<vmem>> -> memref<128xi32, #tpu.memory_space<vmem>>
    %dma_start3A_62 = arith.constant 0 : i32
    %dma_start3A_63 = arith.constant 0 : i32
    %dma_start3A_64 = tpu.memref_slice %arg2[%dma_start3A_62, %dma_start3A_63] : memref<10000x128xf32, #tpu.memory_space<hbm>> -> memref<10000x128xf32, #tpu.memory_space<hbm>>
    tpu.enqueue_indirect_dma source(%dma_start3A_64 : memref<10000x128xf32, #tpu.memory_space<hbm>>) target(%arg10 : memref<128x128xf32, #tpu.memory_space<vmem>>) offsets(%dma_start3A_61 : memref<128xi32, #tpu.memory_space<vmem>>) semaphore(%arg13 : memref<!tpu.dma_semaphore, #tpu.memory_space<semaphore_mem>>)
    %barrier3A_65 = arith.constant 0 : index
    tpu.barrier barrier_id(%barrier3A_65)
    %jit3A_66 = arith.constant 2 : i32
    %div3A_67 = arith.divsi %select_n3A_21, %jit3A_66 : i32
    %sign3A_68 = arith.constant 0 : i32
    %sign3A_69 = arith.cmpi sgt, %select_n3A_21, %sign3A_68 : i32
    %sign3A_70 = arith.extui %sign3A_69 : i1 to i32
    %sign3A_71 = arith.constant 0 : i32
    %sign3A_72 = arith.cmpi slt, %select_n3A_21, %sign3A_71 : i32
    %sign3A_73 = arith.extui %sign3A_72 : i1 to i32
    %sign3A_74 = arith.subi %sign3A_70, %sign3A_73 : i32
    %sign3A_75 = arith.constant 0 : i32
    %sign3A_76 = arith.cmpi sgt, %jit3A_66, %sign3A_75 : i32
    %sign3A_77 = arith.extui %sign3A_76 : i1 to i32
    %sign3A_78 = arith.constant 0 : i32
    %sign3A_79 = arith.cmpi slt, %jit3A_66, %sign3A_78 : i32
    %sign3A_80 = arith.extui %sign3A_79 : i1 to i32
    %sign3A_81 = arith.subi %sign3A_77, %sign3A_80 : i32
    %ne3A_82 = arith.cmpi ne, %sign3A_74, %sign3A_81 : i32
    %rem3A_83 = arith.remsi %select_n3A_21, %jit3A_66 : i32
    %ne3A_84 = arith.constant 0 : i32
    %ne3A_85 = arith.cmpi ne, %rem3A_83, %ne3A_84 : i32
    %and3A_86 = arith.andi %ne3A_82, %ne3A_85 : i1
    %sub3A_87 = arith.constant 1 : i32
    %sub3A_88 = arith.subi %div3A_67, %sub3A_87 : i32
    %select_n3A_89 = arith.select %and3A_86, %sub3A_88, %div3A_67 : i32
    %while3A_90 = arith.constant 0 : i32
    %while3A_91 = arith.constant 0 : i32
    %while3A_92 = arith.subi %select_n3A_89, %while3A_91 : i32
    %while3A_93 = arith.addi %while3A_91, %while3A_92 : i32
    %while3A_94 = arith.constant 1 : i32
    %while3A_95 = arith.divsi %while3A_92, %while3A_94 : i32
    %while3A_96 = arith.muli %while3A_95, %while3A_94 : i32
    %while3A_97 = arith.addi %while3A_91, %while3A_96 : i32
    %while3A_98 = arith.constant 1 : i32
    scf.for %while3A_101 = %while3A_91 to %while3A_97 step %while3A_98  : i32 {
      %mul3A_102 = arith.constant 2 : i32
      %mul3A_103 = arith.muli %while3A_101, %mul3A_102 : i32
      %add3A_104 = arith.constant 0 : i32
      %add3A_105 = arith.addi %mul3A_103, %add3A_104 : i32
      %add3A_106 = arith.constant 1 : i32
      %add3A_107 = arith.addi %add3A_105, %add3A_106 : i32
      %lt3A = arith.cmpi slt, %add3A_107, %select_n3A_21 : i32
      %convert_element_type3A = arith.extui %lt3A : i1 to i32
      %cond3A = arith.constant 0 : i32
      %cond3A_108 = arith.cmpi ne, %convert_element_type3A, %cond3A : i32
      scf.if %cond3A_108 {
        %add3A_273 = arith.constant 1 : i32
        %add3A_274 = arith.addi %add3A_105, %add3A_273 : i32
        %mul3A_275 = arith.constant 4 : i32
        %mul3A_276 = arith.muli %add3A_274, %mul3A_275 : i32
        %add3A_277 = arith.addi %add3A, %mul3A_276 : i32
        %dma_start3A_278 = arith.constant 0 : i32
        %dma_start3A_279 = arith.constant 0 : i32
        %dma_start3A_280 = tpu.memref_slice %arg3[%add3A_277, %dma_start3A_278, %dma_start3A_279] : memref<2560x2x128xi32, #tpu.memory_space<hbm>> -> memref<4x2x128xi32, #tpu.memory_space<hbm>>
        %dma_start3A_281 = arith.constant 0 : i32
        %dma_start3A_282 = arith.constant 0 : i32
        %dma_start3A_283 = tpu.memref_slice %arg3[%add3A_277, %dma_start3A_281, %dma_start3A_282] : memref<2560x2x128xi32, #tpu.memory_space<hbm>> -> memref<4x2x128xi32, #tpu.memory_space<hbm>>
        tpu.enqueue_dma source(%dma_start3A_283 : memref<4x2x128xi32, #tpu.memory_space<hbm>>) target(%arg9 : memref<4x2x128xi32, #tpu.memory_space<vmem>>) target_semaphore(%arg16 : memref<!tpu.dma_semaphore, #tpu.memory_space<semaphore_mem>>)
      } else {
      }
      %mul3A_109 = arith.constant 4 : i32
      %mul3A_110 = arith.muli %add3A_105, %mul3A_109 : i32
      %add3A_111 = arith.constant 0 : i32
      %add3A_112 = arith.addi %mul3A_110, %add3A_111 : i32
      %dma_start3A_113 = arith.constant 1 : i32
      %dma_start3A_114 = arith.constant 0 : i32
      %dma_start3A_115 = arith.constant 0 : i32
      %dma_start3A_116 = tpu.memref_slice %arg8[%dma_start3A_113, %dma_start3A_114, %dma_start3A_115] : memref<4x2x128xi32, #tpu.memory_space<vmem>> -> memref<1x1x128xi32, #tpu.memory_space<vmem>>
      %dma_start3A_117 = tpu.memref_squeeze %dma_start3A_116 : memref<1x1x128xi32, #tpu.memory_space<vmem>> -> memref<128xi32, #tpu.memory_space<vmem>>
      %dma_start3A_118 = arith.constant 0 : i32
      %dma_start3A_119 = arith.constant 0 : i32
      %dma_start3A_120 = tpu.memref_slice %arg2[%dma_start3A_118, %dma_start3A_119] : memref<10000x128xf32, #tpu.memory_space<hbm>> -> memref<10000x128xf32, #tpu.memory_space<hbm>>
      tpu.enqueue_indirect_dma source(%dma_start3A_120 : memref<10000x128xf32, #tpu.memory_space<hbm>>) target(%arg11 : memref<128x128xf32, #tpu.memory_space<vmem>>) offsets(%dma_start3A_117 : memref<128xi32, #tpu.memory_space<vmem>>) semaphore(%arg14 : memref<!tpu.dma_semaphore, #tpu.memory_space<semaphore_mem>>)
      %dma_wait3A = arith.constant 0 : i32
      %dma_wait3A_121 = arith.constant 0 : i32
      %dma_wait3A_122 = tpu.memref_slice %arg2[%dma_wait3A, %dma_wait3A_121] : memref<10000x128xf32, #tpu.memory_space<hbm>> -> memref<128x128xf32, #tpu.memory_space<hbm>>
      %dma_wait3A_123 = arith.constant 0 : i32
      %dma_wait3A_124 = arith.constant 0 : i32
      %dma_wait3A_125 = tpu.memref_slice %arg2[%dma_wait3A_123, %dma_wait3A_124] : memref<10000x128xf32, #tpu.memory_space<hbm>> -> memref<128x128xf32, #tpu.memory_space<hbm>>
      tpu.wait_dma2 semaphore(%arg13 : memref<!tpu.dma_semaphore, #tpu.memory_space<semaphore_mem>>) src(%dma_wait3A_125 : memref<128x128xf32, #tpu.memory_space<hbm>>) dst(%arg10 : memref<128x128xf32, #tpu.memory_space<vmem>>)
      %run_scoped3A = arith.constant 0 : i32
      %run_scoped3A_126 = arith.constant 1 : i32
      "tpu.region"() ({
        %run_scoped3A_273 = tpu.sem_alloc : memref<!tpu.dma_semaphore, #tpu.memory_space<semaphore_mem>>
        %dma_start3A_274 = arith.constant 0 : i32
        %dma_start3A_275 = tpu.memref_slice %arg8[%run_scoped3A, %run_scoped3A_126, %dma_start3A_274] : memref<4x2x128xi32, #tpu.memory_space<vmem>> -> memref<1x1x128xi32, #tpu.memory_space<vmem>>
        %dma_start3A_276 = tpu.memref_squeeze %dma_start3A_275 : memref<1x1x128xi32, #tpu.memory_space<vmem>> -> memref<128xi32, #tpu.memory_space<vmem>>
        %dma_start3A_277 = arith.constant 0 : i32
        %dma_start3A_278 = arith.constant 0 : i32
        %dma_start3A_279 = tpu.memref_slice %arg12[%dma_start3A_277, %dma_start3A_278] : memref<10112x128xf32, #tpu.memory_space<vmem_shared>> -> memref<10112x128xf32, #tpu.memory_space<vmem_shared>>
        tpu.enqueue_indirect_dma source(%arg10 : memref<128x128xf32, #tpu.memory_space<vmem>>) target(%dma_start3A_279 : memref<10112x128xf32, #tpu.memory_space<vmem_shared>>) offsets(%dma_start3A_276 : memref<128xi32, #tpu.memory_space<vmem>>) semaphore(%run_scoped3A_273 : memref<!tpu.dma_semaphore, #tpu.memory_space<semaphore_mem>>) {add = true}
        %dma_wait3A_280 = arith.constant 0 : i32
        %dma_wait3A_281 = tpu.memref_slice %arg8[%run_scoped3A, %run_scoped3A_126, %dma_wait3A_280] : memref<4x2x128xi32, #tpu.memory_space<vmem>> -> memref<1x1x128xi32, #tpu.memory_space<vmem>>
        %dma_wait3A_282 = tpu.memref_squeeze %dma_wait3A_281 : memref<1x1x128xi32, #tpu.memory_space<vmem>> -> memref<128xi32, #tpu.memory_space<vmem>>
        %dma_wait3A_283 = arith.constant 0 : i32
        %dma_wait3A_284 = arith.constant 0 : i32
        %dma_wait3A_285 = tpu.memref_slice %arg12[%dma_wait3A_283, %dma_wait3A_284] : memref<10112x128xf32, #tpu.memory_space<vmem_shared>> -> memref<10112x128xf32, #tpu.memory_space<vmem_shared>>
        tpu.wait_indirect_dma semaphore(%run_scoped3A_273 : memref<!tpu.dma_semaphore, #tpu.memory_space<semaphore_mem>>) src(%arg10 : memref<128x128xf32, #tpu.memory_space<vmem>>) dst(%dma_wait3A_285 : memref<10112x128xf32, #tpu.memory_space<vmem_shared>>)
        tpu.yield
      }) : () -> ()
      %mul3A_127 = arith.constant 4 : i32
      %mul3A_128 = arith.muli %add3A_105, %mul3A_127 : i32
      %add3A_129 = arith.constant 1 : i32
      %add3A_130 = arith.addi %mul3A_128, %add3A_129 : i32
      %dma_start3A_131 = arith.constant 2 : i32
      %dma_start3A_132 = arith.constant 0 : i32
      %dma_start3A_133 = arith.constant 0 : i32
      %dma_start3A_134 = tpu.memref_slice %arg8[%dma_start3A_131, %dma_start3A_132, %dma_start3A_133] : memref<4x2x128xi32, #tpu.memory_space<vmem>> -> memref<1x1x128xi32, #tpu.memory_space<vmem>>
      %dma_start3A_135 = tpu.memref_squeeze %dma_start3A_134 : memref<1x1x128xi32, #tpu.memory_space<vmem>> -> memref<128xi32, #tpu.memory_space<vmem>>
      %dma_start3A_136 = arith.constant 0 : i32
      %dma_start3A_137 = arith.constant 0 : i32
      %dma_start3A_138 = tpu.memref_slice %arg2[%dma_start3A_136, %dma_start3A_137] : memref<10000x128xf32, #tpu.memory_space<hbm>> -> memref<10000x128xf32, #tpu.memory_space<hbm>>
      tpu.enqueue_indirect_dma source(%dma_start3A_138 : memref<10000x128xf32, #tpu.memory_space<hbm>>) target(%arg10 : memref<128x128xf32, #tpu.memory_space<vmem>>) offsets(%dma_start3A_135 : memref<128xi32, #tpu.memory_space<vmem>>) semaphore(%arg13 : memref<!tpu.dma_semaphore, #tpu.memory_space<semaphore_mem>>)
      %dma_wait3A_139 = arith.constant 0 : i32
      %dma_wait3A_140 = arith.constant 0 : i32
      %dma_wait3A_141 = tpu.memref_slice %arg2[%dma_wait3A_139, %dma_wait3A_140] : memref<10000x128xf32, #tpu.memory_space<hbm>> -> memref<128x128xf32, #tpu.memory_space<hbm>>
      %dma_wait3A_142 = arith.constant 0 : i32
      %dma_wait3A_143 = arith.constant 0 : i32
      %dma_wait3A_144 = tpu.memref_slice %arg2[%dma_wait3A_142, %dma_wait3A_143] : memref<10000x128xf32, #tpu.memory_space<hbm>> -> memref<128x128xf32, #tpu.memory_space<hbm>>
      tpu.wait_dma2 semaphore(%arg14 : memref<!tpu.dma_semaphore, #tpu.memory_space<semaphore_mem>>) src(%dma_wait3A_144 : memref<128x128xf32, #tpu.memory_space<hbm>>) dst(%arg11 : memref<128x128xf32, #tpu.memory_space<vmem>>)
      %run_scoped3A_145 = arith.constant 1 : i32
      %run_scoped3A_146 = arith.constant 1 : i32
      "tpu.region"() ({
        %run_scoped3A_273 = tpu.sem_alloc : memref<!tpu.dma_semaphore, #tpu.memory_space<semaphore_mem>>
        %dma_start3A_274 = arith.constant 0 : i32
        %dma_start3A_275 = tpu.memref_slice %arg8[%run_scoped3A_145, %run_scoped3A_146, %dma_start3A_274] : memref<4x2x128xi32, #tpu.memory_space<vmem>> -> memref<1x1x128xi32, #tpu.memory_space<vmem>>
        %dma_start3A_276 = tpu.memref_squeeze %dma_start3A_275 : memref<1x1x128xi32, #tpu.memory_space<vmem>> -> memref<128xi32, #tpu.memory_space<vmem>>
        %dma_start3A_277 = arith.constant 0 : i32
        %dma_start3A_278 = arith.constant 0 : i32
        %dma_start3A_279 = tpu.memref_slice %arg12[%dma_start3A_277, %dma_start3A_278] : memref<10112x128xf32, #tpu.memory_space<vmem_shared>> -> memref<10112x128xf32, #tpu.memory_space<vmem_shared>>
        tpu.enqueue_indirect_dma source(%arg11 : memref<128x128xf32, #tpu.memory_space<vmem>>) target(%dma_start3A_279 : memref<10112x128xf32, #tpu.memory_space<vmem_shared>>) offsets(%dma_start3A_276 : memref<128xi32, #tpu.memory_space<vmem>>) semaphore(%run_scoped3A_273 : memref<!tpu.dma_semaphore, #tpu.memory_space<semaphore_mem>>) {add = true}
        %dma_wait3A_280 = arith.constant 0 : i32
        %dma_wait3A_281 = tpu.memref_slice %arg8[%run_scoped3A_145, %run_scoped3A_146, %dma_wait3A_280] : memref<4x2x128xi32, #tpu.memory_space<vmem>> -> memref<1x1x128xi32, #tpu.memory_space<vmem>>
        %dma_wait3A_282 = tpu.memref_squeeze %dma_wait3A_281 : memref<1x1x128xi32, #tpu.memory_space<vmem>> -> memref<128xi32, #tpu.memory_space<vmem>>
        %dma_wait3A_283 = arith.constant 0 : i32
        %dma_wait3A_284 = arith.constant 0 : i32
        %dma_wait3A_285 = tpu.memref_slice %arg12[%dma_wait3A_283, %dma_wait3A_284] : memref<10112x128xf32, #tpu.memory_space<vmem_shared>> -> memref<10112x128xf32, #tpu.memory_space<vmem_shared>>
        tpu.wait_indirect_dma semaphore(%run_scoped3A_273 : memref<!tpu.dma_semaphore, #tpu.memory_space<semaphore_mem>>) src(%arg11 : memref<128x128xf32, #tpu.memory_space<vmem>>) dst(%dma_wait3A_285 : memref<10112x128xf32, #tpu.memory_space<vmem_shared>>)
        tpu.yield
      }) : () -> ()
      %mul3A_147 = arith.constant 4 : i32
      %mul3A_148 = arith.muli %add3A_105, %mul3A_147 : i32
      %add3A_149 = arith.constant 2 : i32
      %add3A_150 = arith.addi %mul3A_148, %add3A_149 : i32
      %dma_start3A_151 = arith.constant 3 : i32
      %dma_start3A_152 = arith.constant 0 : i32
      %dma_start3A_153 = arith.constant 0 : i32
      %dma_start3A_154 = tpu.memref_slice %arg8[%dma_start3A_151, %dma_start3A_152, %dma_start3A_153] : memref<4x2x128xi32, #tpu.memory_space<vmem>> -> memref<1x1x128xi32, #tpu.memory_space<vmem>>
      %dma_start3A_155 = tpu.memref_squeeze %dma_start3A_154 : memref<1x1x128xi32, #tpu.memory_space<vmem>> -> memref<128xi32, #tpu.memory_space<vmem>>
      %dma_start3A_156 = arith.constant 0 : i32
      %dma_start3A_157 = arith.constant 0 : i32
      %dma_start3A_158 = tpu.memref_slice %arg2[%dma_start3A_156, %dma_start3A_157] : memref<10000x128xf32, #tpu.memory_space<hbm>> -> memref<10000x128xf32, #tpu.memory_space<hbm>>
      tpu.enqueue_indirect_dma source(%dma_start3A_158 : memref<10000x128xf32, #tpu.memory_space<hbm>>) target(%arg11 : memref<128x128xf32, #tpu.memory_space<vmem>>) offsets(%dma_start3A_155 : memref<128xi32, #tpu.memory_space<vmem>>) semaphore(%arg14 : memref<!tpu.dma_semaphore, #tpu.memory_space<semaphore_mem>>)
      %dma_wait3A_159 = arith.constant 0 : i32
      %dma_wait3A_160 = arith.constant 0 : i32
      %dma_wait3A_161 = tpu.memref_slice %arg2[%dma_wait3A_159, %dma_wait3A_160] : memref<10000x128xf32, #tpu.memory_space<hbm>> -> memref<128x128xf32, #tpu.memory_space<hbm>>
      %dma_wait3A_162 = arith.constant 0 : i32
      %dma_wait3A_163 = arith.constant 0 : i32
      %dma_wait3A_164 = tpu.memref_slice %arg2[%dma_wait3A_162, %dma_wait3A_163] : memref<10000x128xf32, #tpu.memory_space<hbm>> -> memref<128x128xf32, #tpu.memory_space<hbm>>
      tpu.wait_dma2 semaphore(%arg13 : memref<!tpu.dma_semaphore, #tpu.memory_space<semaphore_mem>>) src(%dma_wait3A_164 : memref<128x128xf32, #tpu.memory_space<hbm>>) dst(%arg10 : memref<128x128xf32, #tpu.memory_space<vmem>>)
      %run_scoped3A_165 = arith.constant 2 : i32
      %run_scoped3A_166 = arith.constant 1 : i32
      "tpu.region"() ({
        %run_scoped3A_273 = tpu.sem_alloc : memref<!tpu.dma_semaphore, #tpu.memory_space<semaphore_mem>>
        %dma_start3A_274 = arith.constant 0 : i32
        %dma_start3A_275 = tpu.memref_slice %arg8[%run_scoped3A_165, %run_scoped3A_166, %dma_start3A_274] : memref<4x2x128xi32, #tpu.memory_space<vmem>> -> memref<1x1x128xi32, #tpu.memory_space<vmem>>
        %dma_start3A_276 = tpu.memref_squeeze %dma_start3A_275 : memref<1x1x128xi32, #tpu.memory_space<vmem>> -> memref<128xi32, #tpu.memory_space<vmem>>
        %dma_start3A_277 = arith.constant 0 : i32
        %dma_start3A_278 = arith.constant 0 : i32
        %dma_start3A_279 = tpu.memref_slice %arg12[%dma_start3A_277, %dma_start3A_278] : memref<10112x128xf32, #tpu.memory_space<vmem_shared>> -> memref<10112x128xf32, #tpu.memory_space<vmem_shared>>
        tpu.enqueue_indirect_dma source(%arg10 : memref<128x128xf32, #tpu.memory_space<vmem>>) target(%dma_start3A_279 : memref<10112x128xf32, #tpu.memory_space<vmem_shared>>) offsets(%dma_start3A_276 : memref<128xi32, #tpu.memory_space<vmem>>) semaphore(%run_scoped3A_273 : memref<!tpu.dma_semaphore, #tpu.memory_space<semaphore_mem>>) {add = true}
        %dma_wait3A_280 = arith.constant 0 : i32
        %dma_wait3A_281 = tpu.memref_slice %arg8[%run_scoped3A_165, %run_scoped3A_166, %dma_wait3A_280] : memref<4x2x128xi32, #tpu.memory_space<vmem>> -> memref<1x1x128xi32, #tpu.memory_space<vmem>>
        %dma_wait3A_282 = tpu.memref_squeeze %dma_wait3A_281 : memref<1x1x128xi32, #tpu.memory_space<vmem>> -> memref<128xi32, #tpu.memory_space<vmem>>
        %dma_wait3A_283 = arith.constant 0 : i32
        %dma_wait3A_284 = arith.constant 0 : i32
        %dma_wait3A_285 = tpu.memref_slice %arg12[%dma_wait3A_283, %dma_wait3A_284] : memref<10112x128xf32, #tpu.memory_space<vmem_shared>> -> memref<10112x128xf32, #tpu.memory_space<vmem_shared>>
        tpu.wait_indirect_dma semaphore(%run_scoped3A_273 : memref<!tpu.dma_semaphore, #tpu.memory_space<semaphore_mem>>) src(%arg10 : memref<128x128xf32, #tpu.memory_space<vmem>>) dst(%dma_wait3A_285 : memref<10112x128xf32, #tpu.memory_space<vmem_shared>>)
        tpu.yield
      }) : () -> ()
      %mul3A_167 = arith.constant 4 : i32
      %mul3A_168 = arith.muli %add3A_105, %mul3A_167 : i32
      %add3A_169 = arith.constant 3 : i32
      %add3A_170 = arith.addi %mul3A_168, %add3A_169 : i32
      %add3A_171 = arith.constant 1 : i32
      %add3A_172 = arith.addi %add3A_170, %add3A_171 : i32
      %lt3A_173 = arith.cmpi slt, %add3A_172, %select_n3A_2 : i32
      %convert_element_type3A_174 = arith.extui %lt3A_173 : i1 to i32
      %cond3A_175 = arith.constant 0 : i32
      %cond3A_176 = arith.cmpi ne, %convert_element_type3A_174, %cond3A_175 : i32
      scf.if %cond3A_176 {
        %dma_wait3A_273 = arith.constant 0 : i32
        %dma_wait3A_274 = arith.constant 0 : i32
        %dma_wait3A_275 = arith.constant 0 : i32
        %dma_wait3A_276 = tpu.memref_slice %arg3[%dma_wait3A_273, %dma_wait3A_274, %dma_wait3A_275] : memref<2560x2x128xi32, #tpu.memory_space<hbm>> -> memref<4x2x128xi32, #tpu.memory_space<hbm>>
        %dma_wait3A_277 = arith.constant 0 : i32
        %dma_wait3A_278 = arith.constant 0 : i32
        %dma_wait3A_279 = arith.constant 0 : i32
        %dma_wait3A_280 = tpu.memref_slice %arg3[%dma_wait3A_277, %dma_wait3A_278, %dma_wait3A_279] : memref<2560x2x128xi32, #tpu.memory_space<hbm>> -> memref<4x2x128xi32, #tpu.memory_space<hbm>>
        tpu.wait_dma2 semaphore(%arg16 : memref<!tpu.dma_semaphore, #tpu.memory_space<semaphore_mem>>) src(%dma_wait3A_280 : memref<4x2x128xi32, #tpu.memory_space<hbm>>) dst(%arg9 : memref<4x2x128xi32, #tpu.memory_space<vmem>>)
        %dma_start3A_281 = arith.constant 0 : i32
        %dma_start3A_282 = arith.constant 0 : i32
        %dma_start3A_283 = arith.constant 0 : i32
        %dma_start3A_284 = tpu.memref_slice %arg9[%dma_start3A_281, %dma_start3A_282, %dma_start3A_283] : memref<4x2x128xi32, #tpu.memory_space<vmem>> -> memref<1x1x128xi32, #tpu.memory_space<vmem>>
        %dma_start3A_285 = tpu.memref_squeeze %dma_start3A_284 : memref<1x1x128xi32, #tpu.memory_space<vmem>> -> memref<128xi32, #tpu.memory_space<vmem>>
        %dma_start3A_286 = arith.constant 0 : i32
        %dma_start3A_287 = arith.constant 0 : i32
        %dma_start3A_288 = tpu.memref_slice %arg2[%dma_start3A_286, %dma_start3A_287] : memref<10000x128xf32, #tpu.memory_space<hbm>> -> memref<10000x128xf32, #tpu.memory_space<hbm>>
        tpu.enqueue_indirect_dma source(%dma_start3A_288 : memref<10000x128xf32, #tpu.memory_space<hbm>>) target(%arg10 : memref<128x128xf32, #tpu.memory_space<vmem>>) offsets(%dma_start3A_285 : memref<128xi32, #tpu.memory_space<vmem>>) semaphore(%arg13 : memref<!tpu.dma_semaphore, #tpu.memory_space<semaphore_mem>>)
      } else {
      }
      %dma_wait3A_177 = arith.constant 0 : i32
      %dma_wait3A_178 = arith.constant 0 : i32
      %dma_wait3A_179 = tpu.memref_slice %arg2[%dma_wait3A_177, %dma_wait3A_178] : memref<10000x128xf32, #tpu.memory_space<hbm>> -> memref<128x128xf32, #tpu.memory_space<hbm>>
      %dma_wait3A_180 = arith.constant 0 : i32
      %dma_wait3A_181 = arith.constant 0 : i32
      %dma_wait3A_182 = tpu.memref_slice %arg2[%dma_wait3A_180, %dma_wait3A_181] : memref<10000x128xf32, #tpu.memory_space<hbm>> -> memref<128x128xf32, #tpu.memory_space<hbm>>
      tpu.wait_dma2 semaphore(%arg14 : memref<!tpu.dma_semaphore, #tpu.memory_space<semaphore_mem>>) src(%dma_wait3A_182 : memref<128x128xf32, #tpu.memory_space<hbm>>) dst(%arg11 : memref<128x128xf32, #tpu.memory_space<vmem>>)
      %run_scoped3A_183 = arith.constant 3 : i32
      %run_scoped3A_184 = arith.constant 1 : i32
      "tpu.region"() ({
        %run_scoped3A_273 = tpu.sem_alloc : memref<!tpu.dma_semaphore, #tpu.memory_space<semaphore_mem>>
        %dma_start3A_274 = arith.constant 0 : i32
        %dma_start3A_275 = tpu.memref_slice %arg8[%run_scoped3A_183, %run_scoped3A_184, %dma_start3A_274] : memref<4x2x128xi32, #tpu.memory_space<vmem>> -> memref<1x1x128xi32, #tpu.memory_space<vmem>>
        %dma_start3A_276 = tpu.memref_squeeze %dma_start3A_275 : memref<1x1x128xi32, #tpu.memory_space<vmem>> -> memref<128xi32, #tpu.memory_space<vmem>>
        %dma_start3A_277 = arith.constant 0 : i32
        %dma_start3A_278 = arith.constant 0 : i32
        %dma_start3A_279 = tpu.memref_slice %arg12[%dma_start3A_277, %dma_start3A_278] : memref<10112x128xf32, #tpu.memory_space<vmem_shared>> -> memref<10112x128xf32, #tpu.memory_space<vmem_shared>>
        tpu.enqueue_indirect_dma source(%arg11 : memref<128x128xf32, #tpu.memory_space<vmem>>) target(%dma_start3A_279 : memref<10112x128xf32, #tpu.memory_space<vmem_shared>>) offsets(%dma_start3A_276 : memref<128xi32, #tpu.memory_space<vmem>>) semaphore(%run_scoped3A_273 : memref<!tpu.dma_semaphore, #tpu.memory_space<semaphore_mem>>) {add = true}
        %dma_wait3A_280 = arith.constant 0 : i32
        %dma_wait3A_281 = tpu.memref_slice %arg8[%run_scoped3A_183, %run_scoped3A_184, %dma_wait3A_280] : memref<4x2x128xi32, #tpu.memory_space<vmem>> -> memref<1x1x128xi32, #tpu.memory_space<vmem>>
        %dma_wait3A_282 = tpu.memref_squeeze %dma_wait3A_281 : memref<1x1x128xi32, #tpu.memory_space<vmem>> -> memref<128xi32, #tpu.memory_space<vmem>>
        %dma_wait3A_283 = arith.constant 0 : i32
        %dma_wait3A_284 = arith.constant 0 : i32
        %dma_wait3A_285 = tpu.memref_slice %arg12[%dma_wait3A_283, %dma_wait3A_284] : memref<10112x128xf32, #tpu.memory_space<vmem_shared>> -> memref<10112x128xf32, #tpu.memory_space<vmem_shared>>
        tpu.wait_indirect_dma semaphore(%run_scoped3A_273 : memref<!tpu.dma_semaphore, #tpu.memory_space<semaphore_mem>>) src(%arg11 : memref<128x128xf32, #tpu.memory_space<vmem>>) dst(%dma_wait3A_285 : memref<10112x128xf32, #tpu.memory_space<vmem_shared>>)
        tpu.yield
      }) : () -> ()
      %mul3A_185 = arith.constant 2 : i32
      %mul3A_186 = arith.muli %while3A_101, %mul3A_185 : i32
      %add3A_187 = arith.constant 1 : i32
      %add3A_188 = arith.addi %mul3A_186, %add3A_187 : i32
      %add3A_189 = arith.constant 1 : i32
      %add3A_190 = arith.addi %add3A_188, %add3A_189 : i32
      %lt3A_191 = arith.cmpi slt, %add3A_190, %select_n3A_21 : i32
      %convert_element_type3A_192 = arith.extui %lt3A_191 : i1 to i32
      %cond3A_193 = arith.constant 0 : i32
      %cond3A_194 = arith.cmpi ne, %convert_element_type3A_192, %cond3A_193 : i32
      scf.if %cond3A_194 {
        %add3A_273 = arith.constant 1 : i32
        %add3A_274 = arith.addi %add3A_188, %add3A_273 : i32
        %mul3A_275 = arith.constant 4 : i32
        %mul3A_276 = arith.muli %add3A_274, %mul3A_275 : i32
        %add3A_277 = arith.addi %add3A, %mul3A_276 : i32
        %dma_start3A_278 = arith.constant 0 : i32
        %dma_start3A_279 = arith.constant 0 : i32
        %dma_start3A_280 = tpu.memref_slice %arg3[%add3A_277, %dma_start3A_278, %dma_start3A_279] : memref<2560x2x128xi32, #tpu.memory_space<hbm>> -> memref<4x2x128xi32, #tpu.memory_space<hbm>>
        %dma_start3A_281 = arith.constant 0 : i32
        %dma_start3A_282 = arith.constant 0 : i32
        %dma_start3A_283 = tpu.memref_slice %arg3[%add3A_277, %dma_start3A_281, %dma_start3A_282] : memref<2560x2x128xi32, #tpu.memory_space<hbm>> -> memref<4x2x128xi32, #tpu.memory_space<hbm>>
        tpu.enqueue_dma source(%dma_start3A_283 : memref<4x2x128xi32, #tpu.memory_space<hbm>>) target(%arg8 : memref<4x2x128xi32, #tpu.memory_space<vmem>>) target_semaphore(%arg15 : memref<!tpu.dma_semaphore, #tpu.memory_space<semaphore_mem>>)
      } else {
      }
      %mul3A_195 = arith.constant 4 : i32
      %mul3A_196 = arith.muli %add3A_188, %mul3A_195 : i32
      %add3A_197 = arith.constant 0 : i32
      %add3A_198 = arith.addi %mul3A_196, %add3A_197 : i32
      %dma_start3A_199 = arith.constant 1 : i32
      %dma_start3A_200 = arith.constant 0 : i32
      %dma_start3A_201 = arith.constant 0 : i32
      %dma_start3A_202 = tpu.memref_slice %arg9[%dma_start3A_199, %dma_start3A_200, %dma_start3A_201] : memref<4x2x128xi32, #tpu.memory_space<vmem>> -> memref<1x1x128xi32, #tpu.memory_space<vmem>>
      %dma_start3A_203 = tpu.memref_squeeze %dma_start3A_202 : memref<1x1x128xi32, #tpu.memory_space<vmem>> -> memref<128xi32, #tpu.memory_space<vmem>>
      %dma_start3A_204 = arith.constant 0 : i32
      %dma_start3A_205 = arith.constant 0 : i32
      %dma_start3A_206 = tpu.memref_slice %arg2[%dma_start3A_204, %dma_start3A_205] : memref<10000x128xf32, #tpu.memory_space<hbm>> -> memref<10000x128xf32, #tpu.memory_space<hbm>>
      tpu.enqueue_indirect_dma source(%dma_start3A_206 : memref<10000x128xf32, #tpu.memory_space<hbm>>) target(%arg11 : memref<128x128xf32, #tpu.memory_space<vmem>>) offsets(%dma_start3A_203 : memref<128xi32, #tpu.memory_space<vmem>>) semaphore(%arg14 : memref<!tpu.dma_semaphore, #tpu.memory_space<semaphore_mem>>)
      %dma_wait3A_207 = arith.constant 0 : i32
      %dma_wait3A_208 = arith.constant 0 : i32
      %dma_wait3A_209 = tpu.memref_slice %arg2[%dma_wait3A_207, %dma_wait3A_208] : memref<10000x128xf32, #tpu.memory_space<hbm>> -> memref<128x128xf32, #tpu.memory_space<hbm>>
      %dma_wait3A_210 = arith.constant 0 : i32
      %dma_wait3A_211 = arith.constant 0 : i32
      %dma_wait3A_212 = tpu.memref_slice %arg2[%dma_wait3A_210, %dma_wait3A_211] : memref<10000x128xf32, #tpu.memory_space<hbm>> -> memref<128x128xf32, #tpu.memory_space<hbm>>
      tpu.wait_dma2 semaphore(%arg13 : memref<!tpu.dma_semaphore, #tpu.memory_space<semaphore_mem>>) src(%dma_wait3A_212 : memref<128x128xf32, #tpu.memory_space<hbm>>) dst(%arg10 : memref<128x128xf32, #tpu.memory_space<vmem>>)
      %run_scoped3A_213 = arith.constant 0 : i32
      %run_scoped3A_214 = arith.constant 1 : i32
      "tpu.region"() ({
        %run_scoped3A_273 = tpu.sem_alloc : memref<!tpu.dma_semaphore, #tpu.memory_space<semaphore_mem>>
        %dma_start3A_274 = arith.constant 0 : i32
        %dma_start3A_275 = tpu.memref_slice %arg9[%run_scoped3A_213, %run_scoped3A_214, %dma_start3A_274] : memref<4x2x128xi32, #tpu.memory_space<vmem>> -> memref<1x1x128xi32, #tpu.memory_space<vmem>>
        %dma_start3A_276 = tpu.memref_squeeze %dma_start3A_275 : memref<1x1x128xi32, #tpu.memory_space<vmem>> -> memref<128xi32, #tpu.memory_space<vmem>>
        %dma_start3A_277 = arith.constant 0 : i32
        %dma_start3A_278 = arith.constant 0 : i32
        %dma_start3A_279 = tpu.memref_slice %arg12[%dma_start3A_277, %dma_start3A_278] : memref<10112x128xf32, #tpu.memory_space<vmem_shared>> -> memref<10112x128xf32, #tpu.memory_space<vmem_shared>>
        tpu.enqueue_indirect_dma source(%arg10 : memref<128x128xf32, #tpu.memory_space<vmem>>) target(%dma_start3A_279 : memref<10112x128xf32, #tpu.memory_space<vmem_shared>>) offsets(%dma_start3A_276 : memref<128xi32, #tpu.memory_space<vmem>>) semaphore(%run_scoped3A_273 : memref<!tpu.dma_semaphore, #tpu.memory_space<semaphore_mem>>) {add = true}
        %dma_wait3A_280 = arith.constant 0 : i32
        %dma_wait3A_281 = tpu.memref_slice %arg9[%run_scoped3A_213, %run_scoped3A_214, %dma_wait3A_280] : memref<4x2x128xi32, #tpu.memory_space<vmem>> -> memref<1x1x128xi32, #tpu.memory_space<vmem>>
        %dma_wait3A_282 = tpu.memref_squeeze %dma_wait3A_281 : memref<1x1x128xi32, #tpu.memory_space<vmem>> -> memref<128xi32, #tpu.memory_space<vmem>>
        %dma_wait3A_283 = arith.constant 0 : i32
        %dma_wait3A_284 = arith.constant 0 : i32
        %dma_wait3A_285 = tpu.memref_slice %arg12[%dma_wait3A_283, %dma_wait3A_284] : memref<10112x128xf32, #tpu.memory_space<vmem_shared>> -> memref<10112x128xf32, #tpu.memory_space<vmem_shared>>
        tpu.wait_indirect_dma semaphore(%run_scoped3A_273 : memref<!tpu.dma_semaphore, #tpu.memory_space<semaphore_mem>>) src(%arg10 : memref<128x128xf32, #tpu.memory_space<vmem>>) dst(%dma_wait3A_285 : memref<10112x128xf32, #tpu.memory_space<vmem_shared>>)
        tpu.yield
      }) : () -> ()
      %mul3A_215 = arith.constant 4 : i32
      %mul3A_216 = arith.muli %add3A_188, %mul3A_215 : i32
      %add3A_217 = arith.constant 1 : i32
      %add3A_218 = arith.addi %mul3A_216, %add3A_217 : i32
      %dma_start3A_219 = arith.constant 2 : i32
      %dma_start3A_220 = arith.constant 0 : i32
      %dma_start3A_221 = arith.constant 0 : i32
      %dma_start3A_222 = tpu.memref_slice %arg9[%dma_start3A_219, %dma_start3A_220, %dma_start3A_221] : memref<4x2x128xi32, #tpu.memory_space<vmem>> -> memref<1x1x128xi32, #tpu.memory_space<vmem>>
      %dma_start3A_223 = tpu.memref_squeeze %dma_start3A_222 : memref<1x1x128xi32, #tpu.memory_space<vmem>> -> memref<128xi32, #tpu.memory_space<vmem>>
      %dma_start3A_224 = arith.constant 0 : i32
      %dma_start3A_225 = arith.constant 0 : i32
      %dma_start3A_226 = tpu.memref_slice %arg2[%dma_start3A_224, %dma_start3A_225] : memref<10000x128xf32, #tpu.memory_space<hbm>> -> memref<10000x128xf32, #tpu.memory_space<hbm>>
      tpu.enqueue_indirect_dma source(%dma_start3A_226 : memref<10000x128xf32, #tpu.memory_space<hbm>>) target(%arg10 : memref<128x128xf32, #tpu.memory_space<vmem>>) offsets(%dma_start3A_223 : memref<128xi32, #tpu.memory_space<vmem>>) semaphore(%arg13 : memref<!tpu.dma_semaphore, #tpu.memory_space<semaphore_mem>>)
      %dma_wait3A_227 = arith.constant 0 : i32
      %dma_wait3A_228 = arith.constant 0 : i32
      %dma_wait3A_229 = tpu.memref_slice %arg2[%dma_wait3A_227, %dma_wait3A_228] : memref<10000x128xf32, #tpu.memory_space<hbm>> -> memref<128x128xf32, #tpu.memory_space<hbm>>
      %dma_wait3A_230 = arith.constant 0 : i32
      %dma_wait3A_231 = arith.constant 0 : i32
      %dma_wait3A_232 = tpu.memref_slice %arg2[%dma_wait3A_230, %dma_wait3A_231] : memref<10000x128xf32, #tpu.memory_space<hbm>> -> memref<128x128xf32, #tpu.memory_space<hbm>>
      tpu.wait_dma2 semaphore(%arg14 : memref<!tpu.dma_semaphore, #tpu.memory_space<semaphore_mem>>) src(%dma_wait3A_232 : memref<128x128xf32, #tpu.memory_space<hbm>>) dst(%arg11 : memref<128x128xf32, #tpu.memory_space<vmem>>)
      %run_scoped3A_233 = arith.constant 1 : i32
      %run_scoped3A_234 = arith.constant 1 : i32
      "tpu.region"() ({
        %run_scoped3A_273 = tpu.sem_alloc : memref<!tpu.dma_semaphore, #tpu.memory_space<semaphore_mem>>
        %dma_start3A_274 = arith.constant 0 : i32
        %dma_start3A_275 = tpu.memref_slice %arg9[%run_scoped3A_233, %run_scoped3A_234, %dma_start3A_274] : memref<4x2x128xi32, #tpu.memory_space<vmem>> -> memref<1x1x128xi32, #tpu.memory_space<vmem>>
        %dma_start3A_276 = tpu.memref_squeeze %dma_start3A_275 : memref<1x1x128xi32, #tpu.memory_space<vmem>> -> memref<128xi32, #tpu.memory_space<vmem>>
        %dma_start3A_277 = arith.constant 0 : i32
        %dma_start3A_278 = arith.constant 0 : i32
        %dma_start3A_279 = tpu.memref_slice %arg12[%dma_start3A_277, %dma_start3A_278] : memref<10112x128xf32, #tpu.memory_space<vmem_shared>> -> memref<10112x128xf32, #tpu.memory_space<vmem_shared>>
        tpu.enqueue_indirect_dma source(%arg11 : memref<128x128xf32, #tpu.memory_space<vmem>>) target(%dma_start3A_279 : memref<10112x128xf32, #tpu.memory_space<vmem_shared>>) offsets(%dma_start3A_276 : memref<128xi32, #tpu.memory_space<vmem>>) semaphore(%run_scoped3A_273 : memref<!tpu.dma_semaphore, #tpu.memory_space<semaphore_mem>>) {add = true}
        %dma_wait3A_280 = arith.constant 0 : i32
        %dma_wait3A_281 = tpu.memref_slice %arg9[%run_scoped3A_233, %run_scoped3A_234, %dma_wait3A_280] : memref<4x2x128xi32, #tpu.memory_space<vmem>> -> memref<1x1x128xi32, #tpu.memory_space<vmem>>
        %dma_wait3A_282 = tpu.memref_squeeze %dma_wait3A_281 : memref<1x1x128xi32, #tpu.memory_space<vmem>> -> memref<128xi32, #tpu.memory_space<vmem>>
        %dma_wait3A_283 = arith.constant 0 : i32
        %dma_wait3A_284 = arith.constant 0 : i32
        %dma_wait3A_285 = tpu.memref_slice %arg12[%dma_wait3A_283, %dma_wait3A_284] : memref<10112x128xf32, #tpu.memory_space<vmem_shared>> -> memref<10112x128xf32, #tpu.memory_space<vmem_shared>>
        tpu.wait_indirect_dma semaphore(%run_scoped3A_273 : memref<!tpu.dma_semaphore, #tpu.memory_space<semaphore_mem>>) src(%arg11 : memref<128x128xf32, #tpu.memory_space<vmem>>) dst(%dma_wait3A_285 : memref<10112x128xf32, #tpu.memory_space<vmem_shared>>)
        tpu.yield
      }) : () -> ()
      %mul3A_235 = arith.constant 4 : i32
      %mul3A_236 = arith.muli %add3A_188, %mul3A_235 : i32
      %add3A_237 = arith.constant 2 : i32
      %add3A_238 = arith.addi %mul3A_236, %add3A_237 : i32
      %dma_start3A_239 = arith.constant 3 : i32
      %dma_start3A_240 = arith.constant 0 : i32
      %dma_start3A_241 = arith.constant 0 : i32
      %dma_start3A_242 = tpu.memref_slice %arg9[%dma_start3A_239, %dma_start3A_240, %dma_start3A_241] : memref<4x2x128xi32, #tpu.memory_space<vmem>> -> memref<1x1x128xi32, #tpu.memory_space<vmem>>
      %dma_start3A_243 = tpu.memref_squeeze %dma_start3A_242 : memref<1x1x128xi32, #tpu.memory_space<vmem>> -> memref<128xi32, #tpu.memory_space<vmem>>
      %dma_start3A_244 = arith.constant 0 : i32
      %dma_start3A_245 = arith.constant 0 : i32
      %dma_start3A_246 = tpu.memref_slice %arg2[%dma_start3A_244, %dma_start3A_245] : memref<10000x128xf32, #tpu.memory_space<hbm>> -> memref<10000x128xf32, #tpu.memory_space<hbm>>
      tpu.enqueue_indirect_dma source(%dma_start3A_246 : memref<10000x128xf32, #tpu.memory_space<hbm>>) target(%arg11 : memref<128x128xf32, #tpu.memory_space<vmem>>) offsets(%dma_start3A_243 : memref<128xi32, #tpu.memory_space<vmem>>) semaphore(%arg14 : memref<!tpu.dma_semaphore, #tpu.memory_space<semaphore_mem>>)
      %dma_wait3A_247 = arith.constant 0 : i32
      %dma_wait3A_248 = arith.constant 0 : i32
      %dma_wait3A_249 = tpu.memref_slice %arg2[%dma_wait3A_247, %dma_wait3A_248] : memref<10000x128xf32, #tpu.memory_space<hbm>> -> memref<128x128xf32, #tpu.memory_space<hbm>>
      %dma_wait3A_250 = arith.constant 0 : i32
      %dma_wait3A_251 = arith.constant 0 : i32
      %dma_wait3A_252 = tpu.memref_slice %arg2[%dma_wait3A_250, %dma_wait3A_251] : memref<10000x128xf32, #tpu.memory_space<hbm>> -> memref<128x128xf32, #tpu.memory_space<hbm>>
      tpu.wait_dma2 semaphore(%arg13 : memref<!tpu.dma_semaphore, #tpu.memory_space<semaphore_mem>>) src(%dma_wait3A_252 : memref<128x128xf32, #tpu.memory_space<hbm>>) dst(%arg10 : memref<128x128xf32, #tpu.memory_space<vmem>>)
      %run_scoped3A_253 = arith.constant 2 : i32
      %run_scoped3A_254 = arith.constant 1 : i32
      "tpu.region"() ({
        %run_scoped3A_273 = tpu.sem_alloc : memref<!tpu.dma_semaphore, #tpu.memory_space<semaphore_mem>>
        %dma_start3A_274 = arith.constant 0 : i32
        %dma_start3A_275 = tpu.memref_slice %arg9[%run_scoped3A_253, %run_scoped3A_254, %dma_start3A_274] : memref<4x2x128xi32, #tpu.memory_space<vmem>> -> memref<1x1x128xi32, #tpu.memory_space<vmem>>
        %dma_start3A_276 = tpu.memref_squeeze %dma_start3A_275 : memref<1x1x128xi32, #tpu.memory_space<vmem>> -> memref<128xi32, #tpu.memory_space<vmem>>
        %dma_start3A_277 = arith.constant 0 : i32
        %dma_start3A_278 = arith.constant 0 : i32
        %dma_start3A_279 = tpu.memref_slice %arg12[%dma_start3A_277, %dma_start3A_278] : memref<10112x128xf32, #tpu.memory_space<vmem_shared>> -> memref<10112x128xf32, #tpu.memory_space<vmem_shared>>
        tpu.enqueue_indirect_dma source(%arg10 : memref<128x128xf32, #tpu.memory_space<vmem>>) target(%dma_start3A_279 : memref<10112x128xf32, #tpu.memory_space<vmem_shared>>) offsets(%dma_start3A_276 : memref<128xi32, #tpu.memory_space<vmem>>) semaphore(%run_scoped3A_273 : memref<!tpu.dma_semaphore, #tpu.memory_space<semaphore_mem>>) {add = true}
        %dma_wait3A_280 = arith.constant 0 : i32
        %dma_wait3A_281 = tpu.memref_slice %arg9[%run_scoped3A_253, %run_scoped3A_254, %dma_wait3A_280] : memref<4x2x128xi32, #tpu.memory_space<vmem>> -> memref<1x1x128xi32, #tpu.memory_space<vmem>>
        %dma_wait3A_282 = tpu.memref_squeeze %dma_wait3A_281 : memref<1x1x128xi32, #tpu.memory_space<vmem>> -> memref<128xi32, #tpu.memory_space<vmem>>
        %dma_wait3A_283 = arith.constant 0 : i32
        %dma_wait3A_284 = arith.constant 0 : i32
        %dma_wait3A_285 = tpu.memref_slice %arg12[%dma_wait3A_283, %dma_wait3A_284] : memref<10112x128xf32, #tpu.memory_space<vmem_shared>> -> memref<10112x128xf32, #tpu.memory_space<vmem_shared>>
        tpu.wait_indirect_dma semaphore(%run_scoped3A_273 : memref<!tpu.dma_semaphore, #tpu.memory_space<semaphore_mem>>) src(%arg10 : memref<128x128xf32, #tpu.memory_space<vmem>>) dst(%dma_wait3A_285 : memref<10112x128xf32, #tpu.memory_space<vmem_shared>>)
        tpu.yield
      }) : () -> ()
      %mul3A_255 = arith.constant 4 : i32
      %mul3A_256 = arith.muli %add3A_188, %mul3A_255 : i32
      %add3A_257 = arith.constant 3 : i32
      %add3A_258 = arith.addi %mul3A_256, %add3A_257 : i32
      %add3A_259 = arith.constant 1 : i32
      %add3A_260 = arith.addi %add3A_258, %add3A_259 : i32
      %lt3A_261 = arith.cmpi slt, %add3A_260, %select_n3A_2 : i32
      %convert_element_type3A_262 = arith.extui %lt3A_261 : i1 to i32
      %cond3A_263 = arith.constant 0 : i32
      %cond3A_264 = arith.cmpi ne, %convert_element_type3A_262, %cond3A_263 : i32
      scf.if %cond3A_264 {
        %dma_wait3A_273 = arith.constant 0 : i32
        %dma_wait3A_274 = arith.constant 0 : i32
        %dma_wait3A_275 = arith.constant 0 : i32
        %dma_wait3A_276 = tpu.memref_slice %arg3[%dma_wait3A_273, %dma_wait3A_274, %dma_wait3A_275] : memref<2560x2x128xi32, #tpu.memory_space<hbm>> -> memref<4x2x128xi32, #tpu.memory_space<hbm>>
        %dma_wait3A_277 = arith.constant 0 : i32
        %dma_wait3A_278 = arith.constant 0 : i32
        %dma_wait3A_279 = arith.constant 0 : i32
        %dma_wait3A_280 = tpu.memref_slice %arg3[%dma_wait3A_277, %dma_wait3A_278, %dma_wait3A_279] : memref<2560x2x128xi32, #tpu.memory_space<hbm>> -> memref<4x2x128xi32, #tpu.memory_space<hbm>>
        tpu.wait_dma2 semaphore(%arg15 : memref<!tpu.dma_semaphore, #tpu.memory_space<semaphore_mem>>) src(%dma_wait3A_280 : memref<4x2x128xi32, #tpu.memory_space<hbm>>) dst(%arg8 : memref<4x2x128xi32, #tpu.memory_space<vmem>>)
        %dma_start3A_281 = arith.constant 0 : i32
        %dma_start3A_282 = arith.constant 0 : i32
        %dma_start3A_283 = arith.constant 0 : i32
        %dma_start3A_284 = tpu.memref_slice %arg8[%dma_start3A_281, %dma_start3A_282, %dma_start3A_283] : memref<4x2x128xi32, #tpu.memory_space<vmem>> -> memref<1x1x128xi32, #tpu.memory_space<vmem>>
        %dma_start3A_285 = tpu.memref_squeeze %dma_start3A_284 : memref<1x1x128xi32, #tpu.memory_space<vmem>> -> memref<128xi32, #tpu.memory_space<vmem>>
        %dma_start3A_286 = arith.constant 0 : i32
        %dma_start3A_287 = arith.constant 0 : i32
        %dma_start3A_288 = tpu.memref_slice %arg2[%dma_start3A_286, %dma_start3A_287] : memref<10000x128xf32, #tpu.memory_space<hbm>> -> memref<10000x128xf32, #tpu.memory_space<hbm>>
        tpu.enqueue_indirect_dma source(%dma_start3A_288 : memref<10000x128xf32, #tpu.memory_space<hbm>>) target(%arg10 : memref<128x128xf32, #tpu.memory_space<vmem>>) offsets(%dma_start3A_285 : memref<128xi32, #tpu.memory_space<vmem>>) semaphore(%arg13 : memref<!tpu.dma_semaphore, #tpu.memory_space<semaphore_mem>>)
      } else {
      }
      %dma_wait3A_265 = arith.constant 0 : i32
      %dma_wait3A_266 = arith.constant 0 : i32
      %dma_wait3A_267 = tpu.memref_slice %arg2[%dma_wait3A_265, %dma_wait3A_266] : memref<10000x128xf32, #tpu.memory_space<hbm>> -> memref<128x128xf32, #tpu.memory_space<hbm>>
      %dma_wait3A_268 = arith.constant 0 : i32
      %dma_wait3A_269 = arith.constant 0 : i32
      %dma_wait3A_270 = tpu.memref_slice %arg2[%dma_wait3A_268, %dma_wait3A_269] : memref<10000x128xf32, #tpu.memory_space<hbm>> -> memref<128x128xf32, #tpu.memory_space<hbm>>
      tpu.wait_dma2 semaphore(%arg14 : memref<!tpu.dma_semaphore, #tpu.memory_space<semaphore_mem>>) src(%dma_wait3A_270 : memref<128x128xf32, #tpu.memory_space<hbm>>) dst(%arg11 : memref<128x128xf32, #tpu.memory_space<vmem>>)
      %run_scoped3A_271 = arith.constant 3 : i32
      %run_scoped3A_272 = arith.constant 1 : i32
      "tpu.region"() ({
        %run_scoped3A_273 = tpu.sem_alloc : memref<!tpu.dma_semaphore, #tpu.memory_space<semaphore_mem>>
        %dma_start3A_274 = arith.constant 0 : i32
        %dma_start3A_275 = tpu.memref_slice %arg9[%run_scoped3A_271, %run_scoped3A_272, %dma_start3A_274] : memref<4x2x128xi32, #tpu.memory_space<vmem>> -> memref<1x1x128xi32, #tpu.memory_space<vmem>>
        %dma_start3A_276 = tpu.memref_squeeze %dma_start3A_275 : memref<1x1x128xi32, #tpu.memory_space<vmem>> -> memref<128xi32, #tpu.memory_space<vmem>>
        %dma_start3A_277 = arith.constant 0 : i32
        %dma_start3A_278 = arith.constant 0 : i32
        %dma_start3A_279 = tpu.memref_slice %arg12[%dma_start3A_277, %dma_start3A_278] : memref<10112x128xf32, #tpu.memory_space<vmem_shared>> -> memref<10112x128xf32, #tpu.memory_space<vmem_shared>>
        tpu.enqueue_indirect_dma source(%arg11 : memref<128x128xf32, #tpu.memory_space<vmem>>) target(%dma_start3A_279 : memref<10112x128xf32, #tpu.memory_space<vmem_shared>>) offsets(%dma_start3A_276 : memref<128xi32, #tpu.memory_space<vmem>>) semaphore(%run_scoped3A_273 : memref<!tpu.dma_semaphore, #tpu.memory_space<semaphore_mem>>) {add = true}
        %dma_wait3A_280 = arith.constant 0 : i32
        %dma_wait3A_281 = tpu.memref_slice %arg9[%run_scoped3A_271, %run_scoped3A_272, %dma_wait3A_280] : memref<4x2x128xi32, #tpu.memory_space<vmem>> -> memref<1x1x128xi32, #tpu.memory_space<vmem>>
        %dma_wait3A_282 = tpu.memref_squeeze %dma_wait3A_281 : memref<1x1x128xi32, #tpu.memory_space<vmem>> -> memref<128xi32, #tpu.memory_space<vmem>>
        %dma_wait3A_283 = arith.constant 0 : i32
        %dma_wait3A_284 = arith.constant 0 : i32
        %dma_wait3A_285 = tpu.memref_slice %arg12[%dma_wait3A_283, %dma_wait3A_284] : memref<10112x128xf32, #tpu.memory_space<vmem_shared>> -> memref<10112x128xf32, #tpu.memory_space<vmem_shared>>
        tpu.wait_indirect_dma semaphore(%run_scoped3A_273 : memref<!tpu.dma_semaphore, #tpu.memory_space<semaphore_mem>>) src(%arg11 : memref<128x128xf32, #tpu.memory_space<vmem>>) dst(%dma_wait3A_285 : memref<10112x128xf32, #tpu.memory_space<vmem_shared>>)
        tpu.yield
      }) : () -> ()
    }
    %while3A_99 = arith.constant 1 : i32
    scf.for %while3A_101 = %while3A_97 to %while3A_93 step %while3A_99  : i32 {
      %mul3A_102 = arith.constant 2 : i32
      %mul3A_103 = arith.muli %while3A_101, %mul3A_102 : i32
      %add3A_104 = arith.constant 0 : i32
      %add3A_105 = arith.addi %mul3A_103, %add3A_104 : i32
      %add3A_106 = arith.constant 1 : i32
      %add3A_107 = arith.addi %add3A_105, %add3A_106 : i32
      %lt3A = arith.cmpi slt, %add3A_107, %select_n3A_21 : i32
      %convert_element_type3A = arith.extui %lt3A : i1 to i32
      %cond3A = arith.constant 0 : i32
      %cond3A_108 = arith.cmpi ne, %convert_element_type3A, %cond3A : i32
      scf.if %cond3A_108 {
        %add3A_273 = arith.constant 1 : i32
        %add3A_274 = arith.addi %add3A_105, %add3A_273 : i32
        %mul3A_275 = arith.constant 4 : i32
        %mul3A_276 = arith.muli %add3A_274, %mul3A_275 : i32
        %add3A_277 = arith.addi %add3A, %mul3A_276 : i32
        %dma_start3A_278 = arith.constant 0 : i32
        %dma_start3A_279 = arith.constant 0 : i32
        %dma_start3A_280 = tpu.memref_slice %arg3[%add3A_277, %dma_start3A_278, %dma_start3A_279] : memref<2560x2x128xi32, #tpu.memory_space<hbm>> -> memref<4x2x128xi32, #tpu.memory_space<hbm>>
        %dma_start3A_281 = arith.constant 0 : i32
        %dma_start3A_282 = arith.constant 0 : i32
        %dma_start3A_283 = tpu.memref_slice %arg3[%add3A_277, %dma_start3A_281, %dma_start3A_282] : memref<2560x2x128xi32, #tpu.memory_space<hbm>> -> memref<4x2x128xi32, #tpu.memory_space<hbm>>
        tpu.enqueue_dma source(%dma_start3A_283 : memref<4x2x128xi32, #tpu.memory_space<hbm>>) target(%arg9 : memref<4x2x128xi32, #tpu.memory_space<vmem>>) target_semaphore(%arg16 : memref<!tpu.dma_semaphore, #tpu.memory_space<semaphore_mem>>)
      } else {
      }
      %mul3A_109 = arith.constant 4 : i32
      %mul3A_110 = arith.muli %add3A_105, %mul3A_109 : i32
      %add3A_111 = arith.constant 0 : i32
      %add3A_112 = arith.addi %mul3A_110, %add3A_111 : i32
      %dma_start3A_113 = arith.constant 1 : i32
      %dma_start3A_114 = arith.constant 0 : i32
      %dma_start3A_115 = arith.constant 0 : i32
      %dma_start3A_116 = tpu.memref_slice %arg8[%dma_start3A_113, %dma_start3A_114, %dma_start3A_115] : memref<4x2x128xi32, #tpu.memory_space<vmem>> -> memref<1x1x128xi32, #tpu.memory_space<vmem>>
      %dma_start3A_117 = tpu.memref_squeeze %dma_start3A_116 : memref<1x1x128xi32, #tpu.memory_space<vmem>> -> memref<128xi32, #tpu.memory_space<vmem>>
      %dma_start3A_118 = arith.constant 0 : i32
      %dma_start3A_119 = arith.constant 0 : i32
      %dma_start3A_120 = tpu.memref_slice %arg2[%dma_start3A_118, %dma_start3A_119] : memref<10000x128xf32, #tpu.memory_space<hbm>> -> memref<10000x128xf32, #tpu.memory_space<hbm>>
      tpu.enqueue_indirect_dma source(%dma_start3A_120 : memref<10000x128xf32, #tpu.memory_space<hbm>>) target(%arg11 : memref<128x128xf32, #tpu.memory_space<vmem>>) offsets(%dma_start3A_117 : memref<128xi32, #tpu.memory_space<vmem>>) semaphore(%arg14 : memref<!tpu.dma_semaphore, #tpu.memory_space<semaphore_mem>>)
      %dma_wait3A = arith.constant 0 : i32
      %dma_wait3A_121 = arith.constant 0 : i32
      %dma_wait3A_122 = tpu.memref_slice %arg2[%dma_wait3A, %dma_wait3A_121] : memref<10000x128xf32, #tpu.memory_space<hbm>> -> memref<128x128xf32, #tpu.memory_space<hbm>>
      %dma_wait3A_123 = arith.constant 0 : i32
      %dma_wait3A_124 = arith.constant 0 : i32
      %dma_wait3A_125 = tpu.memref_slice %arg2[%dma_wait3A_123, %dma_wait3A_124] : memref<10000x128xf32, #tpu.memory_space<hbm>> -> memref<128x128xf32, #tpu.memory_space<hbm>>
      tpu.wait_dma2 semaphore(%arg13 : memref<!tpu.dma_semaphore, #tpu.memory_space<semaphore_mem>>) src(%dma_wait3A_125 : memref<128x128xf32, #tpu.memory_space<hbm>>) dst(%arg10 : memref<128x128xf32, #tpu.memory_space<vmem>>)
      %run_scoped3A = arith.constant 0 : i32
      %run_scoped3A_126 = arith.constant 1 : i32
      "tpu.region"() ({
        %run_scoped3A_273 = tpu.sem_alloc : memref<!tpu.dma_semaphore, #tpu.memory_space<semaphore_mem>>
        %dma_start3A_274 = arith.constant 0 : i32
        %dma_start3A_275 = tpu.memref_slice %arg8[%run_scoped3A, %run_scoped3A_126, %dma_start3A_274] : memref<4x2x128xi32, #tpu.memory_space<vmem>> -> memref<1x1x128xi32, #tpu.memory_space<vmem>>
        %dma_start3A_276 = tpu.memref_squeeze %dma_start3A_275 : memref<1x1x128xi32, #tpu.memory_space<vmem>> -> memref<128xi32, #tpu.memory_space<vmem>>
        %dma_start3A_277 = arith.constant 0 : i32
        %dma_start3A_278 = arith.constant 0 : i32
        %dma_start3A_279 = tpu.memref_slice %arg12[%dma_start3A_277, %dma_start3A_278] : memref<10112x128xf32, #tpu.memory_space<vmem_shared>> -> memref<10112x128xf32, #tpu.memory_space<vmem_shared>>
        tpu.enqueue_indirect_dma source(%arg10 : memref<128x128xf32, #tpu.memory_space<vmem>>) target(%dma_start3A_279 : memref<10112x128xf32, #tpu.memory_space<vmem_shared>>) offsets(%dma_start3A_276 : memref<128xi32, #tpu.memory_space<vmem>>) semaphore(%run_scoped3A_273 : memref<!tpu.dma_semaphore, #tpu.memory_space<semaphore_mem>>) {add = true}
        %dma_wait3A_280 = arith.constant 0 : i32
        %dma_wait3A_281 = tpu.memref_slice %arg8[%run_scoped3A, %run_scoped3A_126, %dma_wait3A_280] : memref<4x2x128xi32, #tpu.memory_space<vmem>> -> memref<1x1x128xi32, #tpu.memory_space<vmem>>
        %dma_wait3A_282 = tpu.memref_squeeze %dma_wait3A_281 : memref<1x1x128xi32, #tpu.memory_space<vmem>> -> memref<128xi32, #tpu.memory_space<vmem>>
        %dma_wait3A_283 = arith.constant 0 : i32
        %dma_wait3A_284 = arith.constant 0 : i32
        %dma_wait3A_285 = tpu.memref_slice %arg12[%dma_wait3A_283, %dma_wait3A_284] : memref<10112x128xf32, #tpu.memory_space<vmem_shared>> -> memref<10112x128xf32, #tpu.memory_space<vmem_shared>>
        tpu.wait_indirect_dma semaphore(%run_scoped3A_273 : memref<!tpu.dma_semaphore, #tpu.memory_space<semaphore_mem>>) src(%arg10 : memref<128x128xf32, #tpu.memory_space<vmem>>) dst(%dma_wait3A_285 : memref<10112x128xf32, #tpu.memory_space<vmem_shared>>)
        tpu.yield
      }) : () -> ()
      %mul3A_127 = arith.constant 4 : i32
      %mul3A_128 = arith.muli %add3A_105, %mul3A_127 : i32
      %add3A_129 = arith.constant 1 : i32
      %add3A_130 = arith.addi %mul3A_128, %add3A_129 : i32
      %dma_start3A_131 = arith.constant 2 : i32
      %dma_start3A_132 = arith.constant 0 : i32
      %dma_start3A_133 = arith.constant 0 : i32
      %dma_start3A_134 = tpu.memref_slice %arg8[%dma_start3A_131, %dma_start3A_132, %dma_start3A_133] : memref<4x2x128xi32, #tpu.memory_space<vmem>> -> memref<1x1x128xi32, #tpu.memory_space<vmem>>
      %dma_start3A_135 = tpu.memref_squeeze %dma_start3A_134 : memref<1x1x128xi32, #tpu.memory_space<vmem>> -> memref<128xi32, #tpu.memory_space<vmem>>
      %dma_start3A_136 = arith.constant 0 : i32
      %dma_start3A_137 = arith.constant 0 : i32
      %dma_start3A_138 = tpu.memref_slice %arg2[%dma_start3A_136, %dma_start3A_137] : memref<10000x128xf32, #tpu.memory_space<hbm>> -> memref<10000x128xf32, #tpu.memory_space<hbm>>
      tpu.enqueue_indirect_dma source(%dma_start3A_138 : memref<10000x128xf32, #tpu.memory_space<hbm>>) target(%arg10 : memref<128x128xf32, #tpu.memory_space<vmem>>) offsets(%dma_start3A_135 : memref<128xi32, #tpu.memory_space<vmem>>) semaphore(%arg13 : memref<!tpu.dma_semaphore, #tpu.memory_space<semaphore_mem>>)
      %dma_wait3A_139 = arith.constant 0 : i32
      %dma_wait3A_140 = arith.constant 0 : i32
      %dma_wait3A_141 = tpu.memref_slice %arg2[%dma_wait3A_139, %dma_wait3A_140] : memref<10000x128xf32, #tpu.memory_space<hbm>> -> memref<128x128xf32, #tpu.memory_space<hbm>>
      %dma_wait3A_142 = arith.constant 0 : i32
      %dma_wait3A_143 = arith.constant 0 : i32
      %dma_wait3A_144 = tpu.memref_slice %arg2[%dma_wait3A_142, %dma_wait3A_143] : memref<10000x128xf32, #tpu.memory_space<hbm>> -> memref<128x128xf32, #tpu.memory_space<hbm>>
      tpu.wait_dma2 semaphore(%arg14 : memref<!tpu.dma_semaphore, #tpu.memory_space<semaphore_mem>>) src(%dma_wait3A_144 : memref<128x128xf32, #tpu.memory_space<hbm>>) dst(%arg11 : memref<128x128xf32, #tpu.memory_space<vmem>>)
      %run_scoped3A_145 = arith.constant 1 : i32
      %run_scoped3A_146 = arith.constant 1 : i32
      "tpu.region"() ({
        %run_scoped3A_273 = tpu.sem_alloc : memref<!tpu.dma_semaphore, #tpu.memory_space<semaphore_mem>>
        %dma_start3A_274 = arith.constant 0 : i32
        %dma_start3A_275 = tpu.memref_slice %arg8[%run_scoped3A_145, %run_scoped3A_146, %dma_start3A_274] : memref<4x2x128xi32, #tpu.memory_space<vmem>> -> memref<1x1x128xi32, #tpu.memory_space<vmem>>
        %dma_start3A_276 = tpu.memref_squeeze %dma_start3A_275 : memref<1x1x128xi32, #tpu.memory_space<vmem>> -> memref<128xi32, #tpu.memory_space<vmem>>
        %dma_start3A_277 = arith.constant 0 : i32
        %dma_start3A_278 = arith.constant 0 : i32
        %dma_start3A_279 = tpu.memref_slice %arg12[%dma_start3A_277, %dma_start3A_278] : memref<10112x128xf32, #tpu.memory_space<vmem_shared>> -> memref<10112x128xf32, #tpu.memory_space<vmem_shared>>
        tpu.enqueue_indirect_dma source(%arg11 : memref<128x128xf32, #tpu.memory_space<vmem>>) target(%dma_start3A_279 : memref<10112x128xf32, #tpu.memory_space<vmem_shared>>) offsets(%dma_start3A_276 : memref<128xi32, #tpu.memory_space<vmem>>) semaphore(%run_scoped3A_273 : memref<!tpu.dma_semaphore, #tpu.memory_space<semaphore_mem>>) {add = true}
        %dma_wait3A_280 = arith.constant 0 : i32
        %dma_wait3A_281 = tpu.memref_slice %arg8[%run_scoped3A_145, %run_scoped3A_146, %dma_wait3A_280] : memref<4x2x128xi32, #tpu.memory_space<vmem>> -> memref<1x1x128xi32, #tpu.memory_space<vmem>>
        %dma_wait3A_282 = tpu.memref_squeeze %dma_wait3A_281 : memref<1x1x128xi32, #tpu.memory_space<vmem>> -> memref<128xi32, #tpu.memory_space<vmem>>
        %dma_wait3A_283 = arith.constant 0 : i32
        %dma_wait3A_284 = arith.constant 0 : i32
        %dma_wait3A_285 = tpu.memref_slice %arg12[%dma_wait3A_283, %dma_wait3A_284] : memref<10112x128xf32, #tpu.memory_space<vmem_shared>> -> memref<10112x128xf32, #tpu.memory_space<vmem_shared>>
        tpu.wait_indirect_dma semaphore(%run_scoped3A_273 : memref<!tpu.dma_semaphore, #tpu.memory_space<semaphore_mem>>) src(%arg11 : memref<128x128xf32, #tpu.memory_space<vmem>>) dst(%dma_wait3A_285 : memref<10112x128xf32, #tpu.memory_space<vmem_shared>>)
        tpu.yield
      }) : () -> ()
      %mul3A_147 = arith.constant 4 : i32
      %mul3A_148 = arith.muli %add3A_105, %mul3A_147 : i32
      %add3A_149 = arith.constant 2 : i32
      %add3A_150 = arith.addi %mul3A_148, %add3A_149 : i32
      %dma_start3A_151 = arith.constant 3 : i32
      %dma_start3A_152 = arith.constant 0 : i32
      %dma_start3A_153 = arith.constant 0 : i32
      %dma_start3A_154 = tpu.memref_slice %arg8[%dma_start3A_151, %dma_start3A_152, %dma_start3A_153] : memref<4x2x128xi32, #tpu.memory_space<vmem>> -> memref<1x1x128xi32, #tpu.memory_space<vmem>>
      %dma_start3A_155 = tpu.memref_squeeze %dma_start3A_154 : memref<1x1x128xi32, #tpu.memory_space<vmem>> -> memref<128xi32, #tpu.memory_space<vmem>>
      %dma_start3A_156 = arith.constant 0 : i32
      %dma_start3A_157 = arith.constant 0 : i32
      %dma_start3A_158 = tpu.memref_slice %arg2[%dma_start3A_156, %dma_start3A_157] : memref<10000x128xf32, #tpu.memory_space<hbm>> -> memref<10000x128xf32, #tpu.memory_space<hbm>>
      tpu.enqueue_indirect_dma source(%dma_start3A_158 : memref<10000x128xf32, #tpu.memory_space<hbm>>) target(%arg11 : memref<128x128xf32, #tpu.memory_space<vmem>>) offsets(%dma_start3A_155 : memref<128xi32, #tpu.memory_space<vmem>>) semaphore(%arg14 : memref<!tpu.dma_semaphore, #tpu.memory_space<semaphore_mem>>)
      %dma_wait3A_159 = arith.constant 0 : i32
      %dma_wait3A_160 = arith.constant 0 : i32
      %dma_wait3A_161 = tpu.memref_slice %arg2[%dma_wait3A_159, %dma_wait3A_160] : memref<10000x128xf32, #tpu.memory_space<hbm>> -> memref<128x128xf32, #tpu.memory_space<hbm>>
      %dma_wait3A_162 = arith.constant 0 : i32
      %dma_wait3A_163 = arith.constant 0 : i32
      %dma_wait3A_164 = tpu.memref_slice %arg2[%dma_wait3A_162, %dma_wait3A_163] : memref<10000x128xf32, #tpu.memory_space<hbm>> -> memref<128x128xf32, #tpu.memory_space<hbm>>
      tpu.wait_dma2 semaphore(%arg13 : memref<!tpu.dma_semaphore, #tpu.memory_space<semaphore_mem>>) src(%dma_wait3A_164 : memref<128x128xf32, #tpu.memory_space<hbm>>) dst(%arg10 : memref<128x128xf32, #tpu.memory_space<vmem>>)
      %run_scoped3A_165 = arith.constant 2 : i32
      %run_scoped3A_166 = arith.constant 1 : i32
      "tpu.region"() ({
        %run_scoped3A_273 = tpu.sem_alloc : memref<!tpu.dma_semaphore, #tpu.memory_space<semaphore_mem>>
        %dma_start3A_274 = arith.constant 0 : i32
        %dma_start3A_275 = tpu.memref_slice %arg8[%run_scoped3A_165, %run_scoped3A_166, %dma_start3A_274] : memref<4x2x128xi32, #tpu.memory_space<vmem>> -> memref<1x1x128xi32, #tpu.memory_space<vmem>>
        %dma_start3A_276 = tpu.memref_squeeze %dma_start3A_275 : memref<1x1x128xi32, #tpu.memory_space<vmem>> -> memref<128xi32, #tpu.memory_space<vmem>>
        %dma_start3A_277 = arith.constant 0 : i32
        %dma_start3A_278 = arith.constant 0 : i32
        %dma_start3A_279 = tpu.memref_slice %arg12[%dma_start3A_277, %dma_start3A_278] : memref<10112x128xf32, #tpu.memory_space<vmem_shared>> -> memref<10112x128xf32, #tpu.memory_space<vmem_shared>>
        tpu.enqueue_indirect_dma source(%arg10 : memref<128x128xf32, #tpu.memory_space<vmem>>) target(%dma_start3A_279 : memref<10112x128xf32, #tpu.memory_space<vmem_shared>>) offsets(%dma_start3A_276 : memref<128xi32, #tpu.memory_space<vmem>>) semaphore(%run_scoped3A_273 : memref<!tpu.dma_semaphore, #tpu.memory_space<semaphore_mem>>) {add = true}
        %dma_wait3A_280 = arith.constant 0 : i32
        %dma_wait3A_281 = tpu.memref_slice %arg8[%run_scoped3A_165, %run_scoped3A_166, %dma_wait3A_280] : memref<4x2x128xi32, #tpu.memory_space<vmem>> -> memref<1x1x128xi32, #tpu.memory_space<vmem>>
        %dma_wait3A_282 = tpu.memref_squeeze %dma_wait3A_281 : memref<1x1x128xi32, #tpu.memory_space<vmem>> -> memref<128xi32, #tpu.memory_space<vmem>>
        %dma_wait3A_283 = arith.constant 0 : i32
        %dma_wait3A_284 = arith.constant 0 : i32
        %dma_wait3A_285 = tpu.memref_slice %arg12[%dma_wait3A_283, %dma_wait3A_284] : memref<10112x128xf32, #tpu.memory_space<vmem_shared>> -> memref<10112x128xf32, #tpu.memory_space<vmem_shared>>
        tpu.wait_indirect_dma semaphore(%run_scoped3A_273 : memref<!tpu.dma_semaphore, #tpu.memory_space<semaphore_mem>>) src(%arg10 : memref<128x128xf32, #tpu.memory_space<vmem>>) dst(%dma_wait3A_285 : memref<10112x128xf32, #tpu.memory_space<vmem_shared>>)
        tpu.yield
      }) : () -> ()
      %mul3A_167 = arith.constant 4 : i32
      %mul3A_168 = arith.muli %add3A_105, %mul3A_167 : i32
      %add3A_169 = arith.constant 3 : i32
      %add3A_170 = arith.addi %mul3A_168, %add3A_169 : i32
      %add3A_171 = arith.constant 1 : i32
      %add3A_172 = arith.addi %add3A_170, %add3A_171 : i32
      %lt3A_173 = arith.cmpi slt, %add3A_172, %select_n3A_2 : i32
      %convert_element_type3A_174 = arith.extui %lt3A_173 : i1 to i32
      %cond3A_175 = arith.constant 0 : i32
      %cond3A_176 = arith.cmpi ne, %convert_element_type3A_174, %cond3A_175 : i32
      scf.if %cond3A_176 {
        %dma_wait3A_273 = arith.constant 0 : i32
        %dma_wait3A_274 = arith.constant 0 : i32
        %dma_wait3A_275 = arith.constant 0 : i32
        %dma_wait3A_276 = tpu.memref_slice %arg3[%dma_wait3A_273, %dma_wait3A_274, %dma_wait3A_275] : memref<2560x2x128xi32, #tpu.memory_space<hbm>> -> memref<4x2x128xi32, #tpu.memory_space<hbm>>
        %dma_wait3A_277 = arith.constant 0 : i32
        %dma_wait3A_278 = arith.constant 0 : i32
        %dma_wait3A_279 = arith.constant 0 : i32
        %dma_wait3A_280 = tpu.memref_slice %arg3[%dma_wait3A_277, %dma_wait3A_278, %dma_wait3A_279] : memref<2560x2x128xi32, #tpu.memory_space<hbm>> -> memref<4x2x128xi32, #tpu.memory_space<hbm>>
        tpu.wait_dma2 semaphore(%arg16 : memref<!tpu.dma_semaphore, #tpu.memory_space<semaphore_mem>>) src(%dma_wait3A_280 : memref<4x2x128xi32, #tpu.memory_space<hbm>>) dst(%arg9 : memref<4x2x128xi32, #tpu.memory_space<vmem>>)
        %dma_start3A_281 = arith.constant 0 : i32
        %dma_start3A_282 = arith.constant 0 : i32
        %dma_start3A_283 = arith.constant 0 : i32
        %dma_start3A_284 = tpu.memref_slice %arg9[%dma_start3A_281, %dma_start3A_282, %dma_start3A_283] : memref<4x2x128xi32, #tpu.memory_space<vmem>> -> memref<1x1x128xi32, #tpu.memory_space<vmem>>
        %dma_start3A_285 = tpu.memref_squeeze %dma_start3A_284 : memref<1x1x128xi32, #tpu.memory_space<vmem>> -> memref<128xi32, #tpu.memory_space<vmem>>
        %dma_start3A_286 = arith.constant 0 : i32
        %dma_start3A_287 = arith.constant 0 : i32
        %dma_start3A_288 = tpu.memref_slice %arg2[%dma_start3A_286, %dma_start3A_287] : memref<10000x128xf32, #tpu.memory_space<hbm>> -> memref<10000x128xf32, #tpu.memory_space<hbm>>
        tpu.enqueue_indirect_dma source(%dma_start3A_288 : memref<10000x128xf32, #tpu.memory_space<hbm>>) target(%arg10 : memref<128x128xf32, #tpu.memory_space<vmem>>) offsets(%dma_start3A_285 : memref<128xi32, #tpu.memory_space<vmem>>) semaphore(%arg13 : memref<!tpu.dma_semaphore, #tpu.memory_space<semaphore_mem>>)
      } else {
      }
      %dma_wait3A_177 = arith.constant 0 : i32
      %dma_wait3A_178 = arith.constant 0 : i32
      %dma_wait3A_179 = tpu.memref_slice %arg2[%dma_wait3A_177, %dma_wait3A_178] : memref<10000x128xf32, #tpu.memory_space<hbm>> -> memref<128x128xf32, #tpu.memory_space<hbm>>
      %dma_wait3A_180 = arith.constant 0 : i32
      %dma_wait3A_181 = arith.constant 0 : i32
      %dma_wait3A_182 = tpu.memref_slice %arg2[%dma_wait3A_180, %dma_wait3A_181] : memref<10000x128xf32, #tpu.memory_space<hbm>> -> memref<128x128xf32, #tpu.memory_space<hbm>>
      tpu.wait_dma2 semaphore(%arg14 : memref<!tpu.dma_semaphore, #tpu.memory_space<semaphore_mem>>) src(%dma_wait3A_182 : memref<128x128xf32, #tpu.memory_space<hbm>>) dst(%arg11 : memref<128x128xf32, #tpu.memory_space<vmem>>)
      %run_scoped3A_183 = arith.constant 3 : i32
      %run_scoped3A_184 = arith.constant 1 : i32
      "tpu.region"() ({
        %run_scoped3A_273 = tpu.sem_alloc : memref<!tpu.dma_semaphore, #tpu.memory_space<semaphore_mem>>
        %dma_start3A_274 = arith.constant 0 : i32
        %dma_start3A_275 = tpu.memref_slice %arg8[%run_scoped3A_183, %run_scoped3A_184, %dma_start3A_274] : memref<4x2x128xi32, #tpu.memory_space<vmem>> -> memref<1x1x128xi32, #tpu.memory_space<vmem>>
        %dma_start3A_276 = tpu.memref_squeeze %dma_start3A_275 : memref<1x1x128xi32, #tpu.memory_space<vmem>> -> memref<128xi32, #tpu.memory_space<vmem>>
        %dma_start3A_277 = arith.constant 0 : i32
        %dma_start3A_278 = arith.constant 0 : i32
        %dma_start3A_279 = tpu.memref_slice %arg12[%dma_start3A_277, %dma_start3A_278] : memref<10112x128xf32, #tpu.memory_space<vmem_shared>> -> memref<10112x128xf32, #tpu.memory_space<vmem_shared>>
        tpu.enqueue_indirect_dma source(%arg11 : memref<128x128xf32, #tpu.memory_space<vmem>>) target(%dma_start3A_279 : memref<10112x128xf32, #tpu.memory_space<vmem_shared>>) offsets(%dma_start3A_276 : memref<128xi32, #tpu.memory_space<vmem>>) semaphore(%run_scoped3A_273 : memref<!tpu.dma_semaphore, #tpu.memory_space<semaphore_mem>>) {add = true}
        %dma_wait3A_280 = arith.constant 0 : i32
        %dma_wait3A_281 = tpu.memref_slice %arg8[%run_scoped3A_183, %run_scoped3A_184, %dma_wait3A_280] : memref<4x2x128xi32, #tpu.memory_space<vmem>> -> memref<1x1x128xi32, #tpu.memory_space<vmem>>
        %dma_wait3A_282 = tpu.memref_squeeze %dma_wait3A_281 : memref<1x1x128xi32, #tpu.memory_space<vmem>> -> memref<128xi32, #tpu.memory_space<vmem>>
        %dma_wait3A_283 = arith.constant 0 : i32
        %dma_wait3A_284 = arith.constant 0 : i32
        %dma_wait3A_285 = tpu.memref_slice %arg12[%dma_wait3A_283, %dma_wait3A_284] : memref<10112x128xf32, #tpu.memory_space<vmem_shared>> -> memref<10112x128xf32, #tpu.memory_space<vmem_shared>>
        tpu.wait_indirect_dma semaphore(%run_scoped3A_273 : memref<!tpu.dma_semaphore, #tpu.memory_space<semaphore_mem>>) src(%arg11 : memref<128x128xf32, #tpu.memory_space<vmem>>) dst(%dma_wait3A_285 : memref<10112x128xf32, #tpu.memory_space<vmem_shared>>)
        tpu.yield
      }) : () -> ()
      %mul3A_185 = arith.constant 2 : i32
      %mul3A_186 = arith.muli %while3A_101, %mul3A_185 : i32
      %add3A_187 = arith.constant 1 : i32
      %add3A_188 = arith.addi %mul3A_186, %add3A_187 : i32
      %add3A_189 = arith.constant 1 : i32
      %add3A_190 = arith.addi %add3A_188, %add3A_189 : i32
      %lt3A_191 = arith.cmpi slt, %add3A_190, %select_n3A_21 : i32
      %convert_element_type3A_192 = arith.extui %lt3A_191 : i1 to i32
      %cond3A_193 = arith.constant 0 : i32
      %cond3A_194 = arith.cmpi ne, %convert_element_type3A_192, %cond3A_193 : i32
      scf.if %cond3A_194 {
        %add3A_273 = arith.constant 1 : i32
        %add3A_274 = arith.addi %add3A_188, %add3A_273 : i32
        %mul3A_275 = arith.constant 4 : i32
        %mul3A_276 = arith.muli %add3A_274, %mul3A_275 : i32
        %add3A_277 = arith.addi %add3A, %mul3A_276 : i32
        %dma_start3A_278 = arith.constant 0 : i32
        %dma_start3A_279 = arith.constant 0 : i32
        %dma_start3A_280 = tpu.memref_slice %arg3[%add3A_277, %dma_start3A_278, %dma_start3A_279] : memref<2560x2x128xi32, #tpu.memory_space<hbm>> -> memref<4x2x128xi32, #tpu.memory_space<hbm>>
        %dma_start3A_281 = arith.constant 0 : i32
        %dma_start3A_282 = arith.constant 0 : i32
        %dma_start3A_283 = tpu.memref_slice %arg3[%add3A_277, %dma_start3A_281, %dma_start3A_282] : memref<2560x2x128xi32, #tpu.memory_space<hbm>> -> memref<4x2x128xi32, #tpu.memory_space<hbm>>
        tpu.enqueue_dma source(%dma_start3A_283 : memref<4x2x128xi32, #tpu.memory_space<hbm>>) target(%arg8 : memref<4x2x128xi32, #tpu.memory_space<vmem>>) target_semaphore(%arg15 : memref<!tpu.dma_semaphore, #tpu.memory_space<semaphore_mem>>)
      } else {
      }
      %mul3A_195 = arith.constant 4 : i32
      %mul3A_196 = arith.muli %add3A_188, %mul3A_195 : i32
      %add3A_197 = arith.constant 0 : i32
      %add3A_198 = arith.addi %mul3A_196, %add3A_197 : i32
      %dma_start3A_199 = arith.constant 1 : i32
      %dma_start3A_200 = arith.constant 0 : i32
      %dma_start3A_201 = arith.constant 0 : i32
      %dma_start3A_202 = tpu.memref_slice %arg9[%dma_start3A_199, %dma_start3A_200, %dma_start3A_201] : memref<4x2x128xi32, #tpu.memory_space<vmem>> -> memref<1x1x128xi32, #tpu.memory_space<vmem>>
      %dma_start3A_203 = tpu.memref_squeeze %dma_start3A_202 : memref<1x1x128xi32, #tpu.memory_space<vmem>> -> memref<128xi32, #tpu.memory_space<vmem>>
      %dma_start3A_204 = arith.constant 0 : i32
      %dma_start3A_205 = arith.constant 0 : i32
      %dma_start3A_206 = tpu.memref_slice %arg2[%dma_start3A_204, %dma_start3A_205] : memref<10000x128xf32, #tpu.memory_space<hbm>> -> memref<10000x128xf32, #tpu.memory_space<hbm>>
      tpu.enqueue_indirect_dma source(%dma_start3A_206 : memref<10000x128xf32, #tpu.memory_space<hbm>>) target(%arg11 : memref<128x128xf32, #tpu.memory_space<vmem>>) offsets(%dma_start3A_203 : memref<128xi32, #tpu.memory_space<vmem>>) semaphore(%arg14 : memref<!tpu.dma_semaphore, #tpu.memory_space<semaphore_mem>>)
      %dma_wait3A_207 = arith.constant 0 : i32
      %dma_wait3A_208 = arith.constant 0 : i32
      %dma_wait3A_209 = tpu.memref_slice %arg2[%dma_wait3A_207, %dma_wait3A_208] : memref<10000x128xf32, #tpu.memory_space<hbm>> -> memref<128x128xf32, #tpu.memory_space<hbm>>
      %dma_wait3A_210 = arith.constant 0 : i32
      %dma_wait3A_211 = arith.constant 0 : i32
      %dma_wait3A_212 = tpu.memref_slice %arg2[%dma_wait3A_210, %dma_wait3A_211] : memref<10000x128xf32, #tpu.memory_space<hbm>> -> memref<128x128xf32, #tpu.memory_space<hbm>>
      tpu.wait_dma2 semaphore(%arg13 : memref<!tpu.dma_semaphore, #tpu.memory_space<semaphore_mem>>) src(%dma_wait3A_212 : memref<128x128xf32, #tpu.memory_space<hbm>>) dst(%arg10 : memref<128x128xf32, #tpu.memory_space<vmem>>)
      %run_scoped3A_213 = arith.constant 0 : i32
      %run_scoped3A_214 = arith.constant 1 : i32
      "tpu.region"() ({
        %run_scoped3A_273 = tpu.sem_alloc : memref<!tpu.dma_semaphore, #tpu.memory_space<semaphore_mem>>
        %dma_start3A_274 = arith.constant 0 : i32
        %dma_start3A_275 = tpu.memref_slice %arg9[%run_scoped3A_213, %run_scoped3A_214, %dma_start3A_274] : memref<4x2x128xi32, #tpu.memory_space<vmem>> -> memref<1x1x128xi32, #tpu.memory_space<vmem>>
        %dma_start3A_276 = tpu.memref_squeeze %dma_start3A_275 : memref<1x1x128xi32, #tpu.memory_space<vmem>> -> memref<128xi32, #tpu.memory_space<vmem>>
        %dma_start3A_277 = arith.constant 0 : i32
        %dma_start3A_278 = arith.constant 0 : i32
        %dma_start3A_279 = tpu.memref_slice %arg12[%dma_start3A_277, %dma_start3A_278] : memref<10112x128xf32, #tpu.memory_space<vmem_shared>> -> memref<10112x128xf32, #tpu.memory_space<vmem_shared>>
        tpu.enqueue_indirect_dma source(%arg10 : memref<128x128xf32, #tpu.memory_space<vmem>>) target(%dma_start3A_279 : memref<10112x128xf32, #tpu.memory_space<vmem_shared>>) offsets(%dma_start3A_276 : memref<128xi32, #tpu.memory_space<vmem>>) semaphore(%run_scoped3A_273 : memref<!tpu.dma_semaphore, #tpu.memory_space<semaphore_mem>>) {add = true}
        %dma_wait3A_280 = arith.constant 0 : i32
        %dma_wait3A_281 = tpu.memref_slice %arg9[%run_scoped3A_213, %run_scoped3A_214, %dma_wait3A_280] : memref<4x2x128xi32, #tpu.memory_space<vmem>> -> memref<1x1x128xi32, #tpu.memory_space<vmem>>
        %dma_wait3A_282 = tpu.memref_squeeze %dma_wait3A_281 : memref<1x1x128xi32, #tpu.memory_space<vmem>> -> memref<128xi32, #tpu.memory_space<vmem>>
        %dma_wait3A_283 = arith.constant 0 : i32
        %dma_wait3A_284 = arith.constant 0 : i32
        %dma_wait3A_285 = tpu.memref_slice %arg12[%dma_wait3A_283, %dma_wait3A_284] : memref<10112x128xf32, #tpu.memory_space<vmem_shared>> -> memref<10112x128xf32, #tpu.memory_space<vmem_shared>>
        tpu.wait_indirect_dma semaphore(%run_scoped3A_273 : memref<!tpu.dma_semaphore, #tpu.memory_space<semaphore_mem>>) src(%arg10 : memref<128x128xf32, #tpu.memory_space<vmem>>) dst(%dma_wait3A_285 : memref<10112x128xf32, #tpu.memory_space<vmem_shared>>)
        tpu.yield
      }) : () -> ()
      %mul3A_215 = arith.constant 4 : i32
      %mul3A_216 = arith.muli %add3A_188, %mul3A_215 : i32
      %add3A_217 = arith.constant 1 : i32
      %add3A_218 = arith.addi %mul3A_216, %add3A_217 : i32
      %dma_start3A_219 = arith.constant 2 : i32
      %dma_start3A_220 = arith.constant 0 : i32
      %dma_start3A_221 = arith.constant 0 : i32
      %dma_start3A_222 = tpu.memref_slice %arg9[%dma_start3A_219, %dma_start3A_220, %dma_start3A_221] : memref<4x2x128xi32, #tpu.memory_space<vmem>> -> memref<1x1x128xi32, #tpu.memory_space<vmem>>
      %dma_start3A_223 = tpu.memref_squeeze %dma_start3A_222 : memref<1x1x128xi32, #tpu.memory_space<vmem>> -> memref<128xi32, #tpu.memory_space<vmem>>
      %dma_start3A_224 = arith.constant 0 : i32
      %dma_start3A_225 = arith.constant 0 : i32
      %dma_start3A_226 = tpu.memref_slice %arg2[%dma_start3A_224, %dma_start3A_225] : memref<10000x128xf32, #tpu.memory_space<hbm>> -> memref<10000x128xf32, #tpu.memory_space<hbm>>
      tpu.enqueue_indirect_dma source(%dma_start3A_226 : memref<10000x128xf32, #tpu.memory_space<hbm>>) target(%arg10 : memref<128x128xf32, #tpu.memory_space<vmem>>) offsets(%dma_start3A_223 : memref<128xi32, #tpu.memory_space<vmem>>) semaphore(%arg13 : memref<!tpu.dma_semaphore, #tpu.memory_space<semaphore_mem>>)
      %dma_wait3A_227 = arith.constant 0 : i32
      %dma_wait3A_228 = arith.constant 0 : i32
      %dma_wait3A_229 = tpu.memref_slice %arg2[%dma_wait3A_227, %dma_wait3A_228] : memref<10000x128xf32, #tpu.memory_space<hbm>> -> memref<128x128xf32, #tpu.memory_space<hbm>>
      %dma_wait3A_230 = arith.constant 0 : i32
      %dma_wait3A_231 = arith.constant 0 : i32
      %dma_wait3A_232 = tpu.memref_slice %arg2[%dma_wait3A_230, %dma_wait3A_231] : memref<10000x128xf32, #tpu.memory_space<hbm>> -> memref<128x128xf32, #tpu.memory_space<hbm>>
      tpu.wait_dma2 semaphore(%arg14 : memref<!tpu.dma_semaphore, #tpu.memory_space<semaphore_mem>>) src(%dma_wait3A_232 : memref<128x128xf32, #tpu.memory_space<hbm>>) dst(%arg11 : memref<128x128xf32, #tpu.memory_space<vmem>>)
      %run_scoped3A_233 = arith.constant 1 : i32
      %run_scoped3A_234 = arith.constant 1 : i32
      "tpu.region"() ({
        %run_scoped3A_273 = tpu.sem_alloc : memref<!tpu.dma_semaphore, #tpu.memory_space<semaphore_mem>>
        %dma_start3A_274 = arith.constant 0 : i32
        %dma_start3A_275 = tpu.memref_slice %arg9[%run_scoped3A_233, %run_scoped3A_234, %dma_start3A_274] : memref<4x2x128xi32, #tpu.memory_space<vmem>> -> memref<1x1x128xi32, #tpu.memory_space<vmem>>
        %dma_start3A_276 = tpu.memref_squeeze %dma_start3A_275 : memref<1x1x128xi32, #tpu.memory_space<vmem>> -> memref<128xi32, #tpu.memory_space<vmem>>
        %dma_start3A_277 = arith.constant 0 : i32
        %dma_start3A_278 = arith.constant 0 : i32
        %dma_start3A_279 = tpu.memref_slice %arg12[%dma_start3A_277, %dma_start3A_278] : memref<10112x128xf32, #tpu.memory_space<vmem_shared>> -> memref<10112x128xf32, #tpu.memory_space<vmem_shared>>
        tpu.enqueue_indirect_dma source(%arg11 : memref<128x128xf32, #tpu.memory_space<vmem>>) target(%dma_start3A_279 : memref<10112x128xf32, #tpu.memory_space<vmem_shared>>) offsets(%dma_start3A_276 : memref<128xi32, #tpu.memory_space<vmem>>) semaphore(%run_scoped3A_273 : memref<!tpu.dma_semaphore, #tpu.memory_space<semaphore_mem>>) {add = true}
        %dma_wait3A_280 = arith.constant 0 : i32
        %dma_wait3A_281 = tpu.memref_slice %arg9[%run_scoped3A_233, %run_scoped3A_234, %dma_wait3A_280] : memref<4x2x128xi32, #tpu.memory_space<vmem>> -> memref<1x1x128xi32, #tpu.memory_space<vmem>>
        %dma_wait3A_282 = tpu.memref_squeeze %dma_wait3A_281 : memref<1x1x128xi32, #tpu.memory_space<vmem>> -> memref<128xi32, #tpu.memory_space<vmem>>
        %dma_wait3A_283 = arith.constant 0 : i32
        %dma_wait3A_284 = arith.constant 0 : i32
        %dma_wait3A_285 = tpu.memref_slice %arg12[%dma_wait3A_283, %dma_wait3A_284] : memref<10112x128xf32, #tpu.memory_space<vmem_shared>> -> memref<10112x128xf32, #tpu.memory_space<vmem_shared>>
        tpu.wait_indirect_dma semaphore(%run_scoped3A_273 : memref<!tpu.dma_semaphore, #tpu.memory_space<semaphore_mem>>) src(%arg11 : memref<128x128xf32, #tpu.memory_space<vmem>>) dst(%dma_wait3A_285 : memref<10112x128xf32, #tpu.memory_space<vmem_shared>>)
        tpu.yield
      }) : () -> ()
      %mul3A_235 = arith.constant 4 : i32
      %mul3A_236 = arith.muli %add3A_188, %mul3A_235 : i32
      %add3A_237 = arith.constant 2 : i32
      %add3A_238 = arith.addi %mul3A_236, %add3A_237 : i32
      %dma_start3A_239 = arith.constant 3 : i32
      %dma_start3A_240 = arith.constant 0 : i32
      %dma_start3A_241 = arith.constant 0 : i32
      %dma_start3A_242 = tpu.memref_slice %arg9[%dma_start3A_239, %dma_start3A_240, %dma_start3A_241] : memref<4x2x128xi32, #tpu.memory_space<vmem>> -> memref<1x1x128xi32, #tpu.memory_space<vmem>>
      %dma_start3A_243 = tpu.memref_squeeze %dma_start3A_242 : memref<1x1x128xi32, #tpu.memory_space<vmem>> -> memref<128xi32, #tpu.memory_space<vmem>>
      %dma_start3A_244 = arith.constant 0 : i32
      %dma_start3A_245 = arith.constant 0 : i32
      %dma_start3A_246 = tpu.memref_slice %arg2[%dma_start3A_244, %dma_start3A_245] : memref<10000x128xf32, #tpu.memory_space<hbm>> -> memref<10000x128xf32, #tpu.memory_space<hbm>>
      tpu.enqueue_indirect_dma source(%dma_start3A_246 : memref<10000x128xf32, #tpu.memory_space<hbm>>) target(%arg11 : memref<128x128xf32, #tpu.memory_space<vmem>>) offsets(%dma_start3A_243 : memref<128xi32, #tpu.memory_space<vmem>>) semaphore(%arg14 : memref<!tpu.dma_semaphore, #tpu.memory_space<semaphore_mem>>)
      %dma_wait3A_247 = arith.constant 0 : i32
      %dma_wait3A_248 = arith.constant 0 : i32
      %dma_wait3A_249 = tpu.memref_slice %arg2[%dma_wait3A_247, %dma_wait3A_248] : memref<10000x128xf32, #tpu.memory_space<hbm>> -> memref<128x128xf32, #tpu.memory_space<hbm>>
      %dma_wait3A_250 = arith.constant 0 : i32
      %dma_wait3A_251 = arith.constant 0 : i32
      %dma_wait3A_252 = tpu.memref_slice %arg2[%dma_wait3A_250, %dma_wait3A_251] : memref<10000x128xf32, #tpu.memory_space<hbm>> -> memref<128x128xf32, #tpu.memory_space<hbm>>
      tpu.wait_dma2 semaphore(%arg13 : memref<!tpu.dma_semaphore, #tpu.memory_space<semaphore_mem>>) src(%dma_wait3A_252 : memref<128x128xf32, #tpu.memory_space<hbm>>) dst(%arg10 : memref<128x128xf32, #tpu.memory_space<vmem>>)
      %run_scoped3A_253 = arith.constant 2 : i32
      %run_scoped3A_254 = arith.constant 1 : i32
      "tpu.region"() ({
        %run_scoped3A_273 = tpu.sem_alloc : memref<!tpu.dma_semaphore, #tpu.memory_space<semaphore_mem>>
        %dma_start3A_274 = arith.constant 0 : i32
        %dma_start3A_275 = tpu.memref_slice %arg9[%run_scoped3A_253, %run_scoped3A_254, %dma_start3A_274] : memref<4x2x128xi32, #tpu.memory_space<vmem>> -> memref<1x1x128xi32, #tpu.memory_space<vmem>>
        %dma_start3A_276 = tpu.memref_squeeze %dma_start3A_275 : memref<1x1x128xi32, #tpu.memory_space<vmem>> -> memref<128xi32, #tpu.memory_space<vmem>>
        %dma_start3A_277 = arith.constant 0 : i32
        %dma_start3A_278 = arith.constant 0 : i32
        %dma_start3A_279 = tpu.memref_slice %arg12[%dma_start3A_277, %dma_start3A_278] : memref<10112x128xf32, #tpu.memory_space<vmem_shared>> -> memref<10112x128xf32, #tpu.memory_space<vmem_shared>>
        tpu.enqueue_indirect_dma source(%arg10 : memref<128x128xf32, #tpu.memory_space<vmem>>) target(%dma_start3A_279 : memref<10112x128xf32, #tpu.memory_space<vmem_shared>>) offsets(%dma_start3A_276 : memref<128xi32, #tpu.memory_space<vmem>>) semaphore(%run_scoped3A_273 : memref<!tpu.dma_semaphore, #tpu.memory_space<semaphore_mem>>) {add = true}
        %dma_wait3A_280 = arith.constant 0 : i32
        %dma_wait3A_281 = tpu.memref_slice %arg9[%run_scoped3A_253, %run_scoped3A_254, %dma_wait3A_280] : memref<4x2x128xi32, #tpu.memory_space<vmem>> -> memref<1x1x128xi32, #tpu.memory_space<vmem>>
        %dma_wait3A_282 = tpu.memref_squeeze %dma_wait3A_281 : memref<1x1x128xi32, #tpu.memory_space<vmem>> -> memref<128xi32, #tpu.memory_space<vmem>>
        %dma_wait3A_283 = arith.constant 0 : i32
        %dma_wait3A_284 = arith.constant 0 : i32
        %dma_wait3A_285 = tpu.memref_slice %arg12[%dma_wait3A_283, %dma_wait3A_284] : memref<10112x128xf32, #tpu.memory_space<vmem_shared>> -> memref<10112x128xf32, #tpu.memory_space<vmem_shared>>
        tpu.wait_indirect_dma semaphore(%run_scoped3A_273 : memref<!tpu.dma_semaphore, #tpu.memory_space<semaphore_mem>>) src(%arg10 : memref<128x128xf32, #tpu.memory_space<vmem>>) dst(%dma_wait3A_285 : memref<10112x128xf32, #tpu.memory_space<vmem_shared>>)
        tpu.yield
      }) : () -> ()
      %mul3A_255 = arith.constant 4 : i32
      %mul3A_256 = arith.muli %add3A_188, %mul3A_255 : i32
      %add3A_257 = arith.constant 3 : i32
      %add3A_258 = arith.addi %mul3A_256, %add3A_257 : i32
      %add3A_259 = arith.constant 1 : i32
      %add3A_260 = arith.addi %add3A_258, %add3A_259 : i32
      %lt3A_261 = arith.cmpi slt, %add3A_260, %select_n3A_2 : i32
      %convert_element_type3A_262 = arith.extui %lt3A_261 : i1 to i32
      %cond3A_263 = arith.constant 0 : i32
      %cond3A_264 = arith.cmpi ne, %convert_element_type3A_262, %cond3A_263 : i32
      scf.if %cond3A_264 {
        %dma_wait3A_273 = arith.constant 0 : i32
        %dma_wait3A_274 = arith.constant 0 : i32
        %dma_wait3A_275 = arith.constant 0 : i32
        %dma_wait3A_276 = tpu.memref_slice %arg3[%dma_wait3A_273, %dma_wait3A_274, %dma_wait3A_275] : memref<2560x2x128xi32, #tpu.memory_space<hbm>> -> memref<4x2x128xi32, #tpu.memory_space<hbm>>
        %dma_wait3A_277 = arith.constant 0 : i32
        %dma_wait3A_278 = arith.constant 0 : i32
        %dma_wait3A_279 = arith.constant 0 : i32
        %dma_wait3A_280 = tpu.memref_slice %arg3[%dma_wait3A_277, %dma_wait3A_278, %dma_wait3A_279] : memref<2560x2x128xi32, #tpu.memory_space<hbm>> -> memref<4x2x128xi32, #tpu.memory_space<hbm>>
        tpu.wait_dma2 semaphore(%arg15 : memref<!tpu.dma_semaphore, #tpu.memory_space<semaphore_mem>>) src(%dma_wait3A_280 : memref<4x2x128xi32, #tpu.memory_space<hbm>>) dst(%arg8 : memref<4x2x128xi32, #tpu.memory_space<vmem>>)
        %dma_start3A_281 = arith.constant 0 : i32
        %dma_start3A_282 = arith.constant 0 : i32
        %dma_start3A_283 = arith.constant 0 : i32
        %dma_start3A_284 = tpu.memref_slice %arg8[%dma_start3A_281, %dma_start3A_282, %dma_start3A_283] : memref<4x2x128xi32, #tpu.memory_space<vmem>> -> memref<1x1x128xi32, #tpu.memory_space<vmem>>
        %dma_start3A_285 = tpu.memref_squeeze %dma_start3A_284 : memref<1x1x128xi32, #tpu.memory_space<vmem>> -> memref<128xi32, #tpu.memory_space<vmem>>
        %dma_start3A_286 = arith.constant 0 : i32
        %dma_start3A_287 = arith.constant 0 : i32
        %dma_start3A_288 = tpu.memref_slice %arg2[%dma_start3A_286, %dma_start3A_287] : memref<10000x128xf32, #tpu.memory_space<hbm>> -> memref<10000x128xf32, #tpu.memory_space<hbm>>
        tpu.enqueue_indirect_dma source(%dma_start3A_288 : memref<10000x128xf32, #tpu.memory_space<hbm>>) target(%arg10 : memref<128x128xf32, #tpu.memory_space<vmem>>) offsets(%dma_start3A_285 : memref<128xi32, #tpu.memory_space<vmem>>) semaphore(%arg13 : memref<!tpu.dma_semaphore, #tpu.memory_space<semaphore_mem>>)
      } else {
      }
      %dma_wait3A_265 = arith.constant 0 : i32
      %dma_wait3A_266 = arith.constant 0 : i32
      %dma_wait3A_267 = tpu.memref_slice %arg2[%dma_wait3A_265, %dma_wait3A_266] : memref<10000x128xf32, #tpu.memory_space<hbm>> -> memref<128x128xf32, #tpu.memory_space<hbm>>
      %dma_wait3A_268 = arith.constant 0 : i32
      %dma_wait3A_269 = arith.constant 0 : i32
      %dma_wait3A_270 = tpu.memref_slice %arg2[%dma_wait3A_268, %dma_wait3A_269] : memref<10000x128xf32, #tpu.memory_space<hbm>> -> memref<128x128xf32, #tpu.memory_space<hbm>>
      tpu.wait_dma2 semaphore(%arg14 : memref<!tpu.dma_semaphore, #tpu.memory_space<semaphore_mem>>) src(%dma_wait3A_270 : memref<128x128xf32, #tpu.memory_space<hbm>>) dst(%arg11 : memref<128x128xf32, #tpu.memory_space<vmem>>)
      %run_scoped3A_271 = arith.constant 3 : i32
      %run_scoped3A_272 = arith.constant 1 : i32
      "tpu.region"() ({
        %run_scoped3A_273 = tpu.sem_alloc : memref<!tpu.dma_semaphore, #tpu.memory_space<semaphore_mem>>
        %dma_start3A_274 = arith.constant 0 : i32
        %dma_start3A_275 = tpu.memref_slice %arg9[%run_scoped3A_271, %run_scoped3A_272, %dma_start3A_274] : memref<4x2x128xi32, #tpu.memory_space<vmem>> -> memref<1x1x128xi32, #tpu.memory_space<vmem>>
        %dma_start3A_276 = tpu.memref_squeeze %dma_start3A_275 : memref<1x1x128xi32, #tpu.memory_space<vmem>> -> memref<128xi32, #tpu.memory_space<vmem>>
        %dma_start3A_277 = arith.constant 0 : i32
        %dma_start3A_278 = arith.constant 0 : i32
        %dma_start3A_279 = tpu.memref_slice %arg12[%dma_start3A_277, %dma_start3A_278] : memref<10112x128xf32, #tpu.memory_space<vmem_shared>> -> memref<10112x128xf32, #tpu.memory_space<vmem_shared>>
        tpu.enqueue_indirect_dma source(%arg11 : memref<128x128xf32, #tpu.memory_space<vmem>>) target(%dma_start3A_279 : memref<10112x128xf32, #tpu.memory_space<vmem_shared>>) offsets(%dma_start3A_276 : memref<128xi32, #tpu.memory_space<vmem>>) semaphore(%run_scoped3A_273 : memref<!tpu.dma_semaphore, #tpu.memory_space<semaphore_mem>>) {add = true}
        %dma_wait3A_280 = arith.constant 0 : i32
        %dma_wait3A_281 = tpu.memref_slice %arg9[%run_scoped3A_271, %run_scoped3A_272, %dma_wait3A_280] : memref<4x2x128xi32, #tpu.memory_space<vmem>> -> memref<1x1x128xi32, #tpu.memory_space<vmem>>
        %dma_wait3A_282 = tpu.memref_squeeze %dma_wait3A_281 : memref<1x1x128xi32, #tpu.memory_space<vmem>> -> memref<128xi32, #tpu.memory_space<vmem>>
        %dma_wait3A_283 = arith.constant 0 : i32
        %dma_wait3A_284 = arith.constant 0 : i32
        %dma_wait3A_285 = tpu.memref_slice %arg12[%dma_wait3A_283, %dma_wait3A_284] : memref<10112x128xf32, #tpu.memory_space<vmem_shared>> -> memref<10112x128xf32, #tpu.memory_space<vmem_shared>>
        tpu.wait_indirect_dma semaphore(%run_scoped3A_273 : memref<!tpu.dma_semaphore, #tpu.memory_space<semaphore_mem>>) src(%arg11 : memref<128x128xf32, #tpu.memory_space<vmem>>) dst(%dma_wait3A_285 : memref<10112x128xf32, #tpu.memory_space<vmem_shared>>)
        tpu.yield
      }) : () -> ()
    }
    %barrier3A_100 = arith.constant 0 : index
    tpu.barrier barrier_id(%barrier3A_100)
    "tpu.region"() ({
      %run_scoped3A = tpu.sem_alloc : memref<!tpu.dma_semaphore, #tpu.memory_space<semaphore_mem>>
      %dma_start3A_101 = arith.constant 0 : i32
      %dma_start3A_102 = tpu.memref_slice %arg6[%arg0, %mul3A_23, %dma_start3A_101] : memref<2x10112x128xf32, #tpu.memory_space<hbm>> -> memref<1x632x128xf32, #tpu.memory_space<hbm>>
      %dma_start3A_103 = tpu.memref_squeeze %dma_start3A_102 : memref<1x632x128xf32, #tpu.memory_space<hbm>> -> memref<632x128xf32, #tpu.memory_space<hbm>>
      %dma_start3A_104 = arith.constant 0 : i32
      %dma_start3A_105 = tpu.memref_slice %arg12[%mul3A_23, %dma_start3A_104] : memref<10112x128xf32, #tpu.memory_space<vmem_shared>> -> memref<632x128xf32, #tpu.memory_space<vmem_shared>>
      tpu.enqueue_dma source(%dma_start3A_105 : memref<632x128xf32, #tpu.memory_space<vmem_shared>>) target(%dma_start3A_103 : memref<632x128xf32, #tpu.memory_space<hbm>>) target_semaphore(%run_scoped3A : memref<!tpu.dma_semaphore, #tpu.memory_space<semaphore_mem>>)
      %dma_wait3A = arith.constant 0 : i32
      %dma_wait3A_106 = tpu.memref_slice %arg6[%arg0, %mul3A_23, %dma_wait3A] : memref<2x10112x128xf32, #tpu.memory_space<hbm>> -> memref<1x632x128xf32, #tpu.memory_space<hbm>>
      %dma_wait3A_107 = tpu.memref_squeeze %dma_wait3A_106 : memref<1x632x128xf32, #tpu.memory_space<hbm>> -> memref<632x128xf32, #tpu.memory_space<hbm>>
      %dma_wait3A_108 = arith.constant 0 : i32
      %dma_wait3A_109 = tpu.memref_slice %arg12[%mul3A_23, %dma_wait3A_108] : memref<10112x128xf32, #tpu.memory_space<vmem_shared>> -> memref<632x128xf32, #tpu.memory_space<vmem_shared>>
      tpu.wait_dma2 semaphore(%run_scoped3A : memref<!tpu.dma_semaphore, #tpu.memory_space<semaphore_mem>>) src(%dma_wait3A_109 : memref<632x128xf32, #tpu.memory_space<vmem_shared>>) dst(%dma_wait3A_107 : memref<632x128xf32, #tpu.memory_space<hbm>>)
      tpu.yield
    }) : () -> ()
    return
  }
}

module attributes {stable_mosaic.version = 14 : i64} {
  func.func @_tc1_body(%arg0: i32, %arg1: memref<1000x128xf32, #tpu.memory_space<vmem>>, %arg2: memref<1000x128xf32, #tpu.memory_space<vmem>>, %arg3: memref<1000x128xf32, #tpu.memory_space<vmem>>, %arg4: memref<2x1000x128xf32, #tpu.memory_space<vmem>>, %arg5: memref<128x128xf32, #tpu.memory_space<vmem>>, %arg6: memref<128x128xf32, #tpu.memory_space<vmem>>, %arg7: memref<1x128xf32, #tpu.memory_space<vmem>>, %arg8: memref<1000x128xf32, #tpu.memory_space<vmem>>) attributes {dimension_semantics = [#tpu.dimension_semantics<arbitrary>], iteration_bounds = array<i64: 10>, scalar_prefetch = 0 : i64, scratch_operands = 0 : i64, tpu.core_type = #tpu.core_type<tc>, window_params = [{transform_indices = @transform_0, window_bounds = array<i64: 1000, 128>}, {transform_indices = @transform_1, window_bounds = array<i64: 1000, 128>}, {transform_indices = @transform_2, window_bounds = array<i64: 1000, 128>}, {transform_indices = @transform_3, window_bounds = array<i64: 2, 1000, 128>}, {pipeline_mode = #tpu.pipeline_mode<synchronous>, transform_indices = @transform_4, window_bounds = array<i64: 128, 128>}, {pipeline_mode = #tpu.pipeline_mode<synchronous>, transform_indices = @transform_5, window_bounds = array<i64: 128, 128>}, {pipeline_mode = #tpu.pipeline_mode<synchronous>, transform_indices = @transform_6, window_bounds = array<i64: 1, 128>}, {transform_indices = @transform_7, window_bounds = array<i64: 1000, 128>}]} {
    %get3A = arith.constant 0 : index
    %get3A_0 = arith.constant 0 : index
    %get3A_1 = arith.constant 0 : index
    %get3A_2 = vector.load %arg4[%get3A, %get3A_0, %get3A_1] : memref<2x1000x128xf32, #tpu.memory_space<vmem>>, vector<1x1000x1xf32>
    %get3A_3 = vector.shape_cast %get3A_2 : vector<1x1000x1xf32> to vector<1000x1xf32>
    %get3A_4 = arith.constant 1 : index
    %get3A_5 = arith.constant 0 : index
    %get3A_6 = arith.constant 0 : index
    %get3A_7 = vector.load %arg4[%get3A_4, %get3A_5, %get3A_6] : memref<2x1000x128xf32, #tpu.memory_space<vmem>>, vector<1x1000x1xf32>
    %get3A_8 = vector.shape_cast %get3A_7 : vector<1x1000x1xf32> to vector<1000x1xf32>
    %add3A = arith.addf %get3A_3, %get3A_8 : vector<1000x1xf32>
    %get3A_9 = arith.constant 0 : index
    %get3A_10 = arith.constant 0 : index
    %get3A_11 = vector.load %arg2[%get3A_9, %get3A_10] : memref<1000x128xf32, #tpu.memory_space<vmem>>, vector<1000x128xf32>
    %get3A_12 = arith.constant 0 : index
    %get3A_13 = arith.constant 0 : index
    %get3A_14 = vector.load %arg3[%get3A_12, %get3A_13] : memref<1000x128xf32, #tpu.memory_space<vmem>>, vector<1000x128xf32>
    %add3A_15 = arith.addf %get3A_11, %get3A_14 : vector<1000x128xf32>
    %max3A = arith.constant 1.000000e+00 : f32
    %max3A_16 = vector.broadcast %max3A : f32 to vector<1000x1xf32>
    %max3A_17 = arith.maximumf %add3A, %max3A_16 : vector<1000x1xf32>
    %div3A = vector.broadcast %max3A_17 : vector<1000x1xf32> to vector<1000x128xf32>
    %div3A_18 = arith.divf %add3A_15, %div3A : vector<1000x128xf32>
    %get3A_19 = arith.constant 0 : index
    %get3A_20 = arith.constant 0 : index
    %get3A_21 = vector.load %arg1[%get3A_19, %get3A_20] : memref<1000x128xf32, #tpu.memory_space<vmem>>, vector<1000x128xf32>
    %get3A_22 = arith.constant 0 : index
    %get3A_23 = arith.constant 0 : index
    %get3A_24 = vector.load %arg5[%get3A_22, %get3A_23] : memref<128x128xf32, #tpu.memory_space<vmem>>, vector<128x128xf32>
    %dot_general3A = arith.constant dense<0.000000e+00> : vector<1000x128xf32>
    %dot_general3A_25 = tpu.matmul %get3A_21, %get3A_24, %dot_general3A {dimension_numbers = #tpu.dot_dimension_numbers<[1], [0], [0], [1], [0, 0, 1, 1], [], []>, transpose_lhs_hint = false} : vector<1000x128xf32>, vector<128x128xf32>, vector<1000x128xf32> -> vector<1000x128xf32>
    %get3A_26 = arith.constant 0 : index
    %get3A_27 = arith.constant 0 : index
    %get3A_28 = vector.load %arg6[%get3A_26, %get3A_27] : memref<128x128xf32, #tpu.memory_space<vmem>>, vector<128x128xf32>
    %dot_general3A_29 = arith.constant dense<0.000000e+00> : vector<1000x128xf32>
    %dot_general3A_30 = tpu.matmul %div3A_18, %get3A_28, %dot_general3A_29 {dimension_numbers = #tpu.dot_dimension_numbers<[1], [0], [0], [1], [0, 0, 1, 1], [], []>, transpose_lhs_hint = false} : vector<1000x128xf32>, vector<128x128xf32>, vector<1000x128xf32> -> vector<1000x128xf32>
    %add3A_31 = arith.addf %dot_general3A_25, %dot_general3A_30 : vector<1000x128xf32>
    %get3A_32 = arith.constant 0 : index
    %get3A_33 = arith.constant 0 : index
    %get3A_34 = vector.load %arg7[%get3A_32, %get3A_33] : memref<1x128xf32, #tpu.memory_space<vmem>>, vector<1x128xf32>
    %add3A_35 = vector.broadcast %get3A_34 : vector<1x128xf32> to vector<1000x128xf32>
    %add3A_36 = arith.addf %add3A_31, %add3A_35 : vector<1000x128xf32>
    %max3A_37 = arith.constant 0.000000e+00 : f32
    %max3A_38 = vector.broadcast %max3A_37 : f32 to vector<1000x128xf32>
    %max3A_39 = arith.maximumf %add3A_36, %max3A_38 : vector<1000x128xf32>
    %swap3A = arith.constant 0 : index
    %swap3A_40 = arith.constant 0 : index
    %swap3A_41 = vector.load %arg8[%swap3A, %swap3A_40] : memref<1000x128xf32, #tpu.memory_space<vmem>>, vector<1000x128xf32>
    tpu.vector_store %arg8[%swap3A, %swap3A_40], %max3A_39 {strides = array<i32>} : memref<1000x128xf32, #tpu.memory_space<vmem>>, vector<1000x128xf32>,
    return
  }
  func.func @transform_0(%arg0: i32) -> (i32, i32) {
    %c0_i32 = arith.constant 0 : i32
    %c0_i32_0 = arith.constant 0 : i32
    return %arg0, %c0_i32 : i32, i32
  }
  func.func @transform_1(%arg0: i32) -> (i32, i32) {
    %c0_i32 = arith.constant 0 : i32
    %c0_i32_0 = arith.constant 0 : i32
    return %arg0, %c0_i32 : i32, i32
  }
  func.func @transform_2(%arg0: i32) -> (i32, i32) {
    %c0_i32 = arith.constant 0 : i32
    %c0_i32_0 = arith.constant 0 : i32
    return %arg0, %c0_i32 : i32, i32
  }
  func.func @transform_3(%arg0: i32) -> (i32, i32, i32) {
    %c0_i32 = arith.constant 0 : i32
    %c0_i32_0 = arith.constant 0 : i32
    %c0_i32_1 = arith.constant 0 : i32
    return %c0_i32, %arg0, %c0_i32_0 : i32, i32, i32
  }
  func.func @transform_4(%arg0: i32) -> (i32, i32) {
    %c0_i32 = arith.constant 0 : i32
    %c0_i32_0 = arith.constant 0 : i32
    %c0_i32_1 = arith.constant 0 : i32
    return %c0_i32, %c0_i32_0 : i32, i32
  }
  func.func @transform_5(%arg0: i32) -> (i32, i32) {
    %c0_i32 = arith.constant 0 : i32
    %c0_i32_0 = arith.constant 0 : i32
    %c0_i32_1 = arith.constant 0 : i32
    return %c0_i32, %c0_i32_0 : i32, i32
  }
  func.func @transform_6(%arg0: i32) -> (i32, i32) {
    %c0_i32 = arith.constant 0 : i32
    %c0_i32_0 = arith.constant 0 : i32
    %c0_i32_1 = arith.constant 0 : i32
    return %c0_i32, %c0_i32_0 : i32, i32
  }
  func.func @transform_7(%arg0: i32) -> (i32, i32) {
    %c0_i32 = arith.constant 0 : i32
    %c0_i32_0 = arith.constant 0 : i32
    return %arg0, %c0_i32 : i32, i32
  }
}

module attributes {stable_mosaic.version = 14 : i64} {
  func.func @_tc2_body(%arg0: i32, %arg1: memref<1000x128xf32, #tpu.memory_space<vmem>>, %arg2: memref<1000x128xf32, #tpu.memory_space<vmem>>, %arg3: memref<1000x128xf32, #tpu.memory_space<vmem>>, %arg4: memref<2x1000x128xf32, #tpu.memory_space<vmem>>, %arg5: memref<128x128xf32, #tpu.memory_space<vmem>>, %arg6: memref<128x128xf32, #tpu.memory_space<vmem>>, %arg7: memref<1x128xf32, #tpu.memory_space<vmem>>, %arg8: memref<128x10xf32, #tpu.memory_space<vmem>>, %arg9: memref<1x10xf32, #tpu.memory_space<vmem>>, %arg10: memref<1x10xf32, #tpu.memory_space<vmem>>, %arg11: memref<1x128xf32, #tpu.memory_space<vmem>>) attributes {dimension_semantics = [#tpu.dimension_semantics<arbitrary>], iteration_bounds = array<i64: 10>, scalar_prefetch = 0 : i64, scratch_operands = 1 : i64, tpu.core_type = #tpu.core_type<tc>, window_params = [{transform_indices = @transform_0, window_bounds = array<i64: 1000, 128>}, {transform_indices = @transform_1, window_bounds = array<i64: 1000, 128>}, {transform_indices = @transform_2, window_bounds = array<i64: 1000, 128>}, {transform_indices = @transform_3, window_bounds = array<i64: 2, 1000, 128>}, {pipeline_mode = #tpu.pipeline_mode<synchronous>, transform_indices = @transform_4, window_bounds = array<i64: 128, 128>}, {pipeline_mode = #tpu.pipeline_mode<synchronous>, transform_indices = @transform_5, window_bounds = array<i64: 128, 128>}, {pipeline_mode = #tpu.pipeline_mode<synchronous>, transform_indices = @transform_6, window_bounds = array<i64: 1, 128>}, {pipeline_mode = #tpu.pipeline_mode<synchronous>, transform_indices = @transform_7, window_bounds = array<i64: 128, 10>}, {pipeline_mode = #tpu.pipeline_mode<synchronous>, transform_indices = @transform_8, window_bounds = array<i64: 1, 10>}, {pipeline_mode = #tpu.pipeline_mode<synchronous>, transform_indices = @transform_9, window_bounds = array<i64: 1, 10>}]} {
    %eq3A = arith.constant 0 : i32
    %eq3A_0 = arith.cmpi eq, %arg0, %eq3A : i32
    %convert_element_type3A = arith.extui %eq3A_0 : i1 to i32
    %cond3A = arith.constant 0 : i32
    %cond3A_1 = arith.cmpi ne, %convert_element_type3A, %cond3A : i32
    scf.if %cond3A_1 {
      %broadcast_in_dim3A_54 = arith.constant 0.000000e+00 : f32
      %broadcast_in_dim3A_55 = vector.broadcast %broadcast_in_dim3A_54 : f32 to vector<1x128xf32>
      %swap3A_56 = arith.constant 0 : index
      %swap3A_57 = arith.constant 0 : index
      %swap3A_58 = vector.load %arg11[%swap3A_56, %swap3A_57] : memref<1x128xf32, #tpu.memory_space<vmem>>, vector<1x128xf32>
      tpu.vector_store %arg11[%swap3A_56, %swap3A_57], %broadcast_in_dim3A_55 {strides = array<i32>} : memref<1x128xf32, #tpu.memory_space<vmem>>, vector<1x128xf32>,
    } else {
    }
    %get3A = arith.constant 0 : index
    %get3A_2 = arith.constant 0 : index
    %get3A_3 = arith.constant 0 : index
    %get3A_4 = vector.load %arg4[%get3A, %get3A_2, %get3A_3] : memref<2x1000x128xf32, #tpu.memory_space<vmem>>, vector<1x1000x1xf32>
    %get3A_5 = vector.shape_cast %get3A_4 : vector<1x1000x1xf32> to vector<1000x1xf32>
    %get3A_6 = arith.constant 1 : index
    %get3A_7 = arith.constant 0 : index
    %get3A_8 = arith.constant 0 : index
    %get3A_9 = vector.load %arg4[%get3A_6, %get3A_7, %get3A_8] : memref<2x1000x128xf32, #tpu.memory_space<vmem>>, vector<1x1000x1xf32>
    %get3A_10 = vector.shape_cast %get3A_9 : vector<1x1000x1xf32> to vector<1000x1xf32>
    %add3A = arith.addf %get3A_5, %get3A_10 : vector<1000x1xf32>
    %get3A_11 = arith.constant 0 : index
    %get3A_12 = arith.constant 0 : index
    %get3A_13 = vector.load %arg2[%get3A_11, %get3A_12] : memref<1000x128xf32, #tpu.memory_space<vmem>>, vector<1000x128xf32>
    %get3A_14 = arith.constant 0 : index
    %get3A_15 = arith.constant 0 : index
    %get3A_16 = vector.load %arg3[%get3A_14, %get3A_15] : memref<1000x128xf32, #tpu.memory_space<vmem>>, vector<1000x128xf32>
    %add3A_17 = arith.addf %get3A_13, %get3A_16 : vector<1000x128xf32>
    %max3A = arith.constant 1.000000e+00 : f32
    %max3A_18 = vector.broadcast %max3A : f32 to vector<1000x1xf32>
    %max3A_19 = arith.maximumf %add3A, %max3A_18 : vector<1000x1xf32>
    %div3A = vector.broadcast %max3A_19 : vector<1000x1xf32> to vector<1000x128xf32>
    %div3A_20 = arith.divf %add3A_17, %div3A : vector<1000x128xf32>
    %get3A_21 = arith.constant 0 : index
    %get3A_22 = arith.constant 0 : index
    %get3A_23 = vector.load %arg1[%get3A_21, %get3A_22] : memref<1000x128xf32, #tpu.memory_space<vmem>>, vector<1000x128xf32>
    %get3A_24 = arith.constant 0 : index
    %get3A_25 = arith.constant 0 : index
    %get3A_26 = vector.load %arg5[%get3A_24, %get3A_25] : memref<128x128xf32, #tpu.memory_space<vmem>>, vector<128x128xf32>
    %dot_general3A = arith.constant dense<0.000000e+00> : vector<1000x128xf32>
    %dot_general3A_27 = tpu.matmul %get3A_23, %get3A_26, %dot_general3A {dimension_numbers = #tpu.dot_dimension_numbers<[1], [0], [0], [1], [0, 0, 1, 1], [], []>, transpose_lhs_hint = false} : vector<1000x128xf32>, vector<128x128xf32>, vector<1000x128xf32> -> vector<1000x128xf32>
    %get3A_28 = arith.constant 0 : index
    %get3A_29 = arith.constant 0 : index
    %get3A_30 = vector.load %arg6[%get3A_28, %get3A_29] : memref<128x128xf32, #tpu.memory_space<vmem>>, vector<128x128xf32>
    %dot_general3A_31 = arith.constant dense<0.000000e+00> : vector<1000x128xf32>
    %dot_general3A_32 = tpu.matmul %div3A_20, %get3A_30, %dot_general3A_31 {dimension_numbers = #tpu.dot_dimension_numbers<[1], [0], [0], [1], [0, 0, 1, 1], [], []>, transpose_lhs_hint = false} : vector<1000x128xf32>, vector<128x128xf32>, vector<1000x128xf32> -> vector<1000x128xf32>
    %add3A_33 = arith.addf %dot_general3A_27, %dot_general3A_32 : vector<1000x128xf32>
    %get3A_34 = arith.constant 0 : index
    %get3A_35 = arith.constant 0 : index
    %get3A_36 = vector.load %arg7[%get3A_34, %get3A_35] : memref<1x128xf32, #tpu.memory_space<vmem>>, vector<1x128xf32>
    %add3A_37 = vector.broadcast %get3A_36 : vector<1x128xf32> to vector<1000x128xf32>
    %add3A_38 = arith.addf %add3A_33, %add3A_37 : vector<1000x128xf32>
    %max3A_39 = arith.constant 0.000000e+00 : f32
    %max3A_40 = vector.broadcast %max3A_39 : f32 to vector<1000x128xf32>
    %max3A_41 = arith.maximumf %add3A_38, %max3A_40 : vector<1000x128xf32>
    %get3A_42 = arith.constant 0 : index
    %get3A_43 = arith.constant 0 : index
    %get3A_44 = vector.load %arg11[%get3A_42, %get3A_43] : memref<1x128xf32, #tpu.memory_space<vmem>>, vector<1x128xf32>
    %reduce_sum3A = arith.constant dense<0.000000e+00> : vector<128xf32>
    %reduce_sum3A_45 = vector.multi_reduction <add>, %max3A_41, %reduce_sum3A [0] : vector<1000x128xf32> to vector<128xf32>
    %broadcast_in_dim3A = vector.shape_cast %reduce_sum3A_45 : vector<128xf32> to vector<1x128xf32>
    %add3A_46 = arith.addf %get3A_44, %broadcast_in_dim3A : vector<1x128xf32>
    %swap3A = arith.constant 0 : index
    %swap3A_47 = arith.constant 0 : index
    %swap3A_48 = vector.load %arg11[%swap3A, %swap3A_47] : memref<1x128xf32, #tpu.memory_space<vmem>>, vector<1x128xf32>
    tpu.vector_store %arg11[%swap3A, %swap3A_47], %add3A_46 {strides = array<i32>} : memref<1x128xf32, #tpu.memory_space<vmem>>, vector<1x128xf32>,
    %eq3A_49 = arith.constant 9 : i32
    %eq3A_50 = arith.cmpi eq, %arg0, %eq3A_49 : i32
    %convert_element_type3A_51 = arith.extui %eq3A_50 : i1 to i32
    %cond3A_52 = arith.constant 0 : i32
    %cond3A_53 = arith.cmpi ne, %convert_element_type3A_51, %cond3A_52 : i32
    scf.if %cond3A_53 {
      %get3A_54 = arith.constant 0 : index
      %get3A_55 = arith.constant 0 : index
      %get3A_56 = vector.load %arg11[%get3A_54, %get3A_55] : memref<1x128xf32, #tpu.memory_space<vmem>>, vector<1x128xf32>
      %mul3A = arith.constant 9.99999974E-5 : f32
      %mul3A_57 = vector.broadcast %mul3A : f32 to vector<1x128xf32>
      %mul3A_58 = arith.mulf %get3A_56, %mul3A_57 : vector<1x128xf32>
      %get3A_59 = arith.constant 0 : index
      %get3A_60 = arith.constant 0 : index
      %get3A_61 = vector.load %arg8[%get3A_59, %get3A_60] : memref<128x10xf32, #tpu.memory_space<vmem>>, vector<128x10xf32>
      %dot_general3A_62 = arith.constant dense<0.000000e+00> : vector<1x10xf32>
      %dot_general3A_63 = tpu.matmul %mul3A_58, %get3A_61, %dot_general3A_62 {dimension_numbers = #tpu.dot_dimension_numbers<[1], [0], [0], [1], [0, 0, 1, 1], [], []>, transpose_lhs_hint = false} : vector<1x128xf32>, vector<128x10xf32>, vector<1x10xf32> -> vector<1x10xf32>
      %get3A_64 = arith.constant 0 : index
      %get3A_65 = arith.constant 0 : index
      %get3A_66 = vector.load %arg9[%get3A_64, %get3A_65] : memref<1x10xf32, #tpu.memory_space<vmem>>, vector<1x10xf32>
      %add3A_67 = arith.addf %dot_general3A_63, %get3A_66 : vector<1x10xf32>
      %swap3A_68 = arith.constant 0 : index
      %swap3A_69 = arith.constant 0 : index
      %swap3A_70 = vector.load %arg10[%swap3A_68, %swap3A_69] : memref<1x10xf32, #tpu.memory_space<vmem>>, vector<1x10xf32>
      tpu.vector_store %arg10[%swap3A_68, %swap3A_69], %add3A_67 {strides = array<i32>} : memref<1x10xf32, #tpu.memory_space<vmem>>, vector<1x10xf32>,
    } else {
    }
    return
  }
  func.func @transform_0(%arg0: i32) -> (i32, i32) {
    %c0_i32 = arith.constant 0 : i32
    %c0_i32_0 = arith.constant 0 : i32
    return %arg0, %c0_i32 : i32, i32
  }
  func.func @transform_1(%arg0: i32) -> (i32, i32) {
    %c0_i32 = arith.constant 0 : i32
    %c0_i32_0 = arith.constant 0 : i32
    return %arg0, %c0_i32 : i32, i32
  }
  func.func @transform_2(%arg0: i32) -> (i32, i32) {
    %c0_i32 = arith.constant 0 : i32
    %c0_i32_0 = arith.constant 0 : i32
    return %arg0, %c0_i32 : i32, i32
  }
  func.func @transform_3(%arg0: i32) -> (i32, i32, i32) {
    %c0_i32 = arith.constant 0 : i32
    %c0_i32_0 = arith.constant 0 : i32
    %c0_i32_1 = arith.constant 0 : i32
    return %c0_i32, %arg0, %c0_i32_0 : i32, i32, i32
  }
  func.func @transform_4(%arg0: i32) -> (i32, i32) {
    %c0_i32 = arith.constant 0 : i32
    %c0_i32_0 = arith.constant 0 : i32
    %c0_i32_1 = arith.constant 0 : i32
    return %c0_i32, %c0_i32_0 : i32, i32
  }
  func.func @transform_5(%arg0: i32) -> (i32, i32) {
    %c0_i32 = arith.constant 0 : i32
    %c0_i32_0 = arith.constant 0 : i32
    %c0_i32_1 = arith.constant 0 : i32
    return %c0_i32, %c0_i32_0 : i32, i32
  }
  func.func @transform_6(%arg0: i32) -> (i32, i32) {
    %c0_i32 = arith.constant 0 : i32
    %c0_i32_0 = arith.constant 0 : i32
    %c0_i32_1 = arith.constant 0 : i32
    return %c0_i32, %c0_i32_0 : i32, i32
  }
  func.func @transform_7(%arg0: i32) -> (i32, i32) {
    %c0_i32 = arith.constant 0 : i32
    %c0_i32_0 = arith.constant 0 : i32
    %c0_i32_1 = arith.constant 0 : i32
    return %c0_i32, %c0_i32_0 : i32, i32
  }
  func.func @transform_8(%arg0: i32) -> (i32, i32) {
    %c0_i32 = arith.constant 0 : i32
    %c0_i32_0 = arith.constant 0 : i32
    %c0_i32_1 = arith.constant 0 : i32
    return %c0_i32, %c0_i32_0 : i32, i32
  }
  func.func @transform_9(%arg0: i32) -> (i32, i32) {
    %c0_i32 = arith.constant 0 : i32
    %c0_i32_0 = arith.constant 0 : i32
    %c0_i32_1 = arith.constant 0 : i32
    return %c0_i32, %c0_i32_0 : i32, i32
  }
}

</mosaic_0001>

<sc_bundles>
// kernel: kernel.6.cloned.1.call-start
scs
__scs_entry_jumppad:
0x0: {  	(pc) =	sbr.rel $0x88, $3  }
0x1: {  	(tag) =	ssettag $0x0;
	lr =	simm.s32 $0x1  }
0x2: {  	[smem:$0x3F97] =	sst lr;
	_ =	strace $0xD0000000  }
0x3: {  	_ = 	snop  }
0x4: {  	_ = 	snop  }
0x5: {  	_ = 	snop  }
0x6: {  	_ = 	snop  }
0x7: {  	_ = 	snop  }
__scs_overlays_trampoline_lowered:
0x8: {  	[smem:$0x3FA6] =	sst s0  }
0x9: {  	[smem:$0x3FA7] =	sst s1  }
0xa: {  	[smem:$0x3FA8] =	sst s2  }
0xb: {  	[smem:$0x3FA9] =	sst s3  }
0xc: {  	[smem:$0x3FAA] =	sst s4  }
0xd: {  	[smem:$0x3FAB] =	sst s5  }
0xe: {  	[smem:$0x3FAC] =	sst s6  }
0xf: {  	[smem:$0x3FAD] =	sst s7  }
0x10: {  	[smem:$0x3FAE] =	sst s8  }
0x11: {  	[smem:$0x3FAF] =	sst s9;
	s0 =	simm.s32 @!p0 $0x0  }
0x12: {  	s1 =	sld [smem:$0x3F95];
	s0 =	simm.s32 @p0 $0x1  }
0x13: {  	[smem:$0x3FB0] =	sst s0;
	s0 =	simm.s32 @!p1 $0x0  }
0x14: {  	s2 =	sld [smem:$0x3F94];
	s0 =	simm.s32 @p1 $0x1  }
0x15: {  	[smem:$0x3FB1] =	sst s0;
	s0 =	simm.s32 @!p2 $0x0  }
0x16: {  	s3 =	sld [smem:$0x3FDB];
	s0 =	simm.s32 @p2 $0x1  }
0x17: {  	s4 =	simm.s32 $0x1BF5;
	[smem:$0x3FB3] =	sst s0  }
0x18: {  	s0 =	sld [smem:$0x3F96];
	_ =	swait.ge [sflag:s4], $0x0  }
0x19: {  	s7 =	sld [smem:$0x3F97]  }
0x1a: {  	s8 =	sadd.s32 $0xFFFFE003, lr  }
0x1b: {  	s9 =	sadd.s32 $0xFFFFFEF7, lr;
	s5 =	simm.s32 $0xFFFFFFFF;
	p2 =	slt.u32 s8, $0xFFFFF086  }
0x1c: {  	p1 =	slt.u32 s9, $0xF7A;
	s5 =	simm.s32 @!p2 $0x0  }
0x1d: {  	s5 =	simm.s32 @p1 $0x1;
	p0 =	seq.s32 s7, s2  }
0x1e: {  	s7 =	smul.u32 @!p0 $0xF7A, s2;
	p2 =	seq.s32 @!p0 s5, $0x0  }
0x1f: {  	s9 =	smul.u32 $0xF7A, s1;
	s8 =	simm.s32 @!p0 $0x1BF5;
	p2 =	por !p2, p0  }
0x20: {  	[sflag:s8] =	ssyncset.s32 @!p0 $0xFFFFF086;
	s6 =	sadd.s32 @!p0 s3, s7;
	s7 =	simm.s32 @!p0 $0x108  }
0x21: {  	s3 =	sadd.s32 s3, s9;
	s6 =	sadd.s32 @!p0 $0x88, s6;
	s7 =	simm.s32 @p2 $0x1082  }
0x22: {  	[simem:s7], [sflag:s8] =	dma.local @!p0 [hbm:s6], $0xF7A  }
0x23: {  	s9 =	sor.u32 $0xD0000000, s2;
	s6 =	simm.s32 $0x108;
	_ =	swait.ge @!p0 [sflag:s8], $0x0  }
0x24: {  	s3 =	sadd.s32 $0x88, s3;
	s6 =	simm.s32 @!p1 $0x1082;
	[sflag:s4] =	ssyncset.s32 $0xFFFFF086  }
0x25: {  	[simem:s6], [sflag:s4] =	dma.local [hbm:s3], $0xF7A  }
0x26: {  	[smem:$0x3F97] =	sst s1;
	(tag) =	ssettag s2;
	_ =	strace s9  }
0x27: {  	s1 =	sld [smem:$0x3FA7]  }
0x28: {  	s2 =	sld [smem:$0x3FA8]  }
0x29: {  	s4 =	sld [smem:$0x3FAA]  }
0x2a: {  	p0 =	seq.s32 s5, $0x0;
	s5 =	sld [smem:$0x3FAB]  }
0x2b: {  	s6 =	sld [smem:$0x3FAC]  }
0x2c: {  	s7 =	sld [smem:$0x3FAD]  }
0x2d: {  	s3 =	simm.s32 $0x108;
	s8 =	sld [smem:$0x3FAE]  }
0x2e: {  	s3 =	simm.s32 @!p0 $0x1082;
	s9 =	sld [smem:$0x3FAF]  }
0x2f: {  	lr =	sadd.s32 s0, s3;
	s0 =	sld [smem:$0x3FA6]  }
0x30: {  	s3 =	sld [smem:$0x3FA9]  }
0x31: {  	[smem:$0x3FB2] =	sst s10  }
0x32: {  	s10 =	sld [smem:$0x3FB0];
	_ =	sdelay $0x3  }
0x33: {  	p0 =	seq.s32 s10, $0x1;
	s10 =	sld [smem:$0x3FB2];
	_ =	sdelay $0x3  }
0x34: {  	[smem:$0x3FB2] =	sst s10  }
0x35: {  	s10 =	sld [smem:$0x3FB1];
	_ =	sdelay $0x3  }
0x36: {  	p1 =	seq.s32 s10, $0x1;
	s10 =	sld [smem:$0x3FB2];
	_ =	sdelay $0x3  }
0x37: {  	[smem:$0x3FB2] =	sst s10  }
0x38: {  	s10 =	sld [smem:$0x3FB3]  }
0x39: {  	_ = 	snop;
	(pc) =	sbr.ind lr, $3  }
0x3a: {  	_ = 	snop  }
0x3b: {  	_ = 	snop  }
0x3c: {  	p2 =	seq.s32 s10, $0x1;
	s10 =	sld [smem:$0x3FB2]  }
0x3d: {  	_ =	shalt  }
0x3e: {  	_ =	shalt  }
0x3f: {  	_ =	shalt  }
0x40: {  	_ =	shalt  }
0x41: {  	_ =	shalt  }
0x42: {  	_ =	shalt  }
0x43: {  	_ =	shalt  }
0x44: {  	_ =	shalt  }
0x45: {  	_ =	shalt  }
0x46: {  	_ =	shalt  }
0x47: {  	_ =	shalt  }
0x48: {  	_ =	shalt  }
0x49: {  	_ =	shalt  }
0x4a: {  	_ =	shalt  }
0x4b: {  	_ =	shalt  }
0x4c: {  	_ =	shalt  }
0x4d: {  	_ =	shalt  }
0x4e: {  	_ =	shalt  }
0x4f: {  	_ =	shalt  }
0x50: {  	_ =	shalt  }
0x51: {  	_ =	shalt  }
0x52: {  	_ =	shalt  }
0x53: {  	_ =	shalt  }
0x54: {  	_ =	shalt  }
0x55: {  	_ =	shalt  }
0x56: {  	_ =	shalt  }
0x57: {  	_ =	shalt  }
0x58: {  	_ =	shalt  }
0x59: {  	_ =	shalt  }
0x5a: {  	_ =	shalt  }
0x5b: {  	_ =	shalt  }
0x5c: {  	_ =	shalt  }
0x5d: {  	_ =	shalt  }
0x5e: {  	_ =	shalt  }
0x5f: {  	_ =	shalt  }
0x60: {  	_ =	shalt  }
0x61: {  	_ =	shalt  }
0x62: {  	_ =	shalt  }
0x63: {  	_ =	shalt  }
0x64: {  	_ =	shalt  }
0x65: {  	_ =	shalt  }
0x66: {  	_ =	shalt  }
0x67: {  	_ =	shalt  }
0x68: {  	_ =	shalt  }
0x69: {  	_ =	shalt  }
0x6a: {  	_ =	shalt  }
0x6b: {  	_ =	shalt  }
0x6c: {  	_ =	shalt  }
0x6d: {  	_ =	shalt  }
0x6e: {  	_ =	shalt  }
0x6f: {  	_ =	shalt  }
0x70: {  	_ =	shalt  }
0x71: {  	_ =	shalt  }
0x72: {  	_ =	shalt  }
0x73: {  	_ =	shalt  }
0x74: {  	_ =	shalt  }
0x75: {  	_ =	shalt  }
0x76: {  	_ =	shalt  }
0x77: {  	_ =	shalt  }
0x78: {  	_ =	shalt  }
0x79: {  	_ =	shalt  }
0x7a: {  	_ =	shalt  }
0x7b: {  	_ =	shalt  }
0x7c: {  	_ =	shalt  }
0x7d: {  	_ =	shalt  }
0x7e: {  	_ =	shalt  }
0x7f: {  	_ =	shalt  }
0x80: {  	_ =	shalt  }
0x81: {  	_ =	shalt  }
0x82: {  	_ =	shalt  }
0x83: {  	_ =	shalt  }
0x84: {  	_ =	shalt  }
0x85: {  	_ =	shalt  }
0x86: {  	_ =	shalt  }
0x87: {  	_ =	shalt  }
.Lfunc_end0:
.L_simem_size_0:
called_computation_lowered:
.L_overlay_start_0:
0x88: {  	s2 =	sld [smem:$0x3FD9]  }
0x89: {  	s3 =	sld [smem:$0x3FFE];
	_ =	sdelay $0x1  }
0x8a: {  	s1 =	srdreg.scid  }
0x8b: {  	s0 =	sand.u32 $0x1, s1  }
0x8c: {  	s17 =	sshll.u32 s0, $0xA;
	s2 =	sadd.s32 s3, s2  }
0x8d: {  	s2 =	sadd.s32 s2, s17  }
0x8e: {  	[smem:$0x3FBE] =	sst s2  }
0x8f: {  	_ = 	snop  }
0x90: {  	s2 =	sld [smem:$0x3FC9];
	(tm) =	ssettm $0x1  }
0x91: {  	s18 =	sld [smem:$0x3FFB];
	_ =	sdelay $0x3  }
0x92: {  	_ =	strace s18  }
0x93: {  	s3 =	sld [smem:$0x3FFC];
	_ =	sdelay $0x3  }
0x94: {  	_ =	strace s3  }
0x95: {  	s3 =	sld [smem:$0x3FFD];
	_ =	sdelay $0x3  }
0x96: {  	_ =	strace s3  }
0x97: {  	_ =	strace $0x8FFFFFFF  }
0x98: {  	s19 =	sld [smem:$0x3FDB];
	_ =	sdelay $0x1  }
0x99: {  	s4 =	simm.s32 $_scs_section_size  }
0x9a: {  	s5 =	simm.s32 $_size__tile_overlayer_lowered;
	s6 =	simm.s32 $_tile_overlayer_lowered  }
0x9b: {  	s22 =	simm.s32 $0x1BFF;
	s21 =	sshll.u32 s6, $0x1;
	s3 =	sadd.s32 s4, s19  }
0x9c: {  	s7 =	simm.s32 $0x0;
	s20 =	sshll.u32 s5, $0x1;
	s5 =	sadd.s32 s21, s3  }
0x9d: {  	[timem:s7], [sflag:s22] =	dma.local [hbm:s5], s20  }
0x9e: {  	_ =	swait.ge [sflag:s22], s20  }
0x9f: {  	s4 =	ssub.s32 $0x0, s20;
	[sflag:s22] =	ssyncset.done $0x0  }
0xa0: {  	[sflag:s22] =	ssyncadd.s32 s4;
	_ =	sdelay $0x1  }
0xa1: {  	s23 =	simm.s32 $0x1B8B  }
0xa2: {  	_ =	swait.ge [sflag:s23], $0x1  }
0xa3: {  	[sflag:s23] =	ssyncset.done $0x0  }
0xa4: {  	s25 =	simm.s32 $0x1B8E;
	s24 =	sld [smem:$0x3FFE];
	[sflag:s23] =	ssyncadd.s32 $0xFFFFFFFF  }
0xa5: {  	s26 =	simm.s32 $execute0_lowered;
	[smem:$0x3FD2] =	sst s25  }
0xa6: {  	s5 =	sshll.u32 s26, $0x1;
	_ =	strace $0x80000046;
	[dreg:$0x1] =	wrdreg $0xFFFFFFFF  }
0xa7: {  	s28 =	simm.s32 $_size_execute0_lowered;
	s3 =	sadd.s32 s3, s5;
	[dreg:$0x0] =	wrdreg $0x0  }
0xa8: {  	s5 =	sshll.u32 s28, $0x1;
	[dreg:$0x2] =	wrdreg s3  }
0xa9: {  	[dreg:$0x3] =	wrdreg s5  }
0xaa: {  	[dreg:$0x4] =	wrdreg $0xC0  }
0xab: {  	_ =	task [dreg:s7], $0x5FFFF  }
0xac: {  	[dreg:$0x1] =	wrdreg $0xFFFFFFFF  }
0xad: {  	[dreg:$0x0] =	wrdreg $0x60  }
0xae: {  	[dreg:$0x2] =	wrdreg s2  }
0xaf: {  	[dreg:$0x3] =	wrdreg s24  }
0xb0: {  	[dreg:$0x4] =	wrdreg $0x88000  }
0xb1: {  	[dreg:$0x5] =	wrdreg $0x9  }
0xb2: {  	_ =	task.clear_ibuf [dreg:s7], $0x6FFFF;
	_ =	strace $0x90000046  }
0xb3: {  	s29 =	simm.s32 $0x9;
	_ =	strace $0x80000048  }
0xb4: {  	_ =	swait.ge [sflag:s29], $0x1  }
0xb5: {  	[sflag:s29] =	ssyncadd.s32 $0xFFFFFFFF  }
0xb6: {  	_ =	strace $0x90000048  }
0xb7: {  	_ =	sfence  }
0xb8: {  	s30 =	sld [smem:$0x0];
	_ =	sdelay $0x2  }
0xb9: {  	s31 =	sshll.u32 s1, $0xD;
	s1 =	sshrl.u32 s1, $0x2  }
0xba: {  	s3 =	sand.u32 $0x4000, s31;
	s1 =	sadd.s32 s1, s30  }
0xbb: {  	s0 =	sor.u32 s3, s0;
	s1 =	sshll.u32 s1, $0x11  }
0xbc: {  	s0 =	sor.u32 s1, s0  }
0xbd: {  	s0 =	sadd.s32 $0x8F2B, s0  }
0xbe: {  	[sflag:s0] =	ssyncadd.remote.s32 $0x1  }
0xbf: {  	_ =	sfence.sel $0xFFFF  }
0xc0: {  	[dreg:$0x0] =	wrdreg $0xFFFFFFFF;
	(pc) =	sbr.abs _section_cstart, $3  }
0xc1: {  	[dreg:$0x1] =	wrdreg $0xFFFFFFFF  }
0xc2: {  	_ =	task.clear_ibuf [dreg:s7], $0x2FFFF;
	_ =	strace $0x9FFFFFFF  }
0xc3: {  	(tm) =	ssettm $0x7FFFFFFF  }
tec
execute0_lowered:
.L_overlay_start_1:
0x0: {  	(tag) =	ssettag $0x1  }
0x1: {  	s1 =	rddreg [dreg:$0x0]  }
0x2: {  	s0 =	rddreg [dreg:$0x1]  }
0x3: {  	s3 =	rddreg [dreg:$0x2];
	s4 =	simm.s32 $0x0  }
0x4: {  	s12 =	stileid.u32;
	s2 =	srdreg.scid;
	s22 =	simm.s32 $0x100  }
0x5: {  	s28 =	simm.s32 $0x680;
	s29 =	simm.s32 $0x780;
	s5 =	smul.u32 $0x13C00, s12  }
0x6: {  	s30 =	simm.s32 $0x3;
	s31 =	simm.s32 $0x4800;
	s23 =	smul.u32 $0x50, s12  }
0x7: {  	[smem:$0x7FF] =	sst s4;
	s2 =	sand.u32 $0x1, s2;
	s11 =	smul.u32 $0x4F000, s12  }
0x8: {  	s9 =	sadd.s32 $0x2C00, s0;
	s13 =	sadd.s32 $0x3E400, s0;
	s20 =	smul.u32 $0xA00, s12  }
0x9: {  	s15 =	sshll.u32 s12, $0x6;
	_ =	strace $0x80000047;
	s6 =	smul.u32 $0x13C000, s2  }
0xa: {  	s8 =	smul.u32 $0x500, s2;
	s10 =	ssub.s32 $0x2, s2;
	[dreg:$0x9] =	wrdreg s13  }
0xb: {  	s2 =	smul.u32 $0xA000, s2;
	[dreg:$0x4] =	wrdreg s22;
	s22 =	simm.s32 $0x280  }
0xc: {  	s7 =	sshrl.u32 s5, $0x3;
	s24 =	sshrl.u32 s10, $0x1;
	s25 =	sshrl.u32 s11, $0x2  }
0xd: {  	s7 =	sadd.s32 s7, s0;
	s5 =	sadd.s32 s5, s6;
	s6 =	sadd.s32 s23, s8  }
0xe: {  	s26 =	sadd.s32 s25, s3;
	s2 =	sadd.s32 s2, s9;
	s23 =	simm.s32 $0x200  }
0xf: {  	s25 =	simm.s32 $0x500;
	s5 =	sshrl.u32 s5, $0x3;
	s16 =	sshll.u32 s6, $0x5  }
0x10: {  	s13 =	sadd.s32 $0x16C00, s7;
	s7 =	sor.u32 $0x1C05, s15;
	[dreg:$0x5] =	wrdreg s23  }
0x11: {  	[dreg:$0x7] =	wrdreg s25;
	s0 =	sadd.s32 s5, s0;
	s5 =	ssub.s32 s10, s24  }
0x12: {  	s14 =	sadd.s32 s9, s16;
	s24 =	simm.s32 $0x300;
	[dreg:$0xa] =	wrdreg s13  }
0x13: {  	s16 =	sshrl.u32 s26, $0x3;
	s26 =	simm.s32 $0x600;
	[dreg:$0x6] =	wrdreg s24  }
0x14: {  	s15 =	sadd.s32 s20, s2;
	s17 =	sadd.s32 $0x80, s14;
	[dreg:$0x8] =	wrdreg s26  }
0x15: {  	s20 =	simm.s32 $0x80;
	s18 =	sadd.s32 $0x100, s14;
	[dreg:$0xb] =	wrdreg s17  }
0x16: {  	s23 =	simm.s32 $0x380;
	s19 =	sadd.s32 $0x8DC00, s0;
	[dreg:$0xc] =	wrdreg s18  }
0x17: {  	s25 =	simm.s32 $0x480;
	s0 =	sadd.s32 $0x3EC00, s0;
	[dreg:$0xd] =	wrdreg s19  }
0x18: {  	s2 =	simm.s32 $0x2;
	s5 =	smax.u32 s5, $0x1;
	[dreg:$0xe] =	wrdreg s0  }
0x19: {  	s9 =	simm.s32 $0x0;
	s21 =	sadd.s32 $0x980, s14;
	[dreg:$0xf] =	wrdreg s5  }
0x1a: {  	s24 =	simm.s32 $0x4;
	s26 =	simm.s32 $0x580;
	[dreg:$0x10] =	wrdreg s21  }
0x1b: {  	s17 =	simm.s32 $0x5;
	s18 =	simm.s32 $0x800;
	s19 =	simm.s32 $0x400  }
0x1c: {  	s21 =	simm.s32 $0x180;
	s0 =	simm.s32 $0x1;
	s5 =	simm.s32 $0x700  }
.LBB2_1:
0x1d: {  	[spmem:s16], [sflag:s7] =	dma.local [hbm:s13], $0x2780  }
0x1e: {  	_ =	swait.ge [sflag:s17], $0x2780  }
0x1f: {  	[sflag:s17] =	ssyncset.done $0x0  }
0x20: {  	[sflag:s17] =	ssyncadd.s32 $0xFFFFD880  }
0x21: {  	[tilespmem:s4], [sflag:$0x5] =	stream.linear.gather [hbm4b:s14+s4], $0x400, $0x38;
	[tilespmem:$0x1C400] =	vst v63  }
0x22: {  	_ =	swait.ge [sflag:s17], $0x400  }
0x23: {  	[sflag:s17] =	ssyncset.done $0x0  }
0x24: {  	s6 =	rddreg [dreg:$0x9];
	[sflag:s17] =	ssyncadd.s32 $0xFFFFFC00  }
0x25: {  	[tilespmem:s18], [sflag:$0x5] =	stream.linear.gather [hbm4b:s6+s4], $0x4000, $0x38;
	[tilespmem:$0x1C400] =	vst v63  }
0x26: {  	_ =	swait.ge [sflag:s17], $0x4000  }
0x27: {  	[sflag:s17] =	ssyncset.done $0x0  }
0x28: {  	[sflag:s17] =	ssyncadd.s32 $0xFFFFC000  }
0x29: {  	[bflag:$0x0] =	sbarrier.arrive $0xFFFF  }
0x2a: {  	s11 =	rddreg [dreg:$0xb]  }
0x2b: {  	[tilespmem:s19], [sflag:$0x4] =	stream.linear.gather [hbm4b:s11+s4], $0x400, $0x38;
	[tilespmem:$0x1C400] =	vst v63  }
0x2c: {  	_ = 	snop  }
0x2d: {  	[spmem:s3] =	stream.indirect.scatter.add.f32 [tilespmem:s18], [sflag:$0x5], $0x80, s20, s20, $0xb8;
	[tilespmem:$0x1C400] =	vst v63  }
0x2e: {  	_ =	swait.ge [sflag:s17], $0x4000  }
0x2f: {  	[sflag:s17] =	ssyncset.done $0x0  }
0x30: {  	[sflag:s17] =	ssyncadd.s32 $0xFFFFC000  }
0x31: {  	[spmem:s3] =	stream.indirect.scatter.add.f32 [tilespmem:s18], [sflag:$0x5], $0x80, s21, s20, $0xb8;
	[tilespmem:$0x1C400] =	vst v63  }
0x32: {  	_ =	swait.ge [sflag:s17], $0x4000  }
0x33: {  	[sflag:s17] =	ssyncset.done $0x0  }
0x34: {  	[sflag:s17] =	ssyncadd.s32 $0xFFFFC000  }
0x35: {  	[spmem:s3] =	stream.indirect.scatter.add.f32 [tilespmem:s18], [sflag:$0x5], $0x80, s22, s20, $0xb8;
	[tilespmem:$0x1C400] =	vst v63  }
0x36: {  	_ =	swait.ge [sflag:s17], $0x4000  }
0x37: {  	[sflag:s17] =	ssyncset.done $0x0  }
0x38: {  	[sflag:s17] =	ssyncadd.s32 $0xFFFFC000  }
0x39: {  	[spmem:s3] =	stream.indirect.scatter.add.f32 [tilespmem:s18], [sflag:$0x5], $0x80, s23, s20, $0xb8;
	[tilespmem:$0x1C400] =	vst v63  }
0x3a: {  	_ =	swait.ge [sflag:s17], $0x4000  }
0x3b: {  	[sflag:s17] =	ssyncset.done $0x0  }
0x3c: {  	[sflag:s17] =	ssyncadd.s32 $0xFFFFC000  }
0x3d: {  	_ =	swait.ge [sflag:s24], $0x400  }
0x3e: {  	[sflag:s24] =	ssyncset.done $0x0  }
0x3f: {  	s12 =	rddreg [dreg:$0xc];
	[sflag:s24] =	ssyncadd.s32 $0xFFFFFC00  }
0x40: {  	[tilespmem:s4], [sflag:$0x3] =	stream.linear.gather [hbm4b:s12+s4], $0x400, $0x38;
	[tilespmem:$0x1C400] =	vst v63  }
0x41: {  	_ = 	snop  }
0x42: {  	[spmem:s3] =	stream.indirect.scatter.add.f32 [tilespmem:s18], [sflag:$0x5], $0x80, s25, s20, $0xb8;
	[tilespmem:$0x1C400] =	vst v63  }
0x43: {  	_ =	swait.ge [sflag:s17], $0x4000  }
0x44: {  	[sflag:s17] =	ssyncset.done $0x0  }
0x45: {  	[sflag:s17] =	ssyncadd.s32 $0xFFFFC000  }
0x46: {  	[spmem:s3] =	stream.indirect.scatter.add.f32 [tilespmem:s18], [sflag:$0x5], $0x80, s26, s20, $0xb8;
	[tilespmem:$0x1C400] =	vst v63  }
0x47: {  	_ =	swait.ge [sflag:s17], $0x4000  }
0x48: {  	[sflag:s17] =	ssyncset.done $0x0  }
0x49: {  	[sflag:s17] =	ssyncadd.s32 $0xFFFFC000  }
0x4a: {  	[spmem:s3] =	stream.indirect.scatter.add.f32 [tilespmem:s18], [sflag:$0x5], $0x80, s28, s20, $0xb8;
	[tilespmem:$0x1C400] =	vst v63  }
0x4b: {  	_ =	swait.ge [sflag:s17], $0x4000  }
0x4c: {  	[sflag:s17] =	ssyncset.done $0x0  }
0x4d: {  	[sflag:s17] =	ssyncadd.s32 $0xFFFFC000  }
0x4e: {  	[spmem:s3] =	stream.indirect.scatter.add.f32 [tilespmem:s18], [sflag:$0x5], $0x80, s29, s20, $0xb8;
	[tilespmem:$0x1C400] =	vst v63  }
0x4f: {  	_ =	swait.ge [sflag:s17], $0x4000  }
0x50: {  	[sflag:s17] =	ssyncset.done $0x0  }
0x51: {  	[sflag:s17] =	ssyncadd.s32 $0xFFFFC000  }
0x52: {  	_ =	swait.ge [sflag:s30], $0x400  }
0x53: {  	s10 =	sadd.s32 $0xFFFFF800, s15;
	[sflag:s30] =	ssyncset.done $0x0  }
0x54: {  	s11 =	sadd.s32 $0x980, s10;
	[sflag:s30] =	ssyncadd.s32 $0xFFFFFC00  }
0x55: {  	[tilespmem:s19], [sflag:$0x4] =	stream.linear.gather [hbm4b:s11+s4], $0x400, $0x38;
	[tilespmem:$0x1C400] =	vst v63  }
0x56: {  	_ = 	snop  }
0x57: {  	[spmem:s3] =	stream.indirect.scatter.add.f32 [tilespmem:s18], [sflag:$0x5], $0x80, s20, s20, $0xb8;
	[tilespmem:$0x1C400] =	vst v63  }
0x58: {  	_ =	swait.ge [sflag:s17], $0x4000  }
0x59: {  	[sflag:s17] =	ssyncset.done $0x0  }
0x5a: {  	[sflag:s17] =	ssyncadd.s32 $0xFFFFC000  }
0x5b: {  	[spmem:s3] =	stream.indirect.scatter.add.f32 [tilespmem:s18], [sflag:$0x5], $0x80, s21, s20, $0xb8;
	[tilespmem:$0x1C400] =	vst v63  }
0x5c: {  	_ =	swait.ge [sflag:s17], $0x4000  }
0x5d: {  	[sflag:s17] =	ssyncset.done $0x0  }
0x5e: {  	[sflag:s17] =	ssyncadd.s32 $0xFFFFC000  }
0x5f: {  	[spmem:s3] =	stream.indirect.scatter.add.f32 [tilespmem:s18], [sflag:$0x5], $0x80, s22, s20, $0xb8;
	[tilespmem:$0x1C400] =	vst v63  }
0x60: {  	_ =	swait.ge [sflag:s17], $0x4000  }
0x61: {  	[sflag:s17] =	ssyncset.done $0x0  }
0x62: {  	[sflag:s17] =	ssyncadd.s32 $0xFFFFC000  }
0x63: {  	[spmem:s3] =	stream.indirect.scatter.add.f32 [tilespmem:s18], [sflag:$0x5], $0x80, s23, s20, $0xb8;
	[tilespmem:$0x1C400] =	vst v63  }
0x64: {  	_ =	swait.ge [sflag:s17], $0x4000  }
0x65: {  	[sflag:s17] =	ssyncset.done $0x0  }
0x66: {  	[sflag:s17] =	ssyncadd.s32 $0xFFFFC000  }
0x67: {  	_ =	swait.ge [sflag:s24], $0x400  }
0x68: {  	[sflag:s24] =	ssyncset.done $0x0  }
0x69: {  	s10 =	sadd.s32 $0xA00, s10;
	[sflag:s24] =	ssyncadd.s32 $0xFFFFFC00  }
0x6a: {  	[tilespmem:s4], [sflag:$0x3] =	stream.linear.gather [hbm4b:s10+s4], $0x400, $0x38;
	[tilespmem:$0x1C400] =	vst v63  }
0x6b: {  	_ = 	snop  }
0x6c: {  	[spmem:s3] =	stream.indirect.scatter.add.f32 [tilespmem:s18], [sflag:$0x5], $0x80, s25, s20, $0xb8;
	[tilespmem:$0x1C400] =	vst v63  }
0x6d: {  	_ =	swait.ge [sflag:s17], $0x4000  }
0x6e: {  	[sflag:s17] =	ssyncset.done $0x0  }
0x6f: {  	[sflag:s17] =	ssyncadd.s32 $0xFFFFC000  }
0x70: {  	[spmem:s3] =	stream.indirect.scatter.add.f32 [tilespmem:s18], [sflag:$0x5], $0x80, s26, s20, $0xb8;
	[tilespmem:$0x1C400] =	vst v63  }
0x71: {  	_ =	swait.ge [sflag:s17], $0x4000  }
0x72: {  	[sflag:s17] =	ssyncset.done $0x0  }
0x73: {  	[sflag:s17] =	ssyncadd.s32 $0xFFFFC000  }
0x74: {  	[spmem:s3] =	stream.indirect.scatter.add.f32 [tilespmem:s18], [sflag:$0x5], $0x80, s28, s20, $0xb8;
	[tilespmem:$0x1C400] =	vst v63  }
0x75: {  	_ =	swait.ge [sflag:s17], $0x4000  }
0x76: {  	[sflag:s17] =	ssyncset.done $0x0  }
0x77: {  	[sflag:s17] =	ssyncadd.s32 $0xFFFFC000  }
0x78: {  	[spmem:s3] =	stream.indirect.scatter.add.f32 [tilespmem:s18], [sflag:$0x5], $0x80, s29, s20, $0xb8;
	[tilespmem:$0x1C400] =	vst v63  }
0x79: {  	_ =	swait.ge [sflag:s17], $0x4000  }
0x7a: {  	s10 =	simm.s32 $0xFFFFF900;
	[sflag:s17] =	ssyncset.done $0x0  }
.LBB2_2:
0x7b: {  	p0 =	sne.s32 s10, $0xFFFFFF00  }
0x7c: {  	[sflag:s17] =	ssyncadd.s32 $0xFFFFC000;
	s11 =	smov.u32 s10;
	s10 =	sadd.s32 $0x100, s10  }
0x7d: {  	_ =	swait.ge [sflag:s30], $0x400  }
0x7e: {  	s11 =	sadd.s32 s11, s15;
	[sflag:s30] =	ssyncset.done $0x0  }
0x7f: {  	s12 =	sadd.s32 $0x980, s11;
	[sflag:s30] =	ssyncadd.s32 $0xFFFFFC00  }
0x80: {  	[tilespmem:s19], [sflag:$0x4] =	stream.linear.gather [hbm4b:s12+s4], $0x400, $0x38;
	[tilespmem:$0x1C400] =	vst v63  }
0x81: {  	_ = 	snop  }
0x82: {  	[spmem:s3] =	stream.indirect.scatter.add.f32 [tilespmem:s18], [sflag:$0x5], $0x80, s20, s20, $0xb8;
	[tilespmem:$0x1C400] =	vst v63  }
0x83: {  	_ =	swait.ge [sflag:s17], $0x4000  }
0x84: {  	[sflag:s17] =	ssyncset.done $0x0  }
0x85: {  	[sflag:s17] =	ssyncadd.s32 $0xFFFFC000  }
0x86: {  	[spmem:s3] =	stream.indirect.scatter.add.f32 [tilespmem:s18], [sflag:$0x5], $0x80, s21, s20, $0xb8;
	[tilespmem:$0x1C400] =	vst v63  }
0x87: {  	_ =	swait.ge [sflag:s17], $0x4000  }
0x88: {  	[sflag:s17] =	ssyncset.done $0x0  }
0x89: {  	[sflag:s17] =	ssyncadd.s32 $0xFFFFC000  }
0x8a: {  	[spmem:s3] =	stream.indirect.scatter.add.f32 [tilespmem:s18], [sflag:$0x5], $0x80, s22, s20, $0xb8;
	[tilespmem:$0x1C400] =	vst v63  }
0x8b: {  	_ =	swait.ge [sflag:s17], $0x4000  }
0x8c: {  	[sflag:s17] =	ssyncset.done $0x0  }
0x8d: {  	[sflag:s17] =	ssyncadd.s32 $0xFFFFC000  }
0x8e: {  	[spmem:s3] =	stream.indirect.scatter.add.f32 [tilespmem:s18], [sflag:$0x5], $0x80, s23, s20, $0xb8;
	[tilespmem:$0x1C400] =	vst v63  }
0x8f: {  	_ =	swait.ge [sflag:s17], $0x4000  }
0x90: {  	[sflag:s17] =	ssyncset.done $0x0  }
0x91: {  	[sflag:s17] =	ssyncadd.s32 $0xFFFFC000  }
0x92: {  	_ =	swait.ge [sflag:s24], $0x400  }
0x93: {  	[sflag:s24] =	ssyncset.done $0x0  }
0x94: {  	s11 =	sadd.s32 $0xA00, s11;
	[sflag:s24] =	ssyncadd.s32 $0xFFFFFC00  }
0x95: {  	[tilespmem:s4], [sflag:$0x3] =	stream.linear.gather [hbm4b:s11+s4], $0x400, $0x38;
	[tilespmem:$0x1C400] =	vst v63  }
0x96: {  	_ = 	snop  }
0x97: {  	[spmem:s3] =	stream.indirect.scatter.add.f32 [tilespmem:s18], [sflag:$0x5], $0x80, s25, s20, $0xb8;
	[tilespmem:$0x1C400] =	vst v63  }
0x98: {  	_ =	swait.ge [sflag:s17], $0x4000  }
0x99: {  	[sflag:s17] =	ssyncset.done $0x0  }
0x9a: {  	[sflag:s17] =	ssyncadd.s32 $0xFFFFC000  }
0x9b: {  	[spmem:s3] =	stream.indirect.scatter.add.f32 [tilespmem:s18], [sflag:$0x5], $0x80, s26, s20, $0xb8;
	[tilespmem:$0x1C400] =	vst v63  }
0x9c: {  	_ =	swait.ge [sflag:s17], $0x4000  }
0x9d: {  	[sflag:s17] =	ssyncset.done $0x0  }
0x9e: {  	[sflag:s17] =	ssyncadd.s32 $0xFFFFC000  }
0x9f: {  	[spmem:s3] =	stream.indirect.scatter.add.f32 [tilespmem:s18], [sflag:$0x5], $0x80, s28, s20, $0xb8;
	[tilespmem:$0x1C400] =	vst v63  }
0xa0: {  	_ =	swait.ge [sflag:s17], $0x4000  }
.Ltmp0:
0xa1: {  	[sflag:s17] =	ssyncset.done $0x0;
	(pc) =	sbr.rel @p0 .LBB2_2-.Ltmp0, $4  }
0xa2: {  	[sflag:s17] =	ssyncadd.s32 $0xFFFFC000  }
0xa3: {  	[spmem:s3] =	stream.indirect.scatter.add.f32 [tilespmem:s18], [sflag:$0x5], $0x80, s29, s20, $0xb8;
	[tilespmem:$0x1C400] =	vst v63  }
0xa4: {  	_ =	swait.ge [sflag:s17], $0x4000  }
0xa5: {  	[sflag:s17] =	ssyncset.done $0x0  }
0xa6: {  	[sflag:s17] =	ssyncadd.s32 $0xFFFFC000  }
0xa7: {  	_ =	swait.ge [sflag:s30], $0x400  }
0xa8: {  	[sflag:s30] =	ssyncset.done $0x0  }
0xa9: {  	s10 =	simm.s32 $0x0;
	s6 =	rddreg [dreg:$0x10];
	[sflag:s30] =	ssyncadd.s32 $0xFFFFFC00  }
0xaa: {  	[tilespmem:s19], [sflag:$0x4] =	stream.linear.gather [hbm4b:s6+s10], $0x400, $0x38;
	[tilespmem:$0x1C400] =	vst v63  }
0xab: {  	_ = 	snop  }
0xac: {  	[spmem:s3] =	stream.indirect.scatter.add.f32 [tilespmem:s18], [sflag:$0x5], $0x80, s20, s20, $0xb8;
	[tilespmem:$0x1C400] =	vst v63  }
0xad: {  	_ =	swait.ge [sflag:s17], $0x4000  }
0xae: {  	[sflag:s17] =	ssyncset.done $0x0  }
0xaf: {  	[sflag:s17] =	ssyncadd.s32 $0xFFFFC000  }
0xb0: {  	[spmem:s3] =	stream.indirect.scatter.add.f32 [tilespmem:s18], [sflag:$0x5], $0x80, s21, s20, $0xb8;
	[tilespmem:$0x1C400] =	vst v63  }
0xb1: {  	_ =	swait.ge [sflag:s17], $0x4000  }
0xb2: {  	[sflag:s17] =	ssyncset.done $0x0  }
0xb3: {  	[sflag:s17] =	ssyncadd.s32 $0xFFFFC000  }
0xb4: {  	[spmem:s3] =	stream.indirect.scatter.add.f32 [tilespmem:s18], [sflag:$0x5], $0x80, s22, s20, $0xb8;
	[tilespmem:$0x1C400] =	vst v63  }
0xb5: {  	_ =	swait.ge [sflag:s17], $0x4000  }
0xb6: {  	[sflag:s17] =	ssyncset.done $0x0  }
0xb7: {  	[sflag:s17] =	ssyncadd.s32 $0xFFFFC000  }
0xb8: {  	[spmem:s3] =	stream.indirect.scatter.add.f32 [tilespmem:s18], [sflag:$0x5], $0x80, s23, s20, $0xb8;
	[tilespmem:$0x1C400] =	vst v63  }
0xb9: {  	_ =	swait.ge [sflag:s17], $0x4000  }
0xba: {  	[sflag:s17] =	ssyncset.done $0x0  }
0xbb: {  	[sflag:s17] =	ssyncadd.s32 $0xFFFFC000  }
0xbc: {  	_ =	swait.ge [sflag:s24], $0x400  }
0xbd: {  	[sflag:s24] =	ssyncset.done $0x0  }
0xbe: {  	[sflag:s24] =	ssyncadd.s32 $0xFFFFFC00  }
0xbf: {  	[spmem:s3] =	stream.indirect.scatter.add.f32 [tilespmem:s18], [sflag:$0x5], $0x80, s25, s20, $0xb8;
	[tilespmem:$0x1C400] =	vst v63  }
0xc0: {  	_ =	swait.ge [sflag:s17], $0x4000  }
0xc1: {  	[sflag:s17] =	ssyncset.done $0x0  }
0xc2: {  	[sflag:s17] =	ssyncadd.s32 $0xFFFFC000  }
0xc3: {  	[spmem:s3] =	stream.indirect.scatter.add.f32 [tilespmem:s18], [sflag:$0x5], $0x80, s26, s20, $0xb8;
	[tilespmem:$0x1C400] =	vst v63  }
0xc4: {  	_ =	swait.ge [sflag:s17], $0x4000  }
0xc5: {  	[sflag:s17] =	ssyncset.done $0x0  }
0xc6: {  	[sflag:s17] =	ssyncadd.s32 $0xFFFFC000  }
0xc7: {  	[spmem:s3] =	stream.indirect.scatter.add.f32 [tilespmem:s18], [sflag:$0x5], $0x80, s28, s20, $0xb8;
	[tilespmem:$0x1C400] =	vst v63  }
0xc8: {  	_ =	swait.ge [sflag:s17], $0x4000  }
0xc9: {  	[sflag:s17] =	ssyncset.done $0x0  }
0xca: {  	[sflag:s17] =	ssyncadd.s32 $0xFFFFC000  }
0xcb: {  	[spmem:s3] =	stream.indirect.scatter.add.f32 [tilespmem:s18], [sflag:$0x5], $0x80, s29, s20, $0xb8;
	[tilespmem:$0x1C400] =	vst v63  }
0xcc: {  	_ =	swait.ge [sflag:s17], $0x4000  }
0xcd: {  	[sflag:s17] =	ssyncset.done $0x0  }
0xce: {  	[sflag:s17] =	ssyncadd.s32 $0xFFFFC000  }
0xcf: {  	[bflag:$0x0] =	sbarrier.arrive $0xFFFF  }
0xd0: {  	s12 =	rddreg [dreg:$0xd]  }
0xd1: {  	[hbm:s12], [sflag:s7] =	dma.local [spmem:s16], $0x2780  }
0xd2: {  	_ =	swait.ge [sflag:s17], $0x2780  }
0xd3: {  	[sflag:s17] =	ssyncset.done $0x0  }
0xd4: {  	[sflag:s17] =	ssyncadd.s32 $0xFFFFD880  }
0xd5: {  	[spmem:s16], [sflag:s7] =	dma.local [hbm:s13], $0x2780  }
0xd6: {  	_ =	swait.ge [sflag:s17], $0x2780  }
0xd7: {  	[sflag:s17] =	ssyncset.done $0x0  }
0xd8: {  	[sflag:s17] =	ssyncadd.s32 $0xFFFFD880  }
0xd9: {  	[tilespmem:s10], [sflag:$0x5] =	stream.linear.gather [hbm4b:s14+s10], $0x400, $0x38;
	[tilespmem:$0x1C400] =	vst v63  }
0xda: {  	_ =	swait.ge [sflag:s17], $0x400  }
0xdb: {  	[sflag:s17] =	ssyncset.done $0x0  }
0xdc: {  	s6 =	sadd.s32 $0x0, s15;
	[sflag:s17] =	ssyncadd.s32 $0xFFFFFC00  }
0xdd: {  	[tilespmem:s18], [sflag:$0x1] =	stream.indirect.gather [hbm4b:s1+s20], $0x80, s10, s20, $0xb8;
	[tilespmem:$0x1C400] =	vst v63  }
0xde: {  	s10 =	sadd.s32 $0x80, s6;
	[bflag:$0x0] =	sbarrier.arrive $0xFFFF  }
0xdf: {  	[tilespmem:s19], [sflag:$0x4] =	stream.linear.gather [hbm4b:s10+s4], $0x400, $0x38;
	[tilespmem:$0x1C400] =	vst v63  }
0xe0: {  	s11 =	rddreg [dreg:$0x4]  }
0xe1: {  	[tilespmem:s31], [sflag:$0x2] =	stream.indirect.gather [hbm4b:s1+s20], $0x80, s11, s20, $0xb8;
	[tilespmem:$0x1C400] =	vst v63  }
0xe2: {  	_ =	swait.ge [sflag:s0], $0x4000  }
0xe3: {  	[sflag:s0] =	ssyncset.done $0x0  }
0xe4: {  	[sflag:s0] =	ssyncadd.s32 $0xFFFFC000  }
0xe5: {  	[spmem:s3] =	stream.indirect.scatter.add.f32 [tilespmem:s18], [sflag:$0x5], $0x80, s20, s20, $0xb8;
	[tilespmem:$0x1C400] =	vst v63  }
0xe6: {  	_ =	swait.ge [sflag:s17], $0x4000  }
0xe7: {  	[sflag:s17] =	ssyncset.done $0x0  }
0xe8: {  	s12 =	rddreg [dreg:$0x5];
	[sflag:s17] =	ssyncadd.s32 $0xFFFFC000  }
0xe9: {  	[tilespmem:s18], [sflag:$0x1] =	stream.indirect.gather [hbm4b:s1+s20], $0x80, s12, s20, $0xb8;
	[tilespmem:$0x1C400] =	vst v63  }
0xea: {  	_ =	swait.ge [sflag:s2], $0x4000  }
0xeb: {  	[sflag:s2] =	ssyncset.done $0x0  }
0xec: {  	[sflag:s2] =	ssyncadd.s32 $0xFFFFC000  }
0xed: {  	[spmem:s3] =	stream.indirect.scatter.add.f32 [tilespmem:s31], [sflag:$0x5], $0x80, s21, s20, $0xb8;
	[tilespmem:$0x1C400] =	vst v63  }
0xee: {  	_ =	swait.ge [sflag:s17], $0x4000  }
0xef: {  	[sflag:s17] =	ssyncset.done $0x0  }
0xf0: {  	s13 =	rddreg [dreg:$0x6];
	[sflag:s17] =	ssyncadd.s32 $0xFFFFC000  }
0xf1: {  	[tilespmem:s31], [sflag:$0x2] =	stream.indirect.gather [hbm4b:s1+s20], $0x80, s13, s20, $0xb8;
	[tilespmem:$0x1C400] =	vst v63  }
0xf2: {  	_ =	swait.ge [sflag:s0], $0x4000  }
0xf3: {  	[sflag:s0] =	ssyncset.done $0x0  }
0xf4: {  	[sflag:s0] =	ssyncadd.s32 $0xFFFFC000  }
0xf5: {  	[spmem:s3] =	stream.indirect.scatter.add.f32 [tilespmem:s18], [sflag:$0x5], $0x80, s22, s20, $0xb8;
	[tilespmem:$0x1C400] =	vst v63  }
0xf6: {  	_ =	swait.ge [sflag:s17], $0x4000  }
0xf7: {  	[sflag:s17] =	ssyncset.done $0x0  }
0xf8: {  	[sflag:s17] =	ssyncadd.s32 $0xFFFFC000  }
0xf9: {  	_ =	swait.ge [sflag:s24], $0x400  }
0xfa: {  	[sflag:s24] =	ssyncset.done $0x0  }
0xfb: {  	[sflag:s24] =	ssyncadd.s32 $0xFFFFFC00  }
0xfc: {  	[tilespmem:s18], [sflag:$0x1] =	stream.indirect.gather [hbm4b:s1+s20], $0x80, s19, s20, $0xb8;
	[tilespmem:$0x1C400] =	vst v63  }
0xfd: {  	_ =	swait.ge [sflag:s2], $0x4000  }
0xfe: {  	[sflag:s2] =	ssyncset.done $0x0  }
0xff: {  	[sflag:s2] =	ssyncadd.s32 $0xFFFFC000  }
0x100: {  	[spmem:s3] =	stream.indirect.scatter.add.f32 [tilespmem:s31], [sflag:$0x5], $0x80, s23, s20, $0xb8;
	[tilespmem:$0x1C400] =	vst v63  }
0x101: {  	p0 =	por $0x0, $0x0;
	_ =	swait.ge [sflag:s17], $0x4000  }
0x102: {  	s10 =	sadd.s32 @!p0 $0x0, s15;
	[sflag:s17] =	ssyncset.done $0x0  }
0x103: {  	s10 =	sadd.s32 @!p0 $0x100, s10;
	s11 =	simm.s32 @!p0 $0x0;
	[sflag:s17] =	ssyncadd.s32 $0xFFFFC000  }
0x104: {  	[tilespmem:s11], [sflag:$0x3] =	stream.linear.gather @!p0 [hbm4b:s10+s11], $0x400, $0x38;
	[tilespmem:$0x1C400] =	vst v63  }
0x105: {  	s12 =	rddreg [dreg:$0x7]  }
0x106: {  	[tilespmem:s31], [sflag:$0x2] =	stream.indirect.gather [hbm4b:s1+s20], $0x80, s12, s20, $0xb8;
	[tilespmem:$0x1C400] =	vst v63  }
0x107: {  	_ =	swait.ge [sflag:s0], $0x4000  }
0x108: {  	[sflag:s0] =	ssyncset.done $0x0  }
0x109: {  	[sflag:s0] =	ssyncadd.s32 $0xFFFFC000  }
0x10a: {  	[spmem:s3] =	stream.indirect.scatter.add.f32 [tilespmem:s18], [sflag:$0x5], $0x80, s25, s20, $0xb8;
	[tilespmem:$0x1C400] =	vst v63  }
0x10b: {  	_ =	swait.ge [sflag:s17], $0x4000  }
0x10c: {  	[sflag:s17] =	ssyncset.done $0x0  }
0x10d: {  	s8 =	smov.u32 s14;
	s14 =	rddreg [dreg:$0x8];
	[sflag:s17] =	ssyncadd.s32 $0xFFFFC000  }
0x10e: {  	[tilespmem:s18], [sflag:$0x1] =	stream.indirect.gather [hbm4b:s1+s20], $0x80, s14, s20, $0xb8;
	[tilespmem:$0x1C400] =	vst v63  }
0x10f: {  	_ =	swait.ge [sflag:s2], $0x4000  }
0x110: {  	[sflag:s2] =	ssyncset.done $0x0  }
0x111: {  	[sflag:s2] =	ssyncadd.s32 $0xFFFFC000  }
0x112: {  	[spmem:s3] =	stream.indirect.scatter.add.f32 [tilespmem:s31], [sflag:$0x5], $0x80, s26, s20, $0xb8;
	[tilespmem:$0x1C400] =	vst v63  }
0x113: {  	_ =	swait.ge [sflag:s17], $0x4000  }
0x114: {  	[sflag:s17] =	ssyncset.done $0x0  }
0x115: {  	[sflag:s17] =	ssyncadd.s32 $0xFFFFC000  }
0x116: {  	[tilespmem:s31], [sflag:$0x2] =	stream.indirect.gather [hbm4b:s1+s20], $0x80, s5, s20, $0xb8;
	[tilespmem:$0x1C400] =	vst v63  }
0x117: {  	_ =	swait.ge [sflag:s0], $0x4000  }
0x118: {  	[sflag:s0] =	ssyncset.done $0x0  }
0x119: {  	[sflag:s0] =	ssyncadd.s32 $0xFFFFC000  }
0x11a: {  	[spmem:s3] =	stream.indirect.scatter.add.f32 [tilespmem:s18], [sflag:$0x5], $0x80, s28, s20, $0xb8;
	[tilespmem:$0x1C400] =	vst v63  }
0x11b: {  	_ =	swait.ge [sflag:s17], $0x4000  }
0x11c: {  	p0 =	por $0x0, $0x0;
	[sflag:s17] =	ssyncset.done $0x0  }
0x11d: {  	s10 =	simm.s32 @!p0 $0x3;
	[sflag:s17] =	ssyncadd.s32 $0xFFFFC000  }
0x11e: {  	_ =	swait.ge @!p0 [sflag:s10], $0x400  }
0x11f: {  	s11 =	simm.s32 @!p0 $0x800;
	[sflag:s10] =	ssyncset.done @!p0 $0x0  }
0x120: {  	s12 =	simm.s32 @!p0 $0x0;
	[sflag:s10] =	ssyncadd.s32 @!p0 $0xFFFFFC00;
	s10 =	simm.s32 @!p0 $0x80  }
0x121: {  	[tilespmem:s11], [sflag:$0x1] =	stream.indirect.gather @!p0 [hbm4b:s1+s10], $0x80, s12, s10, $0xb8;
	[tilespmem:$0x1C400] =	vst v63  }
0x122: {  	_ =	swait.ge [sflag:s2], $0x4000  }
0x123: {  	[sflag:s2] =	ssyncset.done $0x0  }
0x124: {  	s13 =	sadd.s32 $0x100, s15;
	[sflag:s2] =	ssyncadd.s32 $0xFFFFC000  }
0x125: {  	[spmem:s3] =	stream.indirect.scatter.add.f32 [tilespmem:s31], [sflag:$0x5], $0x80, s29, s20, $0xb8;
	[tilespmem:$0x1C400] =	vst v63  }
0x126: {  	s11 =	simm.s32 $0x100;
	s12 =	simm.s32 $0x200;
	_ =	swait.ge [sflag:s17], $0x4000  }
0x127: {  	s10 =	simm.s32 $0x3;
	s14 =	rddreg [dreg:$0x4];
	[sflag:s17] =	ssyncset.done $0x0  }
.LBB2_4:
0x128: {  	s6 =	sadd.s32 $0x80, s13;
	[sflag:s17] =	ssyncadd.s32 $0xFFFFC000  }
0x129: {  	[tilespmem:s19], [sflag:$0x4] =	stream.linear.gather [hbm4b:s6+s4], $0x400, $0x38;
	[tilespmem:$0x1C400] =	vst v63  }
0x12a: {  	_ = 	snop  }
0x12b: {  	[tilespmem:s31], [sflag:$0x2] =	stream.indirect.gather [hbm4b:s1+s20], $0x80, s14, s20, $0xb8;
	[tilespmem:$0x1C400] =	vst v63  }
0x12c: {  	_ =	swait.ge [sflag:s0], $0x4000  }
0x12d: {  	[sflag:s0] =	ssyncset.done $0x0  }
0x12e: {  	[sflag:s0] =	ssyncadd.s32 $0xFFFFC000  }
0x12f: {  	[spmem:s3] =	stream.indirect.scatter.add.f32 [tilespmem:s18], [sflag:$0x5], $0x80, s20, s20, $0xb8;
	[tilespmem:$0x1C400] =	vst v63  }
0x130: {  	_ =	swait.ge [sflag:s17], $0x4000  }
0x131: {  	[sflag:s17] =	ssyncset.done $0x0  }
0x132: {  	s14 =	rddreg [dreg:$0x5];
	[sflag:s17] =	ssyncadd.s32 $0xFFFFC000  }
0x133: {  	[tilespmem:s18], [sflag:$0x1] =	stream.indirect.gather [hbm4b:s1+s20], $0x80, s14, s20, $0xb8;
	[tilespmem:$0x1C400] =	vst v63  }
0x134: {  	_ =	swait.ge [sflag:s2], $0x4000  }
0x135: {  	[sflag:s2] =	ssyncset.done $0x0  }
0x136: {  	[sflag:s2] =	ssyncadd.s32 $0xFFFFC000  }
0x137: {  	[spmem:s3] =	stream.indirect.scatter.add.f32 [tilespmem:s31], [sflag:$0x5], $0x80, s21, s20, $0xb8;
	[tilespmem:$0x1C400] =	vst v63  }
0x138: {  	_ =	swait.ge [sflag:s17], $0x4000  }
0x139: {  	[sflag:s17] =	ssyncset.done $0x0  }
0x13a: {  	s14 =	rddreg [dreg:$0x6];
	[sflag:s17] =	ssyncadd.s32 $0xFFFFC000  }
0x13b: {  	[tilespmem:s31], [sflag:$0x2] =	stream.indirect.gather [hbm4b:s1+s20], $0x80, s14, s20, $0xb8;
	[tilespmem:$0x1C400] =	vst v63  }
0x13c: {  	_ =	swait.ge [sflag:s0], $0x4000  }
0x13d: {  	[sflag:s0] =	ssyncset.done $0x0  }
0x13e: {  	[sflag:s0] =	ssyncadd.s32 $0xFFFFC000  }
0x13f: {  	[spmem:s3] =	stream.indirect.scatter.add.f32 [tilespmem:s18], [sflag:$0x5], $0x80, s22, s20, $0xb8;
	[tilespmem:$0x1C400] =	vst v63  }
0x140: {  	_ =	swait.ge [sflag:s17], $0x4000  }
0x141: {  	[sflag:s17] =	ssyncset.done $0x0  }
0x142: {  	[sflag:s17] =	ssyncadd.s32 $0xFFFFC000  }
0x143: {  	_ =	swait.ge [sflag:s24], $0x400  }
0x144: {  	[sflag:s24] =	ssyncset.done $0x0  }
0x145: {  	[sflag:s24] =	ssyncadd.s32 $0xFFFFFC00  }
0x146: {  	[tilespmem:s18], [sflag:$0x1] =	stream.indirect.gather [hbm4b:s1+s20], $0x80, s19, s20, $0xb8;
	[tilespmem:$0x1C400] =	vst v63  }
0x147: {  	_ =	swait.ge [sflag:s2], $0x4000  }
0x148: {  	[sflag:s2] =	ssyncset.done $0x0  }
0x149: {  	[sflag:s2] =	ssyncadd.s32 $0xFFFFC000  }
0x14a: {  	[spmem:s3] =	stream.indirect.scatter.add.f32 [tilespmem:s31], [sflag:$0x5], $0x80, s23, s20, $0xb8;
	[tilespmem:$0x1C400] =	vst v63  }
0x14b: {  	p1 =	seq.s32 s11, $0x900;
	_ =	swait.ge [sflag:s17], $0x4000  }
0x14c: {  	s6 =	sadd.s32 @!p1 s11, s15;
	[sflag:s17] =	ssyncset.done $0x0  }
0x14d: {  	s11 =	simm.s32 @!p1 $0x0;
	s6 =	sadd.s32 @!p1 $0x100, s6;
	[sflag:s17] =	ssyncadd.s32 $0xFFFFC000  }
0x14e: {  	[tilespmem:s11], [sflag:$0x3] =	stream.linear.gather @!p1 [hbm4b:s6+s11], $0x400, $0x38;
	[tilespmem:$0x1C400] =	vst v63  }
0x14f: {  	s14 =	rddreg [dreg:$0x7]  }
0x150: {  	[tilespmem:s31], [sflag:$0x2] =	stream.indirect.gather [hbm4b:s1+s20], $0x80, s14, s20, $0xb8;
	[tilespmem:$0x1C400] =	vst v63  }
0x151: {  	_ =	swait.ge [sflag:s0], $0x4000  }
0x152: {  	[sflag:s0] =	ssyncset.done $0x0  }
0x153: {  	[sflag:s0] =	ssyncadd.s32 $0xFFFFC000  }
0x154: {  	[spmem:s3] =	stream.indirect.scatter.add.f32 [tilespmem:s18], [sflag:$0x5], $0x80, s25, s20, $0xb8;
	[tilespmem:$0x1C400] =	vst v63  }
0x155: {  	_ =	swait.ge [sflag:s17], $0x4000  }
0x156: {  	[sflag:s17] =	ssyncset.done $0x0  }
0x157: {  	s14 =	rddreg [dreg:$0x8];
	[sflag:s17] =	ssyncadd.s32 $0xFFFFC000  }
0x158: {  	[tilespmem:s18], [sflag:$0x1] =	stream.indirect.gather [hbm4b:s1+s20], $0x80, s14, s20, $0xb8;
	[tilespmem:$0x1C400] =	vst v63  }
0x159: {  	_ =	swait.ge [sflag:s2], $0x4000  }
0x15a: {  	[sflag:s2] =	ssyncset.done $0x0  }
0x15b: {  	[sflag:s2] =	ssyncadd.s32 $0xFFFFC000  }
0x15c: {  	[spmem:s3] =	stream.indirect.scatter.add.f32 [tilespmem:s31], [sflag:$0x5], $0x80, s26, s20, $0xb8;
	[tilespmem:$0x1C400] =	vst v63  }
0x15d: {  	_ =	swait.ge [sflag:s17], $0x4000  }
0x15e: {  	[sflag:s17] =	ssyncset.done $0x0  }
0x15f: {  	[sflag:s17] =	ssyncadd.s32 $0xFFFFC000  }
0x160: {  	[tilespmem:s31], [sflag:$0x2] =	stream.indirect.gather [hbm4b:s1+s20], $0x80, s5, s20, $0xb8;
	[tilespmem:$0x1C400] =	vst v63  }
0x161: {  	_ =	swait.ge [sflag:s0], $0x4000  }
0x162: {  	[sflag:s0] =	ssyncset.done $0x0  }
0x163: {  	[sflag:s0] =	ssyncadd.s32 $0xFFFFC000  }
0x164: {  	[spmem:s3] =	stream.indirect.scatter.add.f32 [tilespmem:s18], [sflag:$0x5], $0x80, s28, s20, $0xb8;
	[tilespmem:$0x1C400] =	vst v63  }
0x165: {  	_ =	swait.ge [sflag:s17], $0x4000  }
0x166: {  	p1 =	sgt.u32 s10, $0x12;
	[sflag:s17] =	ssyncset.done $0x0  }
0x167: {  	s6 =	simm.s32 @!p1 $0x3;
	[sflag:s17] =	ssyncadd.s32 $0xFFFFC000  }
0x168: {  	s13 =	smov.u32 s12;
	s12 =	sadd.s32 $0x100, s12;
	_ =	swait.ge @!p1 [sflag:s6], $0x400  }
0x169: {  	s11 =	smov.u32 s13;
	s13 =	simm.s32 @!p1 $0x800;
	[sflag:s6] =	ssyncset.done @!p1 $0x0  }
0x16a: {  	s14 =	simm.s32 @!p1 $0x0;
	[sflag:s6] =	ssyncadd.s32 @!p1 $0xFFFFFC00;
	s6 =	simm.s32 @!p1 $0x80  }
0x16b: {  	[tilespmem:s13], [sflag:$0x1] =	stream.indirect.gather @!p1 [hbm4b:s1+s6], $0x80, s14, s6, $0xb8;
	[tilespmem:$0x1C400] =	vst v63  }
0x16c: {  	p0 =	sne.s32 s12, $0xA00;
	_ =	swait.ge [sflag:s2], $0x4000  }
.Ltmp1:
0x16d: {  	[sflag:s2] =	ssyncset.done $0x0;
	(pc) =	sbr.rel @p0 .LBB2_4-.Ltmp1, $4  }
0x16e: {  	[sflag:s2] =	ssyncadd.s32 $0xFFFFC000  }
0x16f: {  	[spmem:s3] =	stream.indirect.scatter.add.f32 [tilespmem:s31], [sflag:$0x5], $0x80, s29, s20, $0xb8;
	[tilespmem:$0x1C400] =	vst v63  }
0x170: {  	s10 =	sadd.s32 $0x2, s10;
	_ =	swait.ge [sflag:s17], $0x4000  }
0x171: {  	s13 =	sadd.s32 s11, s15;
	s14 =	rddreg [dreg:$0x4];
	[sflag:s17] =	ssyncset.done $0x0  }
0x172: {  	s6 =	sadd.s32 $0x80, s13;
	[sflag:s17] =	ssyncadd.s32 $0xFFFFC000  }
0x173: {  	[tilespmem:s19], [sflag:$0x4] =	stream.linear.gather [hbm4b:s6+s4], $0x400, $0x38;
	[tilespmem:$0x1C400] =	vst v63  }
0x174: {  	_ = 	snop  }
0x175: {  	[tilespmem:s31], [sflag:$0x2] =	stream.indirect.gather [hbm4b:s1+s20], $0x80, s14, s20, $0xb8;
	[tilespmem:$0x1C400] =	vst v63  }
0x176: {  	_ =	swait.ge [sflag:s0], $0x4000  }
0x177: {  	[sflag:s0] =	ssyncset.done $0x0  }
0x178: {  	[sflag:s0] =	ssyncadd.s32 $0xFFFFC000  }
0x179: {  	[spmem:s3] =	stream.indirect.scatter.add.f32 [tilespmem:s18], [sflag:$0x5], $0x80, s20, s20, $0xb8;
	[tilespmem:$0x1C400] =	vst v63  }
0x17a: {  	_ =	swait.ge [sflag:s17], $0x4000  }
0x17b: {  	[sflag:s17] =	ssyncset.done $0x0  }
0x17c: {  	s13 =	rddreg [dreg:$0x5];
	[sflag:s17] =	ssyncadd.s32 $0xFFFFC000  }
0x17d: {  	[tilespmem:s18], [sflag:$0x1] =	stream.indirect.gather [hbm4b:s1+s20], $0x80, s13, s20, $0xb8;
	[tilespmem:$0x1C400] =	vst v63  }
0x17e: {  	_ =	swait.ge [sflag:s2], $0x4000  }
0x17f: {  	[sflag:s2] =	ssyncset.done $0x0  }
0x180: {  	[sflag:s2] =	ssyncadd.s32 $0xFFFFC000  }
0x181: {  	[spmem:s3] =	stream.indirect.scatter.add.f32 [tilespmem:s31], [sflag:$0x5], $0x80, s21, s20, $0xb8;
	[tilespmem:$0x1C400] =	vst v63  }
0x182: {  	_ =	swait.ge [sflag:s17], $0x4000  }
0x183: {  	[sflag:s17] =	ssyncset.done $0x0  }
0x184: {  	s14 =	rddreg [dreg:$0x6];
	[sflag:s17] =	ssyncadd.s32 $0xFFFFC000  }
0x185: {  	[tilespmem:s31], [sflag:$0x2] =	stream.indirect.gather [hbm4b:s1+s20], $0x80, s14, s20, $0xb8;
	[tilespmem:$0x1C400] =	vst v63  }
0x186: {  	_ =	swait.ge [sflag:s0], $0x4000  }
0x187: {  	[sflag:s0] =	ssyncset.done $0x0  }
0x188: {  	[sflag:s0] =	ssyncadd.s32 $0xFFFFC000  }
0x189: {  	[spmem:s3] =	stream.indirect.scatter.add.f32 [tilespmem:s18], [sflag:$0x5], $0x80, s22, s20, $0xb8;
	[tilespmem:$0x1C400] =	vst v63  }
0x18a: {  	_ =	swait.ge [sflag:s17], $0x4000  }
0x18b: {  	[sflag:s17] =	ssyncset.done $0x0  }
0x18c: {  	[sflag:s17] =	ssyncadd.s32 $0xFFFFC000  }
0x18d: {  	_ =	swait.ge [sflag:s24], $0x400  }
0x18e: {  	[sflag:s24] =	ssyncset.done $0x0  }
0x18f: {  	[sflag:s24] =	ssyncadd.s32 $0xFFFFFC00  }
0x190: {  	[tilespmem:s18], [sflag:$0x1] =	stream.indirect.gather [hbm4b:s1+s20], $0x80, s19, s20, $0xb8;
	[tilespmem:$0x1C400] =	vst v63  }
0x191: {  	_ =	swait.ge [sflag:s2], $0x4000  }
0x192: {  	[sflag:s2] =	ssyncset.done $0x0  }
0x193: {  	[sflag:s2] =	ssyncadd.s32 $0xFFFFC000  }
0x194: {  	[spmem:s3] =	stream.indirect.scatter.add.f32 [tilespmem:s31], [sflag:$0x5], $0x80, s23, s20, $0xb8;
	[tilespmem:$0x1C400] =	vst v63  }
0x195: {  	p0 =	seq.s32 s11, $0x900;
	_ =	swait.ge [sflag:s17], $0x4000  }
0x196: {  	s6 =	sadd.s32 @!p0 s11, s15;
	[sflag:s17] =	ssyncset.done $0x0  }
0x197: {  	s11 =	simm.s32 @!p0 $0x0;
	s6 =	sadd.s32 @!p0 $0x100, s6;
	[sflag:s17] =	ssyncadd.s32 $0xFFFFC000  }
0x198: {  	[tilespmem:s11], [sflag:$0x3] =	stream.linear.gather @!p0 [hbm4b:s6+s11], $0x400, $0x38;
	[tilespmem:$0x1C400] =	vst v63  }
0x199: {  	s12 =	rddreg [dreg:$0x7]  }
0x19a: {  	[tilespmem:s31], [sflag:$0x2] =	stream.indirect.gather [hbm4b:s1+s20], $0x80, s12, s20, $0xb8;
	[tilespmem:$0x1C400] =	vst v63  }
0x19b: {  	_ =	swait.ge [sflag:s0], $0x4000  }
0x19c: {  	[sflag:s0] =	ssyncset.done $0x0  }
0x19d: {  	[sflag:s0] =	ssyncadd.s32 $0xFFFFC000  }
0x19e: {  	[spmem:s3] =	stream.indirect.scatter.add.f32 [tilespmem:s18], [sflag:$0x5], $0x80, s25, s20, $0xb8;
	[tilespmem:$0x1C400] =	vst v63  }
0x19f: {  	_ =	swait.ge [sflag:s17], $0x4000  }
0x1a0: {  	[sflag:s17] =	ssyncset.done $0x0  }
0x1a1: {  	s12 =	rddreg [dreg:$0x8];
	[sflag:s17] =	ssyncadd.s32 $0xFFFFC000  }
0x1a2: {  	[tilespmem:s18], [sflag:$0x1] =	stream.indirect.gather [hbm4b:s1+s20], $0x80, s12, s20, $0xb8;
	[tilespmem:$0x1C400] =	vst v63  }
0x1a3: {  	_ =	swait.ge [sflag:s2], $0x4000  }
0x1a4: {  	[sflag:s2] =	ssyncset.done $0x0  }
0x1a5: {  	[sflag:s2] =	ssyncadd.s32 $0xFFFFC000  }
0x1a6: {  	[spmem:s3] =	stream.indirect.scatter.add.f32 [tilespmem:s31], [sflag:$0x5], $0x80, s26, s20, $0xb8;
	[tilespmem:$0x1C400] =	vst v63  }
0x1a7: {  	_ =	swait.ge [sflag:s17], $0x4000  }
0x1a8: {  	[sflag:s17] =	ssyncset.done $0x0  }
0x1a9: {  	[sflag:s17] =	ssyncadd.s32 $0xFFFFC000  }
0x1aa: {  	[tilespmem:s31], [sflag:$0x2] =	stream.indirect.gather [hbm4b:s1+s20], $0x80, s5, s20, $0xb8;
	[tilespmem:$0x1C400] =	vst v63  }
0x1ab: {  	_ =	swait.ge [sflag:s0], $0x4000  }
0x1ac: {  	[sflag:s0] =	ssyncset.done $0x0  }
0x1ad: {  	[sflag:s0] =	ssyncadd.s32 $0xFFFFC000  }
0x1ae: {  	[spmem:s3] =	stream.indirect.scatter.add.f32 [tilespmem:s18], [sflag:$0x5], $0x80, s28, s20, $0xb8;
	[tilespmem:$0x1C400] =	vst v63  }
0x1af: {  	_ =	swait.ge [sflag:s17], $0x4000  }
0x1b0: {  	p0 =	sgt.u32 s10, $0x12;
	[sflag:s17] =	ssyncset.done $0x0  }
0x1b1: {  	s6 =	simm.s32 @!p0 $0x3;
	[sflag:s17] =	ssyncadd.s32 $0xFFFFC000  }
0x1b2: {  	_ =	swait.ge @!p0 [sflag:s6], $0x400  }
0x1b3: {  	s10 =	simm.s32 @!p0 $0x800;
	[sflag:s6] =	ssyncset.done @!p0 $0x0  }
0x1b4: {  	s11 =	simm.s32 @!p0 $0x0;
	[sflag:s6] =	ssyncadd.s32 @!p0 $0xFFFFFC00;
	s6 =	simm.s32 @!p0 $0x80  }
0x1b5: {  	[tilespmem:s10], [sflag:$0x1] =	stream.indirect.gather @!p0 [hbm4b:s1+s6], $0x80, s11, s6, $0xb8;
	[tilespmem:$0x1C400] =	vst v63  }
0x1b6: {  	_ =	swait.ge [sflag:s2], $0x4000  }
0x1b7: {  	[sflag:s2] =	ssyncset.done $0x0  }
0x1b8: {  	[sflag:s2] =	ssyncadd.s32 $0xFFFFC000  }
0x1b9: {  	[spmem:s3] =	stream.indirect.scatter.add.f32 [tilespmem:s31], [sflag:$0x5], $0x80, s29, s20, $0xb8;
	[tilespmem:$0x1C400] =	vst v63  }
0x1ba: {  	_ =	swait.ge [sflag:s17], $0x4000  }
0x1bb: {  	[sflag:s17] =	ssyncset.done $0x0  }
0x1bc: {  	[sflag:s17] =	ssyncadd.s32 $0xFFFFC000  }
0x1bd: {  	[bflag:$0x0] =	sbarrier.arrive $0xFFFF  }
0x1be: {  	s13 =	rddreg [dreg:$0xe]  }
0x1bf: {  	[hbm:s13], [sflag:s7] =	dma.local [spmem:s16], $0x2780  }
0x1c0: {  	_ =	swait.ge [sflag:s17], $0x2780  }
0x1c1: {  	s9 =	sadd.s32 $0x1, s9;
	s14 =	rddreg [dreg:$0xf]  }
0x1c2: {  	p0 =	sne.s32 s9, s14  }
.Ltmp2:
0x1c3: {  	_ = 	snop;
	(pc) =	sbr.rel @p0 .LBB2_1-.Ltmp2, $3  }
0x1c4: {  	_ =	sdelay $0x1  }
0x1c5: {  	[sflag:s17] =	ssyncset.done $0x0  }
0x1c6: {  	s13 =	rddreg [dreg:$0xa];
	[sflag:s17] =	ssyncadd.s32 $0xFFFFD880;
	s14 =	smov.u32 s8  }
0x1c7: {  	_ =	sfence.sel $0x180000  }
0x1c8: {  	[bflag:$0x0] =	sbarrier.arrive $0xFFFF  }
0x1c9: {  	_ =	strace $0x90000047  }
0x1ca: {  	s0 =	stileid.u32;
	[bflag:$0x2] =	sbarrier.arrive $0xFFFF  }
0x1cb: {  	p0 =	sne.s32 s0, $0x0;
	s0 =	rddreg [dreg:$0x3]  }
0x1cc: {  	s0 =	sadd.s32 @!p0 $0x100000, s0  }
0x1cd: {  	[sflag:s0] =	ssyncadd.tile.s32 @!p0 $0x1;
	_ =	shalt  }
.Lfunc_end2:
_tile_overlayer_lowered:
.L_overlay_start_2:
0x1ce: {  	(tag) =	ssettag $0x2  }
0x1cf: {  	s0 =	rddreg [dreg:$0x0];
	s2 =	stileid.u32  }
0x1d0: {  	s1 =	rddreg [dreg:$0x1];
	p0 =	sne.s32 s2, $0x0  }
0x1d1: {  	s3 =	rddreg [dreg:$0x2];
	[bflag:$0x3] =	sbarrier.arrive $0xFFFF;
	s2 =	simm.s32 @!p0 $0x1C05  }
0x1d2: {  	[timem:s3], [sflag:s2] =	dma.local @!p0 [hbm:s0], s1  }
0x1d3: {  	s0 =	simm.s32 @!p0 $0x5  }
0x1d4: {  	_ =	swait.ge @!p0 [sflag:s0], s1  }
0x1d5: {  	s1 =	ssub.s32 @!p0 $0x0, s1;
	[sflag:s0] =	ssyncset.done @!p0 $0x0  }
0x1d6: {  	[sflag:s0] =	ssyncadd.s32 @!p0 s1  }
0x1d7: {  	[bflag:$0x3] =	sbarrier.arrive $0xFFFF  }
0x1d8: {  	_ =	shalt  }

// kernel: kernel.9.cloned.1.call-start
scs
__scs_entry_jumppad:
0x0: {  	(pc) =	sbr.rel $0x88, $3  }
0x1: {  	(tag) =	ssettag $0x0;
	lr =	simm.s32 $0x1  }
0x2: {  	[smem:$0x3F97] =	sst lr;
	_ =	strace $0xD0000000  }
0x3: {  	_ = 	snop  }
0x4: {  	_ = 	snop  }
0x5: {  	_ = 	snop  }
0x6: {  	_ = 	snop  }
0x7: {  	_ = 	snop  }
__scs_overlays_trampoline_lowered:
0x8: {  	[smem:$0x3FA6] =	sst s0  }
0x9: {  	[smem:$0x3FA7] =	sst s1  }
0xa: {  	[smem:$0x3FA8] =	sst s2  }
0xb: {  	[smem:$0x3FA9] =	sst s3  }
0xc: {  	[smem:$0x3FAA] =	sst s4  }
0xd: {  	[smem:$0x3FAB] =	sst s5  }
0xe: {  	[smem:$0x3FAC] =	sst s6  }
0xf: {  	[smem:$0x3FAD] =	sst s7  }
0x10: {  	[smem:$0x3FAE] =	sst s8  }
0x11: {  	[smem:$0x3FAF] =	sst s9;
	s0 =	simm.s32 @!p0 $0x0  }
0x12: {  	s1 =	sld [smem:$0x3F95];
	s0 =	simm.s32 @p0 $0x1  }
0x13: {  	[smem:$0x3FB0] =	sst s0;
	s0 =	simm.s32 @!p1 $0x0  }
0x14: {  	s2 =	sld [smem:$0x3F94];
	s0 =	simm.s32 @p1 $0x1  }
0x15: {  	[smem:$0x3FB1] =	sst s0;
	s0 =	simm.s32 @!p2 $0x0  }
0x16: {  	s3 =	sld [smem:$0x3FDB];
	s0 =	simm.s32 @p2 $0x1  }
0x17: {  	s4 =	simm.s32 $0x1BF5;
	[smem:$0x3FB3] =	sst s0  }
0x18: {  	s0 =	sld [smem:$0x3F96];
	_ =	swait.ge [sflag:s4], $0x0  }
0x19: {  	s7 =	sld [smem:$0x3F97]  }
0x1a: {  	s8 =	sadd.s32 $0xFFFFE003, lr  }
0x1b: {  	s9 =	sadd.s32 $0xFFFFFEF7, lr;
	s5 =	simm.s32 $0xFFFFFFFF;
	p2 =	slt.u32 s8, $0xFFFFF086  }
0x1c: {  	p1 =	slt.u32 s9, $0xF7A;
	s5 =	simm.s32 @!p2 $0x0  }
0x1d: {  	s5 =	simm.s32 @p1 $0x1;
	p0 =	seq.s32 s7, s2  }
0x1e: {  	s7 =	smul.u32 @!p0 $0xF7A, s2;
	p2 =	seq.s32 @!p0 s5, $0x0  }
0x1f: {  	s9 =	smul.u32 $0xF7A, s1;
	s8 =	simm.s32 @!p0 $0x1BF5;
	p2 =	por !p2, p0  }
0x20: {  	[sflag:s8] =	ssyncset.s32 @!p0 $0xFFFFF086;
	s6 =	sadd.s32 @!p0 s3, s7;
	s7 =	simm.s32 @!p0 $0x108  }
0x21: {  	s3 =	sadd.s32 s3, s9;
	s6 =	sadd.s32 @!p0 $0x88, s6;
	s7 =	simm.s32 @p2 $0x1082  }
0x22: {  	[simem:s7], [sflag:s8] =	dma.local @!p0 [hbm:s6], $0xF7A  }
0x23: {  	s9 =	sor.u32 $0xD0000000, s2;
	s6 =	simm.s32 $0x108;
	_ =	swait.ge @!p0 [sflag:s8], $0x0  }
0x24: {  	s3 =	sadd.s32 $0x88, s3;
	s6 =	simm.s32 @!p1 $0x1082;
	[sflag:s4] =	ssyncset.s32 $0xFFFFF086  }
0x25: {  	[simem:s6], [sflag:s4] =	dma.local [hbm:s3], $0xF7A  }
0x26: {  	[smem:$0x3F97] =	sst s1;
	(tag) =	ssettag s2;
	_ =	strace s9  }
0x27: {  	s1 =	sld [smem:$0x3FA7]  }
0x28: {  	s2 =	sld [smem:$0x3FA8]  }
0x29: {  	s4 =	sld [smem:$0x3FAA]  }
0x2a: {  	p0 =	seq.s32 s5, $0x0;
	s5 =	sld [smem:$0x3FAB]  }
0x2b: {  	s6 =	sld [smem:$0x3FAC]  }
0x2c: {  	s7 =	sld [smem:$0x3FAD]  }
0x2d: {  	s3 =	simm.s32 $0x108;
	s8 =	sld [smem:$0x3FAE]  }
0x2e: {  	s3 =	simm.s32 @!p0 $0x1082;
	s9 =	sld [smem:$0x3FAF]  }
0x2f: {  	lr =	sadd.s32 s0, s3;
	s0 =	sld [smem:$0x3FA6]  }
0x30: {  	s3 =	sld [smem:$0x3FA9]  }
0x31: {  	[smem:$0x3FB2] =	sst s10  }
0x32: {  	s10 =	sld [smem:$0x3FB0];
	_ =	sdelay $0x3  }
0x33: {  	p0 =	seq.s32 s10, $0x1;
	s10 =	sld [smem:$0x3FB2];
	_ =	sdelay $0x3  }
0x34: {  	[smem:$0x3FB2] =	sst s10  }
0x35: {  	s10 =	sld [smem:$0x3FB1];
	_ =	sdelay $0x3  }
0x36: {  	p1 =	seq.s32 s10, $0x1;
	s10 =	sld [smem:$0x3FB2];
	_ =	sdelay $0x3  }
0x37: {  	[smem:$0x3FB2] =	sst s10  }
0x38: {  	s10 =	sld [smem:$0x3FB3]  }
0x39: {  	_ = 	snop;
	(pc) =	sbr.ind lr, $3  }
0x3a: {  	_ = 	snop  }
0x3b: {  	_ = 	snop  }
0x3c: {  	p2 =	seq.s32 s10, $0x1;
	s10 =	sld [smem:$0x3FB2]  }
0x3d: {  	_ =	shalt  }
0x3e: {  	_ =	shalt  }
0x3f: {  	_ =	shalt  }
0x40: {  	_ =	shalt  }
0x41: {  	_ =	shalt  }
0x42: {  	_ =	shalt  }
0x43: {  	_ =	shalt  }
0x44: {  	_ =	shalt  }
0x45: {  	_ =	shalt  }
0x46: {  	_ =	shalt  }
0x47: {  	_ =	shalt  }
0x48: {  	_ =	shalt  }
0x49: {  	_ =	shalt  }
0x4a: {  	_ =	shalt  }
0x4b: {  	_ =	shalt  }
0x4c: {  	_ =	shalt  }
0x4d: {  	_ =	shalt  }
0x4e: {  	_ =	shalt  }
0x4f: {  	_ =	shalt  }
0x50: {  	_ =	shalt  }
0x51: {  	_ =	shalt  }
0x52: {  	_ =	shalt  }
0x53: {  	_ =	shalt  }
0x54: {  	_ =	shalt  }
0x55: {  	_ =	shalt  }
0x56: {  	_ =	shalt  }
0x57: {  	_ =	shalt  }
0x58: {  	_ =	shalt  }
0x59: {  	_ =	shalt  }
0x5a: {  	_ =	shalt  }
0x5b: {  	_ =	shalt  }
0x5c: {  	_ =	shalt  }
0x5d: {  	_ =	shalt  }
0x5e: {  	_ =	shalt  }
0x5f: {  	_ =	shalt  }
0x60: {  	_ =	shalt  }
0x61: {  	_ =	shalt  }
0x62: {  	_ =	shalt  }
0x63: {  	_ =	shalt  }
0x64: {  	_ =	shalt  }
0x65: {  	_ =	shalt  }
0x66: {  	_ =	shalt  }
0x67: {  	_ =	shalt  }
0x68: {  	_ =	shalt  }
0x69: {  	_ =	shalt  }
0x6a: {  	_ =	shalt  }
0x6b: {  	_ =	shalt  }
0x6c: {  	_ =	shalt  }
0x6d: {  	_ =	shalt  }
0x6e: {  	_ =	shalt  }
0x6f: {  	_ =	shalt  }
0x70: {  	_ =	shalt  }
0x71: {  	_ =	shalt  }
0x72: {  	_ =	shalt  }
0x73: {  	_ =	shalt  }
0x74: {  	_ =	shalt  }
0x75: {  	_ =	shalt  }
0x76: {  	_ =	shalt  }
0x77: {  	_ =	shalt  }
0x78: {  	_ =	shalt  }
0x79: {  	_ =	shalt  }
0x7a: {  	_ =	shalt  }
0x7b: {  	_ =	shalt  }
0x7c: {  	_ =	shalt  }
0x7d: {  	_ =	shalt  }
0x7e: {  	_ =	shalt  }
0x7f: {  	_ =	shalt  }
0x80: {  	_ =	shalt  }
0x81: {  	_ =	shalt  }
0x82: {  	_ =	shalt  }
0x83: {  	_ =	shalt  }
0x84: {  	_ =	shalt  }
0x85: {  	_ =	shalt  }
0x86: {  	_ =	shalt  }
0x87: {  	_ =	shalt  }
.Lfunc_end0:
.L_simem_size_0:
called_computation.1_lowered:
.L_overlay_start_0:
0x88: {  	s2 =	sld [smem:$0x3FD9]  }
0x89: {  	s3 =	sld [smem:$0x3FFE];
	_ =	sdelay $0x1  }
0x8a: {  	s1 =	srdreg.scid  }
0x8b: {  	s0 =	sand.u32 $0x1, s1  }
0x8c: {  	s16 =	sshll.u32 s0, $0xA;
	s2 =	sadd.s32 s3, s2  }
0x8d: {  	s2 =	sadd.s32 s2, s16  }
0x8e: {  	[smem:$0x3FBE] =	sst s2  }
0x8f: {  	_ = 	snop  }
0x90: {  	(tm) =	ssettm $0x1  }
0x91: {  	s17 =	sld [smem:$0x3FFB];
	_ =	sdelay $0x3  }
0x92: {  	_ =	strace s17  }
0x93: {  	s2 =	sld [smem:$0x3FFC];
	_ =	sdelay $0x3  }
0x94: {  	_ =	strace s2  }
0x95: {  	s2 =	sld [smem:$0x3FFD];
	_ =	sdelay $0x3  }
0x96: {  	_ =	strace s2  }
0x97: {  	_ =	strace $0x8FFFFFFF  }
0x98: {  	s18 =	sld [smem:$0x3FDB];
	_ =	sdelay $0x1  }
0x99: {  	s19 =	simm.s32 $_scs_section_size  }
0x9a: {  	s4 =	simm.s32 $_size__tile_overlayer_lowered;
	s5 =	simm.s32 $_tile_overlayer_lowered  }
0x9b: {  	s22 =	simm.s32 $0x1BFF;
	s21 =	sshll.u32 s5, $0x1;
	s2 =	sadd.s32 s19, s18  }
0x9c: {  	s6 =	simm.s32 $0x0;
	s20 =	sshll.u32 s4, $0x1;
	s4 =	sadd.s32 s21, s2  }
0x9d: {  	[timem:s6], [sflag:s22] =	dma.local [hbm:s4], s20  }
0x9e: {  	_ =	swait.ge [sflag:s22], s20  }
0x9f: {  	s3 =	ssub.s32 $0x0, s20;
	[sflag:s22] =	ssyncset.done $0x0  }
0xa0: {  	[sflag:s22] =	ssyncadd.s32 s3;
	_ =	sdelay $0x1  }
0xa1: {  	s23 =	simm.s32 $0x1B8B  }
0xa2: {  	_ =	swait.ge [sflag:s23], $0x1  }
0xa3: {  	[sflag:s23] =	ssyncset.done $0x0  }
0xa4: {  	s25 =	simm.s32 $0x1B8E;
	s24 =	sld [smem:$0x3FFE];
	[sflag:s23] =	ssyncadd.s32 $0xFFFFFFFF  }
0xa5: {  	s26 =	simm.s32 $execute0_lowered;
	[smem:$0x3FD2] =	sst s25  }
0xa6: {  	s4 =	sshll.u32 s26, $0x1;
	_ =	strace $0x80000049;
	[dreg:$0x1] =	wrdreg $0xFFFFFFFF  }
0xa7: {  	s28 =	simm.s32 $_size_execute0_lowered;
	s2 =	sadd.s32 s2, s4;
	[dreg:$0x0] =	wrdreg $0x0  }
0xa8: {  	s4 =	sshll.u32 s28, $0x1;
	[dreg:$0x2] =	wrdreg s2  }
0xa9: {  	[dreg:$0x3] =	wrdreg s4  }
0xaa: {  	[dreg:$0x4] =	wrdreg $0xC0  }
0xab: {  	_ =	task [dreg:s6], $0x5FFFF  }
0xac: {  	[dreg:$0x1] =	wrdreg $0xFFFFFFFF  }
0xad: {  	[dreg:$0x0] =	wrdreg $0x60  }
0xae: {  	[dreg:$0x2] =	wrdreg s24  }
0xaf: {  	[dreg:$0x3] =	wrdreg $0x88000  }
0xb0: {  	[dreg:$0x4] =	wrdreg $0x9  }
0xb1: {  	_ =	task.clear_ibuf [dreg:s6], $0x5FFFF;
	_ =	strace $0x90000049  }
0xb2: {  	s29 =	simm.s32 $0x9;
	_ =	strace $0x8000004B  }
0xb3: {  	_ =	swait.ge [sflag:s29], $0x1  }
0xb4: {  	[sflag:s29] =	ssyncadd.s32 $0xFFFFFFFF  }
0xb5: {  	_ =	strace $0x9000004B  }
0xb6: {  	_ =	sfence  }
0xb7: {  	s30 =	sld [smem:$0x0];
	_ =	sdelay $0x2  }
0xb8: {  	s31 =	sshll.u32 s1, $0xD;
	s1 =	sshrl.u32 s1, $0x2  }
0xb9: {  	s3 =	sand.u32 $0x4000, s31;
	s1 =	sadd.s32 s1, s30  }
0xba: {  	s0 =	sor.u32 s3, s0;
	s1 =	sshll.u32 s1, $0x11  }
0xbb: {  	s0 =	sor.u32 s1, s0  }
0xbc: {  	s0 =	sadd.s32 $0x8F2B, s0  }
0xbd: {  	[sflag:s0] =	ssyncadd.remote.s32 $0x1  }
0xbe: {  	_ =	sfence.sel $0xFFFF  }
0xbf: {  	[dreg:$0x0] =	wrdreg $0xFFFFFFFF;
	(pc) =	sbr.abs _section_cstart, $3  }
0xc0: {  	[dreg:$0x1] =	wrdreg $0xFFFFFFFF  }
0xc1: {  	_ =	task.clear_ibuf [dreg:s6], $0x2FFFF;
	_ =	strace $0x9FFFFFFF  }
0xc2: {  	(tm) =	ssettm $0x7FFFFFFF  }
0xc3: {  	_ =	shalt  }
tec
execute0_lowered:
.L_overlay_start_1:
0x0: {  	(tag) =	ssettag $0x1  }
0x1: {  	s0 =	rddreg [dreg:$0x0]  }
0x2: {  	s2 =	rddreg [dreg:$0x1];
	s3 =	simm.s32 $0x0;
	s12 =	stileid.u32  }
0x3: {  	s1 =	srdreg.scid;
	s13 =	simm.s32 $0x80;
	s24 =	simm.s32 $0x100  }
0x4: {  	s14 =	simm.s32 $0x800;
	s25 =	simm.s32 $0x200;
	s15 =	simm.s32 $0x400  }
0x5: {  	s26 =	simm.s32 $0x180;
	s30 =	simm.s32 $0x300;
	s31 =	simm.s32 $0x280  }
0x6: {  	s28 =	simm.s32 $0x780;
	s29 =	simm.s32 $0x0;
	s5 =	smul.u32 $0x13C00, s12  }
0x7: {  	[smem:$0x7FF] =	sst s3;
	s1 =	sand.u32 $0x1, s1;
	s16 =	smul.u32 $0x4F000, s12  }
0x8: {  	s4 =	sadd.s32 $0x3E400, s0;
	s9 =	sadd.s32 $0x2C00, s0;
	s11 =	smul.u32 $0x50, s12  }
0x9: {  	s22 =	smul.u32 $0xA00, s12;
	_ =	strace $0x8000004A;
	[dreg:$0x3] =	wrdreg s24  }
0xa: {  	s20 =	sshll.u32 s12, $0x6;
	s6 =	smul.u32 $0x13C000, s1;
	[dreg:$0x4] =	wrdreg s25  }
0xb: {  	s12 =	simm.s32 $0x5;
	s8 =	smul.u32 $0x500, s1;
	[dreg:$0x5] =	wrdreg s26  }
0xc: {  	s10 =	ssub.s32 $0x2, s1;
	s1 =	smul.u32 $0xA000, s1;
	[dreg:$0x6] =	wrdreg s30  }
0xd: {  	[dreg:$0x7] =	wrdreg s31;
	s24 =	simm.s32 $0x580;
	s25 =	simm.s32 $0x700  }
0xe: {  	s26 =	simm.s32 $0x680;
	s7 =	sshrl.u32 s5, $0x3;
	s17 =	sshrl.u32 s10, $0x1  }
0xf: {  	s7 =	sadd.s32 s7, s0;
	s5 =	sadd.s32 s5, s6;
	s6 =	sshrl.u32 s16, $0x2  }
0x10: {  	s8 =	sadd.s32 s11, s8;
	s23 =	sadd.s32 s1, s9;
	s16 =	simm.s32 $0x4800  }
0x11: {  	s5 =	sshrl.u32 s5, $0x3;
	s18 =	sadd.s32 s6, s2;
	s19 =	sadd.s32 $0x16C00, s7  }
0x12: {  	s6 =	sor.u32 $0x1C05, s20;
	s21 =	sshll.u32 s8, $0x5;
	s20 =	simm.s32 $0x380  }
0x13: {  	s0 =	sadd.s32 s5, s0;
	s5 =	ssub.s32 s10, s17;
	[dreg:$0x8] =	wrdreg s19  }
0x14: {  	s7 =	sadd.s32 s9, s21;
	s10 =	sadd.s32 s22, s23;
	s11 =	sshrl.u32 s18, $0x3  }
0x15: {  	s17 =	simm.s32 $0x1;
	s18 =	simm.s32 $0x2;
	s19 =	simm.s32 $0x4  }
0x16: {  	s21 =	simm.s32 $0x500;
	s22 =	simm.s32 $0x480;
	s23 =	simm.s32 $0x600  }
0x17: {  	[dreg:$0x9] =	wrdreg s7;
	s8 =	sadd.s32 $0xDCC00, s0;
	s9 =	smax.u32 s5, $0x1  }
.LBB2_1:
0x18: {  	s0 =	rddreg [dreg:$0x8]  }
0x19: {  	[spmem:s11], [sflag:s6] =	dma.local [hbm:s0], $0x2780  }
0x1a: {  	_ =	swait.ge [sflag:s12], $0x2780  }
0x1b: {  	[sflag:s12] =	ssyncset.done $0x0  }
0x1c: {  	s1 =	rddreg [dreg:$0x9];
	[sflag:s12] =	ssyncadd.s32 $0xFFFFD880  }
0x1d: {  	[tilespmem:s3], [sflag:$0x5] =	stream.linear.gather [hbm4b:s1+s3], $0x400, $0x38;
	[tilespmem:$0x1C400] =	vst v63  }
0x1e: {  	_ =	swait.ge [sflag:s12], $0x400  }
0x1f: {  	[sflag:s12] =	ssyncset.done $0x0  }
0x20: {  	s5 =	sadd.s32 $0x0, s10;
	[sflag:s12] =	ssyncadd.s32 $0xFFFFFC00  }
0x21: {  	[tilespmem:s14], [sflag:$0x1] =	stream.indirect.gather [hbm4b:s4+s13], $0x80, s3, s13, $0xb8;
	[tilespmem:$0x1C400] =	vst v63  }
0x22: {  	s0 =	sadd.s32 $0x80, s5;
	[bflag:$0x0] =	sbarrier.arrive $0xFFFF  }
0x23: {  	[tilespmem:s15], [sflag:$0x4] =	stream.linear.gather [hbm4b:s0+s3], $0x400, $0x38;
	[tilespmem:$0x1C400] =	vst v63  }
0x24: {  	s1 =	rddreg [dreg:$0x3]  }
0x25: {  	[tilespmem:s16], [sflag:$0x2] =	stream.indirect.gather [hbm4b:s4+s13], $0x80, s1, s13, $0xb8;
	[tilespmem:$0x1C400] =	vst v63  }
0x26: {  	_ =	swait.ge [sflag:s17], $0x4000  }
0x27: {  	[sflag:s17] =	ssyncset.done $0x0  }
0x28: {  	[sflag:s17] =	ssyncadd.s32 $0xFFFFC000  }
0x29: {  	[spmem:s2] =	stream.indirect.scatter.add.f32 [tilespmem:s14], [sflag:$0x5], $0x80, s13, s13, $0xb8;
	[tilespmem:$0x1C400] =	vst v63  }
0x2a: {  	_ =	swait.ge [sflag:s12], $0x4000  }
0x2b: {  	[sflag:s12] =	ssyncset.done $0x0  }
0x2c: {  	s7 =	rddreg [dreg:$0x4];
	[sflag:s12] =	ssyncadd.s32 $0xFFFFC000  }
0x2d: {  	[tilespmem:s14], [sflag:$0x1] =	stream.indirect.gather [hbm4b:s4+s13], $0x80, s7, s13, $0xb8;
	[tilespmem:$0x1C400] =	vst v63  }
0x2e: {  	_ =	swait.ge [sflag:s18], $0x4000  }
0x2f: {  	[sflag:s18] =	ssyncset.done $0x0  }
0x30: {  	s1 =	rddreg [dreg:$0x5];
	[sflag:s18] =	ssyncadd.s32 $0xFFFFC000  }
0x31: {  	[spmem:s2] =	stream.indirect.scatter.add.f32 [tilespmem:s16], [sflag:$0x5], $0x80, s1, s13, $0xb8;
	[tilespmem:$0x1C400] =	vst v63  }
0x32: {  	_ =	swait.ge [sflag:s12], $0x4000  }
0x33: {  	[sflag:s12] =	ssyncset.done $0x0  }
0x34: {  	s5 =	rddreg [dreg:$0x6];
	[sflag:s12] =	ssyncadd.s32 $0xFFFFC000  }
0x35: {  	[tilespmem:s16], [sflag:$0x2] =	stream.indirect.gather [hbm4b:s4+s13], $0x80, s5, s13, $0xb8;
	[tilespmem:$0x1C400] =	vst v63  }
0x36: {  	_ =	swait.ge [sflag:s17], $0x4000  }
0x37: {  	[sflag:s17] =	ssyncset.done $0x0  }
0x38: {  	s7 =	rddreg [dreg:$0x7];
	[sflag:s17] =	ssyncadd.s32 $0xFFFFC000  }
0x39: {  	[spmem:s2] =	stream.indirect.scatter.add.f32 [tilespmem:s14], [sflag:$0x5], $0x80, s7, s13, $0xb8;
	[tilespmem:$0x1C400] =	vst v63  }
0x3a: {  	_ =	swait.ge [sflag:s12], $0x4000  }
0x3b: {  	[sflag:s12] =	ssyncset.done $0x0  }
0x3c: {  	[sflag:s12] =	ssyncadd.s32 $0xFFFFC000  }
0x3d: {  	_ =	swait.ge [sflag:s19], $0x400  }
0x3e: {  	[sflag:s19] =	ssyncset.done $0x0  }
0x3f: {  	[sflag:s19] =	ssyncadd.s32 $0xFFFFFC00  }
0x40: {  	[tilespmem:s14], [sflag:$0x1] =	stream.indirect.gather [hbm4b:s4+s13], $0x80, s15, s13, $0xb8;
	[tilespmem:$0x1C400] =	vst v63  }
0x41: {  	_ =	swait.ge [sflag:s18], $0x4000  }
0x42: {  	[sflag:s18] =	ssyncset.done $0x0  }
0x43: {  	[sflag:s18] =	ssyncadd.s32 $0xFFFFC000  }
0x44: {  	[spmem:s2] =	stream.indirect.scatter.add.f32 [tilespmem:s16], [sflag:$0x5], $0x80, s20, s13, $0xb8;
	[tilespmem:$0x1C400] =	vst v63  }
0x45: {  	p0 =	por $0x0, $0x0;
	_ =	swait.ge [sflag:s12], $0x4000  }
0x46: {  	s0 =	sadd.s32 @!p0 $0x0, s10;
	[sflag:s12] =	ssyncset.done $0x0  }
0x47: {  	s0 =	sadd.s32 @!p0 $0x100, s0;
	s1 =	simm.s32 @!p0 $0x0;
	[sflag:s12] =	ssyncadd.s32 $0xFFFFC000  }
0x48: {  	[tilespmem:s1], [sflag:$0x3] =	stream.linear.gather @!p0 [hbm4b:s0+s1], $0x400, $0x38;
	[tilespmem:$0x1C400] =	vst v63  }
0x49: {  	_ = 	snop  }
0x4a: {  	[tilespmem:s16], [sflag:$0x2] =	stream.indirect.gather [hbm4b:s4+s13], $0x80, s21, s13, $0xb8;
	[tilespmem:$0x1C400] =	vst v63  }
0x4b: {  	_ =	swait.ge [sflag:s17], $0x4000  }
0x4c: {  	[sflag:s17] =	ssyncset.done $0x0  }
0x4d: {  	[sflag:s17] =	ssyncadd.s32 $0xFFFFC000  }
0x4e: {  	[spmem:s2] =	stream.indirect.scatter.add.f32 [tilespmem:s14], [sflag:$0x5], $0x80, s22, s13, $0xb8;
	[tilespmem:$0x1C400] =	vst v63  }
0x4f: {  	_ =	swait.ge [sflag:s12], $0x4000  }
0x50: {  	[sflag:s12] =	ssyncset.done $0x0  }
0x51: {  	[sflag:s12] =	ssyncadd.s32 $0xFFFFC000  }
0x52: {  	[tilespmem:s14], [sflag:$0x1] =	stream.indirect.gather [hbm4b:s4+s13], $0x80, s23, s13, $0xb8;
	[tilespmem:$0x1C400] =	vst v63  }
0x53: {  	_ =	swait.ge [sflag:s18], $0x4000  }
0x54: {  	[sflag:s18] =	ssyncset.done $0x0  }
0x55: {  	[sflag:s18] =	ssyncadd.s32 $0xFFFFC000  }
0x56: {  	[spmem:s2] =	stream.indirect.scatter.add.f32 [tilespmem:s16], [sflag:$0x5], $0x80, s24, s13, $0xb8;
	[tilespmem:$0x1C400] =	vst v63  }
0x57: {  	_ =	swait.ge [sflag:s12], $0x4000  }
0x58: {  	[sflag:s12] =	ssyncset.done $0x0  }
0x59: {  	[sflag:s12] =	ssyncadd.s32 $0xFFFFC000  }
0x5a: {  	[tilespmem:s16], [sflag:$0x2] =	stream.indirect.gather [hbm4b:s4+s13], $0x80, s25, s13, $0xb8;
	[tilespmem:$0x1C400] =	vst v63  }
0x5b: {  	_ =	swait.ge [sflag:s17], $0x4000  }
0x5c: {  	[sflag:s17] =	ssyncset.done $0x0  }
0x5d: {  	[sflag:s17] =	ssyncadd.s32 $0xFFFFC000  }
0x5e: {  	[spmem:s2] =	stream.indirect.scatter.add.f32 [tilespmem:s14], [sflag:$0x5], $0x80, s26, s13, $0xb8;
	[tilespmem:$0x1C400] =	vst v63  }
0x5f: {  	_ =	swait.ge [sflag:s12], $0x4000  }
0x60: {  	p0 =	por $0x0, $0x0;
	[sflag:s12] =	ssyncset.done $0x0  }
0x61: {  	s0 =	simm.s32 @!p0 $0x3;
	[sflag:s12] =	ssyncadd.s32 $0xFFFFC000  }
0x62: {  	_ =	swait.ge @!p0 [sflag:s0], $0x400  }
0x63: {  	s1 =	simm.s32 @!p0 $0x800;
	[sflag:s0] =	ssyncset.done @!p0 $0x0  }
0x64: {  	s5 =	simm.s32 @!p0 $0x0;
	[sflag:s0] =	ssyncadd.s32 @!p0 $0xFFFFFC00;
	s0 =	simm.s32 @!p0 $0x80  }
0x65: {  	[tilespmem:s1], [sflag:$0x1] =	stream.indirect.gather @!p0 [hbm4b:s4+s0], $0x80, s5, s0, $0xb8;
	[tilespmem:$0x1C400] =	vst v63  }
0x66: {  	_ =	swait.ge [sflag:s18], $0x4000  }
0x67: {  	[sflag:s18] =	ssyncset.done $0x0  }
0x68: {  	s31 =	simm.s32 $0x100;
	[sflag:s18] =	ssyncadd.s32 $0xFFFFC000  }
0x69: {  	[spmem:s2] =	stream.indirect.scatter.add.f32 [tilespmem:s16], [sflag:$0x5], $0x80, s28, s13, $0xb8;
	[tilespmem:$0x1C400] =	vst v63  }
0x6a: {  	s30 =	simm.s32 $0x3;
	s0 =	simm.s32 $0x200;
	_ =	swait.ge [sflag:s12], $0x4000  }
0x6b: {  	s1 =	sadd.s32 $0x100, s10;
	s5 =	rddreg [dreg:$0x3];
	[sflag:s12] =	ssyncset.done $0x0  }
.LBB2_2:
0x6c: {  	s7 =	sadd.s32 $0x80, s1;
	[sflag:s12] =	ssyncadd.s32 $0xFFFFC000  }
0x6d: {  	[tilespmem:s15], [sflag:$0x4] =	stream.linear.gather [hbm4b:s7+s3], $0x400, $0x38;
	[tilespmem:$0x1C400] =	vst v63  }
0x6e: {  	_ = 	snop  }
0x6f: {  	[tilespmem:s16], [sflag:$0x2] =	stream.indirect.gather [hbm4b:s4+s13], $0x80, s5, s13, $0xb8;
	[tilespmem:$0x1C400] =	vst v63  }
0x70: {  	_ =	swait.ge [sflag:s17], $0x4000  }
0x71: {  	[sflag:s17] =	ssyncset.done $0x0  }
0x72: {  	[sflag:s17] =	ssyncadd.s32 $0xFFFFC000  }
0x73: {  	[spmem:s2] =	stream.indirect.scatter.add.f32 [tilespmem:s14], [sflag:$0x5], $0x80, s13, s13, $0xb8;
	[tilespmem:$0x1C400] =	vst v63  }
0x74: {  	_ =	swait.ge [sflag:s12], $0x4000  }
0x75: {  	[sflag:s12] =	ssyncset.done $0x0  }
0x76: {  	s7 =	rddreg [dreg:$0x4];
	[sflag:s12] =	ssyncadd.s32 $0xFFFFC000  }
0x77: {  	[tilespmem:s14], [sflag:$0x1] =	stream.indirect.gather [hbm4b:s4+s13], $0x80, s7, s13, $0xb8;
	[tilespmem:$0x1C400] =	vst v63  }
0x78: {  	_ =	swait.ge [sflag:s18], $0x4000  }
0x79: {  	[sflag:s18] =	ssyncset.done $0x0  }
0x7a: {  	s7 =	rddreg [dreg:$0x5];
	[sflag:s18] =	ssyncadd.s32 $0xFFFFC000  }
0x7b: {  	[spmem:s2] =	stream.indirect.scatter.add.f32 [tilespmem:s16], [sflag:$0x5], $0x80, s7, s13, $0xb8;
	[tilespmem:$0x1C400] =	vst v63  }
0x7c: {  	_ =	swait.ge [sflag:s12], $0x4000  }
0x7d: {  	[sflag:s12] =	ssyncset.done $0x0  }
0x7e: {  	s7 =	rddreg [dreg:$0x6];
	[sflag:s12] =	ssyncadd.s32 $0xFFFFC000  }
0x7f: {  	[tilespmem:s16], [sflag:$0x2] =	stream.indirect.gather [hbm4b:s4+s13], $0x80, s7, s13, $0xb8;
	[tilespmem:$0x1C400] =	vst v63  }
0x80: {  	_ =	swait.ge [sflag:s17], $0x4000  }
0x81: {  	[sflag:s17] =	ssyncset.done $0x0  }
0x82: {  	s7 =	rddreg [dreg:$0x7];
	[sflag:s17] =	ssyncadd.s32 $0xFFFFC000  }
0x83: {  	[spmem:s2] =	stream.indirect.scatter.add.f32 [tilespmem:s14], [sflag:$0x5], $0x80, s7, s13, $0xb8;
	[tilespmem:$0x1C400] =	vst v63  }
0x84: {  	_ =	swait.ge [sflag:s12], $0x4000  }
0x85: {  	[sflag:s12] =	ssyncset.done $0x0  }
0x86: {  	[sflag:s12] =	ssyncadd.s32 $0xFFFFC000  }
0x87: {  	_ =	swait.ge [sflag:s19], $0x400  }
0x88: {  	[sflag:s19] =	ssyncset.done $0x0  }
0x89: {  	[sflag:s19] =	ssyncadd.s32 $0xFFFFFC00  }
0x8a: {  	[tilespmem:s14], [sflag:$0x1] =	stream.indirect.gather [hbm4b:s4+s13], $0x80, s15, s13, $0xb8;
	[tilespmem:$0x1C400] =	vst v63  }
0x8b: {  	_ =	swait.ge [sflag:s18], $0x4000  }
0x8c: {  	[sflag:s18] =	ssyncset.done $0x0  }
0x8d: {  	[sflag:s18] =	ssyncadd.s32 $0xFFFFC000  }
0x8e: {  	[spmem:s2] =	stream.indirect.scatter.add.f32 [tilespmem:s16], [sflag:$0x5], $0x80, s20, s13, $0xb8;
	[tilespmem:$0x1C400] =	vst v63  }
0x8f: {  	s1 =	smov.u32 s0;
	p1 =	seq.s32 s31, $0x900;
	_ =	swait.ge [sflag:s12], $0x4000  }
0x90: {  	s5 =	sadd.s32 @!p1 s31, s10;
	s31 =	smov.u32 s1;
	[sflag:s12] =	ssyncset.done $0x0  }
0x91: {  	s1 =	sadd.s32 @!p1 $0x100, s5;
	s5 =	simm.s32 @!p1 $0x0;
	[sflag:s12] =	ssyncadd.s32 $0xFFFFC000  }
0x92: {  	[tilespmem:s5], [sflag:$0x3] =	stream.linear.gather @!p1 [hbm4b:s1+s5], $0x400, $0x38;
	[tilespmem:$0x1C400] =	vst v63  }
0x93: {  	_ = 	snop  }
0x94: {  	[tilespmem:s16], [sflag:$0x2] =	stream.indirect.gather [hbm4b:s4+s13], $0x80, s21, s13, $0xb8;
	[tilespmem:$0x1C400] =	vst v63  }
0x95: {  	_ =	swait.ge [sflag:s17], $0x4000  }
0x96: {  	[sflag:s17] =	ssyncset.done $0x0  }
0x97: {  	[sflag:s17] =	ssyncadd.s32 $0xFFFFC000  }
0x98: {  	[spmem:s2] =	stream.indirect.scatter.add.f32 [tilespmem:s14], [sflag:$0x5], $0x80, s22, s13, $0xb8;
	[tilespmem:$0x1C400] =	vst v63  }
0x99: {  	_ =	swait.ge [sflag:s12], $0x4000  }
0x9a: {  	[sflag:s12] =	ssyncset.done $0x0  }
0x9b: {  	[sflag:s12] =	ssyncadd.s32 $0xFFFFC000  }
0x9c: {  	[tilespmem:s14], [sflag:$0x1] =	stream.indirect.gather [hbm4b:s4+s13], $0x80, s23, s13, $0xb8;
	[tilespmem:$0x1C400] =	vst v63  }
0x9d: {  	_ =	swait.ge [sflag:s18], $0x4000  }
0x9e: {  	[sflag:s18] =	ssyncset.done $0x0  }
0x9f: {  	[sflag:s18] =	ssyncadd.s32 $0xFFFFC000  }
0xa0: {  	[spmem:s2] =	stream.indirect.scatter.add.f32 [tilespmem:s16], [sflag:$0x5], $0x80, s24, s13, $0xb8;
	[tilespmem:$0x1C400] =	vst v63  }
0xa1: {  	_ =	swait.ge [sflag:s12], $0x4000  }
0xa2: {  	[sflag:s12] =	ssyncset.done $0x0  }
0xa3: {  	[sflag:s12] =	ssyncadd.s32 $0xFFFFC000  }
0xa4: {  	[tilespmem:s16], [sflag:$0x2] =	stream.indirect.gather [hbm4b:s4+s13], $0x80, s25, s13, $0xb8;
	[tilespmem:$0x1C400] =	vst v63  }
0xa5: {  	_ =	swait.ge [sflag:s17], $0x4000  }
0xa6: {  	[sflag:s17] =	ssyncset.done $0x0  }
0xa7: {  	[sflag:s17] =	ssyncadd.s32 $0xFFFFC000  }
0xa8: {  	[spmem:s2] =	stream.indirect.scatter.add.f32 [tilespmem:s14], [sflag:$0x5], $0x80, s26, s13, $0xb8;
	[tilespmem:$0x1C400] =	vst v63  }
0xa9: {  	_ =	swait.ge [sflag:s12], $0x4000  }
0xaa: {  	p1 =	sgt.u32 s30, $0x12;
	[sflag:s12] =	ssyncset.done $0x0  }
0xab: {  	s1 =	simm.s32 @!p1 $0x3;
	[sflag:s12] =	ssyncadd.s32 $0xFFFFC000  }
0xac: {  	_ =	swait.ge @!p1 [sflag:s1], $0x400  }
0xad: {  	s0 =	sadd.s32 $0x100, s0;
	s5 =	simm.s32 @!p1 $0x800;
	[sflag:s1] =	ssyncset.done @!p1 $0x0  }
0xae: {  	s7 =	simm.s32 @!p1 $0x0;
	[sflag:s1] =	ssyncadd.s32 @!p1 $0xFFFFFC00;
	s1 =	simm.s32 @!p1 $0x80  }
0xaf: {  	[tilespmem:s5], [sflag:$0x1] =	stream.indirect.gather @!p1 [hbm4b:s4+s1], $0x80, s7, s1, $0xb8;
	[tilespmem:$0x1C400] =	vst v63  }
0xb0: {  	p0 =	sne.s32 s0, $0xA00;
	_ =	swait.ge [sflag:s18], $0x4000  }
.Ltmp0:
0xb1: {  	[sflag:s18] =	ssyncset.done $0x0;
	(pc) =	sbr.rel @p0 .LBB2_2-.Ltmp0, $4  }
0xb2: {  	[sflag:s18] =	ssyncadd.s32 $0xFFFFC000  }
0xb3: {  	[spmem:s2] =	stream.indirect.scatter.add.f32 [tilespmem:s16], [sflag:$0x5], $0x80, s28, s13, $0xb8;
	[tilespmem:$0x1C400] =	vst v63  }
0xb4: {  	s30 =	sadd.s32 $0x2, s30;
	_ =	swait.ge [sflag:s12], $0x4000  }
0xb5: {  	s1 =	sadd.s32 s31, s10;
	s5 =	rddreg [dreg:$0x3];
	[sflag:s12] =	ssyncset.done $0x0  }
0xb6: {  	s0 =	sadd.s32 $0x80, s1;
	[sflag:s12] =	ssyncadd.s32 $0xFFFFC000  }
0xb7: {  	[tilespmem:s15], [sflag:$0x4] =	stream.linear.gather [hbm4b:s0+s3], $0x400, $0x38;
	[tilespmem:$0x1C400] =	vst v63  }
0xb8: {  	_ = 	snop  }
0xb9: {  	[tilespmem:s16], [sflag:$0x2] =	stream.indirect.gather [hbm4b:s4+s13], $0x80, s5, s13, $0xb8;
	[tilespmem:$0x1C400] =	vst v63  }
0xba: {  	_ =	swait.ge [sflag:s17], $0x4000  }
0xbb: {  	[sflag:s17] =	ssyncset.done $0x0  }
0xbc: {  	[sflag:s17] =	ssyncadd.s32 $0xFFFFC000  }
0xbd: {  	[spmem:s2] =	stream.indirect.scatter.add.f32 [tilespmem:s14], [sflag:$0x5], $0x80, s13, s13, $0xb8;
	[tilespmem:$0x1C400] =	vst v63  }
0xbe: {  	_ =	swait.ge [sflag:s12], $0x4000  }
0xbf: {  	[sflag:s12] =	ssyncset.done $0x0  }
0xc0: {  	s7 =	rddreg [dreg:$0x4];
	[sflag:s12] =	ssyncadd.s32 $0xFFFFC000  }
0xc1: {  	[tilespmem:s14], [sflag:$0x1] =	stream.indirect.gather [hbm4b:s4+s13], $0x80, s7, s13, $0xb8;
	[tilespmem:$0x1C400] =	vst v63  }
0xc2: {  	_ =	swait.ge [sflag:s18], $0x4000  }
0xc3: {  	[sflag:s18] =	ssyncset.done $0x0  }
0xc4: {  	s1 =	rddreg [dreg:$0x5];
	[sflag:s18] =	ssyncadd.s32 $0xFFFFC000  }
0xc5: {  	[spmem:s2] =	stream.indirect.scatter.add.f32 [tilespmem:s16], [sflag:$0x5], $0x80, s1, s13, $0xb8;
	[tilespmem:$0x1C400] =	vst v63  }
0xc6: {  	_ =	swait.ge [sflag:s12], $0x4000  }
0xc7: {  	[sflag:s12] =	ssyncset.done $0x0  }
0xc8: {  	s5 =	rddreg [dreg:$0x6];
	[sflag:s12] =	ssyncadd.s32 $0xFFFFC000  }
0xc9: {  	[tilespmem:s16], [sflag:$0x2] =	stream.indirect.gather [hbm4b:s4+s13], $0x80, s5, s13, $0xb8;
	[tilespmem:$0x1C400] =	vst v63  }
0xca: {  	_ =	swait.ge [sflag:s17], $0x4000  }
0xcb: {  	[sflag:s17] =	ssyncset.done $0x0  }
0xcc: {  	s7 =	rddreg [dreg:$0x7];
	[sflag:s17] =	ssyncadd.s32 $0xFFFFC000  }
0xcd: {  	[spmem:s2] =	stream.indirect.scatter.add.f32 [tilespmem:s14], [sflag:$0x5], $0x80, s7, s13, $0xb8;
	[tilespmem:$0x1C400] =	vst v63  }
0xce: {  	_ =	swait.ge [sflag:s12], $0x4000  }
0xcf: {  	[sflag:s12] =	ssyncset.done $0x0  }
0xd0: {  	[sflag:s12] =	ssyncadd.s32 $0xFFFFC000  }
0xd1: {  	_ =	swait.ge [sflag:s19], $0x400  }
0xd2: {  	[sflag:s19] =	ssyncset.done $0x0  }
0xd3: {  	[sflag:s19] =	ssyncadd.s32 $0xFFFFFC00  }
0xd4: {  	[tilespmem:s14], [sflag:$0x1] =	stream.indirect.gather [hbm4b:s4+s13], $0x80, s15, s13, $0xb8;
	[tilespmem:$0x1C400] =	vst v63  }
0xd5: {  	_ =	swait.ge [sflag:s18], $0x4000  }
0xd6: {  	[sflag:s18] =	ssyncset.done $0x0  }
0xd7: {  	[sflag:s18] =	ssyncadd.s32 $0xFFFFC000  }
0xd8: {  	[spmem:s2] =	stream.indirect.scatter.add.f32 [tilespmem:s16], [sflag:$0x5], $0x80, s20, s13, $0xb8;
	[tilespmem:$0x1C400] =	vst v63  }
0xd9: {  	p0 =	seq.s32 s31, $0x900;
	_ =	swait.ge [sflag:s12], $0x4000  }
0xda: {  	s0 =	sadd.s32 @!p0 s31, s10;
	[sflag:s12] =	ssyncset.done $0x0  }
0xdb: {  	s0 =	sadd.s32 @!p0 $0x100, s0;
	s1 =	simm.s32 @!p0 $0x0;
	[sflag:s12] =	ssyncadd.s32 $0xFFFFC000  }
0xdc: {  	[tilespmem:s1], [sflag:$0x3] =	stream.linear.gather @!p0 [hbm4b:s0+s1], $0x400, $0x38;
	[tilespmem:$0x1C400] =	vst v63  }
0xdd: {  	_ = 	snop  }
0xde: {  	[tilespmem:s16], [sflag:$0x2] =	stream.indirect.gather [hbm4b:s4+s13], $0x80, s21, s13, $0xb8;
	[tilespmem:$0x1C400] =	vst v63  }
0xdf: {  	_ =	swait.ge [sflag:s17], $0x4000  }
0xe0: {  	[sflag:s17] =	ssyncset.done $0x0  }
0xe1: {  	[sflag:s17] =	ssyncadd.s32 $0xFFFFC000  }
0xe2: {  	[spmem:s2] =	stream.indirect.scatter.add.f32 [tilespmem:s14], [sflag:$0x5], $0x80, s22, s13, $0xb8;
	[tilespmem:$0x1C400] =	vst v63  }
0xe3: {  	_ =	swait.ge [sflag:s12], $0x4000  }
0xe4: {  	[sflag:s12] =	ssyncset.done $0x0  }
0xe5: {  	[sflag:s12] =	ssyncadd.s32 $0xFFFFC000  }
0xe6: {  	[tilespmem:s14], [sflag:$0x1] =	stream.indirect.gather [hbm4b:s4+s13], $0x80, s23, s13, $0xb8;
	[tilespmem:$0x1C400] =	vst v63  }
0xe7: {  	_ =	swait.ge [sflag:s18], $0x4000  }
0xe8: {  	[sflag:s18] =	ssyncset.done $0x0  }
0xe9: {  	[sflag:s18] =	ssyncadd.s32 $0xFFFFC000  }
0xea: {  	[spmem:s2] =	stream.indirect.scatter.add.f32 [tilespmem:s16], [sflag:$0x5], $0x80, s24, s13, $0xb8;
	[tilespmem:$0x1C400] =	vst v63  }
0xeb: {  	_ =	swait.ge [sflag:s12], $0x4000  }
0xec: {  	[sflag:s12] =	ssyncset.done $0x0  }
0xed: {  	[sflag:s12] =	ssyncadd.s32 $0xFFFFC000  }
0xee: {  	[tilespmem:s16], [sflag:$0x2] =	stream.indirect.gather [hbm4b:s4+s13], $0x80, s25, s13, $0xb8;
	[tilespmem:$0x1C400] =	vst v63  }
0xef: {  	_ =	swait.ge [sflag:s17], $0x4000  }
0xf0: {  	[sflag:s17] =	ssyncset.done $0x0  }
0xf1: {  	[sflag:s17] =	ssyncadd.s32 $0xFFFFC000  }
0xf2: {  	[spmem:s2] =	stream.indirect.scatter.add.f32 [tilespmem:s14], [sflag:$0x5], $0x80, s26, s13, $0xb8;
	[tilespmem:$0x1C400] =	vst v63  }
0xf3: {  	_ =	swait.ge [sflag:s12], $0x4000  }
0xf4: {  	p0 =	sgt.u32 s30, $0x12;
	[sflag:s12] =	ssyncset.done $0x0  }
0xf5: {  	s0 =	simm.s32 @!p0 $0x3;
	[sflag:s12] =	ssyncadd.s32 $0xFFFFC000  }
0xf6: {  	_ =	swait.ge @!p0 [sflag:s0], $0x400  }
0xf7: {  	s1 =	simm.s32 @!p0 $0x800;
	[sflag:s0] =	ssyncset.done @!p0 $0x0  }
0xf8: {  	s5 =	simm.s32 @!p0 $0x0;
	[sflag:s0] =	ssyncadd.s32 @!p0 $0xFFFFFC00;
	s0 =	simm.s32 @!p0 $0x80  }
0xf9: {  	[tilespmem:s1], [sflag:$0x1] =	stream.indirect.gather @!p0 [hbm4b:s4+s0], $0x80, s5, s0, $0xb8;
	[tilespmem:$0x1C400] =	vst v63  }
0xfa: {  	_ =	swait.ge [sflag:s18], $0x4000  }
0xfb: {  	[sflag:s18] =	ssyncset.done $0x0  }
0xfc: {  	[sflag:s18] =	ssyncadd.s32 $0xFFFFC000  }
0xfd: {  	[spmem:s2] =	stream.indirect.scatter.add.f32 [tilespmem:s16], [sflag:$0x5], $0x80, s28, s13, $0xb8;
	[tilespmem:$0x1C400] =	vst v63  }
0xfe: {  	_ =	swait.ge [sflag:s12], $0x4000  }
0xff: {  	s29 =	sadd.s32 $0x1, s29;
	[sflag:s12] =	ssyncset.done $0x0  }
0x100: {  	p0 =	sne.s32 s29, s9;
	[sflag:s12] =	ssyncadd.s32 $0xFFFFC000  }
.Ltmp1:
0x101: {  	[bflag:$0x0] =	sbarrier.arrive $0xFFFF;
	(pc) =	sbr.rel @p0 .LBB2_1-.Ltmp1, $4  }
0x102: {  	[hbm:s8], [sflag:s6] =	dma.local [spmem:s11], $0x2780  }
0x103: {  	_ =	swait.ge [sflag:s12], $0x2780  }
0x104: {  	[sflag:s12] =	ssyncset.done $0x0  }
0x105: {  	[sflag:s12] =	ssyncadd.s32 $0xFFFFD880  }
0x106: {  	_ =	sfence.sel $0x180000  }
0x107: {  	[bflag:$0x0] =	sbarrier.arrive $0xFFFF  }
0x108: {  	_ =	strace $0x9000004A  }
0x109: {  	s0 =	stileid.u32;
	[bflag:$0x2] =	sbarrier.arrive $0xFFFF  }
0x10a: {  	p0 =	sne.s32 s0, $0x0;
	s0 =	rddreg [dreg:$0x2]  }
0x10b: {  	s0 =	sadd.s32 @!p0 $0x100000, s0  }
0x10c: {  	[sflag:s0] =	ssyncadd.tile.s32 @!p0 $0x1;
	_ =	shalt  }
.Lfunc_end2:
_tile_overlayer_lowered:
.L_overlay_start_2:
0x10d: {  	(tag) =	ssettag $0x2  }
0x10e: {  	s0 =	rddreg [dreg:$0x0];
	s2 =	stileid.u32  }
0x10f: {  	s1 =	rddreg [dreg:$0x1];
	p0 =	sne.s32 s2, $0x0  }
0x110: {  	s3 =	rddreg [dreg:$0x2];
	[bflag:$0x3] =	sbarrier.arrive $0xFFFF;
	s2 =	simm.s32 @!p0 $0x1C05  }
0x111: {  	[timem:s3], [sflag:s2] =	dma.local @!p0 [hbm:s0], s1  }
0x112: {  	s0 =	simm.s32 @!p0 $0x5  }
0x113: {  	_ =	swait.ge @!p0 [sflag:s0], s1  }
0x114: {  	s1 =	ssub.s32 @!p0 $0x0, s1;
	[sflag:s0] =	ssyncset.done @!p0 $0x0  }
0x115: {  	[sflag:s0] =	ssyncadd.s32 @!p0 s1  }
0x116: {  	[bflag:$0x3] =	sbarrier.arrive $0xFFFF  }
0x117: {  	_ =	shalt  }

</sc_bundles>
